<compile_context>
chip_gen: v7x
topology: tpu7x:2x2x1
jax: 0.10.2.dev20260603
libtpu: 0.0.44.dev20260713+nightly
codegen_flags: <defaults>
</compile_context>

<pallas_src>
import functools

import jax
import jax.numpy as jnp
from jax import lax
from jax.experimental import pallas as pl
from jax.experimental.pallas import tpu as pltpu
from jax.experimental.pallas import tpu_sc as plsc

_NUM_USERS = 25000
_NUM_ITEMS = 25000
_N = _NUM_USERS + _NUM_ITEMS
_NP = 50048
_HALF = 32
_E = 800000
_LAYERS = 3
_WD = 1e-4
_B = 16384

_NC = 2
_NS = 16
_LANES = 16

_CK = 80
_BCK = 128
_WB = 184


def _make_sc_prop(n_pad, half, n_edges, n_batch, ck, bck, wb, n_layers,
                  interpret=False):
    nc, ns, lanes = _NC, _NS, _LANES
    ept = n_edges // ns
    nec = ept // ck
    npt = n_pad // ns
    nwb = npt // wb
    bpt = n_batch // ns
    nbc = bpt // bck
    assert ept * ns == n_edges and nec * ck == ept
    assert npt * ns == n_pad and nwb * wb == npt and npt % 8 == 0 and wb % 8 == 0
    assert bpt * ns == n_batch and nbc * bck == bpt

    mesh = plsc.VectorSubcoreMesh(core_axis_name="c", subcore_axis_name="s",
                                  num_cores=nc, num_subcores=ns)

    @functools.partial(
        pl.kernel,
        out_type=(
            jax.ShapeDtypeStruct((nc * n_pad, half), jnp.float32),
            jax.ShapeDtypeStruct((nc * n_pad, half), jnp.float32),
            jax.ShapeDtypeStruct((3, nc * n_batch, half), jnp.float32),
            jax.ShapeDtypeStruct((3, nc * n_batch, half), jnp.float32),
        ),
        mesh=mesh,
        scratch_types=[
            pltpu.VMEM_SHARED((n_pad, half), jnp.float32),
            pltpu.VMEM((ck, half), jnp.float32),
            pltpu.VMEM((ck,), jnp.int32),
            pltpu.VMEM((ck,), jnp.int32),
            pltpu.VMEM((ck,), jnp.float32),
            pltpu.VMEM((ck,), jnp.int32),
            pltpu.VMEM((wb, half), jnp.float32),
            pltpu.VMEM((wb, half), jnp.float32),
            pltpu.VMEM((wb, half), jnp.float32),
            pltpu.VMEM((bck,), jnp.int32),
            pltpu.VMEM((bck,), jnp.int32),
            pltpu.VMEM((bck, half), jnp.float32),
        ],
        compiler_params=pltpu.CompilerParams(use_tc_tiling_on_sc=False),
        interpret=interpret,
    )
    def sc_prop(emb0, cols1d, rows1d, vals1d, ui, pi, ni,
                cur, summ, gprop, gorig,
                acc_s, gbuf, ccol, crow, cval, cadj, t1, t2, zbuf,
                bidx, badj, gbuf2):
        c = lax.axis_index("c")
        s = lax.axis_index("s")
        c_n = c * n_pad
        zeros16 = jnp.zeros((lanes,), jnp.float32)

        @pl.loop(0, wb)
        def _(rr):
            zbuf[rr, pl.ds(0, lanes)] = zeros16
            zbuf[rr, pl.ds(lanes, lanes)] = zeros16

        @pl.loop(0, nwb)
        def _(k):
            pltpu.sync_copy(zbuf, acc_s.at[pl.ds(s * npt + k * wb, wb)])

        plsc.subcore_barrier()

        for layer in range(n_layers):
            src = emb0 if layer == 0 else cur

            @pl.loop(0, nec)
            def _(j):
                e0 = s * ept + j * ck
                pltpu.sync_copy(cols1d.at[pl.ds(e0, ck)], ccol)
                pltpu.sync_copy(rows1d.at[pl.ds(e0, ck)], crow)
                pltpu.sync_copy(vals1d.at[pl.ds(e0, ck)], cval)
                for k in range(ck // lanes):
                    cadj[pl.ds(k * lanes, lanes)] = (
                        ccol[pl.ds(k * lanes, lanes)] + c_n)
                pltpu.sync_copy(src.at[cadj], gbuf)

                @pl.loop(0, ck // lanes)
                def _(g):
                    vv = cval[pl.ds(g * lanes, lanes)]
                    for i in range(lanes):
                        e = g * lanes + i
                        v = vv[i]
                        gbuf[e, pl.ds(0, lanes)] = gbuf[e, pl.ds(0, lanes)] * v
                        gbuf[e, pl.ds(lanes, lanes)] = (
                            gbuf[e, pl.ds(lanes, lanes)] * v)

                pltpu.sync_copy(gbuf, acc_s.at[crow], add=True)

            plsc.subcore_barrier()

            sum_src = emb0 if layer == 0 else summ

            @pl.loop(0, nwb)
            def _(k):
                r0 = s * npt + k * wb
                g0 = c_n + r0
                pltpu.sync_copy(acc_s.at[pl.ds(r0, wb)], t1)
                pltpu.sync_copy(zbuf, acc_s.at[pl.ds(r0, wb)])
                pltpu.sync_copy(t1, cur.at[pl.ds(g0, wb)])
                pltpu.sync_copy(sum_src.at[pl.ds(g0, wb)], t2)

                @pl.loop(0, wb)
                def _(rr):
                    t2[rr, pl.ds(0, lanes)] = (
                        t2[rr, pl.ds(0, lanes)] + t1[rr, pl.ds(0, lanes)])
                    t2[rr, pl.ds(lanes, lanes)] = (
                        t2[rr, pl.ds(lanes, lanes)] + t1[rr, pl.ds(lanes, lanes)])

                pltpu.sync_copy(t2, summ.at[pl.ds(g0, wb)])

            plsc.subcore_barrier()

        @pl.loop(0, nbc)
        def _(j):
            base = s * bpt + j * bck
            for a, idx1d in enumerate((ui, pi, ni)):
                pltpu.sync_copy(idx1d.at[pl.ds(base, bck)], bidx)
                for k in range(bck // lanes):
                    badj[pl.ds(k * lanes, lanes)] = (
                        bidx[pl.ds(k * lanes, lanes)] + c_n)
                pltpu.sync_copy(summ.at[badj], gbuf2)
                pltpu.sync_copy(
                    gbuf2, gprop.at[a, pl.ds(c * n_batch + base, bck)])
                pltpu.sync_copy(emb0.at[badj], gbuf2)
                pltpu.sync_copy(
                    gbuf2, gorig.at[a, pl.ds(c * n_batch + base, bck)])

    return sc_prop


_sc_prop = _make_sc_prop(_NP, _HALF, _E, _B, _CK, _BCK, _WB, _LAYERS)


_GRP = 128 // _HALF
_NR = _NC * _B // _GRP
_NR2 = _NR // _NC


def _tc_finish(gprop_ref, gorig_ref, out_ref):
    u = gprop_ref[0]
    p = gprop_ref[1]
    q = gprop_ref[2]
    prod = u * (p - q)
    r_iota = lax.broadcasted_iota(jnp.int32, (128, 128), 0)
    c_iota = lax.broadcasted_iota(jnp.int32, (128, 128), 1)
    m = jnp.where((r_iota // _HALF) == c_iota, 1.0, 0.0)
    s = jnp.dot(prod, m, preferred_element_type=jnp.float32)
    d4 = (s[:_NR2, :] + s[_NR2:, :]) * (1.0 / ((_LAYERS + 1) ** 2))
    z = -d4
    sp = jnp.maximum(z, 0.0) + jnp.log1p(jnp.exp(-jnp.abs(z)))
    col = lax.broadcasted_iota(jnp.int32, (_NR2, 128), 1)
    bpr = jnp.sum(jnp.where(col < _GRP, sp, 0.0)) * (1.0 / _B)
    og = gorig_ref[...]
    reg = jnp.sum(og * og) * (1.0 / _B)
    loss = bpr + _WD * reg
    out_ref[...] = jnp.concatenate(
        [jnp.full((1, 128), loss, jnp.float32),
         jnp.full((1, 128), bpr, jnp.float32),
         jnp.full((1, 128), reg, jnp.float32),
         jnp.zeros((5, 128), jnp.float32)], axis=0)


def kernel(user_indices, pos_item_indices, neg_item_indices,
           user_table, item_table, adj_rows, adj_cols, adj_vals):
    all0 = jnp.concatenate([user_table, item_table], axis=0)
    pad = ((0, _NP - _N), (0, 0))
    emb0 = jnp.concatenate(
        [jnp.pad(all0[:, :_HALF], pad), jnp.pad(all0[:, _HALF:], pad)], axis=0)
    ui = user_indices.astype(jnp.int32)
    pi = pos_item_indices.astype(jnp.int32) + _NUM_USERS
    ni = neg_item_indices.astype(jnp.int32) + _NUM_USERS
    cur, summ, gprop, gorig = _sc_prop(
        emb0, adj_cols, adj_rows, adj_vals, ui, pi, ni)
    out = pl.pallas_call(
        _tc_finish,
        out_shape=jax.ShapeDtypeStruct((8, 128), jnp.float32),
    )(gprop.reshape(3, _NR, 128), gorig.reshape(3, _NR, 128))
    return (out[0, 0], out[1, 0], out[2, 0])

# --- scband reference (transcript-rebuilt; emitter-appended) ---
"""Pipeline reference for scband-light-gcn-56667798503723 (READ-ONLY COPY).

The authoritative reference and input builder live on the scoring server;
editing this copy changes nothing except your own understanding.
"""

import jax, jax.numpy as jnp
import numpy as np

NUM_USERS = 25000
NUM_ITEMS = 25000
EMB = 64
N_EDGES = 800000
NUM_LAYERS = 3
WEIGHT_DECAY = 1e-4
BATCH = 16384


def setup_inputs(seed: int = 0) -> dict:
    key = jax.random.key(seed)
    k1, k2, k3, k4, k5, k6, k7, k8 = jax.random.split(key, 8)
    N = NUM_USERS + NUM_ITEMS
    # xavier-uniform-ish init for embedding tables
    bound_u = float(np.sqrt(6.0 / (NUM_USERS + EMB)))
    bound_i = float(np.sqrt(6.0 / (NUM_ITEMS + EMB)))
    user_table = jax.random.uniform(k1, (NUM_USERS, EMB), minval=-bound_u, maxval=bound_u, dtype=jnp.float32)
    item_table = jax.random.uniform(k2, (NUM_ITEMS, EMB), minval=-bound_i, maxval=bound_i, dtype=jnp.float32)
    # sparse normalized adjacency in COO form (buffer, not a trainable param)
    adj_rows = jax.random.randint(k3, (N_EDGES,), 0, N, dtype=jnp.int32)
    adj_cols = jax.random.randint(k4, (N_EDGES,), 0, N, dtype=jnp.int32)
    # emulate D^-1/2 A D^-1/2 normalization values
    deg = float(N_EDGES) / float(N)
    adj_vals = jax.random.uniform(k5, (N_EDGES,), minval=0.5, maxval=1.5, dtype=jnp.float32) / deg
    user_indices = jax.random.randint(k6, (BATCH,), 0, NUM_USERS, dtype=jnp.int64)
    pos_item_indices = jax.random.randint(k7, (BATCH,), 0, NUM_ITEMS, dtype=jnp.int64)
    neg_item_indices = jax.random.randint(k8, (BATCH,), 0, NUM_ITEMS, dtype=jnp.int64)
    return {
        "user_indices": user_indices,
        "pos_item_indices": pos_item_indices,
        "neg_item_indices": neg_item_indices,
        "user_table": user_table,
        "item_table": item_table,
        "adj_rows": adj_rows,
        "adj_cols": adj_cols,
        "adj_vals": adj_vals,
    }


def reference(user_indices, pos_item_indices, neg_item_indices,
              user_table, item_table, adj_rows, adj_cols, adj_vals):
    N = NUM_USERS + NUM_ITEMS
    # get_all_embeddings: LightGCN propagation
    all_emb = jnp.concatenate([user_table, item_table], axis=0)
    emb_list = [all_emb]
    for _ in range(NUM_LAYERS):
        # torch.sparse.mm(adj, all_emb) == gather cols, scale by vals, scatter-add to rows
        gathered = all_emb[adj_cols] * adj_vals[:, None]
        all_emb = jax.ops.segment_sum(gathered, adj_rows, num_segments=N)
        emb_list.append(all_emb)
    final_emb = jnp.mean(jnp.stack(emb_list, axis=0), axis=0)
    all_user_emb = final_emb[:NUM_USERS]
    all_item_emb = final_emb[NUM_USERS:]
    # forward: BPR loss
    user_emb = all_user_emb[user_indices]
    pos_emb = all_item_emb[pos_item_indices]
    neg_emb = all_item_emb[neg_item_indices]
    pos_scores = jnp.sum(user_emb * pos_emb, axis=-1)
    neg_scores = jnp.sum(user_emb * neg_emb, axis=-1)
    bpr_loss = -jnp.mean(jax.nn.log_sigmoid(pos_scores - neg_scores))
    reg_loss = (jnp.sum(user_table[user_indices] ** 2)
                + jnp.sum(item_table[pos_item_indices] ** 2)
                + jnp.sum(item_table[neg_item_indices] ** 2)) / user_indices.shape[0]
    loss = bpr_loss + WEIGHT_DECAY * reg_loss
    return (loss, bpr_loss, reg_loss)

if __name__ == "__main__":
    import jax
    _d = setup_inputs()
    print(jax.jit(kernel)(*tuple(_d.values())))

</pallas_src>

<mosaic_0001>
#map = affine_map<(d0, d1) -> (0, 0)>
#map1 = affine_map<(d0, d1) -> (0)>
#map2 = affine_map<(d0, d1) -> (0, 0, 0)>
module attributes {stable_mosaic.version = 14 : i64} {
  func.func @sc_prop(%arg0: i32, %arg1: i32, %arg2: memref<100096x32xf32, #tpu.memory_space<hbm>>, %arg3: memref<800000xi32, #tpu.memory_space<hbm>>, %arg4: memref<800000xi32, #tpu.memory_space<hbm>>, %arg5: memref<800000xf32, #tpu.memory_space<hbm>>, %arg6: memref<16384xi32, #tpu.memory_space<hbm>>, %arg7: memref<16384xi32, #tpu.memory_space<hbm>>, %arg8: memref<16384xi32, #tpu.memory_space<hbm>>, %arg9: memref<100096x32xf32, #tpu.memory_space<hbm>>, %arg10: memref<100096x32xf32, #tpu.memory_space<hbm>>, %arg11: memref<3x32768x32xf32, #tpu.memory_space<hbm>>, %arg12: memref<3x32768x32xf32, #tpu.memory_space<hbm>>, %arg13: memref<50048x32xf32, #tpu.memory_space<vmem_shared>>, %arg14: memref<80x32xf32, #tpu.memory_space<vmem>>, %arg15: memref<80xi32, #tpu.memory_space<vmem>>, %arg16: memref<80xi32, #tpu.memory_space<vmem>>, %arg17: memref<80xf32, #tpu.memory_space<vmem>>, %arg18: memref<80xi32, #tpu.memory_space<vmem>>, %arg19: memref<184x32xf32, #tpu.memory_space<vmem>>, %arg20: memref<184x32xf32, #tpu.memory_space<vmem>>, %arg21: memref<184x32xf32, #tpu.memory_space<vmem>>, %arg22: memref<128xi32, #tpu.memory_space<vmem>>, %arg23: memref<128xi32, #tpu.memory_space<vmem>>, %arg24: memref<128x32xf32, #tpu.memory_space<vmem>>) attributes {dimension_semantics = [#tpu.dimension_semantics<core_parallel>, #tpu.dimension_semantics<subcore_parallel>], iteration_bounds = array<i64: 2, 16>, scalar_prefetch = 0 : i64, scratch_operands = 12 : i64, tpu.core_type = #tpu.core_type<sc_vector_subcore>, window_params = [{transform_indices = #map}, {transform_indices = #map1}, {transform_indices = #map1}, {transform_indices = #map1}, {transform_indices = #map1}, {transform_indices = #map1}, {transform_indices = #map1}, {transform_indices = #map}, {transform_indices = #map}, {transform_indices = #map2}, {transform_indices = #map2}]} {
    %mul3A = arith.constant 50048 : i32
    %mul3A_0 = arith.muli %arg0, %mul3A : i32
    %broadcast_in_dim3A = arith.constant 0.000000e+00 : f32
    %broadcast_in_dim3A_1 = vector.broadcast %broadcast_in_dim3A : f32 to vector<16xf32>
    %scan3A = arith.constant 0 : i32
    %scan3A_2 = arith.constant 184 : i32
    %scan3A_3 = arith.addi %scan3A, %scan3A_2 : i32
    %scan3A_4 = arith.constant 1 : i32
    scf.for %scan3A_52 = %scan3A to %scan3A_3 step %scan3A_4  : i32 {
      %mul3A_53 = arith.constant 1 : i32
      %mul3A_54 = arith.muli %scan3A_52, %mul3A_53 : i32
      %add3A = arith.constant 0 : i32
      %add3A_55 = arith.addi %add3A, %mul3A_54 : i32
      %swap3A = arith.index_cast %add3A_55 : i32 to index
      %swap3A_56 = arith.constant 0 : index
      %swap3A_57 = tpu.vector_load %arg21[%swap3A, %swap3A_56] {strides = array<i32>} : memref<184x32xf32, #tpu.memory_space<vmem>>, vector<1x16xf32>,
      %swap3A_58 = vector.shape_cast %swap3A_57 : vector<1x16xf32> to vector<16xf32>
      %swap3A_59 = vector.shape_cast %broadcast_in_dim3A_1 : vector<16xf32> to vector<1x16xf32>
      tpu.vector_store %arg21[%swap3A, %swap3A_56], %swap3A_59 {strides = array<i32>} : memref<184x32xf32, #tpu.memory_space<vmem>>, vector<1x16xf32>,
      %swap3A_60 = arith.index_cast %add3A_55 : i32 to index
      %swap3A_61 = arith.constant 16 : index
      %swap3A_62 = tpu.vector_load %arg21[%swap3A_60, %swap3A_61] {strides = array<i32>} : memref<184x32xf32, #tpu.memory_space<vmem>>, vector<1x16xf32>,
      %swap3A_63 = vector.shape_cast %swap3A_62 : vector<1x16xf32> to vector<16xf32>
      %swap3A_64 = vector.shape_cast %broadcast_in_dim3A_1 : vector<16xf32> to vector<1x16xf32>
      tpu.vector_store %arg21[%swap3A_60, %swap3A_61], %swap3A_64 {strides = array<i32>} : memref<184x32xf32, #tpu.memory_space<vmem>>, vector<1x16xf32>,
    }
    %scan3A_5 = arith.constant 184 : i32
    %scan3A_6 = arith.constant 0 : i32
    %scan3A_7 = arith.constant 17 : i32
    %scan3A_8 = arith.addi %scan3A_6, %scan3A_7 : i32
    %scan3A_9 = arith.constant 1 : i32
    scf.for %scan3A_52 = %scan3A_6 to %scan3A_8 step %scan3A_9  : i32 {
      %mul3A_53 = arith.constant 1 : i32
      %mul3A_54 = arith.muli %scan3A_52, %mul3A_53 : i32
      %add3A = arith.constant 0 : i32
      %add3A_55 = arith.addi %add3A, %mul3A_54 : i32
      %mul3A_56 = arith.constant 3128 : i32
      %mul3A_57 = arith.muli %arg1, %mul3A_56 : i32
      %mul3A_58 = arith.constant 184 : i32
      %mul3A_59 = arith.muli %add3A_55, %mul3A_58 : i32
      %add3A_60 = arith.addi %mul3A_57, %mul3A_59 : i32
      "tpu.region"() ({
        %run_scoped3A = tpu.sem_alloc : memref<!tpu.dma_semaphore, #tpu.memory_space<semaphore_mem>>
        %dma_start3A = arith.constant 0 : i32
        %dma_start3A_61 = tpu.memref_slice %arg13[%add3A_60, %dma_start3A] : memref<50048x32xf32, #tpu.memory_space<vmem_shared>> -> memref<184x32xf32, #tpu.memory_space<vmem_shared>>
        %dma_start3A_62 = arith.constant 0 : i32
        %dma_start3A_63 = tpu.memref_slice %arg13[%add3A_60, %dma_start3A_62] : memref<50048x32xf32, #tpu.memory_space<vmem_shared>> -> memref<184x32xf32, #tpu.memory_space<vmem_shared>>
        tpu.enqueue_dma source(%arg21 : memref<184x32xf32, #tpu.memory_space<vmem>>) target(%dma_start3A_63 : memref<184x32xf32, #tpu.memory_space<vmem_shared>>) target_semaphore(%run_scoped3A : memref<!tpu.dma_semaphore, #tpu.memory_space<semaphore_mem>>)
        %dma_wait3A = arith.constant 0 : i32
        %dma_wait3A_64 = tpu.memref_slice %arg13[%add3A_60, %dma_wait3A] : memref<50048x32xf32, #tpu.memory_space<vmem_shared>> -> memref<184x32xf32, #tpu.memory_space<vmem_shared>>
        %dma_wait3A_65 = arith.constant 0 : i32
        %dma_wait3A_66 = tpu.memref_slice %arg13[%add3A_60, %dma_wait3A_65] : memref<50048x32xf32, #tpu.memory_space<vmem_shared>> -> memref<184x32xf32, #tpu.memory_space<vmem_shared>>
        tpu.wait_dma2 semaphore(%run_scoped3A : memref<!tpu.dma_semaphore, #tpu.memory_space<semaphore_mem>>) src(%arg21 : memref<184x32xf32, #tpu.memory_space<vmem>>) dst(%dma_wait3A_66 : memref<184x32xf32, #tpu.memory_space<vmem_shared>>)
        tpu.yield
      }) : () -> ()
    }
    %scan3A_10 = arith.constant 17 : i32
    %barrier3A = arith.constant 0 : index
    tpu.barrier barrier_id(%barrier3A)
    %scan3A_11 = arith.constant 0 : i32
    %scan3A_12 = arith.constant 625 : i32
    %scan3A_13 = arith.addi %scan3A_11, %scan3A_12 : i32
    %scan3A_14 = arith.constant 1 : i32
    scf.for %scan3A_52 = %scan3A_11 to %scan3A_13 step %scan3A_14  : i32 {
      %mul3A_53 = arith.constant 1 : i32
      %mul3A_54 = arith.muli %scan3A_52, %mul3A_53 : i32
      %add3A = arith.constant 0 : i32
      %add3A_55 = arith.addi %add3A, %mul3A_54 : i32
      %mul3A_56 = arith.constant 50000 : i32
      %mul3A_57 = arith.muli %arg1, %mul3A_56 : i32
      %mul3A_58 = arith.constant 80 : i32
      %mul3A_59 = arith.muli %add3A_55, %mul3A_58 : i32
      %add3A_60 = arith.addi %mul3A_57, %mul3A_59 : i32
      "tpu.region"() ({
        %run_scoped3A = tpu.sem_alloc : memref<!tpu.dma_semaphore, #tpu.memory_space<semaphore_mem>>
        %dma_start3A = tpu.memref_slice %arg3[%add3A_60] : memref<800000xi32, #tpu.memory_space<hbm>> -> memref<80xi32, #tpu.memory_space<hbm>>
        %dma_start3A_109 = tpu.memref_slice %arg3[%add3A_60] : memref<800000xi32, #tpu.memory_space<hbm>> -> memref<80xi32, #tpu.memory_space<hbm>>
        tpu.enqueue_dma source(%dma_start3A_109 : memref<80xi32, #tpu.memory_space<hbm>>) target(%arg15 : memref<80xi32, #tpu.memory_space<vmem>>) target_semaphore(%run_scoped3A : memref<!tpu.dma_semaphore, #tpu.memory_space<semaphore_mem>>)
        %dma_wait3A = tpu.memref_slice %arg3[%add3A_60] : memref<800000xi32, #tpu.memory_space<hbm>> -> memref<80xi32, #tpu.memory_space<hbm>>
        %dma_wait3A_110 = tpu.memref_slice %arg3[%add3A_60] : memref<800000xi32, #tpu.memory_space<hbm>> -> memref<80xi32, #tpu.memory_space<hbm>>
        tpu.wait_dma2 semaphore(%run_scoped3A : memref<!tpu.dma_semaphore, #tpu.memory_space<semaphore_mem>>) src(%dma_wait3A_110 : memref<80xi32, #tpu.memory_space<hbm>>) dst(%arg15 : memref<80xi32, #tpu.memory_space<vmem>>)
        tpu.yield
      }) : () -> ()
      "tpu.region"() ({
        %run_scoped3A = tpu.sem_alloc : memref<!tpu.dma_semaphore, #tpu.memory_space<semaphore_mem>>
        %dma_start3A = tpu.memref_slice %arg4[%add3A_60] : memref<800000xi32, #tpu.memory_space<hbm>> -> memref<80xi32, #tpu.memory_space<hbm>>
        %dma_start3A_109 = tpu.memref_slice %arg4[%add3A_60] : memref<800000xi32, #tpu.memory_space<hbm>> -> memref<80xi32, #tpu.memory_space<hbm>>
        tpu.enqueue_dma source(%dma_start3A_109 : memref<80xi32, #tpu.memory_space<hbm>>) target(%arg16 : memref<80xi32, #tpu.memory_space<vmem>>) target_semaphore(%run_scoped3A : memref<!tpu.dma_semaphore, #tpu.memory_space<semaphore_mem>>)
        %dma_wait3A = tpu.memref_slice %arg4[%add3A_60] : memref<800000xi32, #tpu.memory_space<hbm>> -> memref<80xi32, #tpu.memory_space<hbm>>
        %dma_wait3A_110 = tpu.memref_slice %arg4[%add3A_60] : memref<800000xi32, #tpu.memory_space<hbm>> -> memref<80xi32, #tpu.memory_space<hbm>>
        tpu.wait_dma2 semaphore(%run_scoped3A : memref<!tpu.dma_semaphore, #tpu.memory_space<semaphore_mem>>) src(%dma_wait3A_110 : memref<80xi32, #tpu.memory_space<hbm>>) dst(%arg16 : memref<80xi32, #tpu.memory_space<vmem>>)
        tpu.yield
      }) : () -> ()
      "tpu.region"() ({
        %run_scoped3A = tpu.sem_alloc : memref<!tpu.dma_semaphore, #tpu.memory_space<semaphore_mem>>
        %dma_start3A = tpu.memref_slice %arg5[%add3A_60] : memref<800000xf32, #tpu.memory_space<hbm>> -> memref<80xf32, #tpu.memory_space<hbm>>
        %dma_start3A_109 = tpu.memref_slice %arg5[%add3A_60] : memref<800000xf32, #tpu.memory_space<hbm>> -> memref<80xf32, #tpu.memory_space<hbm>>
        tpu.enqueue_dma source(%dma_start3A_109 : memref<80xf32, #tpu.memory_space<hbm>>) target(%arg17 : memref<80xf32, #tpu.memory_space<vmem>>) target_semaphore(%run_scoped3A : memref<!tpu.dma_semaphore, #tpu.memory_space<semaphore_mem>>)
        %dma_wait3A = tpu.memref_slice %arg5[%add3A_60] : memref<800000xf32, #tpu.memory_space<hbm>> -> memref<80xf32, #tpu.memory_space<hbm>>
        %dma_wait3A_110 = tpu.memref_slice %arg5[%add3A_60] : memref<800000xf32, #tpu.memory_space<hbm>> -> memref<80xf32, #tpu.memory_space<hbm>>
        tpu.wait_dma2 semaphore(%run_scoped3A : memref<!tpu.dma_semaphore, #tpu.memory_space<semaphore_mem>>) src(%dma_wait3A_110 : memref<80xf32, #tpu.memory_space<hbm>>) dst(%arg17 : memref<80xf32, #tpu.memory_space<vmem>>)
        tpu.yield
      }) : () -> ()
      %get3A = arith.constant 0 : index
      %get3A_61 = tpu.vector_load %arg15[%get3A] {strides = array<i32>} : memref<80xi32, #tpu.memory_space<vmem>>, vector<16xi32>,
      %get3A_62 = vector.shape_cast %get3A_61 : vector<16xi32> to vector<16xi32>
      %add3A_63 = vector.broadcast %mul3A_0 : i32 to vector<16xi32>
      %add3A_64 = arith.addi %get3A_62, %add3A_63 : vector<16xi32>
      %swap3A = arith.constant 0 : index
      %swap3A_65 = tpu.vector_load %arg18[%swap3A] {strides = array<i32>} : memref<80xi32, #tpu.memory_space<vmem>>, vector<16xi32>,
      %swap3A_66 = vector.shape_cast %swap3A_65 : vector<16xi32> to vector<16xi32>
      %swap3A_67 = vector.shape_cast %add3A_64 : vector<16xi32> to vector<16xi32>
      tpu.vector_store %arg18[%swap3A], %swap3A_67 {strides = array<i32>} : memref<80xi32, #tpu.memory_space<vmem>>, vector<16xi32>,
      %get3A_68 = arith.constant 16 : index
      %get3A_69 = tpu.vector_load %arg15[%get3A_68] {strides = array<i32>} : memref<80xi32, #tpu.memory_space<vmem>>, vector<16xi32>,
      %get3A_70 = vector.shape_cast %get3A_69 : vector<16xi32> to vector<16xi32>
      %add3A_71 = vector.broadcast %mul3A_0 : i32 to vector<16xi32>
      %add3A_72 = arith.addi %get3A_70, %add3A_71 : vector<16xi32>
      %swap3A_73 = arith.constant 16 : index
      %swap3A_74 = tpu.vector_load %arg18[%swap3A_73] {strides = array<i32>} : memref<80xi32, #tpu.memory_space<vmem>>, vector<16xi32>,
      %swap3A_75 = vector.shape_cast %swap3A_74 : vector<16xi32> to vector<16xi32>
      %swap3A_76 = vector.shape_cast %add3A_72 : vector<16xi32> to vector<16xi32>
      tpu.vector_store %arg18[%swap3A_73], %swap3A_76 {strides = array<i32>} : memref<80xi32, #tpu.memory_space<vmem>>, vector<16xi32>,
      %get3A_77 = arith.constant 32 : index
      %get3A_78 = tpu.vector_load %arg15[%get3A_77] {strides = array<i32>} : memref<80xi32, #tpu.memory_space<vmem>>, vector<16xi32>,
      %get3A_79 = vector.shape_cast %get3A_78 : vector<16xi32> to vector<16xi32>
      %add3A_80 = vector.broadcast %mul3A_0 : i32 to vector<16xi32>
      %add3A_81 = arith.addi %get3A_79, %add3A_80 : vector<16xi32>
      %swap3A_82 = arith.constant 32 : index
      %swap3A_83 = tpu.vector_load %arg18[%swap3A_82] {strides = array<i32>} : memref<80xi32, #tpu.memory_space<vmem>>, vector<16xi32>,
      %swap3A_84 = vector.shape_cast %swap3A_83 : vector<16xi32> to vector<16xi32>
      %swap3A_85 = vector.shape_cast %add3A_81 : vector<16xi32> to vector<16xi32>
      tpu.vector_store %arg18[%swap3A_82], %swap3A_85 {strides = array<i32>} : memref<80xi32, #tpu.memory_space<vmem>>, vector<16xi32>,
      %get3A_86 = arith.constant 48 : index
      %get3A_87 = tpu.vector_load %arg15[%get3A_86] {strides = array<i32>} : memref<80xi32, #tpu.memory_space<vmem>>, vector<16xi32>,
      %get3A_88 = vector.shape_cast %get3A_87 : vector<16xi32> to vector<16xi32>
      %add3A_89 = vector.broadcast %mul3A_0 : i32 to vector<16xi32>
      %add3A_90 = arith.addi %get3A_88, %add3A_89 : vector<16xi32>
      %swap3A_91 = arith.constant 48 : index
      %swap3A_92 = tpu.vector_load %arg18[%swap3A_91] {strides = array<i32>} : memref<80xi32, #tpu.memory_space<vmem>>, vector<16xi32>,
      %swap3A_93 = vector.shape_cast %swap3A_92 : vector<16xi32> to vector<16xi32>
      %swap3A_94 = vector.shape_cast %add3A_90 : vector<16xi32> to vector<16xi32>
      tpu.vector_store %arg18[%swap3A_91], %swap3A_94 {strides = array<i32>} : memref<80xi32, #tpu.memory_space<vmem>>, vector<16xi32>,
      %get3A_95 = arith.constant 64 : index
      %get3A_96 = tpu.vector_load %arg15[%get3A_95] {strides = array<i32>} : memref<80xi32, #tpu.memory_space<vmem>>, vector<16xi32>,
      %get3A_97 = vector.shape_cast %get3A_96 : vector<16xi32> to vector<16xi32>
      %add3A_98 = vector.broadcast %mul3A_0 : i32 to vector<16xi32>
      %add3A_99 = arith.addi %get3A_97, %add3A_98 : vector<16xi32>
      %swap3A_100 = arith.constant 64 : index
      %swap3A_101 = tpu.vector_load %arg18[%swap3A_100] {strides = array<i32>} : memref<80xi32, #tpu.memory_space<vmem>>, vector<16xi32>,
      %swap3A_102 = vector.shape_cast %swap3A_101 : vector<16xi32> to vector<16xi32>
      %swap3A_103 = vector.shape_cast %add3A_99 : vector<16xi32> to vector<16xi32>
      tpu.vector_store %arg18[%swap3A_100], %swap3A_103 {strides = array<i32>} : memref<80xi32, #tpu.memory_space<vmem>>, vector<16xi32>,
      "tpu.region"() ({
        %run_scoped3A = tpu.sem_alloc : memref<!tpu.dma_semaphore, #tpu.memory_space<semaphore_mem>>
        %dma_start3A = arith.constant 0 : i32
        %dma_start3A_109 = arith.constant 0 : i32
        %dma_start3A_110 = tpu.memref_slice %arg2[%dma_start3A, %dma_start3A_109] : memref<100096x32xf32, #tpu.memory_space<hbm>> -> memref<100096x32xf32, #tpu.memory_space<hbm>>
        tpu.enqueue_indirect_dma source(%dma_start3A_110 : memref<100096x32xf32, #tpu.memory_space<hbm>>) target(%arg14 : memref<80x32xf32, #tpu.memory_space<vmem>>) offsets(%arg18 : memref<80xi32, #tpu.memory_space<vmem>>) semaphore(%run_scoped3A : memref<!tpu.dma_semaphore, #tpu.memory_space<semaphore_mem>>)
        %dma_wait3A = arith.constant 0 : i32
        %dma_wait3A_111 = arith.constant 0 : i32
        %dma_wait3A_112 = tpu.memref_slice %arg2[%dma_wait3A, %dma_wait3A_111] : memref<100096x32xf32, #tpu.memory_space<hbm>> -> memref<100096x32xf32, #tpu.memory_space<hbm>>
        tpu.wait_indirect_dma semaphore(%run_scoped3A : memref<!tpu.dma_semaphore, #tpu.memory_space<semaphore_mem>>) src(%dma_wait3A_112 : memref<100096x32xf32, #tpu.memory_space<hbm>>) dst(%arg14 : memref<80x32xf32, #tpu.memory_space<vmem>>)
        tpu.yield
      }) : () -> ()
      %scan3A_104 = arith.constant 0 : i32
      %scan3A_105 = arith.constant 5 : i32
      %scan3A_106 = arith.addi %scan3A_104, %scan3A_105 : i32
      %scan3A_107 = arith.constant 1 : i32
      scf.for %scan3A_109 = %scan3A_104 to %scan3A_106 step %scan3A_107  : i32 {
        %mul3A_110 = arith.constant 1 : i32
        %mul3A_111 = arith.muli %scan3A_109, %mul3A_110 : i32
        %add3A_112 = arith.constant 0 : i32
        %add3A_113 = arith.addi %add3A_112, %mul3A_111 : i32
        %mul3A_114 = arith.constant 16 : i32
        %mul3A_115 = arith.muli %add3A_113, %mul3A_114 : i32
        %get3A_116 = arith.index_cast %mul3A_115 : i32 to index
        %get3A_117 = tpu.vector_load %arg17[%get3A_116] {strides = array<i32>} : memref<80xf32, #tpu.memory_space<vmem>>, vector<16xf32>,
        %get3A_118 = vector.shape_cast %get3A_117 : vector<16xf32> to vector<16xf32>
        %mul3A_119 = arith.constant 16 : i32
        %mul3A_120 = arith.muli %add3A_113, %mul3A_119 : i32
        %add3A_121 = arith.constant 0 : i32
        %add3A_122 = arith.addi %mul3A_120, %add3A_121 : i32
        %slice3A = vector.extract_strided_slice %get3A_118 {offsets = [0], sizes = [1], strides = [1]} : vector<16xf32> to vector<1xf32>
        %squeeze3A = vector.extract %slice3A[0] : f32 from vector<1xf32>
        %get3A_123 = arith.index_cast %add3A_122 : i32 to index
        %get3A_124 = arith.constant 0 : index
        %get3A_125 = tpu.vector_load %arg14[%get3A_123, %get3A_124] {strides = array<i32>} : memref<80x32xf32, #tpu.memory_space<vmem>>, vector<1x16xf32>,
        %get3A_126 = vector.shape_cast %get3A_125 : vector<1x16xf32> to vector<16xf32>
        %mul3A_127 = vector.broadcast %squeeze3A : f32 to vector<16xf32>
        %mul3A_128 = arith.mulf %get3A_126, %mul3A_127 : vector<16xf32>
        %swap3A_129 = arith.index_cast %add3A_122 : i32 to index
        %swap3A_130 = arith.constant 0 : index
        %swap3A_131 = tpu.vector_load %arg14[%swap3A_129, %swap3A_130] {strides = array<i32>} : memref<80x32xf32, #tpu.memory_space<vmem>>, vector<1x16xf32>,
        %swap3A_132 = vector.shape_cast %swap3A_131 : vector<1x16xf32> to vector<16xf32>
        %swap3A_133 = vector.shape_cast %mul3A_128 : vector<16xf32> to vector<1x16xf32>
        tpu.vector_store %arg14[%swap3A_129, %swap3A_130], %swap3A_133 {strides = array<i32>} : memref<80x32xf32, #tpu.memory_space<vmem>>, vector<1x16xf32>,
        %get3A_134 = arith.index_cast %add3A_122 : i32 to index
        %get3A_135 = arith.constant 16 : index
        %get3A_136 = tpu.vector_load %arg14[%get3A_134, %get3A_135] {strides = array<i32>} : memref<80x32xf32, #tpu.memory_space<vmem>>, vector<1x16xf32>,
        %get3A_137 = vector.shape_cast %get3A_136 : vector<1x16xf32> to vector<16xf32>
        %mul3A_138 = vector.broadcast %squeeze3A : f32 to vector<16xf32>
        %mul3A_139 = arith.mulf %get3A_137, %mul3A_138 : vector<16xf32>
        %swap3A_140 = arith.index_cast %add3A_122 : i32 to index
        %swap3A_141 = arith.constant 16 : index
        %swap3A_142 = tpu.vector_load %arg14[%swap3A_140, %swap3A_141] {strides = array<i32>} : memref<80x32xf32, #tpu.memory_space<vmem>>, vector<1x16xf32>,
        %swap3A_143 = vector.shape_cast %swap3A_142 : vector<1x16xf32> to vector<16xf32>
        %swap3A_144 = vector.shape_cast %mul3A_139 : vector<16xf32> to vector<1x16xf32>
        tpu.vector_store %arg14[%swap3A_140, %swap3A_141], %swap3A_144 {strides = array<i32>} : memref<80x32xf32, #tpu.memory_space<vmem>>, vector<1x16xf32>,
        %mul3A_145 = arith.constant 16 : i32
        %mul3A_146 = arith.muli %add3A_113, %mul3A_145 : i32
        %add3A_147 = arith.constant 1 : i32
        %add3A_148 = arith.addi %mul3A_146, %add3A_147 : i32
        %slice3A_149 = vector.extract_strided_slice %get3A_118 {offsets = [1], sizes = [1], strides = [1]} : vector<16xf32> to vector<1xf32>
        %squeeze3A_150 = vector.extract %slice3A_149[0] : f32 from vector<1xf32>
        %get3A_151 = arith.index_cast %add3A_148 : i32 to index
        %get3A_152 = arith.constant 0 : index
        %get3A_153 = tpu.vector_load %arg14[%get3A_151, %get3A_152] {strides = array<i32>} : memref<80x32xf32, #tpu.memory_space<vmem>>, vector<1x16xf32>,
        %get3A_154 = vector.shape_cast %get3A_153 : vector<1x16xf32> to vector<16xf32>
        %mul3A_155 = vector.broadcast %squeeze3A_150 : f32 to vector<16xf32>
        %mul3A_156 = arith.mulf %get3A_154, %mul3A_155 : vector<16xf32>
        %swap3A_157 = arith.index_cast %add3A_148 : i32 to index
        %swap3A_158 = arith.constant 0 : index
        %swap3A_159 = tpu.vector_load %arg14[%swap3A_157, %swap3A_158] {strides = array<i32>} : memref<80x32xf32, #tpu.memory_space<vmem>>, vector<1x16xf32>,
        %swap3A_160 = vector.shape_cast %swap3A_159 : vector<1x16xf32> to vector<16xf32>
        %swap3A_161 = vector.shape_cast %mul3A_156 : vector<16xf32> to vector<1x16xf32>
        tpu.vector_store %arg14[%swap3A_157, %swap3A_158], %swap3A_161 {strides = array<i32>} : memref<80x32xf32, #tpu.memory_space<vmem>>, vector<1x16xf32>,
        %get3A_162 = arith.index_cast %add3A_148 : i32 to index
        %get3A_163 = arith.constant 16 : index
        %get3A_164 = tpu.vector_load %arg14[%get3A_162, %get3A_163] {strides = array<i32>} : memref<80x32xf32, #tpu.memory_space<vmem>>, vector<1x16xf32>,
        %get3A_165 = vector.shape_cast %get3A_164 : vector<1x16xf32> to vector<16xf32>
        %mul3A_166 = vector.broadcast %squeeze3A_150 : f32 to vector<16xf32>
        %mul3A_167 = arith.mulf %get3A_165, %mul3A_166 : vector<16xf32>
        %swap3A_168 = arith.index_cast %add3A_148 : i32 to index
        %swap3A_169 = arith.constant 16 : index
        %swap3A_170 = tpu.vector_load %arg14[%swap3A_168, %swap3A_169] {strides = array<i32>} : memref<80x32xf32, #tpu.memory_space<vmem>>, vector<1x16xf32>,
        %swap3A_171 = vector.shape_cast %swap3A_170 : vector<1x16xf32> to vector<16xf32>
        %swap3A_172 = vector.shape_cast %mul3A_167 : vector<16xf32> to vector<1x16xf32>
        tpu.vector_store %arg14[%swap3A_168, %swap3A_169], %swap3A_172 {strides = array<i32>} : memref<80x32xf32, #tpu.memory_space<vmem>>, vector<1x16xf32>,
        %mul3A_173 = arith.constant 16 : i32
        %mul3A_174 = arith.muli %add3A_113, %mul3A_173 : i32
        %add3A_175 = arith.constant 2 : i32
        %add3A_176 = arith.addi %mul3A_174, %add3A_175 : i32
        %slice3A_177 = vector.extract_strided_slice %get3A_118 {offsets = [2], sizes = [1], strides = [1]} : vector<16xf32> to vector<1xf32>
        %squeeze3A_178 = vector.extract %slice3A_177[0] : f32 from vector<1xf32>
        %get3A_179 = arith.index_cast %add3A_176 : i32 to index
        %get3A_180 = arith.constant 0 : index
        %get3A_181 = tpu.vector_load %arg14[%get3A_179, %get3A_180] {strides = array<i32>} : memref<80x32xf32, #tpu.memory_space<vmem>>, vector<1x16xf32>,
        %get3A_182 = vector.shape_cast %get3A_181 : vector<1x16xf32> to vector<16xf32>
        %mul3A_183 = vector.broadcast %squeeze3A_178 : f32 to vector<16xf32>
        %mul3A_184 = arith.mulf %get3A_182, %mul3A_183 : vector<16xf32>
        %swap3A_185 = arith.index_cast %add3A_176 : i32 to index
        %swap3A_186 = arith.constant 0 : index
        %swap3A_187 = tpu.vector_load %arg14[%swap3A_185, %swap3A_186] {strides = array<i32>} : memref<80x32xf32, #tpu.memory_space<vmem>>, vector<1x16xf32>,
        %swap3A_188 = vector.shape_cast %swap3A_187 : vector<1x16xf32> to vector<16xf32>
        %swap3A_189 = vector.shape_cast %mul3A_184 : vector<16xf32> to vector<1x16xf32>
        tpu.vector_store %arg14[%swap3A_185, %swap3A_186], %swap3A_189 {strides = array<i32>} : memref<80x32xf32, #tpu.memory_space<vmem>>, vector<1x16xf32>,
        %get3A_190 = arith.index_cast %add3A_176 : i32 to index
        %get3A_191 = arith.constant 16 : index
        %get3A_192 = tpu.vector_load %arg14[%get3A_190, %get3A_191] {strides = array<i32>} : memref<80x32xf32, #tpu.memory_space<vmem>>, vector<1x16xf32>,
        %get3A_193 = vector.shape_cast %get3A_192 : vector<1x16xf32> to vector<16xf32>
        %mul3A_194 = vector.broadcast %squeeze3A_178 : f32 to vector<16xf32>
        %mul3A_195 = arith.mulf %get3A_193, %mul3A_194 : vector<16xf32>
        %swap3A_196 = arith.index_cast %add3A_176 : i32 to index
        %swap3A_197 = arith.constant 16 : index
        %swap3A_198 = tpu.vector_load %arg14[%swap3A_196, %swap3A_197] {strides = array<i32>} : memref<80x32xf32, #tpu.memory_space<vmem>>, vector<1x16xf32>,
        %swap3A_199 = vector.shape_cast %swap3A_198 : vector<1x16xf32> to vector<16xf32>
        %swap3A_200 = vector.shape_cast %mul3A_195 : vector<16xf32> to vector<1x16xf32>
        tpu.vector_store %arg14[%swap3A_196, %swap3A_197], %swap3A_200 {strides = array<i32>} : memref<80x32xf32, #tpu.memory_space<vmem>>, vector<1x16xf32>,
        %mul3A_201 = arith.constant 16 : i32
        %mul3A_202 = arith.muli %add3A_113, %mul3A_201 : i32
        %add3A_203 = arith.constant 3 : i32
        %add3A_204 = arith.addi %mul3A_202, %add3A_203 : i32
        %slice3A_205 = vector.extract_strided_slice %get3A_118 {offsets = [3], sizes = [1], strides = [1]} : vector<16xf32> to vector<1xf32>
        %squeeze3A_206 = vector.extract %slice3A_205[0] : f32 from vector<1xf32>
        %get3A_207 = arith.index_cast %add3A_204 : i32 to index
        %get3A_208 = arith.constant 0 : index
        %get3A_209 = tpu.vector_load %arg14[%get3A_207, %get3A_208] {strides = array<i32>} : memref<80x32xf32, #tpu.memory_space<vmem>>, vector<1x16xf32>,
        %get3A_210 = vector.shape_cast %get3A_209 : vector<1x16xf32> to vector<16xf32>
        %mul3A_211 = vector.broadcast %squeeze3A_206 : f32 to vector<16xf32>
        %mul3A_212 = arith.mulf %get3A_210, %mul3A_211 : vector<16xf32>
        %swap3A_213 = arith.index_cast %add3A_204 : i32 to index
        %swap3A_214 = arith.constant 0 : index
        %swap3A_215 = tpu.vector_load %arg14[%swap3A_213, %swap3A_214] {strides = array<i32>} : memref<80x32xf32, #tpu.memory_space<vmem>>, vector<1x16xf32>,
        %swap3A_216 = vector.shape_cast %swap3A_215 : vector<1x16xf32> to vector<16xf32>
        %swap3A_217 = vector.shape_cast %mul3A_212 : vector<16xf32> to vector<1x16xf32>
        tpu.vector_store %arg14[%swap3A_213, %swap3A_214], %swap3A_217 {strides = array<i32>} : memref<80x32xf32, #tpu.memory_space<vmem>>, vector<1x16xf32>,
        %get3A_218 = arith.index_cast %add3A_204 : i32 to index
        %get3A_219 = arith.constant 16 : index
        %get3A_220 = tpu.vector_load %arg14[%get3A_218, %get3A_219] {strides = array<i32>} : memref<80x32xf32, #tpu.memory_space<vmem>>, vector<1x16xf32>,
        %get3A_221 = vector.shape_cast %get3A_220 : vector<1x16xf32> to vector<16xf32>
        %mul3A_222 = vector.broadcast %squeeze3A_206 : f32 to vector<16xf32>
        %mul3A_223 = arith.mulf %get3A_221, %mul3A_222 : vector<16xf32>
        %swap3A_224 = arith.index_cast %add3A_204 : i32 to index
        %swap3A_225 = arith.constant 16 : index
        %swap3A_226 = tpu.vector_load %arg14[%swap3A_224, %swap3A_225] {strides = array<i32>} : memref<80x32xf32, #tpu.memory_space<vmem>>, vector<1x16xf32>,
        %swap3A_227 = vector.shape_cast %swap3A_226 : vector<1x16xf32> to vector<16xf32>
        %swap3A_228 = vector.shape_cast %mul3A_223 : vector<16xf32> to vector<1x16xf32>
        tpu.vector_store %arg14[%swap3A_224, %swap3A_225], %swap3A_228 {strides = array<i32>} : memref<80x32xf32, #tpu.memory_space<vmem>>, vector<1x16xf32>,
        %mul3A_229 = arith.constant 16 : i32
        %mul3A_230 = arith.muli %add3A_113, %mul3A_229 : i32
        %add3A_231 = arith.constant 4 : i32
        %add3A_232 = arith.addi %mul3A_230, %add3A_231 : i32
        %slice3A_233 = vector.extract_strided_slice %get3A_118 {offsets = [4], sizes = [1], strides = [1]} : vector<16xf32> to vector<1xf32>
        %squeeze3A_234 = vector.extract %slice3A_233[0] : f32 from vector<1xf32>
        %get3A_235 = arith.index_cast %add3A_232 : i32 to index
        %get3A_236 = arith.constant 0 : index
        %get3A_237 = tpu.vector_load %arg14[%get3A_235, %get3A_236] {strides = array<i32>} : memref<80x32xf32, #tpu.memory_space<vmem>>, vector<1x16xf32>,
        %get3A_238 = vector.shape_cast %get3A_237 : vector<1x16xf32> to vector<16xf32>
        %mul3A_239 = vector.broadcast %squeeze3A_234 : f32 to vector<16xf32>
        %mul3A_240 = arith.mulf %get3A_238, %mul3A_239 : vector<16xf32>
        %swap3A_241 = arith.index_cast %add3A_232 : i32 to index
        %swap3A_242 = arith.constant 0 : index
        %swap3A_243 = tpu.vector_load %arg14[%swap3A_241, %swap3A_242] {strides = array<i32>} : memref<80x32xf32, #tpu.memory_space<vmem>>, vector<1x16xf32>,
        %swap3A_244 = vector.shape_cast %swap3A_243 : vector<1x16xf32> to vector<16xf32>
        %swap3A_245 = vector.shape_cast %mul3A_240 : vector<16xf32> to vector<1x16xf32>
        tpu.vector_store %arg14[%swap3A_241, %swap3A_242], %swap3A_245 {strides = array<i32>} : memref<80x32xf32, #tpu.memory_space<vmem>>, vector<1x16xf32>,
        %get3A_246 = arith.index_cast %add3A_232 : i32 to index
        %get3A_247 = arith.constant 16 : index
        %get3A_248 = tpu.vector_load %arg14[%get3A_246, %get3A_247] {strides = array<i32>} : memref<80x32xf32, #tpu.memory_space<vmem>>, vector<1x16xf32>,
        %get3A_249 = vector.shape_cast %get3A_248 : vector<1x16xf32> to vector<16xf32>
        %mul3A_250 = vector.broadcast %squeeze3A_234 : f32 to vector<16xf32>
        %mul3A_251 = arith.mulf %get3A_249, %mul3A_250 : vector<16xf32>
        %swap3A_252 = arith.index_cast %add3A_232 : i32 to index
        %swap3A_253 = arith.constant 16 : index
        %swap3A_254 = tpu.vector_load %arg14[%swap3A_252, %swap3A_253] {strides = array<i32>} : memref<80x32xf32, #tpu.memory_space<vmem>>, vector<1x16xf32>,
        %swap3A_255 = vector.shape_cast %swap3A_254 : vector<1x16xf32> to vector<16xf32>
        %swap3A_256 = vector.shape_cast %mul3A_251 : vector<16xf32> to vector<1x16xf32>
        tpu.vector_store %arg14[%swap3A_252, %swap3A_253], %swap3A_256 {strides = array<i32>} : memref<80x32xf32, #tpu.memory_space<vmem>>, vector<1x16xf32>,
        %mul3A_257 = arith.constant 16 : i32
        %mul3A_258 = arith.muli %add3A_113, %mul3A_257 : i32
        %add3A_259 = arith.constant 5 : i32
        %add3A_260 = arith.addi %mul3A_258, %add3A_259 : i32
        %slice3A_261 = vector.extract_strided_slice %get3A_118 {offsets = [5], sizes = [1], strides = [1]} : vector<16xf32> to vector<1xf32>
        %squeeze3A_262 = vector.extract %slice3A_261[0] : f32 from vector<1xf32>
        %get3A_263 = arith.index_cast %add3A_260 : i32 to index
        %get3A_264 = arith.constant 0 : index
        %get3A_265 = tpu.vector_load %arg14[%get3A_263, %get3A_264] {strides = array<i32>} : memref<80x32xf32, #tpu.memory_space<vmem>>, vector<1x16xf32>,
        %get3A_266 = vector.shape_cast %get3A_265 : vector<1x16xf32> to vector<16xf32>
        %mul3A_267 = vector.broadcast %squeeze3A_262 : f32 to vector<16xf32>
        %mul3A_268 = arith.mulf %get3A_266, %mul3A_267 : vector<16xf32>
        %swap3A_269 = arith.index_cast %add3A_260 : i32 to index
        %swap3A_270 = arith.constant 0 : index
        %swap3A_271 = tpu.vector_load %arg14[%swap3A_269, %swap3A_270] {strides = array<i32>} : memref<80x32xf32, #tpu.memory_space<vmem>>, vector<1x16xf32>,
        %swap3A_272 = vector.shape_cast %swap3A_271 : vector<1x16xf32> to vector<16xf32>
        %swap3A_273 = vector.shape_cast %mul3A_268 : vector<16xf32> to vector<1x16xf32>
        tpu.vector_store %arg14[%swap3A_269, %swap3A_270], %swap3A_273 {strides = array<i32>} : memref<80x32xf32, #tpu.memory_space<vmem>>, vector<1x16xf32>,
        %get3A_274 = arith.index_cast %add3A_260 : i32 to index
        %get3A_275 = arith.constant 16 : index
        %get3A_276 = tpu.vector_load %arg14[%get3A_274, %get3A_275] {strides = array<i32>} : memref<80x32xf32, #tpu.memory_space<vmem>>, vector<1x16xf32>,
        %get3A_277 = vector.shape_cast %get3A_276 : vector<1x16xf32> to vector<16xf32>
        %mul3A_278 = vector.broadcast %squeeze3A_262 : f32 to vector<16xf32>
        %mul3A_279 = arith.mulf %get3A_277, %mul3A_278 : vector<16xf32>
        %swap3A_280 = arith.index_cast %add3A_260 : i32 to index
        %swap3A_281 = arith.constant 16 : index
        %swap3A_282 = tpu.vector_load %arg14[%swap3A_280, %swap3A_281] {strides = array<i32>} : memref<80x32xf32, #tpu.memory_space<vmem>>, vector<1x16xf32>,
        %swap3A_283 = vector.shape_cast %swap3A_282 : vector<1x16xf32> to vector<16xf32>
        %swap3A_284 = vector.shape_cast %mul3A_279 : vector<16xf32> to vector<1x16xf32>
        tpu.vector_store %arg14[%swap3A_280, %swap3A_281], %swap3A_284 {strides = array<i32>} : memref<80x32xf32, #tpu.memory_space<vmem>>, vector<1x16xf32>,
        %mul3A_285 = arith.constant 16 : i32
        %mul3A_286 = arith.muli %add3A_113, %mul3A_285 : i32
        %add3A_287 = arith.constant 6 : i32
        %add3A_288 = arith.addi %mul3A_286, %add3A_287 : i32
        %slice3A_289 = vector.extract_strided_slice %get3A_118 {offsets = [6], sizes = [1], strides = [1]} : vector<16xf32> to vector<1xf32>
        %squeeze3A_290 = vector.extract %slice3A_289[0] : f32 from vector<1xf32>
        %get3A_291 = arith.index_cast %add3A_288 : i32 to index
        %get3A_292 = arith.constant 0 : index
        %get3A_293 = tpu.vector_load %arg14[%get3A_291, %get3A_292] {strides = array<i32>} : memref<80x32xf32, #tpu.memory_space<vmem>>, vector<1x16xf32>,
        %get3A_294 = vector.shape_cast %get3A_293 : vector<1x16xf32> to vector<16xf32>
        %mul3A_295 = vector.broadcast %squeeze3A_290 : f32 to vector<16xf32>
        %mul3A_296 = arith.mulf %get3A_294, %mul3A_295 : vector<16xf32>
        %swap3A_297 = arith.index_cast %add3A_288 : i32 to index
        %swap3A_298 = arith.constant 0 : index
        %swap3A_299 = tpu.vector_load %arg14[%swap3A_297, %swap3A_298] {strides = array<i32>} : memref<80x32xf32, #tpu.memory_space<vmem>>, vector<1x16xf32>,
        %swap3A_300 = vector.shape_cast %swap3A_299 : vector<1x16xf32> to vector<16xf32>
        %swap3A_301 = vector.shape_cast %mul3A_296 : vector<16xf32> to vector<1x16xf32>
        tpu.vector_store %arg14[%swap3A_297, %swap3A_298], %swap3A_301 {strides = array<i32>} : memref<80x32xf32, #tpu.memory_space<vmem>>, vector<1x16xf32>,
        %get3A_302 = arith.index_cast %add3A_288 : i32 to index
        %get3A_303 = arith.constant 16 : index
        %get3A_304 = tpu.vector_load %arg14[%get3A_302, %get3A_303] {strides = array<i32>} : memref<80x32xf32, #tpu.memory_space<vmem>>, vector<1x16xf32>,
        %get3A_305 = vector.shape_cast %get3A_304 : vector<1x16xf32> to vector<16xf32>
        %mul3A_306 = vector.broadcast %squeeze3A_290 : f32 to vector<16xf32>
        %mul3A_307 = arith.mulf %get3A_305, %mul3A_306 : vector<16xf32>
        %swap3A_308 = arith.index_cast %add3A_288 : i32 to index
        %swap3A_309 = arith.constant 16 : index
        %swap3A_310 = tpu.vector_load %arg14[%swap3A_308, %swap3A_309] {strides = array<i32>} : memref<80x32xf32, #tpu.memory_space<vmem>>, vector<1x16xf32>,
        %swap3A_311 = vector.shape_cast %swap3A_310 : vector<1x16xf32> to vector<16xf32>
        %swap3A_312 = vector.shape_cast %mul3A_307 : vector<16xf32> to vector<1x16xf32>
        tpu.vector_store %arg14[%swap3A_308, %swap3A_309], %swap3A_312 {strides = array<i32>} : memref<80x32xf32, #tpu.memory_space<vmem>>, vector<1x16xf32>,
        %mul3A_313 = arith.constant 16 : i32
        %mul3A_314 = arith.muli %add3A_113, %mul3A_313 : i32
        %add3A_315 = arith.constant 7 : i32
        %add3A_316 = arith.addi %mul3A_314, %add3A_315 : i32
        %slice3A_317 = vector.extract_strided_slice %get3A_118 {offsets = [7], sizes = [1], strides = [1]} : vector<16xf32> to vector<1xf32>
        %squeeze3A_318 = vector.extract %slice3A_317[0] : f32 from vector<1xf32>
        %get3A_319 = arith.index_cast %add3A_316 : i32 to index
        %get3A_320 = arith.constant 0 : index
        %get3A_321 = tpu.vector_load %arg14[%get3A_319, %get3A_320] {strides = array<i32>} : memref<80x32xf32, #tpu.memory_space<vmem>>, vector<1x16xf32>,
        %get3A_322 = vector.shape_cast %get3A_321 : vector<1x16xf32> to vector<16xf32>
        %mul3A_323 = vector.broadcast %squeeze3A_318 : f32 to vector<16xf32>
        %mul3A_324 = arith.mulf %get3A_322, %mul3A_323 : vector<16xf32>
        %swap3A_325 = arith.index_cast %add3A_316 : i32 to index
        %swap3A_326 = arith.constant 0 : index
        %swap3A_327 = tpu.vector_load %arg14[%swap3A_325, %swap3A_326] {strides = array<i32>} : memref<80x32xf32, #tpu.memory_space<vmem>>, vector<1x16xf32>,
        %swap3A_328 = vector.shape_cast %swap3A_327 : vector<1x16xf32> to vector<16xf32>
        %swap3A_329 = vector.shape_cast %mul3A_324 : vector<16xf32> to vector<1x16xf32>
        tpu.vector_store %arg14[%swap3A_325, %swap3A_326], %swap3A_329 {strides = array<i32>} : memref<80x32xf32, #tpu.memory_space<vmem>>, vector<1x16xf32>,
        %get3A_330 = arith.index_cast %add3A_316 : i32 to index
        %get3A_331 = arith.constant 16 : index
        %get3A_332 = tpu.vector_load %arg14[%get3A_330, %get3A_331] {strides = array<i32>} : memref<80x32xf32, #tpu.memory_space<vmem>>, vector<1x16xf32>,
        %get3A_333 = vector.shape_cast %get3A_332 : vector<1x16xf32> to vector<16xf32>
        %mul3A_334 = vector.broadcast %squeeze3A_318 : f32 to vector<16xf32>
        %mul3A_335 = arith.mulf %get3A_333, %mul3A_334 : vector<16xf32>
        %swap3A_336 = arith.index_cast %add3A_316 : i32 to index
        %swap3A_337 = arith.constant 16 : index
        %swap3A_338 = tpu.vector_load %arg14[%swap3A_336, %swap3A_337] {strides = array<i32>} : memref<80x32xf32, #tpu.memory_space<vmem>>, vector<1x16xf32>,
        %swap3A_339 = vector.shape_cast %swap3A_338 : vector<1x16xf32> to vector<16xf32>
        %swap3A_340 = vector.shape_cast %mul3A_335 : vector<16xf32> to vector<1x16xf32>
        tpu.vector_store %arg14[%swap3A_336, %swap3A_337], %swap3A_340 {strides = array<i32>} : memref<80x32xf32, #tpu.memory_space<vmem>>, vector<1x16xf32>,
        %mul3A_341 = arith.constant 16 : i32
        %mul3A_342 = arith.muli %add3A_113, %mul3A_341 : i32
        %add3A_343 = arith.constant 8 : i32
        %add3A_344 = arith.addi %mul3A_342, %add3A_343 : i32
        %slice3A_345 = vector.extract_strided_slice %get3A_118 {offsets = [8], sizes = [1], strides = [1]} : vector<16xf32> to vector<1xf32>
        %squeeze3A_346 = vector.extract %slice3A_345[0] : f32 from vector<1xf32>
        %get3A_347 = arith.index_cast %add3A_344 : i32 to index
        %get3A_348 = arith.constant 0 : index
        %get3A_349 = tpu.vector_load %arg14[%get3A_347, %get3A_348] {strides = array<i32>} : memref<80x32xf32, #tpu.memory_space<vmem>>, vector<1x16xf32>,
        %get3A_350 = vector.shape_cast %get3A_349 : vector<1x16xf32> to vector<16xf32>
        %mul3A_351 = vector.broadcast %squeeze3A_346 : f32 to vector<16xf32>
        %mul3A_352 = arith.mulf %get3A_350, %mul3A_351 : vector<16xf32>
        %swap3A_353 = arith.index_cast %add3A_344 : i32 to index
        %swap3A_354 = arith.constant 0 : index
        %swap3A_355 = tpu.vector_load %arg14[%swap3A_353, %swap3A_354] {strides = array<i32>} : memref<80x32xf32, #tpu.memory_space<vmem>>, vector<1x16xf32>,
        %swap3A_356 = vector.shape_cast %swap3A_355 : vector<1x16xf32> to vector<16xf32>
        %swap3A_357 = vector.shape_cast %mul3A_352 : vector<16xf32> to vector<1x16xf32>
        tpu.vector_store %arg14[%swap3A_353, %swap3A_354], %swap3A_357 {strides = array<i32>} : memref<80x32xf32, #tpu.memory_space<vmem>>, vector<1x16xf32>,
        %get3A_358 = arith.index_cast %add3A_344 : i32 to index
        %get3A_359 = arith.constant 16 : index
        %get3A_360 = tpu.vector_load %arg14[%get3A_358, %get3A_359] {strides = array<i32>} : memref<80x32xf32, #tpu.memory_space<vmem>>, vector<1x16xf32>,
        %get3A_361 = vector.shape_cast %get3A_360 : vector<1x16xf32> to vector<16xf32>
        %mul3A_362 = vector.broadcast %squeeze3A_346 : f32 to vector<16xf32>
        %mul3A_363 = arith.mulf %get3A_361, %mul3A_362 : vector<16xf32>
        %swap3A_364 = arith.index_cast %add3A_344 : i32 to index
        %swap3A_365 = arith.constant 16 : index
        %swap3A_366 = tpu.vector_load %arg14[%swap3A_364, %swap3A_365] {strides = array<i32>} : memref<80x32xf32, #tpu.memory_space<vmem>>, vector<1x16xf32>,
        %swap3A_367 = vector.shape_cast %swap3A_366 : vector<1x16xf32> to vector<16xf32>
        %swap3A_368 = vector.shape_cast %mul3A_363 : vector<16xf32> to vector<1x16xf32>
        tpu.vector_store %arg14[%swap3A_364, %swap3A_365], %swap3A_368 {strides = array<i32>} : memref<80x32xf32, #tpu.memory_space<vmem>>, vector<1x16xf32>,
        %mul3A_369 = arith.constant 16 : i32
        %mul3A_370 = arith.muli %add3A_113, %mul3A_369 : i32
        %add3A_371 = arith.constant 9 : i32
        %add3A_372 = arith.addi %mul3A_370, %add3A_371 : i32
        %slice3A_373 = vector.extract_strided_slice %get3A_118 {offsets = [9], sizes = [1], strides = [1]} : vector<16xf32> to vector<1xf32>
        %squeeze3A_374 = vector.extract %slice3A_373[0] : f32 from vector<1xf32>
        %get3A_375 = arith.index_cast %add3A_372 : i32 to index
        %get3A_376 = arith.constant 0 : index
        %get3A_377 = tpu.vector_load %arg14[%get3A_375, %get3A_376] {strides = array<i32>} : memref<80x32xf32, #tpu.memory_space<vmem>>, vector<1x16xf32>,
        %get3A_378 = vector.shape_cast %get3A_377 : vector<1x16xf32> to vector<16xf32>
        %mul3A_379 = vector.broadcast %squeeze3A_374 : f32 to vector<16xf32>
        %mul3A_380 = arith.mulf %get3A_378, %mul3A_379 : vector<16xf32>
        %swap3A_381 = arith.index_cast %add3A_372 : i32 to index
        %swap3A_382 = arith.constant 0 : index
        %swap3A_383 = tpu.vector_load %arg14[%swap3A_381, %swap3A_382] {strides = array<i32>} : memref<80x32xf32, #tpu.memory_space<vmem>>, vector<1x16xf32>,
        %swap3A_384 = vector.shape_cast %swap3A_383 : vector<1x16xf32> to vector<16xf32>
        %swap3A_385 = vector.shape_cast %mul3A_380 : vector<16xf32> to vector<1x16xf32>
        tpu.vector_store %arg14[%swap3A_381, %swap3A_382], %swap3A_385 {strides = array<i32>} : memref<80x32xf32, #tpu.memory_space<vmem>>, vector<1x16xf32>,
        %get3A_386 = arith.index_cast %add3A_372 : i32 to index
        %get3A_387 = arith.constant 16 : index
        %get3A_388 = tpu.vector_load %arg14[%get3A_386, %get3A_387] {strides = array<i32>} : memref<80x32xf32, #tpu.memory_space<vmem>>, vector<1x16xf32>,
        %get3A_389 = vector.shape_cast %get3A_388 : vector<1x16xf32> to vector<16xf32>
        %mul3A_390 = vector.broadcast %squeeze3A_374 : f32 to vector<16xf32>
        %mul3A_391 = arith.mulf %get3A_389, %mul3A_390 : vector<16xf32>
        %swap3A_392 = arith.index_cast %add3A_372 : i32 to index
        %swap3A_393 = arith.constant 16 : index
        %swap3A_394 = tpu.vector_load %arg14[%swap3A_392, %swap3A_393] {strides = array<i32>} : memref<80x32xf32, #tpu.memory_space<vmem>>, vector<1x16xf32>,
        %swap3A_395 = vector.shape_cast %swap3A_394 : vector<1x16xf32> to vector<16xf32>
        %swap3A_396 = vector.shape_cast %mul3A_391 : vector<16xf32> to vector<1x16xf32>
        tpu.vector_store %arg14[%swap3A_392, %swap3A_393], %swap3A_396 {strides = array<i32>} : memref<80x32xf32, #tpu.memory_space<vmem>>, vector<1x16xf32>,
        %mul3A_397 = arith.constant 16 : i32
        %mul3A_398 = arith.muli %add3A_113, %mul3A_397 : i32
        %add3A_399 = arith.constant 10 : i32
        %add3A_400 = arith.addi %mul3A_398, %add3A_399 : i32
        %slice3A_401 = vector.extract_strided_slice %get3A_118 {offsets = [10], sizes = [1], strides = [1]} : vector<16xf32> to vector<1xf32>
        %squeeze3A_402 = vector.extract %slice3A_401[0] : f32 from vector<1xf32>
        %get3A_403 = arith.index_cast %add3A_400 : i32 to index
        %get3A_404 = arith.constant 0 : index
        %get3A_405 = tpu.vector_load %arg14[%get3A_403, %get3A_404] {strides = array<i32>} : memref<80x32xf32, #tpu.memory_space<vmem>>, vector<1x16xf32>,
        %get3A_406 = vector.shape_cast %get3A_405 : vector<1x16xf32> to vector<16xf32>
        %mul3A_407 = vector.broadcast %squeeze3A_402 : f32 to vector<16xf32>
        %mul3A_408 = arith.mulf %get3A_406, %mul3A_407 : vector<16xf32>
        %swap3A_409 = arith.index_cast %add3A_400 : i32 to index
        %swap3A_410 = arith.constant 0 : index
        %swap3A_411 = tpu.vector_load %arg14[%swap3A_409, %swap3A_410] {strides = array<i32>} : memref<80x32xf32, #tpu.memory_space<vmem>>, vector<1x16xf32>,
        %swap3A_412 = vector.shape_cast %swap3A_411 : vector<1x16xf32> to vector<16xf32>
        %swap3A_413 = vector.shape_cast %mul3A_408 : vector<16xf32> to vector<1x16xf32>
        tpu.vector_store %arg14[%swap3A_409, %swap3A_410], %swap3A_413 {strides = array<i32>} : memref<80x32xf32, #tpu.memory_space<vmem>>, vector<1x16xf32>,
        %get3A_414 = arith.index_cast %add3A_400 : i32 to index
        %get3A_415 = arith.constant 16 : index
        %get3A_416 = tpu.vector_load %arg14[%get3A_414, %get3A_415] {strides = array<i32>} : memref<80x32xf32, #tpu.memory_space<vmem>>, vector<1x16xf32>,
        %get3A_417 = vector.shape_cast %get3A_416 : vector<1x16xf32> to vector<16xf32>
        %mul3A_418 = vector.broadcast %squeeze3A_402 : f32 to vector<16xf32>
        %mul3A_419 = arith.mulf %get3A_417, %mul3A_418 : vector<16xf32>
        %swap3A_420 = arith.index_cast %add3A_400 : i32 to index
        %swap3A_421 = arith.constant 16 : index
        %swap3A_422 = tpu.vector_load %arg14[%swap3A_420, %swap3A_421] {strides = array<i32>} : memref<80x32xf32, #tpu.memory_space<vmem>>, vector<1x16xf32>,
        %swap3A_423 = vector.shape_cast %swap3A_422 : vector<1x16xf32> to vector<16xf32>
        %swap3A_424 = vector.shape_cast %mul3A_419 : vector<16xf32> to vector<1x16xf32>
        tpu.vector_store %arg14[%swap3A_420, %swap3A_421], %swap3A_424 {strides = array<i32>} : memref<80x32xf32, #tpu.memory_space<vmem>>, vector<1x16xf32>,
        %mul3A_425 = arith.constant 16 : i32
        %mul3A_426 = arith.muli %add3A_113, %mul3A_425 : i32
        %add3A_427 = arith.constant 11 : i32
        %add3A_428 = arith.addi %mul3A_426, %add3A_427 : i32
        %slice3A_429 = vector.extract_strided_slice %get3A_118 {offsets = [11], sizes = [1], strides = [1]} : vector<16xf32> to vector<1xf32>
        %squeeze3A_430 = vector.extract %slice3A_429[0] : f32 from vector<1xf32>
        %get3A_431 = arith.index_cast %add3A_428 : i32 to index
        %get3A_432 = arith.constant 0 : index
        %get3A_433 = tpu.vector_load %arg14[%get3A_431, %get3A_432] {strides = array<i32>} : memref<80x32xf32, #tpu.memory_space<vmem>>, vector<1x16xf32>,
        %get3A_434 = vector.shape_cast %get3A_433 : vector<1x16xf32> to vector<16xf32>
        %mul3A_435 = vector.broadcast %squeeze3A_430 : f32 to vector<16xf32>
        %mul3A_436 = arith.mulf %get3A_434, %mul3A_435 : vector<16xf32>
        %swap3A_437 = arith.index_cast %add3A_428 : i32 to index
        %swap3A_438 = arith.constant 0 : index
        %swap3A_439 = tpu.vector_load %arg14[%swap3A_437, %swap3A_438] {strides = array<i32>} : memref<80x32xf32, #tpu.memory_space<vmem>>, vector<1x16xf32>,
        %swap3A_440 = vector.shape_cast %swap3A_439 : vector<1x16xf32> to vector<16xf32>
        %swap3A_441 = vector.shape_cast %mul3A_436 : vector<16xf32> to vector<1x16xf32>
        tpu.vector_store %arg14[%swap3A_437, %swap3A_438], %swap3A_441 {strides = array<i32>} : memref<80x32xf32, #tpu.memory_space<vmem>>, vector<1x16xf32>,
        %get3A_442 = arith.index_cast %add3A_428 : i32 to index
        %get3A_443 = arith.constant 16 : index
        %get3A_444 = tpu.vector_load %arg14[%get3A_442, %get3A_443] {strides = array<i32>} : memref<80x32xf32, #tpu.memory_space<vmem>>, vector<1x16xf32>,
        %get3A_445 = vector.shape_cast %get3A_444 : vector<1x16xf32> to vector<16xf32>
        %mul3A_446 = vector.broadcast %squeeze3A_430 : f32 to vector<16xf32>
        %mul3A_447 = arith.mulf %get3A_445, %mul3A_446 : vector<16xf32>
        %swap3A_448 = arith.index_cast %add3A_428 : i32 to index
        %swap3A_449 = arith.constant 16 : index
        %swap3A_450 = tpu.vector_load %arg14[%swap3A_448, %swap3A_449] {strides = array<i32>} : memref<80x32xf32, #tpu.memory_space<vmem>>, vector<1x16xf32>,
        %swap3A_451 = vector.shape_cast %swap3A_450 : vector<1x16xf32> to vector<16xf32>
        %swap3A_452 = vector.shape_cast %mul3A_447 : vector<16xf32> to vector<1x16xf32>
        tpu.vector_store %arg14[%swap3A_448, %swap3A_449], %swap3A_452 {strides = array<i32>} : memref<80x32xf32, #tpu.memory_space<vmem>>, vector<1x16xf32>,
        %mul3A_453 = arith.constant 16 : i32
        %mul3A_454 = arith.muli %add3A_113, %mul3A_453 : i32
        %add3A_455 = arith.constant 12 : i32
        %add3A_456 = arith.addi %mul3A_454, %add3A_455 : i32
        %slice3A_457 = vector.extract_strided_slice %get3A_118 {offsets = [12], sizes = [1], strides = [1]} : vector<16xf32> to vector<1xf32>
        %squeeze3A_458 = vector.extract %slice3A_457[0] : f32 from vector<1xf32>
        %get3A_459 = arith.index_cast %add3A_456 : i32 to index
        %get3A_460 = arith.constant 0 : index
        %get3A_461 = tpu.vector_load %arg14[%get3A_459, %get3A_460] {strides = array<i32>} : memref<80x32xf32, #tpu.memory_space<vmem>>, vector<1x16xf32>,
        %get3A_462 = vector.shape_cast %get3A_461 : vector<1x16xf32> to vector<16xf32>
        %mul3A_463 = vector.broadcast %squeeze3A_458 : f32 to vector<16xf32>
        %mul3A_464 = arith.mulf %get3A_462, %mul3A_463 : vector<16xf32>
        %swap3A_465 = arith.index_cast %add3A_456 : i32 to index
        %swap3A_466 = arith.constant 0 : index
        %swap3A_467 = tpu.vector_load %arg14[%swap3A_465, %swap3A_466] {strides = array<i32>} : memref<80x32xf32, #tpu.memory_space<vmem>>, vector<1x16xf32>,
        %swap3A_468 = vector.shape_cast %swap3A_467 : vector<1x16xf32> to vector<16xf32>
        %swap3A_469 = vector.shape_cast %mul3A_464 : vector<16xf32> to vector<1x16xf32>
        tpu.vector_store %arg14[%swap3A_465, %swap3A_466], %swap3A_469 {strides = array<i32>} : memref<80x32xf32, #tpu.memory_space<vmem>>, vector<1x16xf32>,
        %get3A_470 = arith.index_cast %add3A_456 : i32 to index
        %get3A_471 = arith.constant 16 : index
        %get3A_472 = tpu.vector_load %arg14[%get3A_470, %get3A_471] {strides = array<i32>} : memref<80x32xf32, #tpu.memory_space<vmem>>, vector<1x16xf32>,
        %get3A_473 = vector.shape_cast %get3A_472 : vector<1x16xf32> to vector<16xf32>
        %mul3A_474 = vector.broadcast %squeeze3A_458 : f32 to vector<16xf32>
        %mul3A_475 = arith.mulf %get3A_473, %mul3A_474 : vector<16xf32>
        %swap3A_476 = arith.index_cast %add3A_456 : i32 to index
        %swap3A_477 = arith.constant 16 : index
        %swap3A_478 = tpu.vector_load %arg14[%swap3A_476, %swap3A_477] {strides = array<i32>} : memref<80x32xf32, #tpu.memory_space<vmem>>, vector<1x16xf32>,
        %swap3A_479 = vector.shape_cast %swap3A_478 : vector<1x16xf32> to vector<16xf32>
        %swap3A_480 = vector.shape_cast %mul3A_475 : vector<16xf32> to vector<1x16xf32>
        tpu.vector_store %arg14[%swap3A_476, %swap3A_477], %swap3A_480 {strides = array<i32>} : memref<80x32xf32, #tpu.memory_space<vmem>>, vector<1x16xf32>,
        %mul3A_481 = arith.constant 16 : i32
        %mul3A_482 = arith.muli %add3A_113, %mul3A_481 : i32
        %add3A_483 = arith.constant 13 : i32
        %add3A_484 = arith.addi %mul3A_482, %add3A_483 : i32
        %slice3A_485 = vector.extract_strided_slice %get3A_118 {offsets = [13], sizes = [1], strides = [1]} : vector<16xf32> to vector<1xf32>
        %squeeze3A_486 = vector.extract %slice3A_485[0] : f32 from vector<1xf32>
        %get3A_487 = arith.index_cast %add3A_484 : i32 to index
        %get3A_488 = arith.constant 0 : index
        %get3A_489 = tpu.vector_load %arg14[%get3A_487, %get3A_488] {strides = array<i32>} : memref<80x32xf32, #tpu.memory_space<vmem>>, vector<1x16xf32>,
        %get3A_490 = vector.shape_cast %get3A_489 : vector<1x16xf32> to vector<16xf32>
        %mul3A_491 = vector.broadcast %squeeze3A_486 : f32 to vector<16xf32>
        %mul3A_492 = arith.mulf %get3A_490, %mul3A_491 : vector<16xf32>
        %swap3A_493 = arith.index_cast %add3A_484 : i32 to index
        %swap3A_494 = arith.constant 0 : index
        %swap3A_495 = tpu.vector_load %arg14[%swap3A_493, %swap3A_494] {strides = array<i32>} : memref<80x32xf32, #tpu.memory_space<vmem>>, vector<1x16xf32>,
        %swap3A_496 = vector.shape_cast %swap3A_495 : vector<1x16xf32> to vector<16xf32>
        %swap3A_497 = vector.shape_cast %mul3A_492 : vector<16xf32> to vector<1x16xf32>
        tpu.vector_store %arg14[%swap3A_493, %swap3A_494], %swap3A_497 {strides = array<i32>} : memref<80x32xf32, #tpu.memory_space<vmem>>, vector<1x16xf32>,
        %get3A_498 = arith.index_cast %add3A_484 : i32 to index
        %get3A_499 = arith.constant 16 : index
        %get3A_500 = tpu.vector_load %arg14[%get3A_498, %get3A_499] {strides = array<i32>} : memref<80x32xf32, #tpu.memory_space<vmem>>, vector<1x16xf32>,
        %get3A_501 = vector.shape_cast %get3A_500 : vector<1x16xf32> to vector<16xf32>
        %mul3A_502 = vector.broadcast %squeeze3A_486 : f32 to vector<16xf32>
        %mul3A_503 = arith.mulf %get3A_501, %mul3A_502 : vector<16xf32>
        %swap3A_504 = arith.index_cast %add3A_484 : i32 to index
        %swap3A_505 = arith.constant 16 : index
        %swap3A_506 = tpu.vector_load %arg14[%swap3A_504, %swap3A_505] {strides = array<i32>} : memref<80x32xf32, #tpu.memory_space<vmem>>, vector<1x16xf32>,
        %swap3A_507 = vector.shape_cast %swap3A_506 : vector<1x16xf32> to vector<16xf32>
        %swap3A_508 = vector.shape_cast %mul3A_503 : vector<16xf32> to vector<1x16xf32>
        tpu.vector_store %arg14[%swap3A_504, %swap3A_505], %swap3A_508 {strides = array<i32>} : memref<80x32xf32, #tpu.memory_space<vmem>>, vector<1x16xf32>,
        %mul3A_509 = arith.constant 16 : i32
        %mul3A_510 = arith.muli %add3A_113, %mul3A_509 : i32
        %add3A_511 = arith.constant 14 : i32
        %add3A_512 = arith.addi %mul3A_510, %add3A_511 : i32
        %slice3A_513 = vector.extract_strided_slice %get3A_118 {offsets = [14], sizes = [1], strides = [1]} : vector<16xf32> to vector<1xf32>
        %squeeze3A_514 = vector.extract %slice3A_513[0] : f32 from vector<1xf32>
        %get3A_515 = arith.index_cast %add3A_512 : i32 to index
        %get3A_516 = arith.constant 0 : index
        %get3A_517 = tpu.vector_load %arg14[%get3A_515, %get3A_516] {strides = array<i32>} : memref<80x32xf32, #tpu.memory_space<vmem>>, vector<1x16xf32>,
        %get3A_518 = vector.shape_cast %get3A_517 : vector<1x16xf32> to vector<16xf32>
        %mul3A_519 = vector.broadcast %squeeze3A_514 : f32 to vector<16xf32>
        %mul3A_520 = arith.mulf %get3A_518, %mul3A_519 : vector<16xf32>
        %swap3A_521 = arith.index_cast %add3A_512 : i32 to index
        %swap3A_522 = arith.constant 0 : index
        %swap3A_523 = tpu.vector_load %arg14[%swap3A_521, %swap3A_522] {strides = array<i32>} : memref<80x32xf32, #tpu.memory_space<vmem>>, vector<1x16xf32>,
        %swap3A_524 = vector.shape_cast %swap3A_523 : vector<1x16xf32> to vector<16xf32>
        %swap3A_525 = vector.shape_cast %mul3A_520 : vector<16xf32> to vector<1x16xf32>
        tpu.vector_store %arg14[%swap3A_521, %swap3A_522], %swap3A_525 {strides = array<i32>} : memref<80x32xf32, #tpu.memory_space<vmem>>, vector<1x16xf32>,
        %get3A_526 = arith.index_cast %add3A_512 : i32 to index
        %get3A_527 = arith.constant 16 : index
        %get3A_528 = tpu.vector_load %arg14[%get3A_526, %get3A_527] {strides = array<i32>} : memref<80x32xf32, #tpu.memory_space<vmem>>, vector<1x16xf32>,
        %get3A_529 = vector.shape_cast %get3A_528 : vector<1x16xf32> to vector<16xf32>
        %mul3A_530 = vector.broadcast %squeeze3A_514 : f32 to vector<16xf32>
        %mul3A_531 = arith.mulf %get3A_529, %mul3A_530 : vector<16xf32>
        %swap3A_532 = arith.index_cast %add3A_512 : i32 to index
        %swap3A_533 = arith.constant 16 : index
        %swap3A_534 = tpu.vector_load %arg14[%swap3A_532, %swap3A_533] {strides = array<i32>} : memref<80x32xf32, #tpu.memory_space<vmem>>, vector<1x16xf32>,
        %swap3A_535 = vector.shape_cast %swap3A_534 : vector<1x16xf32> to vector<16xf32>
        %swap3A_536 = vector.shape_cast %mul3A_531 : vector<16xf32> to vector<1x16xf32>
        tpu.vector_store %arg14[%swap3A_532, %swap3A_533], %swap3A_536 {strides = array<i32>} : memref<80x32xf32, #tpu.memory_space<vmem>>, vector<1x16xf32>,
        %mul3A_537 = arith.constant 16 : i32
        %mul3A_538 = arith.muli %add3A_113, %mul3A_537 : i32
        %add3A_539 = arith.constant 15 : i32
        %add3A_540 = arith.addi %mul3A_538, %add3A_539 : i32
        %slice3A_541 = vector.extract_strided_slice %get3A_118 {offsets = [15], sizes = [1], strides = [1]} : vector<16xf32> to vector<1xf32>
        %squeeze3A_542 = vector.extract %slice3A_541[0] : f32 from vector<1xf32>
        %get3A_543 = arith.index_cast %add3A_540 : i32 to index
        %get3A_544 = arith.constant 0 : index
        %get3A_545 = tpu.vector_load %arg14[%get3A_543, %get3A_544] {strides = array<i32>} : memref<80x32xf32, #tpu.memory_space<vmem>>, vector<1x16xf32>,
        %get3A_546 = vector.shape_cast %get3A_545 : vector<1x16xf32> to vector<16xf32>
        %mul3A_547 = vector.broadcast %squeeze3A_542 : f32 to vector<16xf32>
        %mul3A_548 = arith.mulf %get3A_546, %mul3A_547 : vector<16xf32>
        %swap3A_549 = arith.index_cast %add3A_540 : i32 to index
        %swap3A_550 = arith.constant 0 : index
        %swap3A_551 = tpu.vector_load %arg14[%swap3A_549, %swap3A_550] {strides = array<i32>} : memref<80x32xf32, #tpu.memory_space<vmem>>, vector<1x16xf32>,
        %swap3A_552 = vector.shape_cast %swap3A_551 : vector<1x16xf32> to vector<16xf32>
        %swap3A_553 = vector.shape_cast %mul3A_548 : vector<16xf32> to vector<1x16xf32>
        tpu.vector_store %arg14[%swap3A_549, %swap3A_550], %swap3A_553 {strides = array<i32>} : memref<80x32xf32, #tpu.memory_space<vmem>>, vector<1x16xf32>,
        %get3A_554 = arith.index_cast %add3A_540 : i32 to index
        %get3A_555 = arith.constant 16 : index
        %get3A_556 = tpu.vector_load %arg14[%get3A_554, %get3A_555] {strides = array<i32>} : memref<80x32xf32, #tpu.memory_space<vmem>>, vector<1x16xf32>,
        %get3A_557 = vector.shape_cast %get3A_556 : vector<1x16xf32> to vector<16xf32>
        %mul3A_558 = vector.broadcast %squeeze3A_542 : f32 to vector<16xf32>
        %mul3A_559 = arith.mulf %get3A_557, %mul3A_558 : vector<16xf32>
        %swap3A_560 = arith.index_cast %add3A_540 : i32 to index
        %swap3A_561 = arith.constant 16 : index
        %swap3A_562 = tpu.vector_load %arg14[%swap3A_560, %swap3A_561] {strides = array<i32>} : memref<80x32xf32, #tpu.memory_space<vmem>>, vector<1x16xf32>,
        %swap3A_563 = vector.shape_cast %swap3A_562 : vector<1x16xf32> to vector<16xf32>
        %swap3A_564 = vector.shape_cast %mul3A_559 : vector<16xf32> to vector<1x16xf32>
        tpu.vector_store %arg14[%swap3A_560, %swap3A_561], %swap3A_564 {strides = array<i32>} : memref<80x32xf32, #tpu.memory_space<vmem>>, vector<1x16xf32>,
      }
      %scan3A_108 = arith.constant 5 : i32
      "tpu.region"() ({
        %run_scoped3A = tpu.sem_alloc : memref<!tpu.dma_semaphore, #tpu.memory_space<semaphore_mem>>
        %dma_start3A = arith.constant 0 : i32
        %dma_start3A_109 = arith.constant 0 : i32
        %dma_start3A_110 = tpu.memref_slice %arg13[%dma_start3A, %dma_start3A_109] : memref<50048x32xf32, #tpu.memory_space<vmem_shared>> -> memref<50048x32xf32, #tpu.memory_space<vmem_shared>>
        tpu.enqueue_indirect_dma source(%arg14 : memref<80x32xf32, #tpu.memory_space<vmem>>) target(%dma_start3A_110 : memref<50048x32xf32, #tpu.memory_space<vmem_shared>>) offsets(%arg16 : memref<80xi32, #tpu.memory_space<vmem>>) semaphore(%run_scoped3A : memref<!tpu.dma_semaphore, #tpu.memory_space<semaphore_mem>>) {add = true}
        %dma_wait3A = arith.constant 0 : i32
        %dma_wait3A_111 = arith.constant 0 : i32
        %dma_wait3A_112 = tpu.memref_slice %arg13[%dma_wait3A, %dma_wait3A_111] : memref<50048x32xf32, #tpu.memory_space<vmem_shared>> -> memref<50048x32xf32, #tpu.memory_space<vmem_shared>>
        tpu.wait_indirect_dma semaphore(%run_scoped3A : memref<!tpu.dma_semaphore, #tpu.memory_space<semaphore_mem>>) src(%arg14 : memref<80x32xf32, #tpu.memory_space<vmem>>) dst(%dma_wait3A_112 : memref<50048x32xf32, #tpu.memory_space<vmem_shared>>)
        tpu.yield
      }) : () -> ()
    }
    %scan3A_15 = arith.constant 625 : i32
    %barrier3A_16 = arith.constant 0 : index
    tpu.barrier barrier_id(%barrier3A_16)
    %scan3A_17 = arith.constant 0 : i32
    %scan3A_18 = arith.constant 17 : i32
    %scan3A_19 = arith.addi %scan3A_17, %scan3A_18 : i32
    %scan3A_20 = arith.constant 1 : i32
    scf.for %scan3A_52 = %scan3A_17 to %scan3A_19 step %scan3A_20  : i32 {
      %mul3A_53 = arith.constant 1 : i32
      %mul3A_54 = arith.muli %scan3A_52, %mul3A_53 : i32
      %add3A = arith.constant 0 : i32
      %add3A_55 = arith.addi %add3A, %mul3A_54 : i32
      %mul3A_56 = arith.constant 3128 : i32
      %mul3A_57 = arith.muli %arg1, %mul3A_56 : i32
      %mul3A_58 = arith.constant 184 : i32
      %mul3A_59 = arith.muli %add3A_55, %mul3A_58 : i32
      %add3A_60 = arith.addi %mul3A_57, %mul3A_59 : i32
      %add3A_61 = arith.addi %mul3A_0, %add3A_60 : i32
      "tpu.region"() ({
        %run_scoped3A = tpu.sem_alloc : memref<!tpu.dma_semaphore, #tpu.memory_space<semaphore_mem>>
        %dma_start3A = arith.constant 0 : i32
        %dma_start3A_67 = tpu.memref_slice %arg13[%add3A_60, %dma_start3A] : memref<50048x32xf32, #tpu.memory_space<vmem_shared>> -> memref<184x32xf32, #tpu.memory_space<vmem_shared>>
        %dma_start3A_68 = arith.constant 0 : i32
        %dma_start3A_69 = tpu.memref_slice %arg13[%add3A_60, %dma_start3A_68] : memref<50048x32xf32, #tpu.memory_space<vmem_shared>> -> memref<184x32xf32, #tpu.memory_space<vmem_shared>>
        tpu.enqueue_dma source(%dma_start3A_69 : memref<184x32xf32, #tpu.memory_space<vmem_shared>>) target(%arg19 : memref<184x32xf32, #tpu.memory_space<vmem>>) target_semaphore(%run_scoped3A : memref<!tpu.dma_semaphore, #tpu.memory_space<semaphore_mem>>)
        %dma_wait3A = arith.constant 0 : i32
        %dma_wait3A_70 = tpu.memref_slice %arg13[%add3A_60, %dma_wait3A] : memref<50048x32xf32, #tpu.memory_space<vmem_shared>> -> memref<184x32xf32, #tpu.memory_space<vmem_shared>>
        %dma_wait3A_71 = arith.constant 0 : i32
        %dma_wait3A_72 = tpu.memref_slice %arg13[%add3A_60, %dma_wait3A_71] : memref<50048x32xf32, #tpu.memory_space<vmem_shared>> -> memref<184x32xf32, #tpu.memory_space<vmem_shared>>
        tpu.wait_dma2 semaphore(%run_scoped3A : memref<!tpu.dma_semaphore, #tpu.memory_space<semaphore_mem>>) src(%dma_wait3A_72 : memref<184x32xf32, #tpu.memory_space<vmem_shared>>) dst(%arg19 : memref<184x32xf32, #tpu.memory_space<vmem>>)
        tpu.yield
      }) : () -> ()
      "tpu.region"() ({
        %run_scoped3A = tpu.sem_alloc : memref<!tpu.dma_semaphore, #tpu.memory_space<semaphore_mem>>
        %dma_start3A = arith.constant 0 : i32
        %dma_start3A_67 = tpu.memref_slice %arg13[%add3A_60, %dma_start3A] : memref<50048x32xf32, #tpu.memory_space<vmem_shared>> -> memref<184x32xf32, #tpu.memory_space<vmem_shared>>
        %dma_start3A_68 = arith.constant 0 : i32
        %dma_start3A_69 = tpu.memref_slice %arg13[%add3A_60, %dma_start3A_68] : memref<50048x32xf32, #tpu.memory_space<vmem_shared>> -> memref<184x32xf32, #tpu.memory_space<vmem_shared>>
        tpu.enqueue_dma source(%arg21 : memref<184x32xf32, #tpu.memory_space<vmem>>) target(%dma_start3A_69 : memref<184x32xf32, #tpu.memory_space<vmem_shared>>) target_semaphore(%run_scoped3A : memref<!tpu.dma_semaphore, #tpu.memory_space<semaphore_mem>>)
        %dma_wait3A = arith.constant 0 : i32
        %dma_wait3A_70 = tpu.memref_slice %arg13[%add3A_60, %dma_wait3A] : memref<50048x32xf32, #tpu.memory_space<vmem_shared>> -> memref<184x32xf32, #tpu.memory_space<vmem_shared>>
        %dma_wait3A_71 = arith.constant 0 : i32
        %dma_wait3A_72 = tpu.memref_slice %arg13[%add3A_60, %dma_wait3A_71] : memref<50048x32xf32, #tpu.memory_space<vmem_shared>> -> memref<184x32xf32, #tpu.memory_space<vmem_shared>>
        tpu.wait_dma2 semaphore(%run_scoped3A : memref<!tpu.dma_semaphore, #tpu.memory_space<semaphore_mem>>) src(%arg21 : memref<184x32xf32, #tpu.memory_space<vmem>>) dst(%dma_wait3A_72 : memref<184x32xf32, #tpu.memory_space<vmem_shared>>)
        tpu.yield
      }) : () -> ()
      "tpu.region"() ({
        %run_scoped3A = tpu.sem_alloc : memref<!tpu.dma_semaphore, #tpu.memory_space<semaphore_mem>>
        %dma_start3A = arith.constant 0 : i32
        %dma_start3A_67 = tpu.memref_slice %arg9[%add3A_61, %dma_start3A] : memref<100096x32xf32, #tpu.memory_space<hbm>> -> memref<184x32xf32, #tpu.memory_space<hbm>>
        %dma_start3A_68 = arith.constant 0 : i32
        %dma_start3A_69 = tpu.memref_slice %arg9[%add3A_61, %dma_start3A_68] : memref<100096x32xf32, #tpu.memory_space<hbm>> -> memref<184x32xf32, #tpu.memory_space<hbm>>
        tpu.enqueue_dma source(%arg19 : memref<184x32xf32, #tpu.memory_space<vmem>>) target(%dma_start3A_69 : memref<184x32xf32, #tpu.memory_space<hbm>>) target_semaphore(%run_scoped3A : memref<!tpu.dma_semaphore, #tpu.memory_space<semaphore_mem>>)
        %dma_wait3A = arith.constant 0 : i32
        %dma_wait3A_70 = tpu.memref_slice %arg9[%add3A_61, %dma_wait3A] : memref<100096x32xf32, #tpu.memory_space<hbm>> -> memref<184x32xf32, #tpu.memory_space<hbm>>
        %dma_wait3A_71 = arith.constant 0 : i32
        %dma_wait3A_72 = tpu.memref_slice %arg9[%add3A_61, %dma_wait3A_71] : memref<100096x32xf32, #tpu.memory_space<hbm>> -> memref<184x32xf32, #tpu.memory_space<hbm>>
        tpu.wait_dma2 semaphore(%run_scoped3A : memref<!tpu.dma_semaphore, #tpu.memory_space<semaphore_mem>>) src(%arg19 : memref<184x32xf32, #tpu.memory_space<vmem>>) dst(%dma_wait3A_72 : memref<184x32xf32, #tpu.memory_space<hbm>>)
        tpu.yield
      }) : () -> ()
      "tpu.region"() ({
        %run_scoped3A = tpu.sem_alloc : memref<!tpu.dma_semaphore, #tpu.memory_space<semaphore_mem>>
        %dma_start3A = arith.constant 0 : i32
        %dma_start3A_67 = tpu.memref_slice %arg2[%add3A_61, %dma_start3A] : memref<100096x32xf32, #tpu.memory_space<hbm>> -> memref<184x32xf32, #tpu.memory_space<hbm>>
        %dma_start3A_68 = arith.constant 0 : i32
        %dma_start3A_69 = tpu.memref_slice %arg2[%add3A_61, %dma_start3A_68] : memref<100096x32xf32, #tpu.memory_space<hbm>> -> memref<184x32xf32, #tpu.memory_space<hbm>>
        tpu.enqueue_dma source(%dma_start3A_69 : memref<184x32xf32, #tpu.memory_space<hbm>>) target(%arg20 : memref<184x32xf32, #tpu.memory_space<vmem>>) target_semaphore(%run_scoped3A : memref<!tpu.dma_semaphore, #tpu.memory_space<semaphore_mem>>)
        %dma_wait3A = arith.constant 0 : i32
        %dma_wait3A_70 = tpu.memref_slice %arg2[%add3A_61, %dma_wait3A] : memref<100096x32xf32, #tpu.memory_space<hbm>> -> memref<184x32xf32, #tpu.memory_space<hbm>>
        %dma_wait3A_71 = arith.constant 0 : i32
        %dma_wait3A_72 = tpu.memref_slice %arg2[%add3A_61, %dma_wait3A_71] : memref<100096x32xf32, #tpu.memory_space<hbm>> -> memref<184x32xf32, #tpu.memory_space<hbm>>
        tpu.wait_dma2 semaphore(%run_scoped3A : memref<!tpu.dma_semaphore, #tpu.memory_space<semaphore_mem>>) src(%dma_wait3A_72 : memref<184x32xf32, #tpu.memory_space<hbm>>) dst(%arg20 : memref<184x32xf32, #tpu.memory_space<vmem>>)
        tpu.yield
      }) : () -> ()
      %scan3A_62 = arith.constant 0 : i32
      %scan3A_63 = arith.constant 184 : i32
      %scan3A_64 = arith.addi %scan3A_62, %scan3A_63 : i32
      %scan3A_65 = arith.constant 1 : i32
      scf.for %scan3A_67 = %scan3A_62 to %scan3A_64 step %scan3A_65  : i32 {
        %mul3A_68 = arith.constant 1 : i32
        %mul3A_69 = arith.muli %scan3A_67, %mul3A_68 : i32
        %add3A_70 = arith.constant 0 : i32
        %add3A_71 = arith.addi %add3A_70, %mul3A_69 : i32
        %get3A = arith.index_cast %add3A_71 : i32 to index
        %get3A_72 = arith.constant 0 : index
        %get3A_73 = tpu.vector_load %arg20[%get3A, %get3A_72] {strides = array<i32>} : memref<184x32xf32, #tpu.memory_space<vmem>>, vector<1x16xf32>,
        %get3A_74 = vector.shape_cast %get3A_73 : vector<1x16xf32> to vector<16xf32>
        %get3A_75 = arith.index_cast %add3A_71 : i32 to index
        %get3A_76 = arith.constant 0 : index
        %get3A_77 = tpu.vector_load %arg19[%get3A_75, %get3A_76] {strides = array<i32>} : memref<184x32xf32, #tpu.memory_space<vmem>>, vector<1x16xf32>,
        %get3A_78 = vector.shape_cast %get3A_77 : vector<1x16xf32> to vector<16xf32>
        %add3A_79 = arith.addf %get3A_74, %get3A_78 : vector<16xf32>
        %swap3A = arith.index_cast %add3A_71 : i32 to index
        %swap3A_80 = arith.constant 0 : index
        %swap3A_81 = tpu.vector_load %arg20[%swap3A, %swap3A_80] {strides = array<i32>} : memref<184x32xf32, #tpu.memory_space<vmem>>, vector<1x16xf32>,
        %swap3A_82 = vector.shape_cast %swap3A_81 : vector<1x16xf32> to vector<16xf32>
        %swap3A_83 = vector.shape_cast %add3A_79 : vector<16xf32> to vector<1x16xf32>
        tpu.vector_store %arg20[%swap3A, %swap3A_80], %swap3A_83 {strides = array<i32>} : memref<184x32xf32, #tpu.memory_space<vmem>>, vector<1x16xf32>,
        %get3A_84 = arith.index_cast %add3A_71 : i32 to index
        %get3A_85 = arith.constant 16 : index
        %get3A_86 = tpu.vector_load %arg20[%get3A_84, %get3A_85] {strides = array<i32>} : memref<184x32xf32, #tpu.memory_space<vmem>>, vector<1x16xf32>,
        %get3A_87 = vector.shape_cast %get3A_86 : vector<1x16xf32> to vector<16xf32>
        %get3A_88 = arith.index_cast %add3A_71 : i32 to index
        %get3A_89 = arith.constant 16 : index
        %get3A_90 = tpu.vector_load %arg19[%get3A_88, %get3A_89] {strides = array<i32>} : memref<184x32xf32, #tpu.memory_space<vmem>>, vector<1x16xf32>,
        %get3A_91 = vector.shape_cast %get3A_90 : vector<1x16xf32> to vector<16xf32>
        %add3A_92 = arith.addf %get3A_87, %get3A_91 : vector<16xf32>
        %swap3A_93 = arith.index_cast %add3A_71 : i32 to index
        %swap3A_94 = arith.constant 16 : index
        %swap3A_95 = tpu.vector_load %arg20[%swap3A_93, %swap3A_94] {strides = array<i32>} : memref<184x32xf32, #tpu.memory_space<vmem>>, vector<1x16xf32>,
        %swap3A_96 = vector.shape_cast %swap3A_95 : vector<1x16xf32> to vector<16xf32>
        %swap3A_97 = vector.shape_cast %add3A_92 : vector<16xf32> to vector<1x16xf32>
        tpu.vector_store %arg20[%swap3A_93, %swap3A_94], %swap3A_97 {strides = array<i32>} : memref<184x32xf32, #tpu.memory_space<vmem>>, vector<1x16xf32>,
      }
      %scan3A_66 = arith.constant 184 : i32
      "tpu.region"() ({
        %run_scoped3A = tpu.sem_alloc : memref<!tpu.dma_semaphore, #tpu.memory_space<semaphore_mem>>
        %dma_start3A = arith.constant 0 : i32
        %dma_start3A_67 = tpu.memref_slice %arg10[%add3A_61, %dma_start3A] : memref<100096x32xf32, #tpu.memory_space<hbm>> -> memref<184x32xf32, #tpu.memory_space<hbm>>
        %dma_start3A_68 = arith.constant 0 : i32
        %dma_start3A_69 = tpu.memref_slice %arg10[%add3A_61, %dma_start3A_68] : memref<100096x32xf32, #tpu.memory_space<hbm>> -> memref<184x32xf32, #tpu.memory_space<hbm>>
        tpu.enqueue_dma source(%arg20 : memref<184x32xf32, #tpu.memory_space<vmem>>) target(%dma_start3A_69 : memref<184x32xf32, #tpu.memory_space<hbm>>) target_semaphore(%run_scoped3A : memref<!tpu.dma_semaphore, #tpu.memory_space<semaphore_mem>>)
        %dma_wait3A = arith.constant 0 : i32
        %dma_wait3A_70 = tpu.memref_slice %arg10[%add3A_61, %dma_wait3A] : memref<100096x32xf32, #tpu.memory_space<hbm>> -> memref<184x32xf32, #tpu.memory_space<hbm>>
        %dma_wait3A_71 = arith.constant 0 : i32
        %dma_wait3A_72 = tpu.memref_slice %arg10[%add3A_61, %dma_wait3A_71] : memref<100096x32xf32, #tpu.memory_space<hbm>> -> memref<184x32xf32, #tpu.memory_space<hbm>>
        tpu.wait_dma2 semaphore(%run_scoped3A : memref<!tpu.dma_semaphore, #tpu.memory_space<semaphore_mem>>) src(%arg20 : memref<184x32xf32, #tpu.memory_space<vmem>>) dst(%dma_wait3A_72 : memref<184x32xf32, #tpu.memory_space<hbm>>)
        tpu.yield
      }) : () -> ()
    }
    %scan3A_21 = arith.constant 17 : i32
    %barrier3A_22 = arith.constant 0 : index
    tpu.barrier barrier_id(%barrier3A_22)
    %scan3A_23 = arith.constant 0 : i32
    %scan3A_24 = arith.constant 625 : i32
    %scan3A_25 = arith.addi %scan3A_23, %scan3A_24 : i32
    %scan3A_26 = arith.constant 1 : i32
    scf.for %scan3A_52 = %scan3A_23 to %scan3A_25 step %scan3A_26  : i32 {
      %mul3A_53 = arith.constant 1 : i32
      %mul3A_54 = arith.muli %scan3A_52, %mul3A_53 : i32
      %add3A = arith.constant 0 : i32
      %add3A_55 = arith.addi %add3A, %mul3A_54 : i32
      %mul3A_56 = arith.constant 50000 : i32
      %mul3A_57 = arith.muli %arg1, %mul3A_56 : i32
      %mul3A_58 = arith.constant 80 : i32
      %mul3A_59 = arith.muli %add3A_55, %mul3A_58 : i32
      %add3A_60 = arith.addi %mul3A_57, %mul3A_59 : i32
      "tpu.region"() ({
        %run_scoped3A = tpu.sem_alloc : memref<!tpu.dma_semaphore, #tpu.memory_space<semaphore_mem>>
        %dma_start3A = tpu.memref_slice %arg3[%add3A_60] : memref<800000xi32, #tpu.memory_space<hbm>> -> memref<80xi32, #tpu.memory_space<hbm>>
        %dma_start3A_109 = tpu.memref_slice %arg3[%add3A_60] : memref<800000xi32, #tpu.memory_space<hbm>> -> memref<80xi32, #tpu.memory_space<hbm>>
        tpu.enqueue_dma source(%dma_start3A_109 : memref<80xi32, #tpu.memory_space<hbm>>) target(%arg15 : memref<80xi32, #tpu.memory_space<vmem>>) target_semaphore(%run_scoped3A : memref<!tpu.dma_semaphore, #tpu.memory_space<semaphore_mem>>)
        %dma_wait3A = tpu.memref_slice %arg3[%add3A_60] : memref<800000xi32, #tpu.memory_space<hbm>> -> memref<80xi32, #tpu.memory_space<hbm>>
        %dma_wait3A_110 = tpu.memref_slice %arg3[%add3A_60] : memref<800000xi32, #tpu.memory_space<hbm>> -> memref<80xi32, #tpu.memory_space<hbm>>
        tpu.wait_dma2 semaphore(%run_scoped3A : memref<!tpu.dma_semaphore, #tpu.memory_space<semaphore_mem>>) src(%dma_wait3A_110 : memref<80xi32, #tpu.memory_space<hbm>>) dst(%arg15 : memref<80xi32, #tpu.memory_space<vmem>>)
        tpu.yield
      }) : () -> ()
      "tpu.region"() ({
        %run_scoped3A = tpu.sem_alloc : memref<!tpu.dma_semaphore, #tpu.memory_space<semaphore_mem>>
        %dma_start3A = tpu.memref_slice %arg4[%add3A_60] : memref<800000xi32, #tpu.memory_space<hbm>> -> memref<80xi32, #tpu.memory_space<hbm>>
        %dma_start3A_109 = tpu.memref_slice %arg4[%add3A_60] : memref<800000xi32, #tpu.memory_space<hbm>> -> memref<80xi32, #tpu.memory_space<hbm>>
        tpu.enqueue_dma source(%dma_start3A_109 : memref<80xi32, #tpu.memory_space<hbm>>) target(%arg16 : memref<80xi32, #tpu.memory_space<vmem>>) target_semaphore(%run_scoped3A : memref<!tpu.dma_semaphore, #tpu.memory_space<semaphore_mem>>)
        %dma_wait3A = tpu.memref_slice %arg4[%add3A_60] : memref<800000xi32, #tpu.memory_space<hbm>> -> memref<80xi32, #tpu.memory_space<hbm>>
        %dma_wait3A_110 = tpu.memref_slice %arg4[%add3A_60] : memref<800000xi32, #tpu.memory_space<hbm>> -> memref<80xi32, #tpu.memory_space<hbm>>
        tpu.wait_dma2 semaphore(%run_scoped3A : memref<!tpu.dma_semaphore, #tpu.memory_space<semaphore_mem>>) src(%dma_wait3A_110 : memref<80xi32, #tpu.memory_space<hbm>>) dst(%arg16 : memref<80xi32, #tpu.memory_space<vmem>>)
        tpu.yield
      }) : () -> ()
      "tpu.region"() ({
        %run_scoped3A = tpu.sem_alloc : memref<!tpu.dma_semaphore, #tpu.memory_space<semaphore_mem>>
        %dma_start3A = tpu.memref_slice %arg5[%add3A_60] : memref<800000xf32, #tpu.memory_space<hbm>> -> memref<80xf32, #tpu.memory_space<hbm>>
        %dma_start3A_109 = tpu.memref_slice %arg5[%add3A_60] : memref<800000xf32, #tpu.memory_space<hbm>> -> memref<80xf32, #tpu.memory_space<hbm>>
        tpu.enqueue_dma source(%dma_start3A_109 : memref<80xf32, #tpu.memory_space<hbm>>) target(%arg17 : memref<80xf32, #tpu.memory_space<vmem>>) target_semaphore(%run_scoped3A : memref<!tpu.dma_semaphore, #tpu.memory_space<semaphore_mem>>)
        %dma_wait3A = tpu.memref_slice %arg5[%add3A_60] : memref<800000xf32, #tpu.memory_space<hbm>> -> memref<80xf32, #tpu.memory_space<hbm>>
        %dma_wait3A_110 = tpu.memref_slice %arg5[%add3A_60] : memref<800000xf32, #tpu.memory_space<hbm>> -> memref<80xf32, #tpu.memory_space<hbm>>
        tpu.wait_dma2 semaphore(%run_scoped3A : memref<!tpu.dma_semaphore, #tpu.memory_space<semaphore_mem>>) src(%dma_wait3A_110 : memref<80xf32, #tpu.memory_space<hbm>>) dst(%arg17 : memref<80xf32, #tpu.memory_space<vmem>>)
        tpu.yield
      }) : () -> ()
      %get3A = arith.constant 0 : index
      %get3A_61 = tpu.vector_load %arg15[%get3A] {strides = array<i32>} : memref<80xi32, #tpu.memory_space<vmem>>, vector<16xi32>,
      %get3A_62 = vector.shape_cast %get3A_61 : vector<16xi32> to vector<16xi32>
      %add3A_63 = vector.broadcast %mul3A_0 : i32 to vector<16xi32>
      %add3A_64 = arith.addi %get3A_62, %add3A_63 : vector<16xi32>
      %swap3A = arith.constant 0 : index
      %swap3A_65 = tpu.vector_load %arg18[%swap3A] {strides = array<i32>} : memref<80xi32, #tpu.memory_space<vmem>>, vector<16xi32>,
      %swap3A_66 = vector.shape_cast %swap3A_65 : vector<16xi32> to vector<16xi32>
      %swap3A_67 = vector.shape_cast %add3A_64 : vector<16xi32> to vector<16xi32>
      tpu.vector_store %arg18[%swap3A], %swap3A_67 {strides = array<i32>} : memref<80xi32, #tpu.memory_space<vmem>>, vector<16xi32>,
      %get3A_68 = arith.constant 16 : index
      %get3A_69 = tpu.vector_load %arg15[%get3A_68] {strides = array<i32>} : memref<80xi32, #tpu.memory_space<vmem>>, vector<16xi32>,
      %get3A_70 = vector.shape_cast %get3A_69 : vector<16xi32> to vector<16xi32>
      %add3A_71 = vector.broadcast %mul3A_0 : i32 to vector<16xi32>
      %add3A_72 = arith.addi %get3A_70, %add3A_71 : vector<16xi32>
      %swap3A_73 = arith.constant 16 : index
      %swap3A_74 = tpu.vector_load %arg18[%swap3A_73] {strides = array<i32>} : memref<80xi32, #tpu.memory_space<vmem>>, vector<16xi32>,
      %swap3A_75 = vector.shape_cast %swap3A_74 : vector<16xi32> to vector<16xi32>
      %swap3A_76 = vector.shape_cast %add3A_72 : vector<16xi32> to vector<16xi32>
      tpu.vector_store %arg18[%swap3A_73], %swap3A_76 {strides = array<i32>} : memref<80xi32, #tpu.memory_space<vmem>>, vector<16xi32>,
      %get3A_77 = arith.constant 32 : index
      %get3A_78 = tpu.vector_load %arg15[%get3A_77] {strides = array<i32>} : memref<80xi32, #tpu.memory_space<vmem>>, vector<16xi32>,
      %get3A_79 = vector.shape_cast %get3A_78 : vector<16xi32> to vector<16xi32>
      %add3A_80 = vector.broadcast %mul3A_0 : i32 to vector<16xi32>
      %add3A_81 = arith.addi %get3A_79, %add3A_80 : vector<16xi32>
      %swap3A_82 = arith.constant 32 : index
      %swap3A_83 = tpu.vector_load %arg18[%swap3A_82] {strides = array<i32>} : memref<80xi32, #tpu.memory_space<vmem>>, vector<16xi32>,
      %swap3A_84 = vector.shape_cast %swap3A_83 : vector<16xi32> to vector<16xi32>
      %swap3A_85 = vector.shape_cast %add3A_81 : vector<16xi32> to vector<16xi32>
      tpu.vector_store %arg18[%swap3A_82], %swap3A_85 {strides = array<i32>} : memref<80xi32, #tpu.memory_space<vmem>>, vector<16xi32>,
      %get3A_86 = arith.constant 48 : index
      %get3A_87 = tpu.vector_load %arg15[%get3A_86] {strides = array<i32>} : memref<80xi32, #tpu.memory_space<vmem>>, vector<16xi32>,
      %get3A_88 = vector.shape_cast %get3A_87 : vector<16xi32> to vector<16xi32>
      %add3A_89 = vector.broadcast %mul3A_0 : i32 to vector<16xi32>
      %add3A_90 = arith.addi %get3A_88, %add3A_89 : vector<16xi32>
      %swap3A_91 = arith.constant 48 : index
      %swap3A_92 = tpu.vector_load %arg18[%swap3A_91] {strides = array<i32>} : memref<80xi32, #tpu.memory_space<vmem>>, vector<16xi32>,
      %swap3A_93 = vector.shape_cast %swap3A_92 : vector<16xi32> to vector<16xi32>
      %swap3A_94 = vector.shape_cast %add3A_90 : vector<16xi32> to vector<16xi32>
      tpu.vector_store %arg18[%swap3A_91], %swap3A_94 {strides = array<i32>} : memref<80xi32, #tpu.memory_space<vmem>>, vector<16xi32>,
      %get3A_95 = arith.constant 64 : index
      %get3A_96 = tpu.vector_load %arg15[%get3A_95] {strides = array<i32>} : memref<80xi32, #tpu.memory_space<vmem>>, vector<16xi32>,
      %get3A_97 = vector.shape_cast %get3A_96 : vector<16xi32> to vector<16xi32>
      %add3A_98 = vector.broadcast %mul3A_0 : i32 to vector<16xi32>
      %add3A_99 = arith.addi %get3A_97, %add3A_98 : vector<16xi32>
      %swap3A_100 = arith.constant 64 : index
      %swap3A_101 = tpu.vector_load %arg18[%swap3A_100] {strides = array<i32>} : memref<80xi32, #tpu.memory_space<vmem>>, vector<16xi32>,
      %swap3A_102 = vector.shape_cast %swap3A_101 : vector<16xi32> to vector<16xi32>
      %swap3A_103 = vector.shape_cast %add3A_99 : vector<16xi32> to vector<16xi32>
      tpu.vector_store %arg18[%swap3A_100], %swap3A_103 {strides = array<i32>} : memref<80xi32, #tpu.memory_space<vmem>>, vector<16xi32>,
      "tpu.region"() ({
        %run_scoped3A = tpu.sem_alloc : memref<!tpu.dma_semaphore, #tpu.memory_space<semaphore_mem>>
        %dma_start3A = arith.constant 0 : i32
        %dma_start3A_109 = arith.constant 0 : i32
        %dma_start3A_110 = tpu.memref_slice %arg9[%dma_start3A, %dma_start3A_109] : memref<100096x32xf32, #tpu.memory_space<hbm>> -> memref<100096x32xf32, #tpu.memory_space<hbm>>
        tpu.enqueue_indirect_dma source(%dma_start3A_110 : memref<100096x32xf32, #tpu.memory_space<hbm>>) target(%arg14 : memref<80x32xf32, #tpu.memory_space<vmem>>) offsets(%arg18 : memref<80xi32, #tpu.memory_space<vmem>>) semaphore(%run_scoped3A : memref<!tpu.dma_semaphore, #tpu.memory_space<semaphore_mem>>)
        %dma_wait3A = arith.constant 0 : i32
        %dma_wait3A_111 = arith.constant 0 : i32
        %dma_wait3A_112 = tpu.memref_slice %arg9[%dma_wait3A, %dma_wait3A_111] : memref<100096x32xf32, #tpu.memory_space<hbm>> -> memref<100096x32xf32, #tpu.memory_space<hbm>>
        tpu.wait_indirect_dma semaphore(%run_scoped3A : memref<!tpu.dma_semaphore, #tpu.memory_space<semaphore_mem>>) src(%dma_wait3A_112 : memref<100096x32xf32, #tpu.memory_space<hbm>>) dst(%arg14 : memref<80x32xf32, #tpu.memory_space<vmem>>)
        tpu.yield
      }) : () -> ()
      %scan3A_104 = arith.constant 0 : i32
      %scan3A_105 = arith.constant 5 : i32
      %scan3A_106 = arith.addi %scan3A_104, %scan3A_105 : i32
      %scan3A_107 = arith.constant 1 : i32
      scf.for %scan3A_109 = %scan3A_104 to %scan3A_106 step %scan3A_107  : i32 {
        %mul3A_110 = arith.constant 1 : i32
        %mul3A_111 = arith.muli %scan3A_109, %mul3A_110 : i32
        %add3A_112 = arith.constant 0 : i32
        %add3A_113 = arith.addi %add3A_112, %mul3A_111 : i32
        %mul3A_114 = arith.constant 16 : i32
        %mul3A_115 = arith.muli %add3A_113, %mul3A_114 : i32
        %get3A_116 = arith.index_cast %mul3A_115 : i32 to index
        %get3A_117 = tpu.vector_load %arg17[%get3A_116] {strides = array<i32>} : memref<80xf32, #tpu.memory_space<vmem>>, vector<16xf32>,
        %get3A_118 = vector.shape_cast %get3A_117 : vector<16xf32> to vector<16xf32>
        %mul3A_119 = arith.constant 16 : i32
        %mul3A_120 = arith.muli %add3A_113, %mul3A_119 : i32
        %add3A_121 = arith.constant 0 : i32
        %add3A_122 = arith.addi %mul3A_120, %add3A_121 : i32
        %slice3A = vector.extract_strided_slice %get3A_118 {offsets = [0], sizes = [1], strides = [1]} : vector<16xf32> to vector<1xf32>
        %squeeze3A = vector.extract %slice3A[0] : f32 from vector<1xf32>
        %get3A_123 = arith.index_cast %add3A_122 : i32 to index
        %get3A_124 = arith.constant 0 : index
        %get3A_125 = tpu.vector_load %arg14[%get3A_123, %get3A_124] {strides = array<i32>} : memref<80x32xf32, #tpu.memory_space<vmem>>, vector<1x16xf32>,
        %get3A_126 = vector.shape_cast %get3A_125 : vector<1x16xf32> to vector<16xf32>
        %mul3A_127 = vector.broadcast %squeeze3A : f32 to vector<16xf32>
        %mul3A_128 = arith.mulf %get3A_126, %mul3A_127 : vector<16xf32>
        %swap3A_129 = arith.index_cast %add3A_122 : i32 to index
        %swap3A_130 = arith.constant 0 : index
        %swap3A_131 = tpu.vector_load %arg14[%swap3A_129, %swap3A_130] {strides = array<i32>} : memref<80x32xf32, #tpu.memory_space<vmem>>, vector<1x16xf32>,
        %swap3A_132 = vector.shape_cast %swap3A_131 : vector<1x16xf32> to vector<16xf32>
        %swap3A_133 = vector.shape_cast %mul3A_128 : vector<16xf32> to vector<1x16xf32>
        tpu.vector_store %arg14[%swap3A_129, %swap3A_130], %swap3A_133 {strides = array<i32>} : memref<80x32xf32, #tpu.memory_space<vmem>>, vector<1x16xf32>,
        %get3A_134 = arith.index_cast %add3A_122 : i32 to index
        %get3A_135 = arith.constant 16 : index
        %get3A_136 = tpu.vector_load %arg14[%get3A_134, %get3A_135] {strides = array<i32>} : memref<80x32xf32, #tpu.memory_space<vmem>>, vector<1x16xf32>,
        %get3A_137 = vector.shape_cast %get3A_136 : vector<1x16xf32> to vector<16xf32>
        %mul3A_138 = vector.broadcast %squeeze3A : f32 to vector<16xf32>
        %mul3A_139 = arith.mulf %get3A_137, %mul3A_138 : vector<16xf32>
        %swap3A_140 = arith.index_cast %add3A_122 : i32 to index
        %swap3A_141 = arith.constant 16 : index
        %swap3A_142 = tpu.vector_load %arg14[%swap3A_140, %swap3A_141] {strides = array<i32>} : memref<80x32xf32, #tpu.memory_space<vmem>>, vector<1x16xf32>,
        %swap3A_143 = vector.shape_cast %swap3A_142 : vector<1x16xf32> to vector<16xf32>
        %swap3A_144 = vector.shape_cast %mul3A_139 : vector<16xf32> to vector<1x16xf32>
        tpu.vector_store %arg14[%swap3A_140, %swap3A_141], %swap3A_144 {strides = array<i32>} : memref<80x32xf32, #tpu.memory_space<vmem>>, vector<1x16xf32>,
        %mul3A_145 = arith.constant 16 : i32
        %mul3A_146 = arith.muli %add3A_113, %mul3A_145 : i32
        %add3A_147 = arith.constant 1 : i32
        %add3A_148 = arith.addi %mul3A_146, %add3A_147 : i32
        %slice3A_149 = vector.extract_strided_slice %get3A_118 {offsets = [1], sizes = [1], strides = [1]} : vector<16xf32> to vector<1xf32>
        %squeeze3A_150 = vector.extract %slice3A_149[0] : f32 from vector<1xf32>
        %get3A_151 = arith.index_cast %add3A_148 : i32 to index
        %get3A_152 = arith.constant 0 : index
        %get3A_153 = tpu.vector_load %arg14[%get3A_151, %get3A_152] {strides = array<i32>} : memref<80x32xf32, #tpu.memory_space<vmem>>, vector<1x16xf32>,
        %get3A_154 = vector.shape_cast %get3A_153 : vector<1x16xf32> to vector<16xf32>
        %mul3A_155 = vector.broadcast %squeeze3A_150 : f32 to vector<16xf32>
        %mul3A_156 = arith.mulf %get3A_154, %mul3A_155 : vector<16xf32>
        %swap3A_157 = arith.index_cast %add3A_148 : i32 to index
        %swap3A_158 = arith.constant 0 : index
        %swap3A_159 = tpu.vector_load %arg14[%swap3A_157, %swap3A_158] {strides = array<i32>} : memref<80x32xf32, #tpu.memory_space<vmem>>, vector<1x16xf32>,
        %swap3A_160 = vector.shape_cast %swap3A_159 : vector<1x16xf32> to vector<16xf32>
        %swap3A_161 = vector.shape_cast %mul3A_156 : vector<16xf32> to vector<1x16xf32>
        tpu.vector_store %arg14[%swap3A_157, %swap3A_158], %swap3A_161 {strides = array<i32>} : memref<80x32xf32, #tpu.memory_space<vmem>>, vector<1x16xf32>,
        %get3A_162 = arith.index_cast %add3A_148 : i32 to index
        %get3A_163 = arith.constant 16 : index
        %get3A_164 = tpu.vector_load %arg14[%get3A_162, %get3A_163] {strides = array<i32>} : memref<80x32xf32, #tpu.memory_space<vmem>>, vector<1x16xf32>,
        %get3A_165 = vector.shape_cast %get3A_164 : vector<1x16xf32> to vector<16xf32>
        %mul3A_166 = vector.broadcast %squeeze3A_150 : f32 to vector<16xf32>
        %mul3A_167 = arith.mulf %get3A_165, %mul3A_166 : vector<16xf32>
        %swap3A_168 = arith.index_cast %add3A_148 : i32 to index
        %swap3A_169 = arith.constant 16 : index
        %swap3A_170 = tpu.vector_load %arg14[%swap3A_168, %swap3A_169] {strides = array<i32>} : memref<80x32xf32, #tpu.memory_space<vmem>>, vector<1x16xf32>,
        %swap3A_171 = vector.shape_cast %swap3A_170 : vector<1x16xf32> to vector<16xf32>
        %swap3A_172 = vector.shape_cast %mul3A_167 : vector<16xf32> to vector<1x16xf32>
        tpu.vector_store %arg14[%swap3A_168, %swap3A_169], %swap3A_172 {strides = array<i32>} : memref<80x32xf32, #tpu.memory_space<vmem>>, vector<1x16xf32>,
        %mul3A_173 = arith.constant 16 : i32
        %mul3A_174 = arith.muli %add3A_113, %mul3A_173 : i32
        %add3A_175 = arith.constant 2 : i32
        %add3A_176 = arith.addi %mul3A_174, %add3A_175 : i32
        %slice3A_177 = vector.extract_strided_slice %get3A_118 {offsets = [2], sizes = [1], strides = [1]} : vector<16xf32> to vector<1xf32>
        %squeeze3A_178 = vector.extract %slice3A_177[0] : f32 from vector<1xf32>
        %get3A_179 = arith.index_cast %add3A_176 : i32 to index
        %get3A_180 = arith.constant 0 : index
        %get3A_181 = tpu.vector_load %arg14[%get3A_179, %get3A_180] {strides = array<i32>} : memref<80x32xf32, #tpu.memory_space<vmem>>, vector<1x16xf32>,
        %get3A_182 = vector.shape_cast %get3A_181 : vector<1x16xf32> to vector<16xf32>
        %mul3A_183 = vector.broadcast %squeeze3A_178 : f32 to vector<16xf32>
        %mul3A_184 = arith.mulf %get3A_182, %mul3A_183 : vector<16xf32>
        %swap3A_185 = arith.index_cast %add3A_176 : i32 to index
        %swap3A_186 = arith.constant 0 : index
        %swap3A_187 = tpu.vector_load %arg14[%swap3A_185, %swap3A_186] {strides = array<i32>} : memref<80x32xf32, #tpu.memory_space<vmem>>, vector<1x16xf32>,
        %swap3A_188 = vector.shape_cast %swap3A_187 : vector<1x16xf32> to vector<16xf32>
        %swap3A_189 = vector.shape_cast %mul3A_184 : vector<16xf32> to vector<1x16xf32>
        tpu.vector_store %arg14[%swap3A_185, %swap3A_186], %swap3A_189 {strides = array<i32>} : memref<80x32xf32, #tpu.memory_space<vmem>>, vector<1x16xf32>,
        %get3A_190 = arith.index_cast %add3A_176 : i32 to index
        %get3A_191 = arith.constant 16 : index
        %get3A_192 = tpu.vector_load %arg14[%get3A_190, %get3A_191] {strides = array<i32>} : memref<80x32xf32, #tpu.memory_space<vmem>>, vector<1x16xf32>,
        %get3A_193 = vector.shape_cast %get3A_192 : vector<1x16xf32> to vector<16xf32>
        %mul3A_194 = vector.broadcast %squeeze3A_178 : f32 to vector<16xf32>
        %mul3A_195 = arith.mulf %get3A_193, %mul3A_194 : vector<16xf32>
        %swap3A_196 = arith.index_cast %add3A_176 : i32 to index
        %swap3A_197 = arith.constant 16 : index
        %swap3A_198 = tpu.vector_load %arg14[%swap3A_196, %swap3A_197] {strides = array<i32>} : memref<80x32xf32, #tpu.memory_space<vmem>>, vector<1x16xf32>,
        %swap3A_199 = vector.shape_cast %swap3A_198 : vector<1x16xf32> to vector<16xf32>
        %swap3A_200 = vector.shape_cast %mul3A_195 : vector<16xf32> to vector<1x16xf32>
        tpu.vector_store %arg14[%swap3A_196, %swap3A_197], %swap3A_200 {strides = array<i32>} : memref<80x32xf32, #tpu.memory_space<vmem>>, vector<1x16xf32>,
        %mul3A_201 = arith.constant 16 : i32
        %mul3A_202 = arith.muli %add3A_113, %mul3A_201 : i32
        %add3A_203 = arith.constant 3 : i32
        %add3A_204 = arith.addi %mul3A_202, %add3A_203 : i32
        %slice3A_205 = vector.extract_strided_slice %get3A_118 {offsets = [3], sizes = [1], strides = [1]} : vector<16xf32> to vector<1xf32>
        %squeeze3A_206 = vector.extract %slice3A_205[0] : f32 from vector<1xf32>
        %get3A_207 = arith.index_cast %add3A_204 : i32 to index
        %get3A_208 = arith.constant 0 : index
        %get3A_209 = tpu.vector_load %arg14[%get3A_207, %get3A_208] {strides = array<i32>} : memref<80x32xf32, #tpu.memory_space<vmem>>, vector<1x16xf32>,
        %get3A_210 = vector.shape_cast %get3A_209 : vector<1x16xf32> to vector<16xf32>
        %mul3A_211 = vector.broadcast %squeeze3A_206 : f32 to vector<16xf32>
        %mul3A_212 = arith.mulf %get3A_210, %mul3A_211 : vector<16xf32>
        %swap3A_213 = arith.index_cast %add3A_204 : i32 to index
        %swap3A_214 = arith.constant 0 : index
        %swap3A_215 = tpu.vector_load %arg14[%swap3A_213, %swap3A_214] {strides = array<i32>} : memref<80x32xf32, #tpu.memory_space<vmem>>, vector<1x16xf32>,
        %swap3A_216 = vector.shape_cast %swap3A_215 : vector<1x16xf32> to vector<16xf32>
        %swap3A_217 = vector.shape_cast %mul3A_212 : vector<16xf32> to vector<1x16xf32>
        tpu.vector_store %arg14[%swap3A_213, %swap3A_214], %swap3A_217 {strides = array<i32>} : memref<80x32xf32, #tpu.memory_space<vmem>>, vector<1x16xf32>,
        %get3A_218 = arith.index_cast %add3A_204 : i32 to index
        %get3A_219 = arith.constant 16 : index
        %get3A_220 = tpu.vector_load %arg14[%get3A_218, %get3A_219] {strides = array<i32>} : memref<80x32xf32, #tpu.memory_space<vmem>>, vector<1x16xf32>,
        %get3A_221 = vector.shape_cast %get3A_220 : vector<1x16xf32> to vector<16xf32>
        %mul3A_222 = vector.broadcast %squeeze3A_206 : f32 to vector<16xf32>
        %mul3A_223 = arith.mulf %get3A_221, %mul3A_222 : vector<16xf32>
        %swap3A_224 = arith.index_cast %add3A_204 : i32 to index
        %swap3A_225 = arith.constant 16 : index
        %swap3A_226 = tpu.vector_load %arg14[%swap3A_224, %swap3A_225] {strides = array<i32>} : memref<80x32xf32, #tpu.memory_space<vmem>>, vector<1x16xf32>,
        %swap3A_227 = vector.shape_cast %swap3A_226 : vector<1x16xf32> to vector<16xf32>
        %swap3A_228 = vector.shape_cast %mul3A_223 : vector<16xf32> to vector<1x16xf32>
        tpu.vector_store %arg14[%swap3A_224, %swap3A_225], %swap3A_228 {strides = array<i32>} : memref<80x32xf32, #tpu.memory_space<vmem>>, vector<1x16xf32>,
        %mul3A_229 = arith.constant 16 : i32
        %mul3A_230 = arith.muli %add3A_113, %mul3A_229 : i32
        %add3A_231 = arith.constant 4 : i32
        %add3A_232 = arith.addi %mul3A_230, %add3A_231 : i32
        %slice3A_233 = vector.extract_strided_slice %get3A_118 {offsets = [4], sizes = [1], strides = [1]} : vector<16xf32> to vector<1xf32>
        %squeeze3A_234 = vector.extract %slice3A_233[0] : f32 from vector<1xf32>
        %get3A_235 = arith.index_cast %add3A_232 : i32 to index
        %get3A_236 = arith.constant 0 : index
        %get3A_237 = tpu.vector_load %arg14[%get3A_235, %get3A_236] {strides = array<i32>} : memref<80x32xf32, #tpu.memory_space<vmem>>, vector<1x16xf32>,
        %get3A_238 = vector.shape_cast %get3A_237 : vector<1x16xf32> to vector<16xf32>
        %mul3A_239 = vector.broadcast %squeeze3A_234 : f32 to vector<16xf32>
        %mul3A_240 = arith.mulf %get3A_238, %mul3A_239 : vector<16xf32>
        %swap3A_241 = arith.index_cast %add3A_232 : i32 to index
        %swap3A_242 = arith.constant 0 : index
        %swap3A_243 = tpu.vector_load %arg14[%swap3A_241, %swap3A_242] {strides = array<i32>} : memref<80x32xf32, #tpu.memory_space<vmem>>, vector<1x16xf32>,
        %swap3A_244 = vector.shape_cast %swap3A_243 : vector<1x16xf32> to vector<16xf32>
        %swap3A_245 = vector.shape_cast %mul3A_240 : vector<16xf32> to vector<1x16xf32>
        tpu.vector_store %arg14[%swap3A_241, %swap3A_242], %swap3A_245 {strides = array<i32>} : memref<80x32xf32, #tpu.memory_space<vmem>>, vector<1x16xf32>,
        %get3A_246 = arith.index_cast %add3A_232 : i32 to index
        %get3A_247 = arith.constant 16 : index
        %get3A_248 = tpu.vector_load %arg14[%get3A_246, %get3A_247] {strides = array<i32>} : memref<80x32xf32, #tpu.memory_space<vmem>>, vector<1x16xf32>,
        %get3A_249 = vector.shape_cast %get3A_248 : vector<1x16xf32> to vector<16xf32>
        %mul3A_250 = vector.broadcast %squeeze3A_234 : f32 to vector<16xf32>
        %mul3A_251 = arith.mulf %get3A_249, %mul3A_250 : vector<16xf32>
        %swap3A_252 = arith.index_cast %add3A_232 : i32 to index
        %swap3A_253 = arith.constant 16 : index
        %swap3A_254 = tpu.vector_load %arg14[%swap3A_252, %swap3A_253] {strides = array<i32>} : memref<80x32xf32, #tpu.memory_space<vmem>>, vector<1x16xf32>,
        %swap3A_255 = vector.shape_cast %swap3A_254 : vector<1x16xf32> to vector<16xf32>
        %swap3A_256 = vector.shape_cast %mul3A_251 : vector<16xf32> to vector<1x16xf32>
        tpu.vector_store %arg14[%swap3A_252, %swap3A_253], %swap3A_256 {strides = array<i32>} : memref<80x32xf32, #tpu.memory_space<vmem>>, vector<1x16xf32>,
        %mul3A_257 = arith.constant 16 : i32
        %mul3A_258 = arith.muli %add3A_113, %mul3A_257 : i32
        %add3A_259 = arith.constant 5 : i32
        %add3A_260 = arith.addi %mul3A_258, %add3A_259 : i32
        %slice3A_261 = vector.extract_strided_slice %get3A_118 {offsets = [5], sizes = [1], strides = [1]} : vector<16xf32> to vector<1xf32>
        %squeeze3A_262 = vector.extract %slice3A_261[0] : f32 from vector<1xf32>
        %get3A_263 = arith.index_cast %add3A_260 : i32 to index
        %get3A_264 = arith.constant 0 : index
        %get3A_265 = tpu.vector_load %arg14[%get3A_263, %get3A_264] {strides = array<i32>} : memref<80x32xf32, #tpu.memory_space<vmem>>, vector<1x16xf32>,
        %get3A_266 = vector.shape_cast %get3A_265 : vector<1x16xf32> to vector<16xf32>
        %mul3A_267 = vector.broadcast %squeeze3A_262 : f32 to vector<16xf32>
        %mul3A_268 = arith.mulf %get3A_266, %mul3A_267 : vector<16xf32>
        %swap3A_269 = arith.index_cast %add3A_260 : i32 to index
        %swap3A_270 = arith.constant 0 : index
        %swap3A_271 = tpu.vector_load %arg14[%swap3A_269, %swap3A_270] {strides = array<i32>} : memref<80x32xf32, #tpu.memory_space<vmem>>, vector<1x16xf32>,
        %swap3A_272 = vector.shape_cast %swap3A_271 : vector<1x16xf32> to vector<16xf32>
        %swap3A_273 = vector.shape_cast %mul3A_268 : vector<16xf32> to vector<1x16xf32>
        tpu.vector_store %arg14[%swap3A_269, %swap3A_270], %swap3A_273 {strides = array<i32>} : memref<80x32xf32, #tpu.memory_space<vmem>>, vector<1x16xf32>,
        %get3A_274 = arith.index_cast %add3A_260 : i32 to index
        %get3A_275 = arith.constant 16 : index
        %get3A_276 = tpu.vector_load %arg14[%get3A_274, %get3A_275] {strides = array<i32>} : memref<80x32xf32, #tpu.memory_space<vmem>>, vector<1x16xf32>,
        %get3A_277 = vector.shape_cast %get3A_276 : vector<1x16xf32> to vector<16xf32>
        %mul3A_278 = vector.broadcast %squeeze3A_262 : f32 to vector<16xf32>
        %mul3A_279 = arith.mulf %get3A_277, %mul3A_278 : vector<16xf32>
        %swap3A_280 = arith.index_cast %add3A_260 : i32 to index
        %swap3A_281 = arith.constant 16 : index
        %swap3A_282 = tpu.vector_load %arg14[%swap3A_280, %swap3A_281] {strides = array<i32>} : memref<80x32xf32, #tpu.memory_space<vmem>>, vector<1x16xf32>,
        %swap3A_283 = vector.shape_cast %swap3A_282 : vector<1x16xf32> to vector<16xf32>
        %swap3A_284 = vector.shape_cast %mul3A_279 : vector<16xf32> to vector<1x16xf32>
        tpu.vector_store %arg14[%swap3A_280, %swap3A_281], %swap3A_284 {strides = array<i32>} : memref<80x32xf32, #tpu.memory_space<vmem>>, vector<1x16xf32>,
        %mul3A_285 = arith.constant 16 : i32
        %mul3A_286 = arith.muli %add3A_113, %mul3A_285 : i32
        %add3A_287 = arith.constant 6 : i32
        %add3A_288 = arith.addi %mul3A_286, %add3A_287 : i32
        %slice3A_289 = vector.extract_strided_slice %get3A_118 {offsets = [6], sizes = [1], strides = [1]} : vector<16xf32> to vector<1xf32>
        %squeeze3A_290 = vector.extract %slice3A_289[0] : f32 from vector<1xf32>
        %get3A_291 = arith.index_cast %add3A_288 : i32 to index
        %get3A_292 = arith.constant 0 : index
        %get3A_293 = tpu.vector_load %arg14[%get3A_291, %get3A_292] {strides = array<i32>} : memref<80x32xf32, #tpu.memory_space<vmem>>, vector<1x16xf32>,
        %get3A_294 = vector.shape_cast %get3A_293 : vector<1x16xf32> to vector<16xf32>
        %mul3A_295 = vector.broadcast %squeeze3A_290 : f32 to vector<16xf32>
        %mul3A_296 = arith.mulf %get3A_294, %mul3A_295 : vector<16xf32>
        %swap3A_297 = arith.index_cast %add3A_288 : i32 to index
        %swap3A_298 = arith.constant 0 : index
        %swap3A_299 = tpu.vector_load %arg14[%swap3A_297, %swap3A_298] {strides = array<i32>} : memref<80x32xf32, #tpu.memory_space<vmem>>, vector<1x16xf32>,
        %swap3A_300 = vector.shape_cast %swap3A_299 : vector<1x16xf32> to vector<16xf32>
        %swap3A_301 = vector.shape_cast %mul3A_296 : vector<16xf32> to vector<1x16xf32>
        tpu.vector_store %arg14[%swap3A_297, %swap3A_298], %swap3A_301 {strides = array<i32>} : memref<80x32xf32, #tpu.memory_space<vmem>>, vector<1x16xf32>,
        %get3A_302 = arith.index_cast %add3A_288 : i32 to index
        %get3A_303 = arith.constant 16 : index
        %get3A_304 = tpu.vector_load %arg14[%get3A_302, %get3A_303] {strides = array<i32>} : memref<80x32xf32, #tpu.memory_space<vmem>>, vector<1x16xf32>,
        %get3A_305 = vector.shape_cast %get3A_304 : vector<1x16xf32> to vector<16xf32>
        %mul3A_306 = vector.broadcast %squeeze3A_290 : f32 to vector<16xf32>
        %mul3A_307 = arith.mulf %get3A_305, %mul3A_306 : vector<16xf32>
        %swap3A_308 = arith.index_cast %add3A_288 : i32 to index
        %swap3A_309 = arith.constant 16 : index
        %swap3A_310 = tpu.vector_load %arg14[%swap3A_308, %swap3A_309] {strides = array<i32>} : memref<80x32xf32, #tpu.memory_space<vmem>>, vector<1x16xf32>,
        %swap3A_311 = vector.shape_cast %swap3A_310 : vector<1x16xf32> to vector<16xf32>
        %swap3A_312 = vector.shape_cast %mul3A_307 : vector<16xf32> to vector<1x16xf32>
        tpu.vector_store %arg14[%swap3A_308, %swap3A_309], %swap3A_312 {strides = array<i32>} : memref<80x32xf32, #tpu.memory_space<vmem>>, vector<1x16xf32>,
        %mul3A_313 = arith.constant 16 : i32
        %mul3A_314 = arith.muli %add3A_113, %mul3A_313 : i32
        %add3A_315 = arith.constant 7 : i32
        %add3A_316 = arith.addi %mul3A_314, %add3A_315 : i32
        %slice3A_317 = vector.extract_strided_slice %get3A_118 {offsets = [7], sizes = [1], strides = [1]} : vector<16xf32> to vector<1xf32>
        %squeeze3A_318 = vector.extract %slice3A_317[0] : f32 from vector<1xf32>
        %get3A_319 = arith.index_cast %add3A_316 : i32 to index
        %get3A_320 = arith.constant 0 : index
        %get3A_321 = tpu.vector_load %arg14[%get3A_319, %get3A_320] {strides = array<i32>} : memref<80x32xf32, #tpu.memory_space<vmem>>, vector<1x16xf32>,
        %get3A_322 = vector.shape_cast %get3A_321 : vector<1x16xf32> to vector<16xf32>
        %mul3A_323 = vector.broadcast %squeeze3A_318 : f32 to vector<16xf32>
        %mul3A_324 = arith.mulf %get3A_322, %mul3A_323 : vector<16xf32>
        %swap3A_325 = arith.index_cast %add3A_316 : i32 to index
        %swap3A_326 = arith.constant 0 : index
        %swap3A_327 = tpu.vector_load %arg14[%swap3A_325, %swap3A_326] {strides = array<i32>} : memref<80x32xf32, #tpu.memory_space<vmem>>, vector<1x16xf32>,
        %swap3A_328 = vector.shape_cast %swap3A_327 : vector<1x16xf32> to vector<16xf32>
        %swap3A_329 = vector.shape_cast %mul3A_324 : vector<16xf32> to vector<1x16xf32>
        tpu.vector_store %arg14[%swap3A_325, %swap3A_326], %swap3A_329 {strides = array<i32>} : memref<80x32xf32, #tpu.memory_space<vmem>>, vector<1x16xf32>,
        %get3A_330 = arith.index_cast %add3A_316 : i32 to index
        %get3A_331 = arith.constant 16 : index
        %get3A_332 = tpu.vector_load %arg14[%get3A_330, %get3A_331] {strides = array<i32>} : memref<80x32xf32, #tpu.memory_space<vmem>>, vector<1x16xf32>,
        %get3A_333 = vector.shape_cast %get3A_332 : vector<1x16xf32> to vector<16xf32>
        %mul3A_334 = vector.broadcast %squeeze3A_318 : f32 to vector<16xf32>
        %mul3A_335 = arith.mulf %get3A_333, %mul3A_334 : vector<16xf32>
        %swap3A_336 = arith.index_cast %add3A_316 : i32 to index
        %swap3A_337 = arith.constant 16 : index
        %swap3A_338 = tpu.vector_load %arg14[%swap3A_336, %swap3A_337] {strides = array<i32>} : memref<80x32xf32, #tpu.memory_space<vmem>>, vector<1x16xf32>,
        %swap3A_339 = vector.shape_cast %swap3A_338 : vector<1x16xf32> to vector<16xf32>
        %swap3A_340 = vector.shape_cast %mul3A_335 : vector<16xf32> to vector<1x16xf32>
        tpu.vector_store %arg14[%swap3A_336, %swap3A_337], %swap3A_340 {strides = array<i32>} : memref<80x32xf32, #tpu.memory_space<vmem>>, vector<1x16xf32>,
        %mul3A_341 = arith.constant 16 : i32
        %mul3A_342 = arith.muli %add3A_113, %mul3A_341 : i32
        %add3A_343 = arith.constant 8 : i32
        %add3A_344 = arith.addi %mul3A_342, %add3A_343 : i32
        %slice3A_345 = vector.extract_strided_slice %get3A_118 {offsets = [8], sizes = [1], strides = [1]} : vector<16xf32> to vector<1xf32>
        %squeeze3A_346 = vector.extract %slice3A_345[0] : f32 from vector<1xf32>
        %get3A_347 = arith.index_cast %add3A_344 : i32 to index
        %get3A_348 = arith.constant 0 : index
        %get3A_349 = tpu.vector_load %arg14[%get3A_347, %get3A_348] {strides = array<i32>} : memref<80x32xf32, #tpu.memory_space<vmem>>, vector<1x16xf32>,
        %get3A_350 = vector.shape_cast %get3A_349 : vector<1x16xf32> to vector<16xf32>
        %mul3A_351 = vector.broadcast %squeeze3A_346 : f32 to vector<16xf32>
        %mul3A_352 = arith.mulf %get3A_350, %mul3A_351 : vector<16xf32>
        %swap3A_353 = arith.index_cast %add3A_344 : i32 to index
        %swap3A_354 = arith.constant 0 : index
        %swap3A_355 = tpu.vector_load %arg14[%swap3A_353, %swap3A_354] {strides = array<i32>} : memref<80x32xf32, #tpu.memory_space<vmem>>, vector<1x16xf32>,
        %swap3A_356 = vector.shape_cast %swap3A_355 : vector<1x16xf32> to vector<16xf32>
        %swap3A_357 = vector.shape_cast %mul3A_352 : vector<16xf32> to vector<1x16xf32>
        tpu.vector_store %arg14[%swap3A_353, %swap3A_354], %swap3A_357 {strides = array<i32>} : memref<80x32xf32, #tpu.memory_space<vmem>>, vector<1x16xf32>,
        %get3A_358 = arith.index_cast %add3A_344 : i32 to index
        %get3A_359 = arith.constant 16 : index
        %get3A_360 = tpu.vector_load %arg14[%get3A_358, %get3A_359] {strides = array<i32>} : memref<80x32xf32, #tpu.memory_space<vmem>>, vector<1x16xf32>,
        %get3A_361 = vector.shape_cast %get3A_360 : vector<1x16xf32> to vector<16xf32>
        %mul3A_362 = vector.broadcast %squeeze3A_346 : f32 to vector<16xf32>
        %mul3A_363 = arith.mulf %get3A_361, %mul3A_362 : vector<16xf32>
        %swap3A_364 = arith.index_cast %add3A_344 : i32 to index
        %swap3A_365 = arith.constant 16 : index
        %swap3A_366 = tpu.vector_load %arg14[%swap3A_364, %swap3A_365] {strides = array<i32>} : memref<80x32xf32, #tpu.memory_space<vmem>>, vector<1x16xf32>,
        %swap3A_367 = vector.shape_cast %swap3A_366 : vector<1x16xf32> to vector<16xf32>
        %swap3A_368 = vector.shape_cast %mul3A_363 : vector<16xf32> to vector<1x16xf32>
        tpu.vector_store %arg14[%swap3A_364, %swap3A_365], %swap3A_368 {strides = array<i32>} : memref<80x32xf32, #tpu.memory_space<vmem>>, vector<1x16xf32>,
        %mul3A_369 = arith.constant 16 : i32
        %mul3A_370 = arith.muli %add3A_113, %mul3A_369 : i32
        %add3A_371 = arith.constant 9 : i32
        %add3A_372 = arith.addi %mul3A_370, %add3A_371 : i32
        %slice3A_373 = vector.extract_strided_slice %get3A_118 {offsets = [9], sizes = [1], strides = [1]} : vector<16xf32> to vector<1xf32>
        %squeeze3A_374 = vector.extract %slice3A_373[0] : f32 from vector<1xf32>
        %get3A_375 = arith.index_cast %add3A_372 : i32 to index
        %get3A_376 = arith.constant 0 : index
        %get3A_377 = tpu.vector_load %arg14[%get3A_375, %get3A_376] {strides = array<i32>} : memref<80x32xf32, #tpu.memory_space<vmem>>, vector<1x16xf32>,
        %get3A_378 = vector.shape_cast %get3A_377 : vector<1x16xf32> to vector<16xf32>
        %mul3A_379 = vector.broadcast %squeeze3A_374 : f32 to vector<16xf32>
        %mul3A_380 = arith.mulf %get3A_378, %mul3A_379 : vector<16xf32>
        %swap3A_381 = arith.index_cast %add3A_372 : i32 to index
        %swap3A_382 = arith.constant 0 : index
        %swap3A_383 = tpu.vector_load %arg14[%swap3A_381, %swap3A_382] {strides = array<i32>} : memref<80x32xf32, #tpu.memory_space<vmem>>, vector<1x16xf32>,
        %swap3A_384 = vector.shape_cast %swap3A_383 : vector<1x16xf32> to vector<16xf32>
        %swap3A_385 = vector.shape_cast %mul3A_380 : vector<16xf32> to vector<1x16xf32>
        tpu.vector_store %arg14[%swap3A_381, %swap3A_382], %swap3A_385 {strides = array<i32>} : memref<80x32xf32, #tpu.memory_space<vmem>>, vector<1x16xf32>,
        %get3A_386 = arith.index_cast %add3A_372 : i32 to index
        %get3A_387 = arith.constant 16 : index
        %get3A_388 = tpu.vector_load %arg14[%get3A_386, %get3A_387] {strides = array<i32>} : memref<80x32xf32, #tpu.memory_space<vmem>>, vector<1x16xf32>,
        %get3A_389 = vector.shape_cast %get3A_388 : vector<1x16xf32> to vector<16xf32>
        %mul3A_390 = vector.broadcast %squeeze3A_374 : f32 to vector<16xf32>
        %mul3A_391 = arith.mulf %get3A_389, %mul3A_390 : vector<16xf32>
        %swap3A_392 = arith.index_cast %add3A_372 : i32 to index
        %swap3A_393 = arith.constant 16 : index
        %swap3A_394 = tpu.vector_load %arg14[%swap3A_392, %swap3A_393] {strides = array<i32>} : memref<80x32xf32, #tpu.memory_space<vmem>>, vector<1x16xf32>,
        %swap3A_395 = vector.shape_cast %swap3A_394 : vector<1x16xf32> to vector<16xf32>
        %swap3A_396 = vector.shape_cast %mul3A_391 : vector<16xf32> to vector<1x16xf32>
        tpu.vector_store %arg14[%swap3A_392, %swap3A_393], %swap3A_396 {strides = array<i32>} : memref<80x32xf32, #tpu.memory_space<vmem>>, vector<1x16xf32>,
        %mul3A_397 = arith.constant 16 : i32
        %mul3A_398 = arith.muli %add3A_113, %mul3A_397 : i32
        %add3A_399 = arith.constant 10 : i32
        %add3A_400 = arith.addi %mul3A_398, %add3A_399 : i32
        %slice3A_401 = vector.extract_strided_slice %get3A_118 {offsets = [10], sizes = [1], strides = [1]} : vector<16xf32> to vector<1xf32>
        %squeeze3A_402 = vector.extract %slice3A_401[0] : f32 from vector<1xf32>
        %get3A_403 = arith.index_cast %add3A_400 : i32 to index
        %get3A_404 = arith.constant 0 : index
        %get3A_405 = tpu.vector_load %arg14[%get3A_403, %get3A_404] {strides = array<i32>} : memref<80x32xf32, #tpu.memory_space<vmem>>, vector<1x16xf32>,
        %get3A_406 = vector.shape_cast %get3A_405 : vector<1x16xf32> to vector<16xf32>
        %mul3A_407 = vector.broadcast %squeeze3A_402 : f32 to vector<16xf32>
        %mul3A_408 = arith.mulf %get3A_406, %mul3A_407 : vector<16xf32>
        %swap3A_409 = arith.index_cast %add3A_400 : i32 to index
        %swap3A_410 = arith.constant 0 : index
        %swap3A_411 = tpu.vector_load %arg14[%swap3A_409, %swap3A_410] {strides = array<i32>} : memref<80x32xf32, #tpu.memory_space<vmem>>, vector<1x16xf32>,
        %swap3A_412 = vector.shape_cast %swap3A_411 : vector<1x16xf32> to vector<16xf32>
        %swap3A_413 = vector.shape_cast %mul3A_408 : vector<16xf32> to vector<1x16xf32>
        tpu.vector_store %arg14[%swap3A_409, %swap3A_410], %swap3A_413 {strides = array<i32>} : memref<80x32xf32, #tpu.memory_space<vmem>>, vector<1x16xf32>,
        %get3A_414 = arith.index_cast %add3A_400 : i32 to index
        %get3A_415 = arith.constant 16 : index
        %get3A_416 = tpu.vector_load %arg14[%get3A_414, %get3A_415] {strides = array<i32>} : memref<80x32xf32, #tpu.memory_space<vmem>>, vector<1x16xf32>,
        %get3A_417 = vector.shape_cast %get3A_416 : vector<1x16xf32> to vector<16xf32>
        %mul3A_418 = vector.broadcast %squeeze3A_402 : f32 to vector<16xf32>
        %mul3A_419 = arith.mulf %get3A_417, %mul3A_418 : vector<16xf32>
        %swap3A_420 = arith.index_cast %add3A_400 : i32 to index
        %swap3A_421 = arith.constant 16 : index
        %swap3A_422 = tpu.vector_load %arg14[%swap3A_420, %swap3A_421] {strides = array<i32>} : memref<80x32xf32, #tpu.memory_space<vmem>>, vector<1x16xf32>,
        %swap3A_423 = vector.shape_cast %swap3A_422 : vector<1x16xf32> to vector<16xf32>
        %swap3A_424 = vector.shape_cast %mul3A_419 : vector<16xf32> to vector<1x16xf32>
        tpu.vector_store %arg14[%swap3A_420, %swap3A_421], %swap3A_424 {strides = array<i32>} : memref<80x32xf32, #tpu.memory_space<vmem>>, vector<1x16xf32>,
        %mul3A_425 = arith.constant 16 : i32
        %mul3A_426 = arith.muli %add3A_113, %mul3A_425 : i32
        %add3A_427 = arith.constant 11 : i32
        %add3A_428 = arith.addi %mul3A_426, %add3A_427 : i32
        %slice3A_429 = vector.extract_strided_slice %get3A_118 {offsets = [11], sizes = [1], strides = [1]} : vector<16xf32> to vector<1xf32>
        %squeeze3A_430 = vector.extract %slice3A_429[0] : f32 from vector<1xf32>
        %get3A_431 = arith.index_cast %add3A_428 : i32 to index
        %get3A_432 = arith.constant 0 : index
        %get3A_433 = tpu.vector_load %arg14[%get3A_431, %get3A_432] {strides = array<i32>} : memref<80x32xf32, #tpu.memory_space<vmem>>, vector<1x16xf32>,
        %get3A_434 = vector.shape_cast %get3A_433 : vector<1x16xf32> to vector<16xf32>
        %mul3A_435 = vector.broadcast %squeeze3A_430 : f32 to vector<16xf32>
        %mul3A_436 = arith.mulf %get3A_434, %mul3A_435 : vector<16xf32>
        %swap3A_437 = arith.index_cast %add3A_428 : i32 to index
        %swap3A_438 = arith.constant 0 : index
        %swap3A_439 = tpu.vector_load %arg14[%swap3A_437, %swap3A_438] {strides = array<i32>} : memref<80x32xf32, #tpu.memory_space<vmem>>, vector<1x16xf32>,
        %swap3A_440 = vector.shape_cast %swap3A_439 : vector<1x16xf32> to vector<16xf32>
        %swap3A_441 = vector.shape_cast %mul3A_436 : vector<16xf32> to vector<1x16xf32>
        tpu.vector_store %arg14[%swap3A_437, %swap3A_438], %swap3A_441 {strides = array<i32>} : memref<80x32xf32, #tpu.memory_space<vmem>>, vector<1x16xf32>,
        %get3A_442 = arith.index_cast %add3A_428 : i32 to index
        %get3A_443 = arith.constant 16 : index
        %get3A_444 = tpu.vector_load %arg14[%get3A_442, %get3A_443] {strides = array<i32>} : memref<80x32xf32, #tpu.memory_space<vmem>>, vector<1x16xf32>,
        %get3A_445 = vector.shape_cast %get3A_444 : vector<1x16xf32> to vector<16xf32>
        %mul3A_446 = vector.broadcast %squeeze3A_430 : f32 to vector<16xf32>
        %mul3A_447 = arith.mulf %get3A_445, %mul3A_446 : vector<16xf32>
        %swap3A_448 = arith.index_cast %add3A_428 : i32 to index
        %swap3A_449 = arith.constant 16 : index
        %swap3A_450 = tpu.vector_load %arg14[%swap3A_448, %swap3A_449] {strides = array<i32>} : memref<80x32xf32, #tpu.memory_space<vmem>>, vector<1x16xf32>,
        %swap3A_451 = vector.shape_cast %swap3A_450 : vector<1x16xf32> to vector<16xf32>
        %swap3A_452 = vector.shape_cast %mul3A_447 : vector<16xf32> to vector<1x16xf32>
        tpu.vector_store %arg14[%swap3A_448, %swap3A_449], %swap3A_452 {strides = array<i32>} : memref<80x32xf32, #tpu.memory_space<vmem>>, vector<1x16xf32>,
        %mul3A_453 = arith.constant 16 : i32
        %mul3A_454 = arith.muli %add3A_113, %mul3A_453 : i32
        %add3A_455 = arith.constant 12 : i32
        %add3A_456 = arith.addi %mul3A_454, %add3A_455 : i32
        %slice3A_457 = vector.extract_strided_slice %get3A_118 {offsets = [12], sizes = [1], strides = [1]} : vector<16xf32> to vector<1xf32>
        %squeeze3A_458 = vector.extract %slice3A_457[0] : f32 from vector<1xf32>
        %get3A_459 = arith.index_cast %add3A_456 : i32 to index
        %get3A_460 = arith.constant 0 : index
        %get3A_461 = tpu.vector_load %arg14[%get3A_459, %get3A_460] {strides = array<i32>} : memref<80x32xf32, #tpu.memory_space<vmem>>, vector<1x16xf32>,
        %get3A_462 = vector.shape_cast %get3A_461 : vector<1x16xf32> to vector<16xf32>
        %mul3A_463 = vector.broadcast %squeeze3A_458 : f32 to vector<16xf32>
        %mul3A_464 = arith.mulf %get3A_462, %mul3A_463 : vector<16xf32>
        %swap3A_465 = arith.index_cast %add3A_456 : i32 to index
        %swap3A_466 = arith.constant 0 : index
        %swap3A_467 = tpu.vector_load %arg14[%swap3A_465, %swap3A_466] {strides = array<i32>} : memref<80x32xf32, #tpu.memory_space<vmem>>, vector<1x16xf32>,
        %swap3A_468 = vector.shape_cast %swap3A_467 : vector<1x16xf32> to vector<16xf32>
        %swap3A_469 = vector.shape_cast %mul3A_464 : vector<16xf32> to vector<1x16xf32>
        tpu.vector_store %arg14[%swap3A_465, %swap3A_466], %swap3A_469 {strides = array<i32>} : memref<80x32xf32, #tpu.memory_space<vmem>>, vector<1x16xf32>,
        %get3A_470 = arith.index_cast %add3A_456 : i32 to index
        %get3A_471 = arith.constant 16 : index
        %get3A_472 = tpu.vector_load %arg14[%get3A_470, %get3A_471] {strides = array<i32>} : memref<80x32xf32, #tpu.memory_space<vmem>>, vector<1x16xf32>,
        %get3A_473 = vector.shape_cast %get3A_472 : vector<1x16xf32> to vector<16xf32>
        %mul3A_474 = vector.broadcast %squeeze3A_458 : f32 to vector<16xf32>
        %mul3A_475 = arith.mulf %get3A_473, %mul3A_474 : vector<16xf32>
        %swap3A_476 = arith.index_cast %add3A_456 : i32 to index
        %swap3A_477 = arith.constant 16 : index
        %swap3A_478 = tpu.vector_load %arg14[%swap3A_476, %swap3A_477] {strides = array<i32>} : memref<80x32xf32, #tpu.memory_space<vmem>>, vector<1x16xf32>,
        %swap3A_479 = vector.shape_cast %swap3A_478 : vector<1x16xf32> to vector<16xf32>
        %swap3A_480 = vector.shape_cast %mul3A_475 : vector<16xf32> to vector<1x16xf32>
        tpu.vector_store %arg14[%swap3A_476, %swap3A_477], %swap3A_480 {strides = array<i32>} : memref<80x32xf32, #tpu.memory_space<vmem>>, vector<1x16xf32>,
        %mul3A_481 = arith.constant 16 : i32
        %mul3A_482 = arith.muli %add3A_113, %mul3A_481 : i32
        %add3A_483 = arith.constant 13 : i32
        %add3A_484 = arith.addi %mul3A_482, %add3A_483 : i32
        %slice3A_485 = vector.extract_strided_slice %get3A_118 {offsets = [13], sizes = [1], strides = [1]} : vector<16xf32> to vector<1xf32>
        %squeeze3A_486 = vector.extract %slice3A_485[0] : f32 from vector<1xf32>
        %get3A_487 = arith.index_cast %add3A_484 : i32 to index
        %get3A_488 = arith.constant 0 : index
        %get3A_489 = tpu.vector_load %arg14[%get3A_487, %get3A_488] {strides = array<i32>} : memref<80x32xf32, #tpu.memory_space<vmem>>, vector<1x16xf32>,
        %get3A_490 = vector.shape_cast %get3A_489 : vector<1x16xf32> to vector<16xf32>
        %mul3A_491 = vector.broadcast %squeeze3A_486 : f32 to vector<16xf32>
        %mul3A_492 = arith.mulf %get3A_490, %mul3A_491 : vector<16xf32>
        %swap3A_493 = arith.index_cast %add3A_484 : i32 to index
        %swap3A_494 = arith.constant 0 : index
        %swap3A_495 = tpu.vector_load %arg14[%swap3A_493, %swap3A_494] {strides = array<i32>} : memref<80x32xf32, #tpu.memory_space<vmem>>, vector<1x16xf32>,
        %swap3A_496 = vector.shape_cast %swap3A_495 : vector<1x16xf32> to vector<16xf32>
        %swap3A_497 = vector.shape_cast %mul3A_492 : vector<16xf32> to vector<1x16xf32>
        tpu.vector_store %arg14[%swap3A_493, %swap3A_494], %swap3A_497 {strides = array<i32>} : memref<80x32xf32, #tpu.memory_space<vmem>>, vector<1x16xf32>,
        %get3A_498 = arith.index_cast %add3A_484 : i32 to index
        %get3A_499 = arith.constant 16 : index
        %get3A_500 = tpu.vector_load %arg14[%get3A_498, %get3A_499] {strides = array<i32>} : memref<80x32xf32, #tpu.memory_space<vmem>>, vector<1x16xf32>,
        %get3A_501 = vector.shape_cast %get3A_500 : vector<1x16xf32> to vector<16xf32>
        %mul3A_502 = vector.broadcast %squeeze3A_486 : f32 to vector<16xf32>
        %mul3A_503 = arith.mulf %get3A_501, %mul3A_502 : vector<16xf32>
        %swap3A_504 = arith.index_cast %add3A_484 : i32 to index
        %swap3A_505 = arith.constant 16 : index
        %swap3A_506 = tpu.vector_load %arg14[%swap3A_504, %swap3A_505] {strides = array<i32>} : memref<80x32xf32, #tpu.memory_space<vmem>>, vector<1x16xf32>,
        %swap3A_507 = vector.shape_cast %swap3A_506 : vector<1x16xf32> to vector<16xf32>
        %swap3A_508 = vector.shape_cast %mul3A_503 : vector<16xf32> to vector<1x16xf32>
        tpu.vector_store %arg14[%swap3A_504, %swap3A_505], %swap3A_508 {strides = array<i32>} : memref<80x32xf32, #tpu.memory_space<vmem>>, vector<1x16xf32>,
        %mul3A_509 = arith.constant 16 : i32
        %mul3A_510 = arith.muli %add3A_113, %mul3A_509 : i32
        %add3A_511 = arith.constant 14 : i32
        %add3A_512 = arith.addi %mul3A_510, %add3A_511 : i32
        %slice3A_513 = vector.extract_strided_slice %get3A_118 {offsets = [14], sizes = [1], strides = [1]} : vector<16xf32> to vector<1xf32>
        %squeeze3A_514 = vector.extract %slice3A_513[0] : f32 from vector<1xf32>
        %get3A_515 = arith.index_cast %add3A_512 : i32 to index
        %get3A_516 = arith.constant 0 : index
        %get3A_517 = tpu.vector_load %arg14[%get3A_515, %get3A_516] {strides = array<i32>} : memref<80x32xf32, #tpu.memory_space<vmem>>, vector<1x16xf32>,
        %get3A_518 = vector.shape_cast %get3A_517 : vector<1x16xf32> to vector<16xf32>
        %mul3A_519 = vector.broadcast %squeeze3A_514 : f32 to vector<16xf32>
        %mul3A_520 = arith.mulf %get3A_518, %mul3A_519 : vector<16xf32>
        %swap3A_521 = arith.index_cast %add3A_512 : i32 to index
        %swap3A_522 = arith.constant 0 : index
        %swap3A_523 = tpu.vector_load %arg14[%swap3A_521, %swap3A_522] {strides = array<i32>} : memref<80x32xf32, #tpu.memory_space<vmem>>, vector<1x16xf32>,
        %swap3A_524 = vector.shape_cast %swap3A_523 : vector<1x16xf32> to vector<16xf32>
        %swap3A_525 = vector.shape_cast %mul3A_520 : vector<16xf32> to vector<1x16xf32>
        tpu.vector_store %arg14[%swap3A_521, %swap3A_522], %swap3A_525 {strides = array<i32>} : memref<80x32xf32, #tpu.memory_space<vmem>>, vector<1x16xf32>,
        %get3A_526 = arith.index_cast %add3A_512 : i32 to index
        %get3A_527 = arith.constant 16 : index
        %get3A_528 = tpu.vector_load %arg14[%get3A_526, %get3A_527] {strides = array<i32>} : memref<80x32xf32, #tpu.memory_space<vmem>>, vector<1x16xf32>,
        %get3A_529 = vector.shape_cast %get3A_528 : vector<1x16xf32> to vector<16xf32>
        %mul3A_530 = vector.broadcast %squeeze3A_514 : f32 to vector<16xf32>
        %mul3A_531 = arith.mulf %get3A_529, %mul3A_530 : vector<16xf32>
        %swap3A_532 = arith.index_cast %add3A_512 : i32 to index
        %swap3A_533 = arith.constant 16 : index
        %swap3A_534 = tpu.vector_load %arg14[%swap3A_532, %swap3A_533] {strides = array<i32>} : memref<80x32xf32, #tpu.memory_space<vmem>>, vector<1x16xf32>,
        %swap3A_535 = vector.shape_cast %swap3A_534 : vector<1x16xf32> to vector<16xf32>
        %swap3A_536 = vector.shape_cast %mul3A_531 : vector<16xf32> to vector<1x16xf32>
        tpu.vector_store %arg14[%swap3A_532, %swap3A_533], %swap3A_536 {strides = array<i32>} : memref<80x32xf32, #tpu.memory_space<vmem>>, vector<1x16xf32>,
        %mul3A_537 = arith.constant 16 : i32
        %mul3A_538 = arith.muli %add3A_113, %mul3A_537 : i32
        %add3A_539 = arith.constant 15 : i32
        %add3A_540 = arith.addi %mul3A_538, %add3A_539 : i32
        %slice3A_541 = vector.extract_strided_slice %get3A_118 {offsets = [15], sizes = [1], strides = [1]} : vector<16xf32> to vector<1xf32>
        %squeeze3A_542 = vector.extract %slice3A_541[0] : f32 from vector<1xf32>
        %get3A_543 = arith.index_cast %add3A_540 : i32 to index
        %get3A_544 = arith.constant 0 : index
        %get3A_545 = tpu.vector_load %arg14[%get3A_543, %get3A_544] {strides = array<i32>} : memref<80x32xf32, #tpu.memory_space<vmem>>, vector<1x16xf32>,
        %get3A_546 = vector.shape_cast %get3A_545 : vector<1x16xf32> to vector<16xf32>
        %mul3A_547 = vector.broadcast %squeeze3A_542 : f32 to vector<16xf32>
        %mul3A_548 = arith.mulf %get3A_546, %mul3A_547 : vector<16xf32>
        %swap3A_549 = arith.index_cast %add3A_540 : i32 to index
        %swap3A_550 = arith.constant 0 : index
        %swap3A_551 = tpu.vector_load %arg14[%swap3A_549, %swap3A_550] {strides = array<i32>} : memref<80x32xf32, #tpu.memory_space<vmem>>, vector<1x16xf32>,
        %swap3A_552 = vector.shape_cast %swap3A_551 : vector<1x16xf32> to vector<16xf32>
        %swap3A_553 = vector.shape_cast %mul3A_548 : vector<16xf32> to vector<1x16xf32>
        tpu.vector_store %arg14[%swap3A_549, %swap3A_550], %swap3A_553 {strides = array<i32>} : memref<80x32xf32, #tpu.memory_space<vmem>>, vector<1x16xf32>,
        %get3A_554 = arith.index_cast %add3A_540 : i32 to index
        %get3A_555 = arith.constant 16 : index
        %get3A_556 = tpu.vector_load %arg14[%get3A_554, %get3A_555] {strides = array<i32>} : memref<80x32xf32, #tpu.memory_space<vmem>>, vector<1x16xf32>,
        %get3A_557 = vector.shape_cast %get3A_556 : vector<1x16xf32> to vector<16xf32>
        %mul3A_558 = vector.broadcast %squeeze3A_542 : f32 to vector<16xf32>
        %mul3A_559 = arith.mulf %get3A_557, %mul3A_558 : vector<16xf32>
        %swap3A_560 = arith.index_cast %add3A_540 : i32 to index
        %swap3A_561 = arith.constant 16 : index
        %swap3A_562 = tpu.vector_load %arg14[%swap3A_560, %swap3A_561] {strides = array<i32>} : memref<80x32xf32, #tpu.memory_space<vmem>>, vector<1x16xf32>,
        %swap3A_563 = vector.shape_cast %swap3A_562 : vector<1x16xf32> to vector<16xf32>
        %swap3A_564 = vector.shape_cast %mul3A_559 : vector<16xf32> to vector<1x16xf32>
        tpu.vector_store %arg14[%swap3A_560, %swap3A_561], %swap3A_564 {strides = array<i32>} : memref<80x32xf32, #tpu.memory_space<vmem>>, vector<1x16xf32>,
      }
      %scan3A_108 = arith.constant 5 : i32
      "tpu.region"() ({
        %run_scoped3A = tpu.sem_alloc : memref<!tpu.dma_semaphore, #tpu.memory_space<semaphore_mem>>
        %dma_start3A = arith.constant 0 : i32
        %dma_start3A_109 = arith.constant 0 : i32
        %dma_start3A_110 = tpu.memref_slice %arg13[%dma_start3A, %dma_start3A_109] : memref<50048x32xf32, #tpu.memory_space<vmem_shared>> -> memref<50048x32xf32, #tpu.memory_space<vmem_shared>>
        tpu.enqueue_indirect_dma source(%arg14 : memref<80x32xf32, #tpu.memory_space<vmem>>) target(%dma_start3A_110 : memref<50048x32xf32, #tpu.memory_space<vmem_shared>>) offsets(%arg16 : memref<80xi32, #tpu.memory_space<vmem>>) semaphore(%run_scoped3A : memref<!tpu.dma_semaphore, #tpu.memory_space<semaphore_mem>>) {add = true}
        %dma_wait3A = arith.constant 0 : i32
        %dma_wait3A_111 = arith.constant 0 : i32
        %dma_wait3A_112 = tpu.memref_slice %arg13[%dma_wait3A, %dma_wait3A_111] : memref<50048x32xf32, #tpu.memory_space<vmem_shared>> -> memref<50048x32xf32, #tpu.memory_space<vmem_shared>>
        tpu.wait_indirect_dma semaphore(%run_scoped3A : memref<!tpu.dma_semaphore, #tpu.memory_space<semaphore_mem>>) src(%arg14 : memref<80x32xf32, #tpu.memory_space<vmem>>) dst(%dma_wait3A_112 : memref<50048x32xf32, #tpu.memory_space<vmem_shared>>)
        tpu.yield
      }) : () -> ()
    }
    %scan3A_27 = arith.constant 625 : i32
    %barrier3A_28 = arith.constant 0 : index
    tpu.barrier barrier_id(%barrier3A_28)
    %scan3A_29 = arith.constant 0 : i32
    %scan3A_30 = arith.constant 17 : i32
    %scan3A_31 = arith.addi %scan3A_29, %scan3A_30 : i32
    %scan3A_32 = arith.constant 1 : i32
    scf.for %scan3A_52 = %scan3A_29 to %scan3A_31 step %scan3A_32  : i32 {
      %mul3A_53 = arith.constant 1 : i32
      %mul3A_54 = arith.muli %scan3A_52, %mul3A_53 : i32
      %add3A = arith.constant 0 : i32
      %add3A_55 = arith.addi %add3A, %mul3A_54 : i32
      %mul3A_56 = arith.constant 3128 : i32
      %mul3A_57 = arith.muli %arg1, %mul3A_56 : i32
      %mul3A_58 = arith.constant 184 : i32
      %mul3A_59 = arith.muli %add3A_55, %mul3A_58 : i32
      %add3A_60 = arith.addi %mul3A_57, %mul3A_59 : i32
      %add3A_61 = arith.addi %mul3A_0, %add3A_60 : i32
      "tpu.region"() ({
        %run_scoped3A = tpu.sem_alloc : memref<!tpu.dma_semaphore, #tpu.memory_space<semaphore_mem>>
        %dma_start3A = arith.constant 0 : i32
        %dma_start3A_67 = tpu.memref_slice %arg13[%add3A_60, %dma_start3A] : memref<50048x32xf32, #tpu.memory_space<vmem_shared>> -> memref<184x32xf32, #tpu.memory_space<vmem_shared>>
        %dma_start3A_68 = arith.constant 0 : i32
        %dma_start3A_69 = tpu.memref_slice %arg13[%add3A_60, %dma_start3A_68] : memref<50048x32xf32, #tpu.memory_space<vmem_shared>> -> memref<184x32xf32, #tpu.memory_space<vmem_shared>>
        tpu.enqueue_dma source(%dma_start3A_69 : memref<184x32xf32, #tpu.memory_space<vmem_shared>>) target(%arg19 : memref<184x32xf32, #tpu.memory_space<vmem>>) target_semaphore(%run_scoped3A : memref<!tpu.dma_semaphore, #tpu.memory_space<semaphore_mem>>)
        %dma_wait3A = arith.constant 0 : i32
        %dma_wait3A_70 = tpu.memref_slice %arg13[%add3A_60, %dma_wait3A] : memref<50048x32xf32, #tpu.memory_space<vmem_shared>> -> memref<184x32xf32, #tpu.memory_space<vmem_shared>>
        %dma_wait3A_71 = arith.constant 0 : i32
        %dma_wait3A_72 = tpu.memref_slice %arg13[%add3A_60, %dma_wait3A_71] : memref<50048x32xf32, #tpu.memory_space<vmem_shared>> -> memref<184x32xf32, #tpu.memory_space<vmem_shared>>
        tpu.wait_dma2 semaphore(%run_scoped3A : memref<!tpu.dma_semaphore, #tpu.memory_space<semaphore_mem>>) src(%dma_wait3A_72 : memref<184x32xf32, #tpu.memory_space<vmem_shared>>) dst(%arg19 : memref<184x32xf32, #tpu.memory_space<vmem>>)
        tpu.yield
      }) : () -> ()
      "tpu.region"() ({
        %run_scoped3A = tpu.sem_alloc : memref<!tpu.dma_semaphore, #tpu.memory_space<semaphore_mem>>
        %dma_start3A = arith.constant 0 : i32
        %dma_start3A_67 = tpu.memref_slice %arg13[%add3A_60, %dma_start3A] : memref<50048x32xf32, #tpu.memory_space<vmem_shared>> -> memref<184x32xf32, #tpu.memory_space<vmem_shared>>
        %dma_start3A_68 = arith.constant 0 : i32
        %dma_start3A_69 = tpu.memref_slice %arg13[%add3A_60, %dma_start3A_68] : memref<50048x32xf32, #tpu.memory_space<vmem_shared>> -> memref<184x32xf32, #tpu.memory_space<vmem_shared>>
        tpu.enqueue_dma source(%arg21 : memref<184x32xf32, #tpu.memory_space<vmem>>) target(%dma_start3A_69 : memref<184x32xf32, #tpu.memory_space<vmem_shared>>) target_semaphore(%run_scoped3A : memref<!tpu.dma_semaphore, #tpu.memory_space<semaphore_mem>>)
        %dma_wait3A = arith.constant 0 : i32
        %dma_wait3A_70 = tpu.memref_slice %arg13[%add3A_60, %dma_wait3A] : memref<50048x32xf32, #tpu.memory_space<vmem_shared>> -> memref<184x32xf32, #tpu.memory_space<vmem_shared>>
        %dma_wait3A_71 = arith.constant 0 : i32
        %dma_wait3A_72 = tpu.memref_slice %arg13[%add3A_60, %dma_wait3A_71] : memref<50048x32xf32, #tpu.memory_space<vmem_shared>> -> memref<184x32xf32, #tpu.memory_space<vmem_shared>>
        tpu.wait_dma2 semaphore(%run_scoped3A : memref<!tpu.dma_semaphore, #tpu.memory_space<semaphore_mem>>) src(%arg21 : memref<184x32xf32, #tpu.memory_space<vmem>>) dst(%dma_wait3A_72 : memref<184x32xf32, #tpu.memory_space<vmem_shared>>)
        tpu.yield
      }) : () -> ()
      "tpu.region"() ({
        %run_scoped3A = tpu.sem_alloc : memref<!tpu.dma_semaphore, #tpu.memory_space<semaphore_mem>>
        %dma_start3A = arith.constant 0 : i32
        %dma_start3A_67 = tpu.memref_slice %arg9[%add3A_61, %dma_start3A] : memref<100096x32xf32, #tpu.memory_space<hbm>> -> memref<184x32xf32, #tpu.memory_space<hbm>>
        %dma_start3A_68 = arith.constant 0 : i32
        %dma_start3A_69 = tpu.memref_slice %arg9[%add3A_61, %dma_start3A_68] : memref<100096x32xf32, #tpu.memory_space<hbm>> -> memref<184x32xf32, #tpu.memory_space<hbm>>
        tpu.enqueue_dma source(%arg19 : memref<184x32xf32, #tpu.memory_space<vmem>>) target(%dma_start3A_69 : memref<184x32xf32, #tpu.memory_space<hbm>>) target_semaphore(%run_scoped3A : memref<!tpu.dma_semaphore, #tpu.memory_space<semaphore_mem>>)
        %dma_wait3A = arith.constant 0 : i32
        %dma_wait3A_70 = tpu.memref_slice %arg9[%add3A_61, %dma_wait3A] : memref<100096x32xf32, #tpu.memory_space<hbm>> -> memref<184x32xf32, #tpu.memory_space<hbm>>
        %dma_wait3A_71 = arith.constant 0 : i32
        %dma_wait3A_72 = tpu.memref_slice %arg9[%add3A_61, %dma_wait3A_71] : memref<100096x32xf32, #tpu.memory_space<hbm>> -> memref<184x32xf32, #tpu.memory_space<hbm>>
        tpu.wait_dma2 semaphore(%run_scoped3A : memref<!tpu.dma_semaphore, #tpu.memory_space<semaphore_mem>>) src(%arg19 : memref<184x32xf32, #tpu.memory_space<vmem>>) dst(%dma_wait3A_72 : memref<184x32xf32, #tpu.memory_space<hbm>>)
        tpu.yield
      }) : () -> ()
      "tpu.region"() ({
        %run_scoped3A = tpu.sem_alloc : memref<!tpu.dma_semaphore, #tpu.memory_space<semaphore_mem>>
        %dma_start3A = arith.constant 0 : i32
        %dma_start3A_67 = tpu.memref_slice %arg10[%add3A_61, %dma_start3A] : memref<100096x32xf32, #tpu.memory_space<hbm>> -> memref<184x32xf32, #tpu.memory_space<hbm>>
        %dma_start3A_68 = arith.constant 0 : i32
        %dma_start3A_69 = tpu.memref_slice %arg10[%add3A_61, %dma_start3A_68] : memref<100096x32xf32, #tpu.memory_space<hbm>> -> memref<184x32xf32, #tpu.memory_space<hbm>>
        tpu.enqueue_dma source(%dma_start3A_69 : memref<184x32xf32, #tpu.memory_space<hbm>>) target(%arg20 : memref<184x32xf32, #tpu.memory_space<vmem>>) target_semaphore(%run_scoped3A : memref<!tpu.dma_semaphore, #tpu.memory_space<semaphore_mem>>)
        %dma_wait3A = arith.constant 0 : i32
        %dma_wait3A_70 = tpu.memref_slice %arg10[%add3A_61, %dma_wait3A] : memref<100096x32xf32, #tpu.memory_space<hbm>> -> memref<184x32xf32, #tpu.memory_space<hbm>>
        %dma_wait3A_71 = arith.constant 0 : i32
        %dma_wait3A_72 = tpu.memref_slice %arg10[%add3A_61, %dma_wait3A_71] : memref<100096x32xf32, #tpu.memory_space<hbm>> -> memref<184x32xf32, #tpu.memory_space<hbm>>
        tpu.wait_dma2 semaphore(%run_scoped3A : memref<!tpu.dma_semaphore, #tpu.memory_space<semaphore_mem>>) src(%dma_wait3A_72 : memref<184x32xf32, #tpu.memory_space<hbm>>) dst(%arg20 : memref<184x32xf32, #tpu.memory_space<vmem>>)
        tpu.yield
      }) : () -> ()
      %scan3A_62 = arith.constant 0 : i32
      %scan3A_63 = arith.constant 184 : i32
      %scan3A_64 = arith.addi %scan3A_62, %scan3A_63 : i32
      %scan3A_65 = arith.constant 1 : i32
      scf.for %scan3A_67 = %scan3A_62 to %scan3A_64 step %scan3A_65  : i32 {
        %mul3A_68 = arith.constant 1 : i32
        %mul3A_69 = arith.muli %scan3A_67, %mul3A_68 : i32
        %add3A_70 = arith.constant 0 : i32
        %add3A_71 = arith.addi %add3A_70, %mul3A_69 : i32
        %get3A = arith.index_cast %add3A_71 : i32 to index
        %get3A_72 = arith.constant 0 : index
        %get3A_73 = tpu.vector_load %arg20[%get3A, %get3A_72] {strides = array<i32>} : memref<184x32xf32, #tpu.memory_space<vmem>>, vector<1x16xf32>,
        %get3A_74 = vector.shape_cast %get3A_73 : vector<1x16xf32> to vector<16xf32>
        %get3A_75 = arith.index_cast %add3A_71 : i32 to index
        %get3A_76 = arith.constant 0 : index
        %get3A_77 = tpu.vector_load %arg19[%get3A_75, %get3A_76] {strides = array<i32>} : memref<184x32xf32, #tpu.memory_space<vmem>>, vector<1x16xf32>,
        %get3A_78 = vector.shape_cast %get3A_77 : vector<1x16xf32> to vector<16xf32>
        %add3A_79 = arith.addf %get3A_74, %get3A_78 : vector<16xf32>
        %swap3A = arith.index_cast %add3A_71 : i32 to index
        %swap3A_80 = arith.constant 0 : index
        %swap3A_81 = tpu.vector_load %arg20[%swap3A, %swap3A_80] {strides = array<i32>} : memref<184x32xf32, #tpu.memory_space<vmem>>, vector<1x16xf32>,
        %swap3A_82 = vector.shape_cast %swap3A_81 : vector<1x16xf32> to vector<16xf32>
        %swap3A_83 = vector.shape_cast %add3A_79 : vector<16xf32> to vector<1x16xf32>
        tpu.vector_store %arg20[%swap3A, %swap3A_80], %swap3A_83 {strides = array<i32>} : memref<184x32xf32, #tpu.memory_space<vmem>>, vector<1x16xf32>,
        %get3A_84 = arith.index_cast %add3A_71 : i32 to index
        %get3A_85 = arith.constant 16 : index
        %get3A_86 = tpu.vector_load %arg20[%get3A_84, %get3A_85] {strides = array<i32>} : memref<184x32xf32, #tpu.memory_space<vmem>>, vector<1x16xf32>,
        %get3A_87 = vector.shape_cast %get3A_86 : vector<1x16xf32> to vector<16xf32>
        %get3A_88 = arith.index_cast %add3A_71 : i32 to index
        %get3A_89 = arith.constant 16 : index
        %get3A_90 = tpu.vector_load %arg19[%get3A_88, %get3A_89] {strides = array<i32>} : memref<184x32xf32, #tpu.memory_space<vmem>>, vector<1x16xf32>,
        %get3A_91 = vector.shape_cast %get3A_90 : vector<1x16xf32> to vector<16xf32>
        %add3A_92 = arith.addf %get3A_87, %get3A_91 : vector<16xf32>
        %swap3A_93 = arith.index_cast %add3A_71 : i32 to index
        %swap3A_94 = arith.constant 16 : index
        %swap3A_95 = tpu.vector_load %arg20[%swap3A_93, %swap3A_94] {strides = array<i32>} : memref<184x32xf32, #tpu.memory_space<vmem>>, vector<1x16xf32>,
        %swap3A_96 = vector.shape_cast %swap3A_95 : vector<1x16xf32> to vector<16xf32>
        %swap3A_97 = vector.shape_cast %add3A_92 : vector<16xf32> to vector<1x16xf32>
        tpu.vector_store %arg20[%swap3A_93, %swap3A_94], %swap3A_97 {strides = array<i32>} : memref<184x32xf32, #tpu.memory_space<vmem>>, vector<1x16xf32>,
      }
      %scan3A_66 = arith.constant 184 : i32
      "tpu.region"() ({
        %run_scoped3A = tpu.sem_alloc : memref<!tpu.dma_semaphore, #tpu.memory_space<semaphore_mem>>
        %dma_start3A = arith.constant 0 : i32
        %dma_start3A_67 = tpu.memref_slice %arg10[%add3A_61, %dma_start3A] : memref<100096x32xf32, #tpu.memory_space<hbm>> -> memref<184x32xf32, #tpu.memory_space<hbm>>
        %dma_start3A_68 = arith.constant 0 : i32
        %dma_start3A_69 = tpu.memref_slice %arg10[%add3A_61, %dma_start3A_68] : memref<100096x32xf32, #tpu.memory_space<hbm>> -> memref<184x32xf32, #tpu.memory_space<hbm>>
        tpu.enqueue_dma source(%arg20 : memref<184x32xf32, #tpu.memory_space<vmem>>) target(%dma_start3A_69 : memref<184x32xf32, #tpu.memory_space<hbm>>) target_semaphore(%run_scoped3A : memref<!tpu.dma_semaphore, #tpu.memory_space<semaphore_mem>>)
        %dma_wait3A = arith.constant 0 : i32
        %dma_wait3A_70 = tpu.memref_slice %arg10[%add3A_61, %dma_wait3A] : memref<100096x32xf32, #tpu.memory_space<hbm>> -> memref<184x32xf32, #tpu.memory_space<hbm>>
        %dma_wait3A_71 = arith.constant 0 : i32
        %dma_wait3A_72 = tpu.memref_slice %arg10[%add3A_61, %dma_wait3A_71] : memref<100096x32xf32, #tpu.memory_space<hbm>> -> memref<184x32xf32, #tpu.memory_space<hbm>>
        tpu.wait_dma2 semaphore(%run_scoped3A : memref<!tpu.dma_semaphore, #tpu.memory_space<semaphore_mem>>) src(%arg20 : memref<184x32xf32, #tpu.memory_space<vmem>>) dst(%dma_wait3A_72 : memref<184x32xf32, #tpu.memory_space<hbm>>)
        tpu.yield
      }) : () -> ()
    }
    %scan3A_33 = arith.constant 17 : i32
    %barrier3A_34 = arith.constant 0 : index
    tpu.barrier barrier_id(%barrier3A_34)
    %scan3A_35 = arith.constant 0 : i32
    %scan3A_36 = arith.constant 625 : i32
    %scan3A_37 = arith.addi %scan3A_35, %scan3A_36 : i32
    %scan3A_38 = arith.constant 1 : i32
    scf.for %scan3A_52 = %scan3A_35 to %scan3A_37 step %scan3A_38  : i32 {
      %mul3A_53 = arith.constant 1 : i32
      %mul3A_54 = arith.muli %scan3A_52, %mul3A_53 : i32
      %add3A = arith.constant 0 : i32
      %add3A_55 = arith.addi %add3A, %mul3A_54 : i32
      %mul3A_56 = arith.constant 50000 : i32
      %mul3A_57 = arith.muli %arg1, %mul3A_56 : i32
      %mul3A_58 = arith.constant 80 : i32
      %mul3A_59 = arith.muli %add3A_55, %mul3A_58 : i32
      %add3A_60 = arith.addi %mul3A_57, %mul3A_59 : i32
      "tpu.region"() ({
        %run_scoped3A = tpu.sem_alloc : memref<!tpu.dma_semaphore, #tpu.memory_space<semaphore_mem>>
        %dma_start3A = tpu.memref_slice %arg3[%add3A_60] : memref<800000xi32, #tpu.memory_space<hbm>> -> memref<80xi32, #tpu.memory_space<hbm>>
        %dma_start3A_109 = tpu.memref_slice %arg3[%add3A_60] : memref<800000xi32, #tpu.memory_space<hbm>> -> memref<80xi32, #tpu.memory_space<hbm>>
        tpu.enqueue_dma source(%dma_start3A_109 : memref<80xi32, #tpu.memory_space<hbm>>) target(%arg15 : memref<80xi32, #tpu.memory_space<vmem>>) target_semaphore(%run_scoped3A : memref<!tpu.dma_semaphore, #tpu.memory_space<semaphore_mem>>)
        %dma_wait3A = tpu.memref_slice %arg3[%add3A_60] : memref<800000xi32, #tpu.memory_space<hbm>> -> memref<80xi32, #tpu.memory_space<hbm>>
        %dma_wait3A_110 = tpu.memref_slice %arg3[%add3A_60] : memref<800000xi32, #tpu.memory_space<hbm>> -> memref<80xi32, #tpu.memory_space<hbm>>
        tpu.wait_dma2 semaphore(%run_scoped3A : memref<!tpu.dma_semaphore, #tpu.memory_space<semaphore_mem>>) src(%dma_wait3A_110 : memref<80xi32, #tpu.memory_space<hbm>>) dst(%arg15 : memref<80xi32, #tpu.memory_space<vmem>>)
        tpu.yield
      }) : () -> ()
      "tpu.region"() ({
        %run_scoped3A = tpu.sem_alloc : memref<!tpu.dma_semaphore, #tpu.memory_space<semaphore_mem>>
        %dma_start3A = tpu.memref_slice %arg4[%add3A_60] : memref<800000xi32, #tpu.memory_space<hbm>> -> memref<80xi32, #tpu.memory_space<hbm>>
        %dma_start3A_109 = tpu.memref_slice %arg4[%add3A_60] : memref<800000xi32, #tpu.memory_space<hbm>> -> memref<80xi32, #tpu.memory_space<hbm>>
        tpu.enqueue_dma source(%dma_start3A_109 : memref<80xi32, #tpu.memory_space<hbm>>) target(%arg16 : memref<80xi32, #tpu.memory_space<vmem>>) target_semaphore(%run_scoped3A : memref<!tpu.dma_semaphore, #tpu.memory_space<semaphore_mem>>)
        %dma_wait3A = tpu.memref_slice %arg4[%add3A_60] : memref<800000xi32, #tpu.memory_space<hbm>> -> memref<80xi32, #tpu.memory_space<hbm>>
        %dma_wait3A_110 = tpu.memref_slice %arg4[%add3A_60] : memref<800000xi32, #tpu.memory_space<hbm>> -> memref<80xi32, #tpu.memory_space<hbm>>
        tpu.wait_dma2 semaphore(%run_scoped3A : memref<!tpu.dma_semaphore, #tpu.memory_space<semaphore_mem>>) src(%dma_wait3A_110 : memref<80xi32, #tpu.memory_space<hbm>>) dst(%arg16 : memref<80xi32, #tpu.memory_space<vmem>>)
        tpu.yield
      }) : () -> ()
      "tpu.region"() ({
        %run_scoped3A = tpu.sem_alloc : memref<!tpu.dma_semaphore, #tpu.memory_space<semaphore_mem>>
        %dma_start3A = tpu.memref_slice %arg5[%add3A_60] : memref<800000xf32, #tpu.memory_space<hbm>> -> memref<80xf32, #tpu.memory_space<hbm>>
        %dma_start3A_109 = tpu.memref_slice %arg5[%add3A_60] : memref<800000xf32, #tpu.memory_space<hbm>> -> memref<80xf32, #tpu.memory_space<hbm>>
        tpu.enqueue_dma source(%dma_start3A_109 : memref<80xf32, #tpu.memory_space<hbm>>) target(%arg17 : memref<80xf32, #tpu.memory_space<vmem>>) target_semaphore(%run_scoped3A : memref<!tpu.dma_semaphore, #tpu.memory_space<semaphore_mem>>)
        %dma_wait3A = tpu.memref_slice %arg5[%add3A_60] : memref<800000xf32, #tpu.memory_space<hbm>> -> memref<80xf32, #tpu.memory_space<hbm>>
        %dma_wait3A_110 = tpu.memref_slice %arg5[%add3A_60] : memref<800000xf32, #tpu.memory_space<hbm>> -> memref<80xf32, #tpu.memory_space<hbm>>
        tpu.wait_dma2 semaphore(%run_scoped3A : memref<!tpu.dma_semaphore, #tpu.memory_space<semaphore_mem>>) src(%dma_wait3A_110 : memref<80xf32, #tpu.memory_space<hbm>>) dst(%arg17 : memref<80xf32, #tpu.memory_space<vmem>>)
        tpu.yield
      }) : () -> ()
      %get3A = arith.constant 0 : index
      %get3A_61 = tpu.vector_load %arg15[%get3A] {strides = array<i32>} : memref<80xi32, #tpu.memory_space<vmem>>, vector<16xi32>,
      %get3A_62 = vector.shape_cast %get3A_61 : vector<16xi32> to vector<16xi32>
      %add3A_63 = vector.broadcast %mul3A_0 : i32 to vector<16xi32>
      %add3A_64 = arith.addi %get3A_62, %add3A_63 : vector<16xi32>
      %swap3A = arith.constant 0 : index
      %swap3A_65 = tpu.vector_load %arg18[%swap3A] {strides = array<i32>} : memref<80xi32, #tpu.memory_space<vmem>>, vector<16xi32>,
      %swap3A_66 = vector.shape_cast %swap3A_65 : vector<16xi32> to vector<16xi32>
      %swap3A_67 = vector.shape_cast %add3A_64 : vector<16xi32> to vector<16xi32>
      tpu.vector_store %arg18[%swap3A], %swap3A_67 {strides = array<i32>} : memref<80xi32, #tpu.memory_space<vmem>>, vector<16xi32>,
      %get3A_68 = arith.constant 16 : index
      %get3A_69 = tpu.vector_load %arg15[%get3A_68] {strides = array<i32>} : memref<80xi32, #tpu.memory_space<vmem>>, vector<16xi32>,
      %get3A_70 = vector.shape_cast %get3A_69 : vector<16xi32> to vector<16xi32>
      %add3A_71 = vector.broadcast %mul3A_0 : i32 to vector<16xi32>
      %add3A_72 = arith.addi %get3A_70, %add3A_71 : vector<16xi32>
      %swap3A_73 = arith.constant 16 : index
      %swap3A_74 = tpu.vector_load %arg18[%swap3A_73] {strides = array<i32>} : memref<80xi32, #tpu.memory_space<vmem>>, vector<16xi32>,
      %swap3A_75 = vector.shape_cast %swap3A_74 : vector<16xi32> to vector<16xi32>
      %swap3A_76 = vector.shape_cast %add3A_72 : vector<16xi32> to vector<16xi32>
      tpu.vector_store %arg18[%swap3A_73], %swap3A_76 {strides = array<i32>} : memref<80xi32, #tpu.memory_space<vmem>>, vector<16xi32>,
      %get3A_77 = arith.constant 32 : index
      %get3A_78 = tpu.vector_load %arg15[%get3A_77] {strides = array<i32>} : memref<80xi32, #tpu.memory_space<vmem>>, vector<16xi32>,
      %get3A_79 = vector.shape_cast %get3A_78 : vector<16xi32> to vector<16xi32>
      %add3A_80 = vector.broadcast %mul3A_0 : i32 to vector<16xi32>
      %add3A_81 = arith.addi %get3A_79, %add3A_80 : vector<16xi32>
      %swap3A_82 = arith.constant 32 : index
      %swap3A_83 = tpu.vector_load %arg18[%swap3A_82] {strides = array<i32>} : memref<80xi32, #tpu.memory_space<vmem>>, vector<16xi32>,
      %swap3A_84 = vector.shape_cast %swap3A_83 : vector<16xi32> to vector<16xi32>
      %swap3A_85 = vector.shape_cast %add3A_81 : vector<16xi32> to vector<16xi32>
      tpu.vector_store %arg18[%swap3A_82], %swap3A_85 {strides = array<i32>} : memref<80xi32, #tpu.memory_space<vmem>>, vector<16xi32>,
      %get3A_86 = arith.constant 48 : index
      %get3A_87 = tpu.vector_load %arg15[%get3A_86] {strides = array<i32>} : memref<80xi32, #tpu.memory_space<vmem>>, vector<16xi32>,
      %get3A_88 = vector.shape_cast %get3A_87 : vector<16xi32> to vector<16xi32>
      %add3A_89 = vector.broadcast %mul3A_0 : i32 to vector<16xi32>
      %add3A_90 = arith.addi %get3A_88, %add3A_89 : vector<16xi32>
      %swap3A_91 = arith.constant 48 : index
      %swap3A_92 = tpu.vector_load %arg18[%swap3A_91] {strides = array<i32>} : memref<80xi32, #tpu.memory_space<vmem>>, vector<16xi32>,
      %swap3A_93 = vector.shape_cast %swap3A_92 : vector<16xi32> to vector<16xi32>
      %swap3A_94 = vector.shape_cast %add3A_90 : vector<16xi32> to vector<16xi32>
      tpu.vector_store %arg18[%swap3A_91], %swap3A_94 {strides = array<i32>} : memref<80xi32, #tpu.memory_space<vmem>>, vector<16xi32>,
      %get3A_95 = arith.constant 64 : index
      %get3A_96 = tpu.vector_load %arg15[%get3A_95] {strides = array<i32>} : memref<80xi32, #tpu.memory_space<vmem>>, vector<16xi32>,
      %get3A_97 = vector.shape_cast %get3A_96 : vector<16xi32> to vector<16xi32>
      %add3A_98 = vector.broadcast %mul3A_0 : i32 to vector<16xi32>
      %add3A_99 = arith.addi %get3A_97, %add3A_98 : vector<16xi32>
      %swap3A_100 = arith.constant 64 : index
      %swap3A_101 = tpu.vector_load %arg18[%swap3A_100] {strides = array<i32>} : memref<80xi32, #tpu.memory_space<vmem>>, vector<16xi32>,
      %swap3A_102 = vector.shape_cast %swap3A_101 : vector<16xi32> to vector<16xi32>
      %swap3A_103 = vector.shape_cast %add3A_99 : vector<16xi32> to vector<16xi32>
      tpu.vector_store %arg18[%swap3A_100], %swap3A_103 {strides = array<i32>} : memref<80xi32, #tpu.memory_space<vmem>>, vector<16xi32>,
      "tpu.region"() ({
        %run_scoped3A = tpu.sem_alloc : memref<!tpu.dma_semaphore, #tpu.memory_space<semaphore_mem>>
        %dma_start3A = arith.constant 0 : i32
        %dma_start3A_109 = arith.constant 0 : i32
        %dma_start3A_110 = tpu.memref_slice %arg9[%dma_start3A, %dma_start3A_109] : memref<100096x32xf32, #tpu.memory_space<hbm>> -> memref<100096x32xf32, #tpu.memory_space<hbm>>
        tpu.enqueue_indirect_dma source(%dma_start3A_110 : memref<100096x32xf32, #tpu.memory_space<hbm>>) target(%arg14 : memref<80x32xf32, #tpu.memory_space<vmem>>) offsets(%arg18 : memref<80xi32, #tpu.memory_space<vmem>>) semaphore(%run_scoped3A : memref<!tpu.dma_semaphore, #tpu.memory_space<semaphore_mem>>)
        %dma_wait3A = arith.constant 0 : i32
        %dma_wait3A_111 = arith.constant 0 : i32
        %dma_wait3A_112 = tpu.memref_slice %arg9[%dma_wait3A, %dma_wait3A_111] : memref<100096x32xf32, #tpu.memory_space<hbm>> -> memref<100096x32xf32, #tpu.memory_space<hbm>>
        tpu.wait_indirect_dma semaphore(%run_scoped3A : memref<!tpu.dma_semaphore, #tpu.memory_space<semaphore_mem>>) src(%dma_wait3A_112 : memref<100096x32xf32, #tpu.memory_space<hbm>>) dst(%arg14 : memref<80x32xf32, #tpu.memory_space<vmem>>)
        tpu.yield
      }) : () -> ()
      %scan3A_104 = arith.constant 0 : i32
      %scan3A_105 = arith.constant 5 : i32
      %scan3A_106 = arith.addi %scan3A_104, %scan3A_105 : i32
      %scan3A_107 = arith.constant 1 : i32
      scf.for %scan3A_109 = %scan3A_104 to %scan3A_106 step %scan3A_107  : i32 {
        %mul3A_110 = arith.constant 1 : i32
        %mul3A_111 = arith.muli %scan3A_109, %mul3A_110 : i32
        %add3A_112 = arith.constant 0 : i32
        %add3A_113 = arith.addi %add3A_112, %mul3A_111 : i32
        %mul3A_114 = arith.constant 16 : i32
        %mul3A_115 = arith.muli %add3A_113, %mul3A_114 : i32
        %get3A_116 = arith.index_cast %mul3A_115 : i32 to index
        %get3A_117 = tpu.vector_load %arg17[%get3A_116] {strides = array<i32>} : memref<80xf32, #tpu.memory_space<vmem>>, vector<16xf32>,
        %get3A_118 = vector.shape_cast %get3A_117 : vector<16xf32> to vector<16xf32>
        %mul3A_119 = arith.constant 16 : i32
        %mul3A_120 = arith.muli %add3A_113, %mul3A_119 : i32
        %add3A_121 = arith.constant 0 : i32
        %add3A_122 = arith.addi %mul3A_120, %add3A_121 : i32
        %slice3A = vector.extract_strided_slice %get3A_118 {offsets = [0], sizes = [1], strides = [1]} : vector<16xf32> to vector<1xf32>
        %squeeze3A = vector.extract %slice3A[0] : f32 from vector<1xf32>
        %get3A_123 = arith.index_cast %add3A_122 : i32 to index
        %get3A_124 = arith.constant 0 : index
        %get3A_125 = tpu.vector_load %arg14[%get3A_123, %get3A_124] {strides = array<i32>} : memref<80x32xf32, #tpu.memory_space<vmem>>, vector<1x16xf32>,
        %get3A_126 = vector.shape_cast %get3A_125 : vector<1x16xf32> to vector<16xf32>
        %mul3A_127 = vector.broadcast %squeeze3A : f32 to vector<16xf32>
        %mul3A_128 = arith.mulf %get3A_126, %mul3A_127 : vector<16xf32>
        %swap3A_129 = arith.index_cast %add3A_122 : i32 to index
        %swap3A_130 = arith.constant 0 : index
        %swap3A_131 = tpu.vector_load %arg14[%swap3A_129, %swap3A_130] {strides = array<i32>} : memref<80x32xf32, #tpu.memory_space<vmem>>, vector<1x16xf32>,
        %swap3A_132 = vector.shape_cast %swap3A_131 : vector<1x16xf32> to vector<16xf32>
        %swap3A_133 = vector.shape_cast %mul3A_128 : vector<16xf32> to vector<1x16xf32>
        tpu.vector_store %arg14[%swap3A_129, %swap3A_130], %swap3A_133 {strides = array<i32>} : memref<80x32xf32, #tpu.memory_space<vmem>>, vector<1x16xf32>,
        %get3A_134 = arith.index_cast %add3A_122 : i32 to index
        %get3A_135 = arith.constant 16 : index
        %get3A_136 = tpu.vector_load %arg14[%get3A_134, %get3A_135] {strides = array<i32>} : memref<80x32xf32, #tpu.memory_space<vmem>>, vector<1x16xf32>,
        %get3A_137 = vector.shape_cast %get3A_136 : vector<1x16xf32> to vector<16xf32>
        %mul3A_138 = vector.broadcast %squeeze3A : f32 to vector<16xf32>
        %mul3A_139 = arith.mulf %get3A_137, %mul3A_138 : vector<16xf32>
        %swap3A_140 = arith.index_cast %add3A_122 : i32 to index
        %swap3A_141 = arith.constant 16 : index
        %swap3A_142 = tpu.vector_load %arg14[%swap3A_140, %swap3A_141] {strides = array<i32>} : memref<80x32xf32, #tpu.memory_space<vmem>>, vector<1x16xf32>,
        %swap3A_143 = vector.shape_cast %swap3A_142 : vector<1x16xf32> to vector<16xf32>
        %swap3A_144 = vector.shape_cast %mul3A_139 : vector<16xf32> to vector<1x16xf32>
        tpu.vector_store %arg14[%swap3A_140, %swap3A_141], %swap3A_144 {strides = array<i32>} : memref<80x32xf32, #tpu.memory_space<vmem>>, vector<1x16xf32>,
        %mul3A_145 = arith.constant 16 : i32
        %mul3A_146 = arith.muli %add3A_113, %mul3A_145 : i32
        %add3A_147 = arith.constant 1 : i32
        %add3A_148 = arith.addi %mul3A_146, %add3A_147 : i32
        %slice3A_149 = vector.extract_strided_slice %get3A_118 {offsets = [1], sizes = [1], strides = [1]} : vector<16xf32> to vector<1xf32>
        %squeeze3A_150 = vector.extract %slice3A_149[0] : f32 from vector<1xf32>
        %get3A_151 = arith.index_cast %add3A_148 : i32 to index
        %get3A_152 = arith.constant 0 : index
        %get3A_153 = tpu.vector_load %arg14[%get3A_151, %get3A_152] {strides = array<i32>} : memref<80x32xf32, #tpu.memory_space<vmem>>, vector<1x16xf32>,
        %get3A_154 = vector.shape_cast %get3A_153 : vector<1x16xf32> to vector<16xf32>
        %mul3A_155 = vector.broadcast %squeeze3A_150 : f32 to vector<16xf32>
        %mul3A_156 = arith.mulf %get3A_154, %mul3A_155 : vector<16xf32>
        %swap3A_157 = arith.index_cast %add3A_148 : i32 to index
        %swap3A_158 = arith.constant 0 : index
        %swap3A_159 = tpu.vector_load %arg14[%swap3A_157, %swap3A_158] {strides = array<i32>} : memref<80x32xf32, #tpu.memory_space<vmem>>, vector<1x16xf32>,
        %swap3A_160 = vector.shape_cast %swap3A_159 : vector<1x16xf32> to vector<16xf32>
        %swap3A_161 = vector.shape_cast %mul3A_156 : vector<16xf32> to vector<1x16xf32>
        tpu.vector_store %arg14[%swap3A_157, %swap3A_158], %swap3A_161 {strides = array<i32>} : memref<80x32xf32, #tpu.memory_space<vmem>>, vector<1x16xf32>,
        %get3A_162 = arith.index_cast %add3A_148 : i32 to index
        %get3A_163 = arith.constant 16 : index
        %get3A_164 = tpu.vector_load %arg14[%get3A_162, %get3A_163] {strides = array<i32>} : memref<80x32xf32, #tpu.memory_space<vmem>>, vector<1x16xf32>,
        %get3A_165 = vector.shape_cast %get3A_164 : vector<1x16xf32> to vector<16xf32>
        %mul3A_166 = vector.broadcast %squeeze3A_150 : f32 to vector<16xf32>
        %mul3A_167 = arith.mulf %get3A_165, %mul3A_166 : vector<16xf32>
        %swap3A_168 = arith.index_cast %add3A_148 : i32 to index
        %swap3A_169 = arith.constant 16 : index
        %swap3A_170 = tpu.vector_load %arg14[%swap3A_168, %swap3A_169] {strides = array<i32>} : memref<80x32xf32, #tpu.memory_space<vmem>>, vector<1x16xf32>,
        %swap3A_171 = vector.shape_cast %swap3A_170 : vector<1x16xf32> to vector<16xf32>
        %swap3A_172 = vector.shape_cast %mul3A_167 : vector<16xf32> to vector<1x16xf32>
        tpu.vector_store %arg14[%swap3A_168, %swap3A_169], %swap3A_172 {strides = array<i32>} : memref<80x32xf32, #tpu.memory_space<vmem>>, vector<1x16xf32>,
        %mul3A_173 = arith.constant 16 : i32
        %mul3A_174 = arith.muli %add3A_113, %mul3A_173 : i32
        %add3A_175 = arith.constant 2 : i32
        %add3A_176 = arith.addi %mul3A_174, %add3A_175 : i32
        %slice3A_177 = vector.extract_strided_slice %get3A_118 {offsets = [2], sizes = [1], strides = [1]} : vector<16xf32> to vector<1xf32>
        %squeeze3A_178 = vector.extract %slice3A_177[0] : f32 from vector<1xf32>
        %get3A_179 = arith.index_cast %add3A_176 : i32 to index
        %get3A_180 = arith.constant 0 : index
        %get3A_181 = tpu.vector_load %arg14[%get3A_179, %get3A_180] {strides = array<i32>} : memref<80x32xf32, #tpu.memory_space<vmem>>, vector<1x16xf32>,
        %get3A_182 = vector.shape_cast %get3A_181 : vector<1x16xf32> to vector<16xf32>
        %mul3A_183 = vector.broadcast %squeeze3A_178 : f32 to vector<16xf32>
        %mul3A_184 = arith.mulf %get3A_182, %mul3A_183 : vector<16xf32>
        %swap3A_185 = arith.index_cast %add3A_176 : i32 to index
        %swap3A_186 = arith.constant 0 : index
        %swap3A_187 = tpu.vector_load %arg14[%swap3A_185, %swap3A_186] {strides = array<i32>} : memref<80x32xf32, #tpu.memory_space<vmem>>, vector<1x16xf32>,
        %swap3A_188 = vector.shape_cast %swap3A_187 : vector<1x16xf32> to vector<16xf32>
        %swap3A_189 = vector.shape_cast %mul3A_184 : vector<16xf32> to vector<1x16xf32>
        tpu.vector_store %arg14[%swap3A_185, %swap3A_186], %swap3A_189 {strides = array<i32>} : memref<80x32xf32, #tpu.memory_space<vmem>>, vector<1x16xf32>,
        %get3A_190 = arith.index_cast %add3A_176 : i32 to index
        %get3A_191 = arith.constant 16 : index
        %get3A_192 = tpu.vector_load %arg14[%get3A_190, %get3A_191] {strides = array<i32>} : memref<80x32xf32, #tpu.memory_space<vmem>>, vector<1x16xf32>,
        %get3A_193 = vector.shape_cast %get3A_192 : vector<1x16xf32> to vector<16xf32>
        %mul3A_194 = vector.broadcast %squeeze3A_178 : f32 to vector<16xf32>
        %mul3A_195 = arith.mulf %get3A_193, %mul3A_194 : vector<16xf32>
        %swap3A_196 = arith.index_cast %add3A_176 : i32 to index
        %swap3A_197 = arith.constant 16 : index
        %swap3A_198 = tpu.vector_load %arg14[%swap3A_196, %swap3A_197] {strides = array<i32>} : memref<80x32xf32, #tpu.memory_space<vmem>>, vector<1x16xf32>,
        %swap3A_199 = vector.shape_cast %swap3A_198 : vector<1x16xf32> to vector<16xf32>
        %swap3A_200 = vector.shape_cast %mul3A_195 : vector<16xf32> to vector<1x16xf32>
        tpu.vector_store %arg14[%swap3A_196, %swap3A_197], %swap3A_200 {strides = array<i32>} : memref<80x32xf32, #tpu.memory_space<vmem>>, vector<1x16xf32>,
        %mul3A_201 = arith.constant 16 : i32
        %mul3A_202 = arith.muli %add3A_113, %mul3A_201 : i32
        %add3A_203 = arith.constant 3 : i32
        %add3A_204 = arith.addi %mul3A_202, %add3A_203 : i32
        %slice3A_205 = vector.extract_strided_slice %get3A_118 {offsets = [3], sizes = [1], strides = [1]} : vector<16xf32> to vector<1xf32>
        %squeeze3A_206 = vector.extract %slice3A_205[0] : f32 from vector<1xf32>
        %get3A_207 = arith.index_cast %add3A_204 : i32 to index
        %get3A_208 = arith.constant 0 : index
        %get3A_209 = tpu.vector_load %arg14[%get3A_207, %get3A_208] {strides = array<i32>} : memref<80x32xf32, #tpu.memory_space<vmem>>, vector<1x16xf32>,
        %get3A_210 = vector.shape_cast %get3A_209 : vector<1x16xf32> to vector<16xf32>
        %mul3A_211 = vector.broadcast %squeeze3A_206 : f32 to vector<16xf32>
        %mul3A_212 = arith.mulf %get3A_210, %mul3A_211 : vector<16xf32>
        %swap3A_213 = arith.index_cast %add3A_204 : i32 to index
        %swap3A_214 = arith.constant 0 : index
        %swap3A_215 = tpu.vector_load %arg14[%swap3A_213, %swap3A_214] {strides = array<i32>} : memref<80x32xf32, #tpu.memory_space<vmem>>, vector<1x16xf32>,
        %swap3A_216 = vector.shape_cast %swap3A_215 : vector<1x16xf32> to vector<16xf32>
        %swap3A_217 = vector.shape_cast %mul3A_212 : vector<16xf32> to vector<1x16xf32>
        tpu.vector_store %arg14[%swap3A_213, %swap3A_214], %swap3A_217 {strides = array<i32>} : memref<80x32xf32, #tpu.memory_space<vmem>>, vector<1x16xf32>,
        %get3A_218 = arith.index_cast %add3A_204 : i32 to index
        %get3A_219 = arith.constant 16 : index
        %get3A_220 = tpu.vector_load %arg14[%get3A_218, %get3A_219] {strides = array<i32>} : memref<80x32xf32, #tpu.memory_space<vmem>>, vector<1x16xf32>,
        %get3A_221 = vector.shape_cast %get3A_220 : vector<1x16xf32> to vector<16xf32>
        %mul3A_222 = vector.broadcast %squeeze3A_206 : f32 to vector<16xf32>
        %mul3A_223 = arith.mulf %get3A_221, %mul3A_222 : vector<16xf32>
        %swap3A_224 = arith.index_cast %add3A_204 : i32 to index
        %swap3A_225 = arith.constant 16 : index
        %swap3A_226 = tpu.vector_load %arg14[%swap3A_224, %swap3A_225] {strides = array<i32>} : memref<80x32xf32, #tpu.memory_space<vmem>>, vector<1x16xf32>,
        %swap3A_227 = vector.shape_cast %swap3A_226 : vector<1x16xf32> to vector<16xf32>
        %swap3A_228 = vector.shape_cast %mul3A_223 : vector<16xf32> to vector<1x16xf32>
        tpu.vector_store %arg14[%swap3A_224, %swap3A_225], %swap3A_228 {strides = array<i32>} : memref<80x32xf32, #tpu.memory_space<vmem>>, vector<1x16xf32>,
        %mul3A_229 = arith.constant 16 : i32
        %mul3A_230 = arith.muli %add3A_113, %mul3A_229 : i32
        %add3A_231 = arith.constant 4 : i32
        %add3A_232 = arith.addi %mul3A_230, %add3A_231 : i32
        %slice3A_233 = vector.extract_strided_slice %get3A_118 {offsets = [4], sizes = [1], strides = [1]} : vector<16xf32> to vector<1xf32>
        %squeeze3A_234 = vector.extract %slice3A_233[0] : f32 from vector<1xf32>
        %get3A_235 = arith.index_cast %add3A_232 : i32 to index
        %get3A_236 = arith.constant 0 : index
        %get3A_237 = tpu.vector_load %arg14[%get3A_235, %get3A_236] {strides = array<i32>} : memref<80x32xf32, #tpu.memory_space<vmem>>, vector<1x16xf32>,
        %get3A_238 = vector.shape_cast %get3A_237 : vector<1x16xf32> to vector<16xf32>
        %mul3A_239 = vector.broadcast %squeeze3A_234 : f32 to vector<16xf32>
        %mul3A_240 = arith.mulf %get3A_238, %mul3A_239 : vector<16xf32>
        %swap3A_241 = arith.index_cast %add3A_232 : i32 to index
        %swap3A_242 = arith.constant 0 : index
        %swap3A_243 = tpu.vector_load %arg14[%swap3A_241, %swap3A_242] {strides = array<i32>} : memref<80x32xf32, #tpu.memory_space<vmem>>, vector<1x16xf32>,
        %swap3A_244 = vector.shape_cast %swap3A_243 : vector<1x16xf32> to vector<16xf32>
        %swap3A_245 = vector.shape_cast %mul3A_240 : vector<16xf32> to vector<1x16xf32>
        tpu.vector_store %arg14[%swap3A_241, %swap3A_242], %swap3A_245 {strides = array<i32>} : memref<80x32xf32, #tpu.memory_space<vmem>>, vector<1x16xf32>,
        %get3A_246 = arith.index_cast %add3A_232 : i32 to index
        %get3A_247 = arith.constant 16 : index
        %get3A_248 = tpu.vector_load %arg14[%get3A_246, %get3A_247] {strides = array<i32>} : memref<80x32xf32, #tpu.memory_space<vmem>>, vector<1x16xf32>,
        %get3A_249 = vector.shape_cast %get3A_248 : vector<1x16xf32> to vector<16xf32>
        %mul3A_250 = vector.broadcast %squeeze3A_234 : f32 to vector<16xf32>
        %mul3A_251 = arith.mulf %get3A_249, %mul3A_250 : vector<16xf32>
        %swap3A_252 = arith.index_cast %add3A_232 : i32 to index
        %swap3A_253 = arith.constant 16 : index
        %swap3A_254 = tpu.vector_load %arg14[%swap3A_252, %swap3A_253] {strides = array<i32>} : memref<80x32xf32, #tpu.memory_space<vmem>>, vector<1x16xf32>,
        %swap3A_255 = vector.shape_cast %swap3A_254 : vector<1x16xf32> to vector<16xf32>
        %swap3A_256 = vector.shape_cast %mul3A_251 : vector<16xf32> to vector<1x16xf32>
        tpu.vector_store %arg14[%swap3A_252, %swap3A_253], %swap3A_256 {strides = array<i32>} : memref<80x32xf32, #tpu.memory_space<vmem>>, vector<1x16xf32>,
        %mul3A_257 = arith.constant 16 : i32
        %mul3A_258 = arith.muli %add3A_113, %mul3A_257 : i32
        %add3A_259 = arith.constant 5 : i32
        %add3A_260 = arith.addi %mul3A_258, %add3A_259 : i32
        %slice3A_261 = vector.extract_strided_slice %get3A_118 {offsets = [5], sizes = [1], strides = [1]} : vector<16xf32> to vector<1xf32>
        %squeeze3A_262 = vector.extract %slice3A_261[0] : f32 from vector<1xf32>
        %get3A_263 = arith.index_cast %add3A_260 : i32 to index
        %get3A_264 = arith.constant 0 : index
        %get3A_265 = tpu.vector_load %arg14[%get3A_263, %get3A_264] {strides = array<i32>} : memref<80x32xf32, #tpu.memory_space<vmem>>, vector<1x16xf32>,
        %get3A_266 = vector.shape_cast %get3A_265 : vector<1x16xf32> to vector<16xf32>
        %mul3A_267 = vector.broadcast %squeeze3A_262 : f32 to vector<16xf32>
        %mul3A_268 = arith.mulf %get3A_266, %mul3A_267 : vector<16xf32>
        %swap3A_269 = arith.index_cast %add3A_260 : i32 to index
        %swap3A_270 = arith.constant 0 : index
        %swap3A_271 = tpu.vector_load %arg14[%swap3A_269, %swap3A_270] {strides = array<i32>} : memref<80x32xf32, #tpu.memory_space<vmem>>, vector<1x16xf32>,
        %swap3A_272 = vector.shape_cast %swap3A_271 : vector<1x16xf32> to vector<16xf32>
        %swap3A_273 = vector.shape_cast %mul3A_268 : vector<16xf32> to vector<1x16xf32>
        tpu.vector_store %arg14[%swap3A_269, %swap3A_270], %swap3A_273 {strides = array<i32>} : memref<80x32xf32, #tpu.memory_space<vmem>>, vector<1x16xf32>,
        %get3A_274 = arith.index_cast %add3A_260 : i32 to index
        %get3A_275 = arith.constant 16 : index
        %get3A_276 = tpu.vector_load %arg14[%get3A_274, %get3A_275] {strides = array<i32>} : memref<80x32xf32, #tpu.memory_space<vmem>>, vector<1x16xf32>,
        %get3A_277 = vector.shape_cast %get3A_276 : vector<1x16xf32> to vector<16xf32>
        %mul3A_278 = vector.broadcast %squeeze3A_262 : f32 to vector<16xf32>
        %mul3A_279 = arith.mulf %get3A_277, %mul3A_278 : vector<16xf32>
        %swap3A_280 = arith.index_cast %add3A_260 : i32 to index
        %swap3A_281 = arith.constant 16 : index
        %swap3A_282 = tpu.vector_load %arg14[%swap3A_280, %swap3A_281] {strides = array<i32>} : memref<80x32xf32, #tpu.memory_space<vmem>>, vector<1x16xf32>,
        %swap3A_283 = vector.shape_cast %swap3A_282 : vector<1x16xf32> to vector<16xf32>
        %swap3A_284 = vector.shape_cast %mul3A_279 : vector<16xf32> to vector<1x16xf32>
        tpu.vector_store %arg14[%swap3A_280, %swap3A_281], %swap3A_284 {strides = array<i32>} : memref<80x32xf32, #tpu.memory_space<vmem>>, vector<1x16xf32>,
        %mul3A_285 = arith.constant 16 : i32
        %mul3A_286 = arith.muli %add3A_113, %mul3A_285 : i32
        %add3A_287 = arith.constant 6 : i32
        %add3A_288 = arith.addi %mul3A_286, %add3A_287 : i32
        %slice3A_289 = vector.extract_strided_slice %get3A_118 {offsets = [6], sizes = [1], strides = [1]} : vector<16xf32> to vector<1xf32>
        %squeeze3A_290 = vector.extract %slice3A_289[0] : f32 from vector<1xf32>
        %get3A_291 = arith.index_cast %add3A_288 : i32 to index
        %get3A_292 = arith.constant 0 : index
        %get3A_293 = tpu.vector_load %arg14[%get3A_291, %get3A_292] {strides = array<i32>} : memref<80x32xf32, #tpu.memory_space<vmem>>, vector<1x16xf32>,
        %get3A_294 = vector.shape_cast %get3A_293 : vector<1x16xf32> to vector<16xf32>
        %mul3A_295 = vector.broadcast %squeeze3A_290 : f32 to vector<16xf32>
        %mul3A_296 = arith.mulf %get3A_294, %mul3A_295 : vector<16xf32>
        %swap3A_297 = arith.index_cast %add3A_288 : i32 to index
        %swap3A_298 = arith.constant 0 : index
        %swap3A_299 = tpu.vector_load %arg14[%swap3A_297, %swap3A_298] {strides = array<i32>} : memref<80x32xf32, #tpu.memory_space<vmem>>, vector<1x16xf32>,
        %swap3A_300 = vector.shape_cast %swap3A_299 : vector<1x16xf32> to vector<16xf32>
        %swap3A_301 = vector.shape_cast %mul3A_296 : vector<16xf32> to vector<1x16xf32>
        tpu.vector_store %arg14[%swap3A_297, %swap3A_298], %swap3A_301 {strides = array<i32>} : memref<80x32xf32, #tpu.memory_space<vmem>>, vector<1x16xf32>,
        %get3A_302 = arith.index_cast %add3A_288 : i32 to index
        %get3A_303 = arith.constant 16 : index
        %get3A_304 = tpu.vector_load %arg14[%get3A_302, %get3A_303] {strides = array<i32>} : memref<80x32xf32, #tpu.memory_space<vmem>>, vector<1x16xf32>,
        %get3A_305 = vector.shape_cast %get3A_304 : vector<1x16xf32> to vector<16xf32>
        %mul3A_306 = vector.broadcast %squeeze3A_290 : f32 to vector<16xf32>
        %mul3A_307 = arith.mulf %get3A_305, %mul3A_306 : vector<16xf32>
        %swap3A_308 = arith.index_cast %add3A_288 : i32 to index
        %swap3A_309 = arith.constant 16 : index
        %swap3A_310 = tpu.vector_load %arg14[%swap3A_308, %swap3A_309] {strides = array<i32>} : memref<80x32xf32, #tpu.memory_space<vmem>>, vector<1x16xf32>,
        %swap3A_311 = vector.shape_cast %swap3A_310 : vector<1x16xf32> to vector<16xf32>
        %swap3A_312 = vector.shape_cast %mul3A_307 : vector<16xf32> to vector<1x16xf32>
        tpu.vector_store %arg14[%swap3A_308, %swap3A_309], %swap3A_312 {strides = array<i32>} : memref<80x32xf32, #tpu.memory_space<vmem>>, vector<1x16xf32>,
        %mul3A_313 = arith.constant 16 : i32
        %mul3A_314 = arith.muli %add3A_113, %mul3A_313 : i32
        %add3A_315 = arith.constant 7 : i32
        %add3A_316 = arith.addi %mul3A_314, %add3A_315 : i32
        %slice3A_317 = vector.extract_strided_slice %get3A_118 {offsets = [7], sizes = [1], strides = [1]} : vector<16xf32> to vector<1xf32>
        %squeeze3A_318 = vector.extract %slice3A_317[0] : f32 from vector<1xf32>
        %get3A_319 = arith.index_cast %add3A_316 : i32 to index
        %get3A_320 = arith.constant 0 : index
        %get3A_321 = tpu.vector_load %arg14[%get3A_319, %get3A_320] {strides = array<i32>} : memref<80x32xf32, #tpu.memory_space<vmem>>, vector<1x16xf32>,
        %get3A_322 = vector.shape_cast %get3A_321 : vector<1x16xf32> to vector<16xf32>
        %mul3A_323 = vector.broadcast %squeeze3A_318 : f32 to vector<16xf32>
        %mul3A_324 = arith.mulf %get3A_322, %mul3A_323 : vector<16xf32>
        %swap3A_325 = arith.index_cast %add3A_316 : i32 to index
        %swap3A_326 = arith.constant 0 : index
        %swap3A_327 = tpu.vector_load %arg14[%swap3A_325, %swap3A_326] {strides = array<i32>} : memref<80x32xf32, #tpu.memory_space<vmem>>, vector<1x16xf32>,
        %swap3A_328 = vector.shape_cast %swap3A_327 : vector<1x16xf32> to vector<16xf32>
        %swap3A_329 = vector.shape_cast %mul3A_324 : vector<16xf32> to vector<1x16xf32>
        tpu.vector_store %arg14[%swap3A_325, %swap3A_326], %swap3A_329 {strides = array<i32>} : memref<80x32xf32, #tpu.memory_space<vmem>>, vector<1x16xf32>,
        %get3A_330 = arith.index_cast %add3A_316 : i32 to index
        %get3A_331 = arith.constant 16 : index
        %get3A_332 = tpu.vector_load %arg14[%get3A_330, %get3A_331] {strides = array<i32>} : memref<80x32xf32, #tpu.memory_space<vmem>>, vector<1x16xf32>,
        %get3A_333 = vector.shape_cast %get3A_332 : vector<1x16xf32> to vector<16xf32>
        %mul3A_334 = vector.broadcast %squeeze3A_318 : f32 to vector<16xf32>
        %mul3A_335 = arith.mulf %get3A_333, %mul3A_334 : vector<16xf32>
        %swap3A_336 = arith.index_cast %add3A_316 : i32 to index
        %swap3A_337 = arith.constant 16 : index
        %swap3A_338 = tpu.vector_load %arg14[%swap3A_336, %swap3A_337] {strides = array<i32>} : memref<80x32xf32, #tpu.memory_space<vmem>>, vector<1x16xf32>,
        %swap3A_339 = vector.shape_cast %swap3A_338 : vector<1x16xf32> to vector<16xf32>
        %swap3A_340 = vector.shape_cast %mul3A_335 : vector<16xf32> to vector<1x16xf32>
        tpu.vector_store %arg14[%swap3A_336, %swap3A_337], %swap3A_340 {strides = array<i32>} : memref<80x32xf32, #tpu.memory_space<vmem>>, vector<1x16xf32>,
        %mul3A_341 = arith.constant 16 : i32
        %mul3A_342 = arith.muli %add3A_113, %mul3A_341 : i32
        %add3A_343 = arith.constant 8 : i32
        %add3A_344 = arith.addi %mul3A_342, %add3A_343 : i32
        %slice3A_345 = vector.extract_strided_slice %get3A_118 {offsets = [8], sizes = [1], strides = [1]} : vector<16xf32> to vector<1xf32>
        %squeeze3A_346 = vector.extract %slice3A_345[0] : f32 from vector<1xf32>
        %get3A_347 = arith.index_cast %add3A_344 : i32 to index
        %get3A_348 = arith.constant 0 : index
        %get3A_349 = tpu.vector_load %arg14[%get3A_347, %get3A_348] {strides = array<i32>} : memref<80x32xf32, #tpu.memory_space<vmem>>, vector<1x16xf32>,
        %get3A_350 = vector.shape_cast %get3A_349 : vector<1x16xf32> to vector<16xf32>
        %mul3A_351 = vector.broadcast %squeeze3A_346 : f32 to vector<16xf32>
        %mul3A_352 = arith.mulf %get3A_350, %mul3A_351 : vector<16xf32>
        %swap3A_353 = arith.index_cast %add3A_344 : i32 to index
        %swap3A_354 = arith.constant 0 : index
        %swap3A_355 = tpu.vector_load %arg14[%swap3A_353, %swap3A_354] {strides = array<i32>} : memref<80x32xf32, #tpu.memory_space<vmem>>, vector<1x16xf32>,
        %swap3A_356 = vector.shape_cast %swap3A_355 : vector<1x16xf32> to vector<16xf32>
        %swap3A_357 = vector.shape_cast %mul3A_352 : vector<16xf32> to vector<1x16xf32>
        tpu.vector_store %arg14[%swap3A_353, %swap3A_354], %swap3A_357 {strides = array<i32>} : memref<80x32xf32, #tpu.memory_space<vmem>>, vector<1x16xf32>,
        %get3A_358 = arith.index_cast %add3A_344 : i32 to index
        %get3A_359 = arith.constant 16 : index
        %get3A_360 = tpu.vector_load %arg14[%get3A_358, %get3A_359] {strides = array<i32>} : memref<80x32xf32, #tpu.memory_space<vmem>>, vector<1x16xf32>,
        %get3A_361 = vector.shape_cast %get3A_360 : vector<1x16xf32> to vector<16xf32>
        %mul3A_362 = vector.broadcast %squeeze3A_346 : f32 to vector<16xf32>
        %mul3A_363 = arith.mulf %get3A_361, %mul3A_362 : vector<16xf32>
        %swap3A_364 = arith.index_cast %add3A_344 : i32 to index
        %swap3A_365 = arith.constant 16 : index
        %swap3A_366 = tpu.vector_load %arg14[%swap3A_364, %swap3A_365] {strides = array<i32>} : memref<80x32xf32, #tpu.memory_space<vmem>>, vector<1x16xf32>,
        %swap3A_367 = vector.shape_cast %swap3A_366 : vector<1x16xf32> to vector<16xf32>
        %swap3A_368 = vector.shape_cast %mul3A_363 : vector<16xf32> to vector<1x16xf32>
        tpu.vector_store %arg14[%swap3A_364, %swap3A_365], %swap3A_368 {strides = array<i32>} : memref<80x32xf32, #tpu.memory_space<vmem>>, vector<1x16xf32>,
        %mul3A_369 = arith.constant 16 : i32
        %mul3A_370 = arith.muli %add3A_113, %mul3A_369 : i32
        %add3A_371 = arith.constant 9 : i32
        %add3A_372 = arith.addi %mul3A_370, %add3A_371 : i32
        %slice3A_373 = vector.extract_strided_slice %get3A_118 {offsets = [9], sizes = [1], strides = [1]} : vector<16xf32> to vector<1xf32>
        %squeeze3A_374 = vector.extract %slice3A_373[0] : f32 from vector<1xf32>
        %get3A_375 = arith.index_cast %add3A_372 : i32 to index
        %get3A_376 = arith.constant 0 : index
        %get3A_377 = tpu.vector_load %arg14[%get3A_375, %get3A_376] {strides = array<i32>} : memref<80x32xf32, #tpu.memory_space<vmem>>, vector<1x16xf32>,
        %get3A_378 = vector.shape_cast %get3A_377 : vector<1x16xf32> to vector<16xf32>
        %mul3A_379 = vector.broadcast %squeeze3A_374 : f32 to vector<16xf32>
        %mul3A_380 = arith.mulf %get3A_378, %mul3A_379 : vector<16xf32>
        %swap3A_381 = arith.index_cast %add3A_372 : i32 to index
        %swap3A_382 = arith.constant 0 : index
        %swap3A_383 = tpu.vector_load %arg14[%swap3A_381, %swap3A_382] {strides = array<i32>} : memref<80x32xf32, #tpu.memory_space<vmem>>, vector<1x16xf32>,
        %swap3A_384 = vector.shape_cast %swap3A_383 : vector<1x16xf32> to vector<16xf32>
        %swap3A_385 = vector.shape_cast %mul3A_380 : vector<16xf32> to vector<1x16xf32>
        tpu.vector_store %arg14[%swap3A_381, %swap3A_382], %swap3A_385 {strides = array<i32>} : memref<80x32xf32, #tpu.memory_space<vmem>>, vector<1x16xf32>,
        %get3A_386 = arith.index_cast %add3A_372 : i32 to index
        %get3A_387 = arith.constant 16 : index
        %get3A_388 = tpu.vector_load %arg14[%get3A_386, %get3A_387] {strides = array<i32>} : memref<80x32xf32, #tpu.memory_space<vmem>>, vector<1x16xf32>,
        %get3A_389 = vector.shape_cast %get3A_388 : vector<1x16xf32> to vector<16xf32>
        %mul3A_390 = vector.broadcast %squeeze3A_374 : f32 to vector<16xf32>
        %mul3A_391 = arith.mulf %get3A_389, %mul3A_390 : vector<16xf32>
        %swap3A_392 = arith.index_cast %add3A_372 : i32 to index
        %swap3A_393 = arith.constant 16 : index
        %swap3A_394 = tpu.vector_load %arg14[%swap3A_392, %swap3A_393] {strides = array<i32>} : memref<80x32xf32, #tpu.memory_space<vmem>>, vector<1x16xf32>,
        %swap3A_395 = vector.shape_cast %swap3A_394 : vector<1x16xf32> to vector<16xf32>
        %swap3A_396 = vector.shape_cast %mul3A_391 : vector<16xf32> to vector<1x16xf32>
        tpu.vector_store %arg14[%swap3A_392, %swap3A_393], %swap3A_396 {strides = array<i32>} : memref<80x32xf32, #tpu.memory_space<vmem>>, vector<1x16xf32>,
        %mul3A_397 = arith.constant 16 : i32
        %mul3A_398 = arith.muli %add3A_113, %mul3A_397 : i32
        %add3A_399 = arith.constant 10 : i32
        %add3A_400 = arith.addi %mul3A_398, %add3A_399 : i32
        %slice3A_401 = vector.extract_strided_slice %get3A_118 {offsets = [10], sizes = [1], strides = [1]} : vector<16xf32> to vector<1xf32>
        %squeeze3A_402 = vector.extract %slice3A_401[0] : f32 from vector<1xf32>
        %get3A_403 = arith.index_cast %add3A_400 : i32 to index
        %get3A_404 = arith.constant 0 : index
        %get3A_405 = tpu.vector_load %arg14[%get3A_403, %get3A_404] {strides = array<i32>} : memref<80x32xf32, #tpu.memory_space<vmem>>, vector<1x16xf32>,
        %get3A_406 = vector.shape_cast %get3A_405 : vector<1x16xf32> to vector<16xf32>
        %mul3A_407 = vector.broadcast %squeeze3A_402 : f32 to vector<16xf32>
        %mul3A_408 = arith.mulf %get3A_406, %mul3A_407 : vector<16xf32>
        %swap3A_409 = arith.index_cast %add3A_400 : i32 to index
        %swap3A_410 = arith.constant 0 : index
        %swap3A_411 = tpu.vector_load %arg14[%swap3A_409, %swap3A_410] {strides = array<i32>} : memref<80x32xf32, #tpu.memory_space<vmem>>, vector<1x16xf32>,
        %swap3A_412 = vector.shape_cast %swap3A_411 : vector<1x16xf32> to vector<16xf32>
        %swap3A_413 = vector.shape_cast %mul3A_408 : vector<16xf32> to vector<1x16xf32>
        tpu.vector_store %arg14[%swap3A_409, %swap3A_410], %swap3A_413 {strides = array<i32>} : memref<80x32xf32, #tpu.memory_space<vmem>>, vector<1x16xf32>,
        %get3A_414 = arith.index_cast %add3A_400 : i32 to index
        %get3A_415 = arith.constant 16 : index
        %get3A_416 = tpu.vector_load %arg14[%get3A_414, %get3A_415] {strides = array<i32>} : memref<80x32xf32, #tpu.memory_space<vmem>>, vector<1x16xf32>,
        %get3A_417 = vector.shape_cast %get3A_416 : vector<1x16xf32> to vector<16xf32>
        %mul3A_418 = vector.broadcast %squeeze3A_402 : f32 to vector<16xf32>
        %mul3A_419 = arith.mulf %get3A_417, %mul3A_418 : vector<16xf32>
        %swap3A_420 = arith.index_cast %add3A_400 : i32 to index
        %swap3A_421 = arith.constant 16 : index
        %swap3A_422 = tpu.vector_load %arg14[%swap3A_420, %swap3A_421] {strides = array<i32>} : memref<80x32xf32, #tpu.memory_space<vmem>>, vector<1x16xf32>,
        %swap3A_423 = vector.shape_cast %swap3A_422 : vector<1x16xf32> to vector<16xf32>
        %swap3A_424 = vector.shape_cast %mul3A_419 : vector<16xf32> to vector<1x16xf32>
        tpu.vector_store %arg14[%swap3A_420, %swap3A_421], %swap3A_424 {strides = array<i32>} : memref<80x32xf32, #tpu.memory_space<vmem>>, vector<1x16xf32>,
        %mul3A_425 = arith.constant 16 : i32
        %mul3A_426 = arith.muli %add3A_113, %mul3A_425 : i32
        %add3A_427 = arith.constant 11 : i32
        %add3A_428 = arith.addi %mul3A_426, %add3A_427 : i32
        %slice3A_429 = vector.extract_strided_slice %get3A_118 {offsets = [11], sizes = [1], strides = [1]} : vector<16xf32> to vector<1xf32>
        %squeeze3A_430 = vector.extract %slice3A_429[0] : f32 from vector<1xf32>
        %get3A_431 = arith.index_cast %add3A_428 : i32 to index
        %get3A_432 = arith.constant 0 : index
        %get3A_433 = tpu.vector_load %arg14[%get3A_431, %get3A_432] {strides = array<i32>} : memref<80x32xf32, #tpu.memory_space<vmem>>, vector<1x16xf32>,
        %get3A_434 = vector.shape_cast %get3A_433 : vector<1x16xf32> to vector<16xf32>
        %mul3A_435 = vector.broadcast %squeeze3A_430 : f32 to vector<16xf32>
        %mul3A_436 = arith.mulf %get3A_434, %mul3A_435 : vector<16xf32>
        %swap3A_437 = arith.index_cast %add3A_428 : i32 to index
        %swap3A_438 = arith.constant 0 : index
        %swap3A_439 = tpu.vector_load %arg14[%swap3A_437, %swap3A_438] {strides = array<i32>} : memref<80x32xf32, #tpu.memory_space<vmem>>, vector<1x16xf32>,
        %swap3A_440 = vector.shape_cast %swap3A_439 : vector<1x16xf32> to vector<16xf32>
        %swap3A_441 = vector.shape_cast %mul3A_436 : vector<16xf32> to vector<1x16xf32>
        tpu.vector_store %arg14[%swap3A_437, %swap3A_438], %swap3A_441 {strides = array<i32>} : memref<80x32xf32, #tpu.memory_space<vmem>>, vector<1x16xf32>,
        %get3A_442 = arith.index_cast %add3A_428 : i32 to index
        %get3A_443 = arith.constant 16 : index
        %get3A_444 = tpu.vector_load %arg14[%get3A_442, %get3A_443] {strides = array<i32>} : memref<80x32xf32, #tpu.memory_space<vmem>>, vector<1x16xf32>,
        %get3A_445 = vector.shape_cast %get3A_444 : vector<1x16xf32> to vector<16xf32>
        %mul3A_446 = vector.broadcast %squeeze3A_430 : f32 to vector<16xf32>
        %mul3A_447 = arith.mulf %get3A_445, %mul3A_446 : vector<16xf32>
        %swap3A_448 = arith.index_cast %add3A_428 : i32 to index
        %swap3A_449 = arith.constant 16 : index
        %swap3A_450 = tpu.vector_load %arg14[%swap3A_448, %swap3A_449] {strides = array<i32>} : memref<80x32xf32, #tpu.memory_space<vmem>>, vector<1x16xf32>,
        %swap3A_451 = vector.shape_cast %swap3A_450 : vector<1x16xf32> to vector<16xf32>
        %swap3A_452 = vector.shape_cast %mul3A_447 : vector<16xf32> to vector<1x16xf32>
        tpu.vector_store %arg14[%swap3A_448, %swap3A_449], %swap3A_452 {strides = array<i32>} : memref<80x32xf32, #tpu.memory_space<vmem>>, vector<1x16xf32>,
        %mul3A_453 = arith.constant 16 : i32
        %mul3A_454 = arith.muli %add3A_113, %mul3A_453 : i32
        %add3A_455 = arith.constant 12 : i32
        %add3A_456 = arith.addi %mul3A_454, %add3A_455 : i32
        %slice3A_457 = vector.extract_strided_slice %get3A_118 {offsets = [12], sizes = [1], strides = [1]} : vector<16xf32> to vector<1xf32>
        %squeeze3A_458 = vector.extract %slice3A_457[0] : f32 from vector<1xf32>
        %get3A_459 = arith.index_cast %add3A_456 : i32 to index
        %get3A_460 = arith.constant 0 : index
        %get3A_461 = tpu.vector_load %arg14[%get3A_459, %get3A_460] {strides = array<i32>} : memref<80x32xf32, #tpu.memory_space<vmem>>, vector<1x16xf32>,
        %get3A_462 = vector.shape_cast %get3A_461 : vector<1x16xf32> to vector<16xf32>
        %mul3A_463 = vector.broadcast %squeeze3A_458 : f32 to vector<16xf32>
        %mul3A_464 = arith.mulf %get3A_462, %mul3A_463 : vector<16xf32>
        %swap3A_465 = arith.index_cast %add3A_456 : i32 to index
        %swap3A_466 = arith.constant 0 : index
        %swap3A_467 = tpu.vector_load %arg14[%swap3A_465, %swap3A_466] {strides = array<i32>} : memref<80x32xf32, #tpu.memory_space<vmem>>, vector<1x16xf32>,
        %swap3A_468 = vector.shape_cast %swap3A_467 : vector<1x16xf32> to vector<16xf32>
        %swap3A_469 = vector.shape_cast %mul3A_464 : vector<16xf32> to vector<1x16xf32>
        tpu.vector_store %arg14[%swap3A_465, %swap3A_466], %swap3A_469 {strides = array<i32>} : memref<80x32xf32, #tpu.memory_space<vmem>>, vector<1x16xf32>,
        %get3A_470 = arith.index_cast %add3A_456 : i32 to index
        %get3A_471 = arith.constant 16 : index
        %get3A_472 = tpu.vector_load %arg14[%get3A_470, %get3A_471] {strides = array<i32>} : memref<80x32xf32, #tpu.memory_space<vmem>>, vector<1x16xf32>,
        %get3A_473 = vector.shape_cast %get3A_472 : vector<1x16xf32> to vector<16xf32>
        %mul3A_474 = vector.broadcast %squeeze3A_458 : f32 to vector<16xf32>
        %mul3A_475 = arith.mulf %get3A_473, %mul3A_474 : vector<16xf32>
        %swap3A_476 = arith.index_cast %add3A_456 : i32 to index
        %swap3A_477 = arith.constant 16 : index
        %swap3A_478 = tpu.vector_load %arg14[%swap3A_476, %swap3A_477] {strides = array<i32>} : memref<80x32xf32, #tpu.memory_space<vmem>>, vector<1x16xf32>,
        %swap3A_479 = vector.shape_cast %swap3A_478 : vector<1x16xf32> to vector<16xf32>
        %swap3A_480 = vector.shape_cast %mul3A_475 : vector<16xf32> to vector<1x16xf32>
        tpu.vector_store %arg14[%swap3A_476, %swap3A_477], %swap3A_480 {strides = array<i32>} : memref<80x32xf32, #tpu.memory_space<vmem>>, vector<1x16xf32>,
        %mul3A_481 = arith.constant 16 : i32
        %mul3A_482 = arith.muli %add3A_113, %mul3A_481 : i32
        %add3A_483 = arith.constant 13 : i32
        %add3A_484 = arith.addi %mul3A_482, %add3A_483 : i32
        %slice3A_485 = vector.extract_strided_slice %get3A_118 {offsets = [13], sizes = [1], strides = [1]} : vector<16xf32> to vector<1xf32>
        %squeeze3A_486 = vector.extract %slice3A_485[0] : f32 from vector<1xf32>
        %get3A_487 = arith.index_cast %add3A_484 : i32 to index
        %get3A_488 = arith.constant 0 : index
        %get3A_489 = tpu.vector_load %arg14[%get3A_487, %get3A_488] {strides = array<i32>} : memref<80x32xf32, #tpu.memory_space<vmem>>, vector<1x16xf32>,
        %get3A_490 = vector.shape_cast %get3A_489 : vector<1x16xf32> to vector<16xf32>
        %mul3A_491 = vector.broadcast %squeeze3A_486 : f32 to vector<16xf32>
        %mul3A_492 = arith.mulf %get3A_490, %mul3A_491 : vector<16xf32>
        %swap3A_493 = arith.index_cast %add3A_484 : i32 to index
        %swap3A_494 = arith.constant 0 : index
        %swap3A_495 = tpu.vector_load %arg14[%swap3A_493, %swap3A_494] {strides = array<i32>} : memref<80x32xf32, #tpu.memory_space<vmem>>, vector<1x16xf32>,
        %swap3A_496 = vector.shape_cast %swap3A_495 : vector<1x16xf32> to vector<16xf32>
        %swap3A_497 = vector.shape_cast %mul3A_492 : vector<16xf32> to vector<1x16xf32>
        tpu.vector_store %arg14[%swap3A_493, %swap3A_494], %swap3A_497 {strides = array<i32>} : memref<80x32xf32, #tpu.memory_space<vmem>>, vector<1x16xf32>,
        %get3A_498 = arith.index_cast %add3A_484 : i32 to index
        %get3A_499 = arith.constant 16 : index
        %get3A_500 = tpu.vector_load %arg14[%get3A_498, %get3A_499] {strides = array<i32>} : memref<80x32xf32, #tpu.memory_space<vmem>>, vector<1x16xf32>,
        %get3A_501 = vector.shape_cast %get3A_500 : vector<1x16xf32> to vector<16xf32>
        %mul3A_502 = vector.broadcast %squeeze3A_486 : f32 to vector<16xf32>
        %mul3A_503 = arith.mulf %get3A_501, %mul3A_502 : vector<16xf32>
        %swap3A_504 = arith.index_cast %add3A_484 : i32 to index
        %swap3A_505 = arith.constant 16 : index
        %swap3A_506 = tpu.vector_load %arg14[%swap3A_504, %swap3A_505] {strides = array<i32>} : memref<80x32xf32, #tpu.memory_space<vmem>>, vector<1x16xf32>,
        %swap3A_507 = vector.shape_cast %swap3A_506 : vector<1x16xf32> to vector<16xf32>
        %swap3A_508 = vector.shape_cast %mul3A_503 : vector<16xf32> to vector<1x16xf32>
        tpu.vector_store %arg14[%swap3A_504, %swap3A_505], %swap3A_508 {strides = array<i32>} : memref<80x32xf32, #tpu.memory_space<vmem>>, vector<1x16xf32>,
        %mul3A_509 = arith.constant 16 : i32
        %mul3A_510 = arith.muli %add3A_113, %mul3A_509 : i32
        %add3A_511 = arith.constant 14 : i32
        %add3A_512 = arith.addi %mul3A_510, %add3A_511 : i32
        %slice3A_513 = vector.extract_strided_slice %get3A_118 {offsets = [14], sizes = [1], strides = [1]} : vector<16xf32> to vector<1xf32>
        %squeeze3A_514 = vector.extract %slice3A_513[0] : f32 from vector<1xf32>
        %get3A_515 = arith.index_cast %add3A_512 : i32 to index
        %get3A_516 = arith.constant 0 : index
        %get3A_517 = tpu.vector_load %arg14[%get3A_515, %get3A_516] {strides = array<i32>} : memref<80x32xf32, #tpu.memory_space<vmem>>, vector<1x16xf32>,
        %get3A_518 = vector.shape_cast %get3A_517 : vector<1x16xf32> to vector<16xf32>
        %mul3A_519 = vector.broadcast %squeeze3A_514 : f32 to vector<16xf32>
        %mul3A_520 = arith.mulf %get3A_518, %mul3A_519 : vector<16xf32>
        %swap3A_521 = arith.index_cast %add3A_512 : i32 to index
        %swap3A_522 = arith.constant 0 : index
        %swap3A_523 = tpu.vector_load %arg14[%swap3A_521, %swap3A_522] {strides = array<i32>} : memref<80x32xf32, #tpu.memory_space<vmem>>, vector<1x16xf32>,
        %swap3A_524 = vector.shape_cast %swap3A_523 : vector<1x16xf32> to vector<16xf32>
        %swap3A_525 = vector.shape_cast %mul3A_520 : vector<16xf32> to vector<1x16xf32>
        tpu.vector_store %arg14[%swap3A_521, %swap3A_522], %swap3A_525 {strides = array<i32>} : memref<80x32xf32, #tpu.memory_space<vmem>>, vector<1x16xf32>,
        %get3A_526 = arith.index_cast %add3A_512 : i32 to index
        %get3A_527 = arith.constant 16 : index
        %get3A_528 = tpu.vector_load %arg14[%get3A_526, %get3A_527] {strides = array<i32>} : memref<80x32xf32, #tpu.memory_space<vmem>>, vector<1x16xf32>,
        %get3A_529 = vector.shape_cast %get3A_528 : vector<1x16xf32> to vector<16xf32>
        %mul3A_530 = vector.broadcast %squeeze3A_514 : f32 to vector<16xf32>
        %mul3A_531 = arith.mulf %get3A_529, %mul3A_530 : vector<16xf32>
        %swap3A_532 = arith.index_cast %add3A_512 : i32 to index
        %swap3A_533 = arith.constant 16 : index
        %swap3A_534 = tpu.vector_load %arg14[%swap3A_532, %swap3A_533] {strides = array<i32>} : memref<80x32xf32, #tpu.memory_space<vmem>>, vector<1x16xf32>,
        %swap3A_535 = vector.shape_cast %swap3A_534 : vector<1x16xf32> to vector<16xf32>
        %swap3A_536 = vector.shape_cast %mul3A_531 : vector<16xf32> to vector<1x16xf32>
        tpu.vector_store %arg14[%swap3A_532, %swap3A_533], %swap3A_536 {strides = array<i32>} : memref<80x32xf32, #tpu.memory_space<vmem>>, vector<1x16xf32>,
        %mul3A_537 = arith.constant 16 : i32
        %mul3A_538 = arith.muli %add3A_113, %mul3A_537 : i32
        %add3A_539 = arith.constant 15 : i32
        %add3A_540 = arith.addi %mul3A_538, %add3A_539 : i32
        %slice3A_541 = vector.extract_strided_slice %get3A_118 {offsets = [15], sizes = [1], strides = [1]} : vector<16xf32> to vector<1xf32>
        %squeeze3A_542 = vector.extract %slice3A_541[0] : f32 from vector<1xf32>
        %get3A_543 = arith.index_cast %add3A_540 : i32 to index
        %get3A_544 = arith.constant 0 : index
        %get3A_545 = tpu.vector_load %arg14[%get3A_543, %get3A_544] {strides = array<i32>} : memref<80x32xf32, #tpu.memory_space<vmem>>, vector<1x16xf32>,
        %get3A_546 = vector.shape_cast %get3A_545 : vector<1x16xf32> to vector<16xf32>
        %mul3A_547 = vector.broadcast %squeeze3A_542 : f32 to vector<16xf32>
        %mul3A_548 = arith.mulf %get3A_546, %mul3A_547 : vector<16xf32>
        %swap3A_549 = arith.index_cast %add3A_540 : i32 to index
        %swap3A_550 = arith.constant 0 : index
        %swap3A_551 = tpu.vector_load %arg14[%swap3A_549, %swap3A_550] {strides = array<i32>} : memref<80x32xf32, #tpu.memory_space<vmem>>, vector<1x16xf32>,
        %swap3A_552 = vector.shape_cast %swap3A_551 : vector<1x16xf32> to vector<16xf32>
        %swap3A_553 = vector.shape_cast %mul3A_548 : vector<16xf32> to vector<1x16xf32>
        tpu.vector_store %arg14[%swap3A_549, %swap3A_550], %swap3A_553 {strides = array<i32>} : memref<80x32xf32, #tpu.memory_space<vmem>>, vector<1x16xf32>,
        %get3A_554 = arith.index_cast %add3A_540 : i32 to index
        %get3A_555 = arith.constant 16 : index
        %get3A_556 = tpu.vector_load %arg14[%get3A_554, %get3A_555] {strides = array<i32>} : memref<80x32xf32, #tpu.memory_space<vmem>>, vector<1x16xf32>,
        %get3A_557 = vector.shape_cast %get3A_556 : vector<1x16xf32> to vector<16xf32>
        %mul3A_558 = vector.broadcast %squeeze3A_542 : f32 to vector<16xf32>
        %mul3A_559 = arith.mulf %get3A_557, %mul3A_558 : vector<16xf32>
        %swap3A_560 = arith.index_cast %add3A_540 : i32 to index
        %swap3A_561 = arith.constant 16 : index
        %swap3A_562 = tpu.vector_load %arg14[%swap3A_560, %swap3A_561] {strides = array<i32>} : memref<80x32xf32, #tpu.memory_space<vmem>>, vector<1x16xf32>,
        %swap3A_563 = vector.shape_cast %swap3A_562 : vector<1x16xf32> to vector<16xf32>
        %swap3A_564 = vector.shape_cast %mul3A_559 : vector<16xf32> to vector<1x16xf32>
        tpu.vector_store %arg14[%swap3A_560, %swap3A_561], %swap3A_564 {strides = array<i32>} : memref<80x32xf32, #tpu.memory_space<vmem>>, vector<1x16xf32>,
      }
      %scan3A_108 = arith.constant 5 : i32
      "tpu.region"() ({
        %run_scoped3A = tpu.sem_alloc : memref<!tpu.dma_semaphore, #tpu.memory_space<semaphore_mem>>
        %dma_start3A = arith.constant 0 : i32
        %dma_start3A_109 = arith.constant 0 : i32
        %dma_start3A_110 = tpu.memref_slice %arg13[%dma_start3A, %dma_start3A_109] : memref<50048x32xf32, #tpu.memory_space<vmem_shared>> -> memref<50048x32xf32, #tpu.memory_space<vmem_shared>>
        tpu.enqueue_indirect_dma source(%arg14 : memref<80x32xf32, #tpu.memory_space<vmem>>) target(%dma_start3A_110 : memref<50048x32xf32, #tpu.memory_space<vmem_shared>>) offsets(%arg16 : memref<80xi32, #tpu.memory_space<vmem>>) semaphore(%run_scoped3A : memref<!tpu.dma_semaphore, #tpu.memory_space<semaphore_mem>>) {add = true}
        %dma_wait3A = arith.constant 0 : i32
        %dma_wait3A_111 = arith.constant 0 : i32
        %dma_wait3A_112 = tpu.memref_slice %arg13[%dma_wait3A, %dma_wait3A_111] : memref<50048x32xf32, #tpu.memory_space<vmem_shared>> -> memref<50048x32xf32, #tpu.memory_space<vmem_shared>>
        tpu.wait_indirect_dma semaphore(%run_scoped3A : memref<!tpu.dma_semaphore, #tpu.memory_space<semaphore_mem>>) src(%arg14 : memref<80x32xf32, #tpu.memory_space<vmem>>) dst(%dma_wait3A_112 : memref<50048x32xf32, #tpu.memory_space<vmem_shared>>)
        tpu.yield
      }) : () -> ()
    }
    %scan3A_39 = arith.constant 625 : i32
    %barrier3A_40 = arith.constant 0 : index
    tpu.barrier barrier_id(%barrier3A_40)
    %scan3A_41 = arith.constant 0 : i32
    %scan3A_42 = arith.constant 17 : i32
    %scan3A_43 = arith.addi %scan3A_41, %scan3A_42 : i32
    %scan3A_44 = arith.constant 1 : i32
    scf.for %scan3A_52 = %scan3A_41 to %scan3A_43 step %scan3A_44  : i32 {
      %mul3A_53 = arith.constant 1 : i32
      %mul3A_54 = arith.muli %scan3A_52, %mul3A_53 : i32
      %add3A = arith.constant 0 : i32
      %add3A_55 = arith.addi %add3A, %mul3A_54 : i32
      %mul3A_56 = arith.constant 3128 : i32
      %mul3A_57 = arith.muli %arg1, %mul3A_56 : i32
      %mul3A_58 = arith.constant 184 : i32
      %mul3A_59 = arith.muli %add3A_55, %mul3A_58 : i32
      %add3A_60 = arith.addi %mul3A_57, %mul3A_59 : i32
      %add3A_61 = arith.addi %mul3A_0, %add3A_60 : i32
      "tpu.region"() ({
        %run_scoped3A = tpu.sem_alloc : memref<!tpu.dma_semaphore, #tpu.memory_space<semaphore_mem>>
        %dma_start3A = arith.constant 0 : i32
        %dma_start3A_67 = tpu.memref_slice %arg13[%add3A_60, %dma_start3A] : memref<50048x32xf32, #tpu.memory_space<vmem_shared>> -> memref<184x32xf32, #tpu.memory_space<vmem_shared>>
        %dma_start3A_68 = arith.constant 0 : i32
        %dma_start3A_69 = tpu.memref_slice %arg13[%add3A_60, %dma_start3A_68] : memref<50048x32xf32, #tpu.memory_space<vmem_shared>> -> memref<184x32xf32, #tpu.memory_space<vmem_shared>>
        tpu.enqueue_dma source(%dma_start3A_69 : memref<184x32xf32, #tpu.memory_space<vmem_shared>>) target(%arg19 : memref<184x32xf32, #tpu.memory_space<vmem>>) target_semaphore(%run_scoped3A : memref<!tpu.dma_semaphore, #tpu.memory_space<semaphore_mem>>)
        %dma_wait3A = arith.constant 0 : i32
        %dma_wait3A_70 = tpu.memref_slice %arg13[%add3A_60, %dma_wait3A] : memref<50048x32xf32, #tpu.memory_space<vmem_shared>> -> memref<184x32xf32, #tpu.memory_space<vmem_shared>>
        %dma_wait3A_71 = arith.constant 0 : i32
        %dma_wait3A_72 = tpu.memref_slice %arg13[%add3A_60, %dma_wait3A_71] : memref<50048x32xf32, #tpu.memory_space<vmem_shared>> -> memref<184x32xf32, #tpu.memory_space<vmem_shared>>
        tpu.wait_dma2 semaphore(%run_scoped3A : memref<!tpu.dma_semaphore, #tpu.memory_space<semaphore_mem>>) src(%dma_wait3A_72 : memref<184x32xf32, #tpu.memory_space<vmem_shared>>) dst(%arg19 : memref<184x32xf32, #tpu.memory_space<vmem>>)
        tpu.yield
      }) : () -> ()
      "tpu.region"() ({
        %run_scoped3A = tpu.sem_alloc : memref<!tpu.dma_semaphore, #tpu.memory_space<semaphore_mem>>
        %dma_start3A = arith.constant 0 : i32
        %dma_start3A_67 = tpu.memref_slice %arg13[%add3A_60, %dma_start3A] : memref<50048x32xf32, #tpu.memory_space<vmem_shared>> -> memref<184x32xf32, #tpu.memory_space<vmem_shared>>
        %dma_start3A_68 = arith.constant 0 : i32
        %dma_start3A_69 = tpu.memref_slice %arg13[%add3A_60, %dma_start3A_68] : memref<50048x32xf32, #tpu.memory_space<vmem_shared>> -> memref<184x32xf32, #tpu.memory_space<vmem_shared>>
        tpu.enqueue_dma source(%arg21 : memref<184x32xf32, #tpu.memory_space<vmem>>) target(%dma_start3A_69 : memref<184x32xf32, #tpu.memory_space<vmem_shared>>) target_semaphore(%run_scoped3A : memref<!tpu.dma_semaphore, #tpu.memory_space<semaphore_mem>>)
        %dma_wait3A = arith.constant 0 : i32
        %dma_wait3A_70 = tpu.memref_slice %arg13[%add3A_60, %dma_wait3A] : memref<50048x32xf32, #tpu.memory_space<vmem_shared>> -> memref<184x32xf32, #tpu.memory_space<vmem_shared>>
        %dma_wait3A_71 = arith.constant 0 : i32
        %dma_wait3A_72 = tpu.memref_slice %arg13[%add3A_60, %dma_wait3A_71] : memref<50048x32xf32, #tpu.memory_space<vmem_shared>> -> memref<184x32xf32, #tpu.memory_space<vmem_shared>>
        tpu.wait_dma2 semaphore(%run_scoped3A : memref<!tpu.dma_semaphore, #tpu.memory_space<semaphore_mem>>) src(%arg21 : memref<184x32xf32, #tpu.memory_space<vmem>>) dst(%dma_wait3A_72 : memref<184x32xf32, #tpu.memory_space<vmem_shared>>)
        tpu.yield
      }) : () -> ()
      "tpu.region"() ({
        %run_scoped3A = tpu.sem_alloc : memref<!tpu.dma_semaphore, #tpu.memory_space<semaphore_mem>>
        %dma_start3A = arith.constant 0 : i32
        %dma_start3A_67 = tpu.memref_slice %arg9[%add3A_61, %dma_start3A] : memref<100096x32xf32, #tpu.memory_space<hbm>> -> memref<184x32xf32, #tpu.memory_space<hbm>>
        %dma_start3A_68 = arith.constant 0 : i32
        %dma_start3A_69 = tpu.memref_slice %arg9[%add3A_61, %dma_start3A_68] : memref<100096x32xf32, #tpu.memory_space<hbm>> -> memref<184x32xf32, #tpu.memory_space<hbm>>
        tpu.enqueue_dma source(%arg19 : memref<184x32xf32, #tpu.memory_space<vmem>>) target(%dma_start3A_69 : memref<184x32xf32, #tpu.memory_space<hbm>>) target_semaphore(%run_scoped3A : memref<!tpu.dma_semaphore, #tpu.memory_space<semaphore_mem>>)
        %dma_wait3A = arith.constant 0 : i32
        %dma_wait3A_70 = tpu.memref_slice %arg9[%add3A_61, %dma_wait3A] : memref<100096x32xf32, #tpu.memory_space<hbm>> -> memref<184x32xf32, #tpu.memory_space<hbm>>
        %dma_wait3A_71 = arith.constant 0 : i32
        %dma_wait3A_72 = tpu.memref_slice %arg9[%add3A_61, %dma_wait3A_71] : memref<100096x32xf32, #tpu.memory_space<hbm>> -> memref<184x32xf32, #tpu.memory_space<hbm>>
        tpu.wait_dma2 semaphore(%run_scoped3A : memref<!tpu.dma_semaphore, #tpu.memory_space<semaphore_mem>>) src(%arg19 : memref<184x32xf32, #tpu.memory_space<vmem>>) dst(%dma_wait3A_72 : memref<184x32xf32, #tpu.memory_space<hbm>>)
        tpu.yield
      }) : () -> ()
      "tpu.region"() ({
        %run_scoped3A = tpu.sem_alloc : memref<!tpu.dma_semaphore, #tpu.memory_space<semaphore_mem>>
        %dma_start3A = arith.constant 0 : i32
        %dma_start3A_67 = tpu.memref_slice %arg10[%add3A_61, %dma_start3A] : memref<100096x32xf32, #tpu.memory_space<hbm>> -> memref<184x32xf32, #tpu.memory_space<hbm>>
        %dma_start3A_68 = arith.constant 0 : i32
        %dma_start3A_69 = tpu.memref_slice %arg10[%add3A_61, %dma_start3A_68] : memref<100096x32xf32, #tpu.memory_space<hbm>> -> memref<184x32xf32, #tpu.memory_space<hbm>>
        tpu.enqueue_dma source(%dma_start3A_69 : memref<184x32xf32, #tpu.memory_space<hbm>>) target(%arg20 : memref<184x32xf32, #tpu.memory_space<vmem>>) target_semaphore(%run_scoped3A : memref<!tpu.dma_semaphore, #tpu.memory_space<semaphore_mem>>)
        %dma_wait3A = arith.constant 0 : i32
        %dma_wait3A_70 = tpu.memref_slice %arg10[%add3A_61, %dma_wait3A] : memref<100096x32xf32, #tpu.memory_space<hbm>> -> memref<184x32xf32, #tpu.memory_space<hbm>>
        %dma_wait3A_71 = arith.constant 0 : i32
        %dma_wait3A_72 = tpu.memref_slice %arg10[%add3A_61, %dma_wait3A_71] : memref<100096x32xf32, #tpu.memory_space<hbm>> -> memref<184x32xf32, #tpu.memory_space<hbm>>
        tpu.wait_dma2 semaphore(%run_scoped3A : memref<!tpu.dma_semaphore, #tpu.memory_space<semaphore_mem>>) src(%dma_wait3A_72 : memref<184x32xf32, #tpu.memory_space<hbm>>) dst(%arg20 : memref<184x32xf32, #tpu.memory_space<vmem>>)
        tpu.yield
      }) : () -> ()
      %scan3A_62 = arith.constant 0 : i32
      %scan3A_63 = arith.constant 184 : i32
      %scan3A_64 = arith.addi %scan3A_62, %scan3A_63 : i32
      %scan3A_65 = arith.constant 1 : i32
      scf.for %scan3A_67 = %scan3A_62 to %scan3A_64 step %scan3A_65  : i32 {
        %mul3A_68 = arith.constant 1 : i32
        %mul3A_69 = arith.muli %scan3A_67, %mul3A_68 : i32
        %add3A_70 = arith.constant 0 : i32
        %add3A_71 = arith.addi %add3A_70, %mul3A_69 : i32
        %get3A = arith.index_cast %add3A_71 : i32 to index
        %get3A_72 = arith.constant 0 : index
        %get3A_73 = tpu.vector_load %arg20[%get3A, %get3A_72] {strides = array<i32>} : memref<184x32xf32, #tpu.memory_space<vmem>>, vector<1x16xf32>,
        %get3A_74 = vector.shape_cast %get3A_73 : vector<1x16xf32> to vector<16xf32>
        %get3A_75 = arith.index_cast %add3A_71 : i32 to index
        %get3A_76 = arith.constant 0 : index
        %get3A_77 = tpu.vector_load %arg19[%get3A_75, %get3A_76] {strides = array<i32>} : memref<184x32xf32, #tpu.memory_space<vmem>>, vector<1x16xf32>,
        %get3A_78 = vector.shape_cast %get3A_77 : vector<1x16xf32> to vector<16xf32>
        %add3A_79 = arith.addf %get3A_74, %get3A_78 : vector<16xf32>
        %swap3A = arith.index_cast %add3A_71 : i32 to index
        %swap3A_80 = arith.constant 0 : index
        %swap3A_81 = tpu.vector_load %arg20[%swap3A, %swap3A_80] {strides = array<i32>} : memref<184x32xf32, #tpu.memory_space<vmem>>, vector<1x16xf32>,
        %swap3A_82 = vector.shape_cast %swap3A_81 : vector<1x16xf32> to vector<16xf32>
        %swap3A_83 = vector.shape_cast %add3A_79 : vector<16xf32> to vector<1x16xf32>
        tpu.vector_store %arg20[%swap3A, %swap3A_80], %swap3A_83 {strides = array<i32>} : memref<184x32xf32, #tpu.memory_space<vmem>>, vector<1x16xf32>,
        %get3A_84 = arith.index_cast %add3A_71 : i32 to index
        %get3A_85 = arith.constant 16 : index
        %get3A_86 = tpu.vector_load %arg20[%get3A_84, %get3A_85] {strides = array<i32>} : memref<184x32xf32, #tpu.memory_space<vmem>>, vector<1x16xf32>,
        %get3A_87 = vector.shape_cast %get3A_86 : vector<1x16xf32> to vector<16xf32>
        %get3A_88 = arith.index_cast %add3A_71 : i32 to index
        %get3A_89 = arith.constant 16 : index
        %get3A_90 = tpu.vector_load %arg19[%get3A_88, %get3A_89] {strides = array<i32>} : memref<184x32xf32, #tpu.memory_space<vmem>>, vector<1x16xf32>,
        %get3A_91 = vector.shape_cast %get3A_90 : vector<1x16xf32> to vector<16xf32>
        %add3A_92 = arith.addf %get3A_87, %get3A_91 : vector<16xf32>
        %swap3A_93 = arith.index_cast %add3A_71 : i32 to index
        %swap3A_94 = arith.constant 16 : index
        %swap3A_95 = tpu.vector_load %arg20[%swap3A_93, %swap3A_94] {strides = array<i32>} : memref<184x32xf32, #tpu.memory_space<vmem>>, vector<1x16xf32>,
        %swap3A_96 = vector.shape_cast %swap3A_95 : vector<1x16xf32> to vector<16xf32>
        %swap3A_97 = vector.shape_cast %add3A_92 : vector<16xf32> to vector<1x16xf32>
        tpu.vector_store %arg20[%swap3A_93, %swap3A_94], %swap3A_97 {strides = array<i32>} : memref<184x32xf32, #tpu.memory_space<vmem>>, vector<1x16xf32>,
      }
      %scan3A_66 = arith.constant 184 : i32
      "tpu.region"() ({
        %run_scoped3A = tpu.sem_alloc : memref<!tpu.dma_semaphore, #tpu.memory_space<semaphore_mem>>
        %dma_start3A = arith.constant 0 : i32
        %dma_start3A_67 = tpu.memref_slice %arg10[%add3A_61, %dma_start3A] : memref<100096x32xf32, #tpu.memory_space<hbm>> -> memref<184x32xf32, #tpu.memory_space<hbm>>
        %dma_start3A_68 = arith.constant 0 : i32
        %dma_start3A_69 = tpu.memref_slice %arg10[%add3A_61, %dma_start3A_68] : memref<100096x32xf32, #tpu.memory_space<hbm>> -> memref<184x32xf32, #tpu.memory_space<hbm>>
        tpu.enqueue_dma source(%arg20 : memref<184x32xf32, #tpu.memory_space<vmem>>) target(%dma_start3A_69 : memref<184x32xf32, #tpu.memory_space<hbm>>) target_semaphore(%run_scoped3A : memref<!tpu.dma_semaphore, #tpu.memory_space<semaphore_mem>>)
        %dma_wait3A = arith.constant 0 : i32
        %dma_wait3A_70 = tpu.memref_slice %arg10[%add3A_61, %dma_wait3A] : memref<100096x32xf32, #tpu.memory_space<hbm>> -> memref<184x32xf32, #tpu.memory_space<hbm>>
        %dma_wait3A_71 = arith.constant 0 : i32
        %dma_wait3A_72 = tpu.memref_slice %arg10[%add3A_61, %dma_wait3A_71] : memref<100096x32xf32, #tpu.memory_space<hbm>> -> memref<184x32xf32, #tpu.memory_space<hbm>>
        tpu.wait_dma2 semaphore(%run_scoped3A : memref<!tpu.dma_semaphore, #tpu.memory_space<semaphore_mem>>) src(%arg20 : memref<184x32xf32, #tpu.memory_space<vmem>>) dst(%dma_wait3A_72 : memref<184x32xf32, #tpu.memory_space<hbm>>)
        tpu.yield
      }) : () -> ()
    }
    %scan3A_45 = arith.constant 17 : i32
    %barrier3A_46 = arith.constant 0 : index
    tpu.barrier barrier_id(%barrier3A_46)
    %scan3A_47 = arith.constant 0 : i32
    %scan3A_48 = arith.constant 8 : i32
    %scan3A_49 = arith.addi %scan3A_47, %scan3A_48 : i32
    %scan3A_50 = arith.constant 1 : i32
    scf.for %scan3A_52 = %scan3A_47 to %scan3A_49 step %scan3A_50  : i32 {
      %mul3A_53 = arith.constant 1 : i32
      %mul3A_54 = arith.muli %scan3A_52, %mul3A_53 : i32
      %add3A = arith.constant 0 : i32
      %add3A_55 = arith.addi %add3A, %mul3A_54 : i32
      %mul3A_56 = arith.constant 1024 : i32
      %mul3A_57 = arith.muli %arg1, %mul3A_56 : i32
      %mul3A_58 = arith.constant 128 : i32
      %mul3A_59 = arith.muli %add3A_55, %mul3A_58 : i32
      %add3A_60 = arith.addi %mul3A_57, %mul3A_59 : i32
      "tpu.region"() ({
        %run_scoped3A_298 = tpu.sem_alloc : memref<!tpu.dma_semaphore, #tpu.memory_space<semaphore_mem>>
        %dma_start3A = tpu.memref_slice %arg6[%add3A_60] : memref<16384xi32, #tpu.memory_space<hbm>> -> memref<128xi32, #tpu.memory_space<hbm>>
        %dma_start3A_299 = tpu.memref_slice %arg6[%add3A_60] : memref<16384xi32, #tpu.memory_space<hbm>> -> memref<128xi32, #tpu.memory_space<hbm>>
        tpu.enqueue_dma source(%dma_start3A_299 : memref<128xi32, #tpu.memory_space<hbm>>) target(%arg22 : memref<128xi32, #tpu.memory_space<vmem>>) target_semaphore(%run_scoped3A_298 : memref<!tpu.dma_semaphore, #tpu.memory_space<semaphore_mem>>)
        %dma_wait3A = tpu.memref_slice %arg6[%add3A_60] : memref<16384xi32, #tpu.memory_space<hbm>> -> memref<128xi32, #tpu.memory_space<hbm>>
        %dma_wait3A_300 = tpu.memref_slice %arg6[%add3A_60] : memref<16384xi32, #tpu.memory_space<hbm>> -> memref<128xi32, #tpu.memory_space<hbm>>
        tpu.wait_dma2 semaphore(%run_scoped3A_298 : memref<!tpu.dma_semaphore, #tpu.memory_space<semaphore_mem>>) src(%dma_wait3A_300 : memref<128xi32, #tpu.memory_space<hbm>>) dst(%arg22 : memref<128xi32, #tpu.memory_space<vmem>>)
        tpu.yield
      }) : () -> ()
      %get3A = arith.constant 0 : index
      %get3A_61 = tpu.vector_load %arg22[%get3A] {strides = array<i32>} : memref<128xi32, #tpu.memory_space<vmem>>, vector<16xi32>,
      %get3A_62 = vector.shape_cast %get3A_61 : vector<16xi32> to vector<16xi32>
      %add3A_63 = vector.broadcast %mul3A_0 : i32 to vector<16xi32>
      %add3A_64 = arith.addi %get3A_62, %add3A_63 : vector<16xi32>
      %swap3A = arith.constant 0 : index
      %swap3A_65 = tpu.vector_load %arg23[%swap3A] {strides = array<i32>} : memref<128xi32, #tpu.memory_space<vmem>>, vector<16xi32>,
      %swap3A_66 = vector.shape_cast %swap3A_65 : vector<16xi32> to vector<16xi32>
      %swap3A_67 = vector.shape_cast %add3A_64 : vector<16xi32> to vector<16xi32>
      tpu.vector_store %arg23[%swap3A], %swap3A_67 {strides = array<i32>} : memref<128xi32, #tpu.memory_space<vmem>>, vector<16xi32>,
      %get3A_68 = arith.constant 16 : index
      %get3A_69 = tpu.vector_load %arg22[%get3A_68] {strides = array<i32>} : memref<128xi32, #tpu.memory_space<vmem>>, vector<16xi32>,
      %get3A_70 = vector.shape_cast %get3A_69 : vector<16xi32> to vector<16xi32>
      %add3A_71 = vector.broadcast %mul3A_0 : i32 to vector<16xi32>
      %add3A_72 = arith.addi %get3A_70, %add3A_71 : vector<16xi32>
      %swap3A_73 = arith.constant 16 : index
      %swap3A_74 = tpu.vector_load %arg23[%swap3A_73] {strides = array<i32>} : memref<128xi32, #tpu.memory_space<vmem>>, vector<16xi32>,
      %swap3A_75 = vector.shape_cast %swap3A_74 : vector<16xi32> to vector<16xi32>
      %swap3A_76 = vector.shape_cast %add3A_72 : vector<16xi32> to vector<16xi32>
      tpu.vector_store %arg23[%swap3A_73], %swap3A_76 {strides = array<i32>} : memref<128xi32, #tpu.memory_space<vmem>>, vector<16xi32>,
      %get3A_77 = arith.constant 32 : index
      %get3A_78 = tpu.vector_load %arg22[%get3A_77] {strides = array<i32>} : memref<128xi32, #tpu.memory_space<vmem>>, vector<16xi32>,
      %get3A_79 = vector.shape_cast %get3A_78 : vector<16xi32> to vector<16xi32>
      %add3A_80 = vector.broadcast %mul3A_0 : i32 to vector<16xi32>
      %add3A_81 = arith.addi %get3A_79, %add3A_80 : vector<16xi32>
      %swap3A_82 = arith.constant 32 : index
      %swap3A_83 = tpu.vector_load %arg23[%swap3A_82] {strides = array<i32>} : memref<128xi32, #tpu.memory_space<vmem>>, vector<16xi32>,
      %swap3A_84 = vector.shape_cast %swap3A_83 : vector<16xi32> to vector<16xi32>
      %swap3A_85 = vector.shape_cast %add3A_81 : vector<16xi32> to vector<16xi32>
      tpu.vector_store %arg23[%swap3A_82], %swap3A_85 {strides = array<i32>} : memref<128xi32, #tpu.memory_space<vmem>>, vector<16xi32>,
      %get3A_86 = arith.constant 48 : index
      %get3A_87 = tpu.vector_load %arg22[%get3A_86] {strides = array<i32>} : memref<128xi32, #tpu.memory_space<vmem>>, vector<16xi32>,
      %get3A_88 = vector.shape_cast %get3A_87 : vector<16xi32> to vector<16xi32>
      %add3A_89 = vector.broadcast %mul3A_0 : i32 to vector<16xi32>
      %add3A_90 = arith.addi %get3A_88, %add3A_89 : vector<16xi32>
      %swap3A_91 = arith.constant 48 : index
      %swap3A_92 = tpu.vector_load %arg23[%swap3A_91] {strides = array<i32>} : memref<128xi32, #tpu.memory_space<vmem>>, vector<16xi32>,
      %swap3A_93 = vector.shape_cast %swap3A_92 : vector<16xi32> to vector<16xi32>
      %swap3A_94 = vector.shape_cast %add3A_90 : vector<16xi32> to vector<16xi32>
      tpu.vector_store %arg23[%swap3A_91], %swap3A_94 {strides = array<i32>} : memref<128xi32, #tpu.memory_space<vmem>>, vector<16xi32>,
      %get3A_95 = arith.constant 64 : index
      %get3A_96 = tpu.vector_load %arg22[%get3A_95] {strides = array<i32>} : memref<128xi32, #tpu.memory_space<vmem>>, vector<16xi32>,
      %get3A_97 = vector.shape_cast %get3A_96 : vector<16xi32> to vector<16xi32>
      %add3A_98 = vector.broadcast %mul3A_0 : i32 to vector<16xi32>
      %add3A_99 = arith.addi %get3A_97, %add3A_98 : vector<16xi32>
      %swap3A_100 = arith.constant 64 : index
      %swap3A_101 = tpu.vector_load %arg23[%swap3A_100] {strides = array<i32>} : memref<128xi32, #tpu.memory_space<vmem>>, vector<16xi32>,
      %swap3A_102 = vector.shape_cast %swap3A_101 : vector<16xi32> to vector<16xi32>
      %swap3A_103 = vector.shape_cast %add3A_99 : vector<16xi32> to vector<16xi32>
      tpu.vector_store %arg23[%swap3A_100], %swap3A_103 {strides = array<i32>} : memref<128xi32, #tpu.memory_space<vmem>>, vector<16xi32>,
      %get3A_104 = arith.constant 80 : index
      %get3A_105 = tpu.vector_load %arg22[%get3A_104] {strides = array<i32>} : memref<128xi32, #tpu.memory_space<vmem>>, vector<16xi32>,
      %get3A_106 = vector.shape_cast %get3A_105 : vector<16xi32> to vector<16xi32>
      %add3A_107 = vector.broadcast %mul3A_0 : i32 to vector<16xi32>
      %add3A_108 = arith.addi %get3A_106, %add3A_107 : vector<16xi32>
      %swap3A_109 = arith.constant 80 : index
      %swap3A_110 = tpu.vector_load %arg23[%swap3A_109] {strides = array<i32>} : memref<128xi32, #tpu.memory_space<vmem>>, vector<16xi32>,
      %swap3A_111 = vector.shape_cast %swap3A_110 : vector<16xi32> to vector<16xi32>
      %swap3A_112 = vector.shape_cast %add3A_108 : vector<16xi32> to vector<16xi32>
      tpu.vector_store %arg23[%swap3A_109], %swap3A_112 {strides = array<i32>} : memref<128xi32, #tpu.memory_space<vmem>>, vector<16xi32>,
      %get3A_113 = arith.constant 96 : index
      %get3A_114 = tpu.vector_load %arg22[%get3A_113] {strides = array<i32>} : memref<128xi32, #tpu.memory_space<vmem>>, vector<16xi32>,
      %get3A_115 = vector.shape_cast %get3A_114 : vector<16xi32> to vector<16xi32>
      %add3A_116 = vector.broadcast %mul3A_0 : i32 to vector<16xi32>
      %add3A_117 = arith.addi %get3A_115, %add3A_116 : vector<16xi32>
      %swap3A_118 = arith.constant 96 : index
      %swap3A_119 = tpu.vector_load %arg23[%swap3A_118] {strides = array<i32>} : memref<128xi32, #tpu.memory_space<vmem>>, vector<16xi32>,
      %swap3A_120 = vector.shape_cast %swap3A_119 : vector<16xi32> to vector<16xi32>
      %swap3A_121 = vector.shape_cast %add3A_117 : vector<16xi32> to vector<16xi32>
      tpu.vector_store %arg23[%swap3A_118], %swap3A_121 {strides = array<i32>} : memref<128xi32, #tpu.memory_space<vmem>>, vector<16xi32>,
      %get3A_122 = arith.constant 112 : index
      %get3A_123 = tpu.vector_load %arg22[%get3A_122] {strides = array<i32>} : memref<128xi32, #tpu.memory_space<vmem>>, vector<16xi32>,
      %get3A_124 = vector.shape_cast %get3A_123 : vector<16xi32> to vector<16xi32>
      %add3A_125 = vector.broadcast %mul3A_0 : i32 to vector<16xi32>
      %add3A_126 = arith.addi %get3A_124, %add3A_125 : vector<16xi32>
      %swap3A_127 = arith.constant 112 : index
      %swap3A_128 = tpu.vector_load %arg23[%swap3A_127] {strides = array<i32>} : memref<128xi32, #tpu.memory_space<vmem>>, vector<16xi32>,
      %swap3A_129 = vector.shape_cast %swap3A_128 : vector<16xi32> to vector<16xi32>
      %swap3A_130 = vector.shape_cast %add3A_126 : vector<16xi32> to vector<16xi32>
      tpu.vector_store %arg23[%swap3A_127], %swap3A_130 {strides = array<i32>} : memref<128xi32, #tpu.memory_space<vmem>>, vector<16xi32>,
      "tpu.region"() ({
        %run_scoped3A_298 = tpu.sem_alloc : memref<!tpu.dma_semaphore, #tpu.memory_space<semaphore_mem>>
        %dma_start3A = arith.constant 0 : i32
        %dma_start3A_299 = arith.constant 0 : i32
        %dma_start3A_300 = tpu.memref_slice %arg10[%dma_start3A, %dma_start3A_299] : memref<100096x32xf32, #tpu.memory_space<hbm>> -> memref<100096x32xf32, #tpu.memory_space<hbm>>
        tpu.enqueue_indirect_dma source(%dma_start3A_300 : memref<100096x32xf32, #tpu.memory_space<hbm>>) target(%arg24 : memref<128x32xf32, #tpu.memory_space<vmem>>) offsets(%arg23 : memref<128xi32, #tpu.memory_space<vmem>>) semaphore(%run_scoped3A_298 : memref<!tpu.dma_semaphore, #tpu.memory_space<semaphore_mem>>)
        %dma_wait3A = arith.constant 0 : i32
        %dma_wait3A_301 = arith.constant 0 : i32
        %dma_wait3A_302 = tpu.memref_slice %arg10[%dma_wait3A, %dma_wait3A_301] : memref<100096x32xf32, #tpu.memory_space<hbm>> -> memref<100096x32xf32, #tpu.memory_space<hbm>>
        tpu.wait_indirect_dma semaphore(%run_scoped3A_298 : memref<!tpu.dma_semaphore, #tpu.memory_space<semaphore_mem>>) src(%dma_wait3A_302 : memref<100096x32xf32, #tpu.memory_space<hbm>>) dst(%arg24 : memref<128x32xf32, #tpu.memory_space<vmem>>)
        tpu.yield
      }) : () -> ()
      %mul3A_131 = arith.constant 16384 : i32
      %mul3A_132 = arith.muli %arg0, %mul3A_131 : i32
      %add3A_133 = arith.addi %mul3A_132, %add3A_60 : i32
      %run_scoped3A = arith.constant 0 : i32
      "tpu.region"() ({
        %run_scoped3A_298 = tpu.sem_alloc : memref<!tpu.dma_semaphore, #tpu.memory_space<semaphore_mem>>
        %dma_start3A = arith.constant 0 : i32
        %dma_start3A_299 = tpu.memref_slice %arg11[%run_scoped3A, %add3A_133, %dma_start3A] : memref<3x32768x32xf32, #tpu.memory_space<hbm>> -> memref<1x128x32xf32, #tpu.memory_space<hbm>>
        %dma_start3A_300 = tpu.memref_squeeze %dma_start3A_299 : memref<1x128x32xf32, #tpu.memory_space<hbm>> -> memref<128x32xf32, #tpu.memory_space<hbm>>
        %dma_start3A_301 = arith.constant 0 : i32
        %dma_start3A_302 = tpu.memref_slice %arg11[%run_scoped3A, %add3A_133, %dma_start3A_301] : memref<3x32768x32xf32, #tpu.memory_space<hbm>> -> memref<1x128x32xf32, #tpu.memory_space<hbm>>
        %dma_start3A_303 = tpu.memref_squeeze %dma_start3A_302 : memref<1x128x32xf32, #tpu.memory_space<hbm>> -> memref<128x32xf32, #tpu.memory_space<hbm>>
        tpu.enqueue_dma source(%arg24 : memref<128x32xf32, #tpu.memory_space<vmem>>) target(%dma_start3A_303 : memref<128x32xf32, #tpu.memory_space<hbm>>) target_semaphore(%run_scoped3A_298 : memref<!tpu.dma_semaphore, #tpu.memory_space<semaphore_mem>>)
        %dma_wait3A = arith.constant 0 : i32
        %dma_wait3A_304 = tpu.memref_slice %arg11[%run_scoped3A, %add3A_133, %dma_wait3A] : memref<3x32768x32xf32, #tpu.memory_space<hbm>> -> memref<1x128x32xf32, #tpu.memory_space<hbm>>
        %dma_wait3A_305 = tpu.memref_squeeze %dma_wait3A_304 : memref<1x128x32xf32, #tpu.memory_space<hbm>> -> memref<128x32xf32, #tpu.memory_space<hbm>>
        %dma_wait3A_306 = arith.constant 0 : i32
        %dma_wait3A_307 = tpu.memref_slice %arg11[%run_scoped3A, %add3A_133, %dma_wait3A_306] : memref<3x32768x32xf32, #tpu.memory_space<hbm>> -> memref<1x128x32xf32, #tpu.memory_space<hbm>>
        %dma_wait3A_308 = tpu.memref_squeeze %dma_wait3A_307 : memref<1x128x32xf32, #tpu.memory_space<hbm>> -> memref<128x32xf32, #tpu.memory_space<hbm>>
        tpu.wait_dma2 semaphore(%run_scoped3A_298 : memref<!tpu.dma_semaphore, #tpu.memory_space<semaphore_mem>>) src(%arg24 : memref<128x32xf32, #tpu.memory_space<vmem>>) dst(%dma_wait3A_308 : memref<128x32xf32, #tpu.memory_space<hbm>>)
        tpu.yield
      }) : () -> ()
      "tpu.region"() ({
        %run_scoped3A_298 = tpu.sem_alloc : memref<!tpu.dma_semaphore, #tpu.memory_space<semaphore_mem>>
        %dma_start3A = arith.constant 0 : i32
        %dma_start3A_299 = arith.constant 0 : i32
        %dma_start3A_300 = tpu.memref_slice %arg2[%dma_start3A, %dma_start3A_299] : memref<100096x32xf32, #tpu.memory_space<hbm>> -> memref<100096x32xf32, #tpu.memory_space<hbm>>
        tpu.enqueue_indirect_dma source(%dma_start3A_300 : memref<100096x32xf32, #tpu.memory_space<hbm>>) target(%arg24 : memref<128x32xf32, #tpu.memory_space<vmem>>) offsets(%arg23 : memref<128xi32, #tpu.memory_space<vmem>>) semaphore(%run_scoped3A_298 : memref<!tpu.dma_semaphore, #tpu.memory_space<semaphore_mem>>)
        %dma_wait3A = arith.constant 0 : i32
        %dma_wait3A_301 = arith.constant 0 : i32
        %dma_wait3A_302 = tpu.memref_slice %arg2[%dma_wait3A, %dma_wait3A_301] : memref<100096x32xf32, #tpu.memory_space<hbm>> -> memref<100096x32xf32, #tpu.memory_space<hbm>>
        tpu.wait_indirect_dma semaphore(%run_scoped3A_298 : memref<!tpu.dma_semaphore, #tpu.memory_space<semaphore_mem>>) src(%dma_wait3A_302 : memref<100096x32xf32, #tpu.memory_space<hbm>>) dst(%arg24 : memref<128x32xf32, #tpu.memory_space<vmem>>)
        tpu.yield
      }) : () -> ()
      %mul3A_134 = arith.constant 16384 : i32
      %mul3A_135 = arith.muli %arg0, %mul3A_134 : i32
      %add3A_136 = arith.addi %mul3A_135, %add3A_60 : i32
      %run_scoped3A_137 = arith.constant 0 : i32
      "tpu.region"() ({
        %run_scoped3A_298 = tpu.sem_alloc : memref<!tpu.dma_semaphore, #tpu.memory_space<semaphore_mem>>
        %dma_start3A = arith.constant 0 : i32
        %dma_start3A_299 = tpu.memref_slice %arg12[%run_scoped3A_137, %add3A_136, %dma_start3A] : memref<3x32768x32xf32, #tpu.memory_space<hbm>> -> memref<1x128x32xf32, #tpu.memory_space<hbm>>
        %dma_start3A_300 = tpu.memref_squeeze %dma_start3A_299 : memref<1x128x32xf32, #tpu.memory_space<hbm>> -> memref<128x32xf32, #tpu.memory_space<hbm>>
        %dma_start3A_301 = arith.constant 0 : i32
        %dma_start3A_302 = tpu.memref_slice %arg12[%run_scoped3A_137, %add3A_136, %dma_start3A_301] : memref<3x32768x32xf32, #tpu.memory_space<hbm>> -> memref<1x128x32xf32, #tpu.memory_space<hbm>>
        %dma_start3A_303 = tpu.memref_squeeze %dma_start3A_302 : memref<1x128x32xf32, #tpu.memory_space<hbm>> -> memref<128x32xf32, #tpu.memory_space<hbm>>
        tpu.enqueue_dma source(%arg24 : memref<128x32xf32, #tpu.memory_space<vmem>>) target(%dma_start3A_303 : memref<128x32xf32, #tpu.memory_space<hbm>>) target_semaphore(%run_scoped3A_298 : memref<!tpu.dma_semaphore, #tpu.memory_space<semaphore_mem>>)
        %dma_wait3A = arith.constant 0 : i32
        %dma_wait3A_304 = tpu.memref_slice %arg12[%run_scoped3A_137, %add3A_136, %dma_wait3A] : memref<3x32768x32xf32, #tpu.memory_space<hbm>> -> memref<1x128x32xf32, #tpu.memory_space<hbm>>
        %dma_wait3A_305 = tpu.memref_squeeze %dma_wait3A_304 : memref<1x128x32xf32, #tpu.memory_space<hbm>> -> memref<128x32xf32, #tpu.memory_space<hbm>>
        %dma_wait3A_306 = arith.constant 0 : i32
        %dma_wait3A_307 = tpu.memref_slice %arg12[%run_scoped3A_137, %add3A_136, %dma_wait3A_306] : memref<3x32768x32xf32, #tpu.memory_space<hbm>> -> memref<1x128x32xf32, #tpu.memory_space<hbm>>
        %dma_wait3A_308 = tpu.memref_squeeze %dma_wait3A_307 : memref<1x128x32xf32, #tpu.memory_space<hbm>> -> memref<128x32xf32, #tpu.memory_space<hbm>>
        tpu.wait_dma2 semaphore(%run_scoped3A_298 : memref<!tpu.dma_semaphore, #tpu.memory_space<semaphore_mem>>) src(%arg24 : memref<128x32xf32, #tpu.memory_space<vmem>>) dst(%dma_wait3A_308 : memref<128x32xf32, #tpu.memory_space<hbm>>)
        tpu.yield
      }) : () -> ()
      "tpu.region"() ({
        %run_scoped3A_298 = tpu.sem_alloc : memref<!tpu.dma_semaphore, #tpu.memory_space<semaphore_mem>>
        %dma_start3A = tpu.memref_slice %arg7[%add3A_60] : memref<16384xi32, #tpu.memory_space<hbm>> -> memref<128xi32, #tpu.memory_space<hbm>>
        %dma_start3A_299 = tpu.memref_slice %arg7[%add3A_60] : memref<16384xi32, #tpu.memory_space<hbm>> -> memref<128xi32, #tpu.memory_space<hbm>>
        tpu.enqueue_dma source(%dma_start3A_299 : memref<128xi32, #tpu.memory_space<hbm>>) target(%arg22 : memref<128xi32, #tpu.memory_space<vmem>>) target_semaphore(%run_scoped3A_298 : memref<!tpu.dma_semaphore, #tpu.memory_space<semaphore_mem>>)
        %dma_wait3A = tpu.memref_slice %arg7[%add3A_60] : memref<16384xi32, #tpu.memory_space<hbm>> -> memref<128xi32, #tpu.memory_space<hbm>>
        %dma_wait3A_300 = tpu.memref_slice %arg7[%add3A_60] : memref<16384xi32, #tpu.memory_space<hbm>> -> memref<128xi32, #tpu.memory_space<hbm>>
        tpu.wait_dma2 semaphore(%run_scoped3A_298 : memref<!tpu.dma_semaphore, #tpu.memory_space<semaphore_mem>>) src(%dma_wait3A_300 : memref<128xi32, #tpu.memory_space<hbm>>) dst(%arg22 : memref<128xi32, #tpu.memory_space<vmem>>)
        tpu.yield
      }) : () -> ()
      %get3A_138 = arith.constant 0 : index
      %get3A_139 = tpu.vector_load %arg22[%get3A_138] {strides = array<i32>} : memref<128xi32, #tpu.memory_space<vmem>>, vector<16xi32>,
      %get3A_140 = vector.shape_cast %get3A_139 : vector<16xi32> to vector<16xi32>
      %add3A_141 = vector.broadcast %mul3A_0 : i32 to vector<16xi32>
      %add3A_142 = arith.addi %get3A_140, %add3A_141 : vector<16xi32>
      %swap3A_143 = arith.constant 0 : index
      %swap3A_144 = tpu.vector_load %arg23[%swap3A_143] {strides = array<i32>} : memref<128xi32, #tpu.memory_space<vmem>>, vector<16xi32>,
      %swap3A_145 = vector.shape_cast %swap3A_144 : vector<16xi32> to vector<16xi32>
      %swap3A_146 = vector.shape_cast %add3A_142 : vector<16xi32> to vector<16xi32>
      tpu.vector_store %arg23[%swap3A_143], %swap3A_146 {strides = array<i32>} : memref<128xi32, #tpu.memory_space<vmem>>, vector<16xi32>,
      %get3A_147 = arith.constant 16 : index
      %get3A_148 = tpu.vector_load %arg22[%get3A_147] {strides = array<i32>} : memref<128xi32, #tpu.memory_space<vmem>>, vector<16xi32>,
      %get3A_149 = vector.shape_cast %get3A_148 : vector<16xi32> to vector<16xi32>
      %add3A_150 = vector.broadcast %mul3A_0 : i32 to vector<16xi32>
      %add3A_151 = arith.addi %get3A_149, %add3A_150 : vector<16xi32>
      %swap3A_152 = arith.constant 16 : index
      %swap3A_153 = tpu.vector_load %arg23[%swap3A_152] {strides = array<i32>} : memref<128xi32, #tpu.memory_space<vmem>>, vector<16xi32>,
      %swap3A_154 = vector.shape_cast %swap3A_153 : vector<16xi32> to vector<16xi32>
      %swap3A_155 = vector.shape_cast %add3A_151 : vector<16xi32> to vector<16xi32>
      tpu.vector_store %arg23[%swap3A_152], %swap3A_155 {strides = array<i32>} : memref<128xi32, #tpu.memory_space<vmem>>, vector<16xi32>,
      %get3A_156 = arith.constant 32 : index
      %get3A_157 = tpu.vector_load %arg22[%get3A_156] {strides = array<i32>} : memref<128xi32, #tpu.memory_space<vmem>>, vector<16xi32>,
      %get3A_158 = vector.shape_cast %get3A_157 : vector<16xi32> to vector<16xi32>
      %add3A_159 = vector.broadcast %mul3A_0 : i32 to vector<16xi32>
      %add3A_160 = arith.addi %get3A_158, %add3A_159 : vector<16xi32>
      %swap3A_161 = arith.constant 32 : index
      %swap3A_162 = tpu.vector_load %arg23[%swap3A_161] {strides = array<i32>} : memref<128xi32, #tpu.memory_space<vmem>>, vector<16xi32>,
      %swap3A_163 = vector.shape_cast %swap3A_162 : vector<16xi32> to vector<16xi32>
      %swap3A_164 = vector.shape_cast %add3A_160 : vector<16xi32> to vector<16xi32>
      tpu.vector_store %arg23[%swap3A_161], %swap3A_164 {strides = array<i32>} : memref<128xi32, #tpu.memory_space<vmem>>, vector<16xi32>,
      %get3A_165 = arith.constant 48 : index
      %get3A_166 = tpu.vector_load %arg22[%get3A_165] {strides = array<i32>} : memref<128xi32, #tpu.memory_space<vmem>>, vector<16xi32>,
      %get3A_167 = vector.shape_cast %get3A_166 : vector<16xi32> to vector<16xi32>
      %add3A_168 = vector.broadcast %mul3A_0 : i32 to vector<16xi32>
      %add3A_169 = arith.addi %get3A_167, %add3A_168 : vector<16xi32>
      %swap3A_170 = arith.constant 48 : index
      %swap3A_171 = tpu.vector_load %arg23[%swap3A_170] {strides = array<i32>} : memref<128xi32, #tpu.memory_space<vmem>>, vector<16xi32>,
      %swap3A_172 = vector.shape_cast %swap3A_171 : vector<16xi32> to vector<16xi32>
      %swap3A_173 = vector.shape_cast %add3A_169 : vector<16xi32> to vector<16xi32>
      tpu.vector_store %arg23[%swap3A_170], %swap3A_173 {strides = array<i32>} : memref<128xi32, #tpu.memory_space<vmem>>, vector<16xi32>,
      %get3A_174 = arith.constant 64 : index
      %get3A_175 = tpu.vector_load %arg22[%get3A_174] {strides = array<i32>} : memref<128xi32, #tpu.memory_space<vmem>>, vector<16xi32>,
      %get3A_176 = vector.shape_cast %get3A_175 : vector<16xi32> to vector<16xi32>
      %add3A_177 = vector.broadcast %mul3A_0 : i32 to vector<16xi32>
      %add3A_178 = arith.addi %get3A_176, %add3A_177 : vector<16xi32>
      %swap3A_179 = arith.constant 64 : index
      %swap3A_180 = tpu.vector_load %arg23[%swap3A_179] {strides = array<i32>} : memref<128xi32, #tpu.memory_space<vmem>>, vector<16xi32>,
      %swap3A_181 = vector.shape_cast %swap3A_180 : vector<16xi32> to vector<16xi32>
      %swap3A_182 = vector.shape_cast %add3A_178 : vector<16xi32> to vector<16xi32>
      tpu.vector_store %arg23[%swap3A_179], %swap3A_182 {strides = array<i32>} : memref<128xi32, #tpu.memory_space<vmem>>, vector<16xi32>,
      %get3A_183 = arith.constant 80 : index
      %get3A_184 = tpu.vector_load %arg22[%get3A_183] {strides = array<i32>} : memref<128xi32, #tpu.memory_space<vmem>>, vector<16xi32>,
      %get3A_185 = vector.shape_cast %get3A_184 : vector<16xi32> to vector<16xi32>
      %add3A_186 = vector.broadcast %mul3A_0 : i32 to vector<16xi32>
      %add3A_187 = arith.addi %get3A_185, %add3A_186 : vector<16xi32>
      %swap3A_188 = arith.constant 80 : index
      %swap3A_189 = tpu.vector_load %arg23[%swap3A_188] {strides = array<i32>} : memref<128xi32, #tpu.memory_space<vmem>>, vector<16xi32>,
      %swap3A_190 = vector.shape_cast %swap3A_189 : vector<16xi32> to vector<16xi32>
      %swap3A_191 = vector.shape_cast %add3A_187 : vector<16xi32> to vector<16xi32>
      tpu.vector_store %arg23[%swap3A_188], %swap3A_191 {strides = array<i32>} : memref<128xi32, #tpu.memory_space<vmem>>, vector<16xi32>,
      %get3A_192 = arith.constant 96 : index
      %get3A_193 = tpu.vector_load %arg22[%get3A_192] {strides = array<i32>} : memref<128xi32, #tpu.memory_space<vmem>>, vector<16xi32>,
      %get3A_194 = vector.shape_cast %get3A_193 : vector<16xi32> to vector<16xi32>
      %add3A_195 = vector.broadcast %mul3A_0 : i32 to vector<16xi32>
      %add3A_196 = arith.addi %get3A_194, %add3A_195 : vector<16xi32>
      %swap3A_197 = arith.constant 96 : index
      %swap3A_198 = tpu.vector_load %arg23[%swap3A_197] {strides = array<i32>} : memref<128xi32, #tpu.memory_space<vmem>>, vector<16xi32>,
      %swap3A_199 = vector.shape_cast %swap3A_198 : vector<16xi32> to vector<16xi32>
      %swap3A_200 = vector.shape_cast %add3A_196 : vector<16xi32> to vector<16xi32>
      tpu.vector_store %arg23[%swap3A_197], %swap3A_200 {strides = array<i32>} : memref<128xi32, #tpu.memory_space<vmem>>, vector<16xi32>,
      %get3A_201 = arith.constant 112 : index
      %get3A_202 = tpu.vector_load %arg22[%get3A_201] {strides = array<i32>} : memref<128xi32, #tpu.memory_space<vmem>>, vector<16xi32>,
      %get3A_203 = vector.shape_cast %get3A_202 : vector<16xi32> to vector<16xi32>
      %add3A_204 = vector.broadcast %mul3A_0 : i32 to vector<16xi32>
      %add3A_205 = arith.addi %get3A_203, %add3A_204 : vector<16xi32>
      %swap3A_206 = arith.constant 112 : index
      %swap3A_207 = tpu.vector_load %arg23[%swap3A_206] {strides = array<i32>} : memref<128xi32, #tpu.memory_space<vmem>>, vector<16xi32>,
      %swap3A_208 = vector.shape_cast %swap3A_207 : vector<16xi32> to vector<16xi32>
      %swap3A_209 = vector.shape_cast %add3A_205 : vector<16xi32> to vector<16xi32>
      tpu.vector_store %arg23[%swap3A_206], %swap3A_209 {strides = array<i32>} : memref<128xi32, #tpu.memory_space<vmem>>, vector<16xi32>,
      "tpu.region"() ({
        %run_scoped3A_298 = tpu.sem_alloc : memref<!tpu.dma_semaphore, #tpu.memory_space<semaphore_mem>>
        %dma_start3A = arith.constant 0 : i32
        %dma_start3A_299 = arith.constant 0 : i32
        %dma_start3A_300 = tpu.memref_slice %arg10[%dma_start3A, %dma_start3A_299] : memref<100096x32xf32, #tpu.memory_space<hbm>> -> memref<100096x32xf32, #tpu.memory_space<hbm>>
        tpu.enqueue_indirect_dma source(%dma_start3A_300 : memref<100096x32xf32, #tpu.memory_space<hbm>>) target(%arg24 : memref<128x32xf32, #tpu.memory_space<vmem>>) offsets(%arg23 : memref<128xi32, #tpu.memory_space<vmem>>) semaphore(%run_scoped3A_298 : memref<!tpu.dma_semaphore, #tpu.memory_space<semaphore_mem>>)
        %dma_wait3A = arith.constant 0 : i32
        %dma_wait3A_301 = arith.constant 0 : i32
        %dma_wait3A_302 = tpu.memref_slice %arg10[%dma_wait3A, %dma_wait3A_301] : memref<100096x32xf32, #tpu.memory_space<hbm>> -> memref<100096x32xf32, #tpu.memory_space<hbm>>
        tpu.wait_indirect_dma semaphore(%run_scoped3A_298 : memref<!tpu.dma_semaphore, #tpu.memory_space<semaphore_mem>>) src(%dma_wait3A_302 : memref<100096x32xf32, #tpu.memory_space<hbm>>) dst(%arg24 : memref<128x32xf32, #tpu.memory_space<vmem>>)
        tpu.yield
      }) : () -> ()
      %mul3A_210 = arith.constant 16384 : i32
      %mul3A_211 = arith.muli %arg0, %mul3A_210 : i32
      %add3A_212 = arith.addi %mul3A_211, %add3A_60 : i32
      %run_scoped3A_213 = arith.constant 1 : i32
      "tpu.region"() ({
        %run_scoped3A_298 = tpu.sem_alloc : memref<!tpu.dma_semaphore, #tpu.memory_space<semaphore_mem>>
        %dma_start3A = arith.constant 0 : i32
        %dma_start3A_299 = tpu.memref_slice %arg11[%run_scoped3A_213, %add3A_212, %dma_start3A] : memref<3x32768x32xf32, #tpu.memory_space<hbm>> -> memref<1x128x32xf32, #tpu.memory_space<hbm>>
        %dma_start3A_300 = tpu.memref_squeeze %dma_start3A_299 : memref<1x128x32xf32, #tpu.memory_space<hbm>> -> memref<128x32xf32, #tpu.memory_space<hbm>>
        %dma_start3A_301 = arith.constant 0 : i32
        %dma_start3A_302 = tpu.memref_slice %arg11[%run_scoped3A_213, %add3A_212, %dma_start3A_301] : memref<3x32768x32xf32, #tpu.memory_space<hbm>> -> memref<1x128x32xf32, #tpu.memory_space<hbm>>
        %dma_start3A_303 = tpu.memref_squeeze %dma_start3A_302 : memref<1x128x32xf32, #tpu.memory_space<hbm>> -> memref<128x32xf32, #tpu.memory_space<hbm>>
        tpu.enqueue_dma source(%arg24 : memref<128x32xf32, #tpu.memory_space<vmem>>) target(%dma_start3A_303 : memref<128x32xf32, #tpu.memory_space<hbm>>) target_semaphore(%run_scoped3A_298 : memref<!tpu.dma_semaphore, #tpu.memory_space<semaphore_mem>>)
        %dma_wait3A = arith.constant 0 : i32
        %dma_wait3A_304 = tpu.memref_slice %arg11[%run_scoped3A_213, %add3A_212, %dma_wait3A] : memref<3x32768x32xf32, #tpu.memory_space<hbm>> -> memref<1x128x32xf32, #tpu.memory_space<hbm>>
        %dma_wait3A_305 = tpu.memref_squeeze %dma_wait3A_304 : memref<1x128x32xf32, #tpu.memory_space<hbm>> -> memref<128x32xf32, #tpu.memory_space<hbm>>
        %dma_wait3A_306 = arith.constant 0 : i32
        %dma_wait3A_307 = tpu.memref_slice %arg11[%run_scoped3A_213, %add3A_212, %dma_wait3A_306] : memref<3x32768x32xf32, #tpu.memory_space<hbm>> -> memref<1x128x32xf32, #tpu.memory_space<hbm>>
        %dma_wait3A_308 = tpu.memref_squeeze %dma_wait3A_307 : memref<1x128x32xf32, #tpu.memory_space<hbm>> -> memref<128x32xf32, #tpu.memory_space<hbm>>
        tpu.wait_dma2 semaphore(%run_scoped3A_298 : memref<!tpu.dma_semaphore, #tpu.memory_space<semaphore_mem>>) src(%arg24 : memref<128x32xf32, #tpu.memory_space<vmem>>) dst(%dma_wait3A_308 : memref<128x32xf32, #tpu.memory_space<hbm>>)
        tpu.yield
      }) : () -> ()
      "tpu.region"() ({
        %run_scoped3A_298 = tpu.sem_alloc : memref<!tpu.dma_semaphore, #tpu.memory_space<semaphore_mem>>
        %dma_start3A = arith.constant 0 : i32
        %dma_start3A_299 = arith.constant 0 : i32
        %dma_start3A_300 = tpu.memref_slice %arg2[%dma_start3A, %dma_start3A_299] : memref<100096x32xf32, #tpu.memory_space<hbm>> -> memref<100096x32xf32, #tpu.memory_space<hbm>>
        tpu.enqueue_indirect_dma source(%dma_start3A_300 : memref<100096x32xf32, #tpu.memory_space<hbm>>) target(%arg24 : memref<128x32xf32, #tpu.memory_space<vmem>>) offsets(%arg23 : memref<128xi32, #tpu.memory_space<vmem>>) semaphore(%run_scoped3A_298 : memref<!tpu.dma_semaphore, #tpu.memory_space<semaphore_mem>>)
        %dma_wait3A = arith.constant 0 : i32
        %dma_wait3A_301 = arith.constant 0 : i32
        %dma_wait3A_302 = tpu.memref_slice %arg2[%dma_wait3A, %dma_wait3A_301] : memref<100096x32xf32, #tpu.memory_space<hbm>> -> memref<100096x32xf32, #tpu.memory_space<hbm>>
        tpu.wait_indirect_dma semaphore(%run_scoped3A_298 : memref<!tpu.dma_semaphore, #tpu.memory_space<semaphore_mem>>) src(%dma_wait3A_302 : memref<100096x32xf32, #tpu.memory_space<hbm>>) dst(%arg24 : memref<128x32xf32, #tpu.memory_space<vmem>>)
        tpu.yield
      }) : () -> ()
      %mul3A_214 = arith.constant 16384 : i32
      %mul3A_215 = arith.muli %arg0, %mul3A_214 : i32
      %add3A_216 = arith.addi %mul3A_215, %add3A_60 : i32
      %run_scoped3A_217 = arith.constant 1 : i32
      "tpu.region"() ({
        %run_scoped3A_298 = tpu.sem_alloc : memref<!tpu.dma_semaphore, #tpu.memory_space<semaphore_mem>>
        %dma_start3A = arith.constant 0 : i32
        %dma_start3A_299 = tpu.memref_slice %arg12[%run_scoped3A_217, %add3A_216, %dma_start3A] : memref<3x32768x32xf32, #tpu.memory_space<hbm>> -> memref<1x128x32xf32, #tpu.memory_space<hbm>>
        %dma_start3A_300 = tpu.memref_squeeze %dma_start3A_299 : memref<1x128x32xf32, #tpu.memory_space<hbm>> -> memref<128x32xf32, #tpu.memory_space<hbm>>
        %dma_start3A_301 = arith.constant 0 : i32
        %dma_start3A_302 = tpu.memref_slice %arg12[%run_scoped3A_217, %add3A_216, %dma_start3A_301] : memref<3x32768x32xf32, #tpu.memory_space<hbm>> -> memref<1x128x32xf32, #tpu.memory_space<hbm>>
        %dma_start3A_303 = tpu.memref_squeeze %dma_start3A_302 : memref<1x128x32xf32, #tpu.memory_space<hbm>> -> memref<128x32xf32, #tpu.memory_space<hbm>>
        tpu.enqueue_dma source(%arg24 : memref<128x32xf32, #tpu.memory_space<vmem>>) target(%dma_start3A_303 : memref<128x32xf32, #tpu.memory_space<hbm>>) target_semaphore(%run_scoped3A_298 : memref<!tpu.dma_semaphore, #tpu.memory_space<semaphore_mem>>)
        %dma_wait3A = arith.constant 0 : i32
        %dma_wait3A_304 = tpu.memref_slice %arg12[%run_scoped3A_217, %add3A_216, %dma_wait3A] : memref<3x32768x32xf32, #tpu.memory_space<hbm>> -> memref<1x128x32xf32, #tpu.memory_space<hbm>>
        %dma_wait3A_305 = tpu.memref_squeeze %dma_wait3A_304 : memref<1x128x32xf32, #tpu.memory_space<hbm>> -> memref<128x32xf32, #tpu.memory_space<hbm>>
        %dma_wait3A_306 = arith.constant 0 : i32
        %dma_wait3A_307 = tpu.memref_slice %arg12[%run_scoped3A_217, %add3A_216, %dma_wait3A_306] : memref<3x32768x32xf32, #tpu.memory_space<hbm>> -> memref<1x128x32xf32, #tpu.memory_space<hbm>>
        %dma_wait3A_308 = tpu.memref_squeeze %dma_wait3A_307 : memref<1x128x32xf32, #tpu.memory_space<hbm>> -> memref<128x32xf32, #tpu.memory_space<hbm>>
        tpu.wait_dma2 semaphore(%run_scoped3A_298 : memref<!tpu.dma_semaphore, #tpu.memory_space<semaphore_mem>>) src(%arg24 : memref<128x32xf32, #tpu.memory_space<vmem>>) dst(%dma_wait3A_308 : memref<128x32xf32, #tpu.memory_space<hbm>>)
        tpu.yield
      }) : () -> ()
      "tpu.region"() ({
        %run_scoped3A_298 = tpu.sem_alloc : memref<!tpu.dma_semaphore, #tpu.memory_space<semaphore_mem>>
        %dma_start3A = tpu.memref_slice %arg8[%add3A_60] : memref<16384xi32, #tpu.memory_space<hbm>> -> memref<128xi32, #tpu.memory_space<hbm>>
        %dma_start3A_299 = tpu.memref_slice %arg8[%add3A_60] : memref<16384xi32, #tpu.memory_space<hbm>> -> memref<128xi32, #tpu.memory_space<hbm>>
        tpu.enqueue_dma source(%dma_start3A_299 : memref<128xi32, #tpu.memory_space<hbm>>) target(%arg22 : memref<128xi32, #tpu.memory_space<vmem>>) target_semaphore(%run_scoped3A_298 : memref<!tpu.dma_semaphore, #tpu.memory_space<semaphore_mem>>)
        %dma_wait3A = tpu.memref_slice %arg8[%add3A_60] : memref<16384xi32, #tpu.memory_space<hbm>> -> memref<128xi32, #tpu.memory_space<hbm>>
        %dma_wait3A_300 = tpu.memref_slice %arg8[%add3A_60] : memref<16384xi32, #tpu.memory_space<hbm>> -> memref<128xi32, #tpu.memory_space<hbm>>
        tpu.wait_dma2 semaphore(%run_scoped3A_298 : memref<!tpu.dma_semaphore, #tpu.memory_space<semaphore_mem>>) src(%dma_wait3A_300 : memref<128xi32, #tpu.memory_space<hbm>>) dst(%arg22 : memref<128xi32, #tpu.memory_space<vmem>>)
        tpu.yield
      }) : () -> ()
      %get3A_218 = arith.constant 0 : index
      %get3A_219 = tpu.vector_load %arg22[%get3A_218] {strides = array<i32>} : memref<128xi32, #tpu.memory_space<vmem>>, vector<16xi32>,
      %get3A_220 = vector.shape_cast %get3A_219 : vector<16xi32> to vector<16xi32>
      %add3A_221 = vector.broadcast %mul3A_0 : i32 to vector<16xi32>
      %add3A_222 = arith.addi %get3A_220, %add3A_221 : vector<16xi32>
      %swap3A_223 = arith.constant 0 : index
      %swap3A_224 = tpu.vector_load %arg23[%swap3A_223] {strides = array<i32>} : memref<128xi32, #tpu.memory_space<vmem>>, vector<16xi32>,
      %swap3A_225 = vector.shape_cast %swap3A_224 : vector<16xi32> to vector<16xi32>
      %swap3A_226 = vector.shape_cast %add3A_222 : vector<16xi32> to vector<16xi32>
      tpu.vector_store %arg23[%swap3A_223], %swap3A_226 {strides = array<i32>} : memref<128xi32, #tpu.memory_space<vmem>>, vector<16xi32>,
      %get3A_227 = arith.constant 16 : index
      %get3A_228 = tpu.vector_load %arg22[%get3A_227] {strides = array<i32>} : memref<128xi32, #tpu.memory_space<vmem>>, vector<16xi32>,
      %get3A_229 = vector.shape_cast %get3A_228 : vector<16xi32> to vector<16xi32>
      %add3A_230 = vector.broadcast %mul3A_0 : i32 to vector<16xi32>
      %add3A_231 = arith.addi %get3A_229, %add3A_230 : vector<16xi32>
      %swap3A_232 = arith.constant 16 : index
      %swap3A_233 = tpu.vector_load %arg23[%swap3A_232] {strides = array<i32>} : memref<128xi32, #tpu.memory_space<vmem>>, vector<16xi32>,
      %swap3A_234 = vector.shape_cast %swap3A_233 : vector<16xi32> to vector<16xi32>
      %swap3A_235 = vector.shape_cast %add3A_231 : vector<16xi32> to vector<16xi32>
      tpu.vector_store %arg23[%swap3A_232], %swap3A_235 {strides = array<i32>} : memref<128xi32, #tpu.memory_space<vmem>>, vector<16xi32>,
      %get3A_236 = arith.constant 32 : index
      %get3A_237 = tpu.vector_load %arg22[%get3A_236] {strides = array<i32>} : memref<128xi32, #tpu.memory_space<vmem>>, vector<16xi32>,
      %get3A_238 = vector.shape_cast %get3A_237 : vector<16xi32> to vector<16xi32>
      %add3A_239 = vector.broadcast %mul3A_0 : i32 to vector<16xi32>
      %add3A_240 = arith.addi %get3A_238, %add3A_239 : vector<16xi32>
      %swap3A_241 = arith.constant 32 : index
      %swap3A_242 = tpu.vector_load %arg23[%swap3A_241] {strides = array<i32>} : memref<128xi32, #tpu.memory_space<vmem>>, vector<16xi32>,
      %swap3A_243 = vector.shape_cast %swap3A_242 : vector<16xi32> to vector<16xi32>
      %swap3A_244 = vector.shape_cast %add3A_240 : vector<16xi32> to vector<16xi32>
      tpu.vector_store %arg23[%swap3A_241], %swap3A_244 {strides = array<i32>} : memref<128xi32, #tpu.memory_space<vmem>>, vector<16xi32>,
      %get3A_245 = arith.constant 48 : index
      %get3A_246 = tpu.vector_load %arg22[%get3A_245] {strides = array<i32>} : memref<128xi32, #tpu.memory_space<vmem>>, vector<16xi32>,
      %get3A_247 = vector.shape_cast %get3A_246 : vector<16xi32> to vector<16xi32>
      %add3A_248 = vector.broadcast %mul3A_0 : i32 to vector<16xi32>
      %add3A_249 = arith.addi %get3A_247, %add3A_248 : vector<16xi32>
      %swap3A_250 = arith.constant 48 : index
      %swap3A_251 = tpu.vector_load %arg23[%swap3A_250] {strides = array<i32>} : memref<128xi32, #tpu.memory_space<vmem>>, vector<16xi32>,
      %swap3A_252 = vector.shape_cast %swap3A_251 : vector<16xi32> to vector<16xi32>
      %swap3A_253 = vector.shape_cast %add3A_249 : vector<16xi32> to vector<16xi32>
      tpu.vector_store %arg23[%swap3A_250], %swap3A_253 {strides = array<i32>} : memref<128xi32, #tpu.memory_space<vmem>>, vector<16xi32>,
      %get3A_254 = arith.constant 64 : index
      %get3A_255 = tpu.vector_load %arg22[%get3A_254] {strides = array<i32>} : memref<128xi32, #tpu.memory_space<vmem>>, vector<16xi32>,
      %get3A_256 = vector.shape_cast %get3A_255 : vector<16xi32> to vector<16xi32>
      %add3A_257 = vector.broadcast %mul3A_0 : i32 to vector<16xi32>
      %add3A_258 = arith.addi %get3A_256, %add3A_257 : vector<16xi32>
      %swap3A_259 = arith.constant 64 : index
      %swap3A_260 = tpu.vector_load %arg23[%swap3A_259] {strides = array<i32>} : memref<128xi32, #tpu.memory_space<vmem>>, vector<16xi32>,
      %swap3A_261 = vector.shape_cast %swap3A_260 : vector<16xi32> to vector<16xi32>
      %swap3A_262 = vector.shape_cast %add3A_258 : vector<16xi32> to vector<16xi32>
      tpu.vector_store %arg23[%swap3A_259], %swap3A_262 {strides = array<i32>} : memref<128xi32, #tpu.memory_space<vmem>>, vector<16xi32>,
      %get3A_263 = arith.constant 80 : index
      %get3A_264 = tpu.vector_load %arg22[%get3A_263] {strides = array<i32>} : memref<128xi32, #tpu.memory_space<vmem>>, vector<16xi32>,
      %get3A_265 = vector.shape_cast %get3A_264 : vector<16xi32> to vector<16xi32>
      %add3A_266 = vector.broadcast %mul3A_0 : i32 to vector<16xi32>
      %add3A_267 = arith.addi %get3A_265, %add3A_266 : vector<16xi32>
      %swap3A_268 = arith.constant 80 : index
      %swap3A_269 = tpu.vector_load %arg23[%swap3A_268] {strides = array<i32>} : memref<128xi32, #tpu.memory_space<vmem>>, vector<16xi32>,
      %swap3A_270 = vector.shape_cast %swap3A_269 : vector<16xi32> to vector<16xi32>
      %swap3A_271 = vector.shape_cast %add3A_267 : vector<16xi32> to vector<16xi32>
      tpu.vector_store %arg23[%swap3A_268], %swap3A_271 {strides = array<i32>} : memref<128xi32, #tpu.memory_space<vmem>>, vector<16xi32>,
      %get3A_272 = arith.constant 96 : index
      %get3A_273 = tpu.vector_load %arg22[%get3A_272] {strides = array<i32>} : memref<128xi32, #tpu.memory_space<vmem>>, vector<16xi32>,
      %get3A_274 = vector.shape_cast %get3A_273 : vector<16xi32> to vector<16xi32>
      %add3A_275 = vector.broadcast %mul3A_0 : i32 to vector<16xi32>
      %add3A_276 = arith.addi %get3A_274, %add3A_275 : vector<16xi32>
      %swap3A_277 = arith.constant 96 : index
      %swap3A_278 = tpu.vector_load %arg23[%swap3A_277] {strides = array<i32>} : memref<128xi32, #tpu.memory_space<vmem>>, vector<16xi32>,
      %swap3A_279 = vector.shape_cast %swap3A_278 : vector<16xi32> to vector<16xi32>
      %swap3A_280 = vector.shape_cast %add3A_276 : vector<16xi32> to vector<16xi32>
      tpu.vector_store %arg23[%swap3A_277], %swap3A_280 {strides = array<i32>} : memref<128xi32, #tpu.memory_space<vmem>>, vector<16xi32>,
      %get3A_281 = arith.constant 112 : index
      %get3A_282 = tpu.vector_load %arg22[%get3A_281] {strides = array<i32>} : memref<128xi32, #tpu.memory_space<vmem>>, vector<16xi32>,
      %get3A_283 = vector.shape_cast %get3A_282 : vector<16xi32> to vector<16xi32>
      %add3A_284 = vector.broadcast %mul3A_0 : i32 to vector<16xi32>
      %add3A_285 = arith.addi %get3A_283, %add3A_284 : vector<16xi32>
      %swap3A_286 = arith.constant 112 : index
      %swap3A_287 = tpu.vector_load %arg23[%swap3A_286] {strides = array<i32>} : memref<128xi32, #tpu.memory_space<vmem>>, vector<16xi32>,
      %swap3A_288 = vector.shape_cast %swap3A_287 : vector<16xi32> to vector<16xi32>
      %swap3A_289 = vector.shape_cast %add3A_285 : vector<16xi32> to vector<16xi32>
      tpu.vector_store %arg23[%swap3A_286], %swap3A_289 {strides = array<i32>} : memref<128xi32, #tpu.memory_space<vmem>>, vector<16xi32>,
      "tpu.region"() ({
        %run_scoped3A_298 = tpu.sem_alloc : memref<!tpu.dma_semaphore, #tpu.memory_space<semaphore_mem>>
        %dma_start3A = arith.constant 0 : i32
        %dma_start3A_299 = arith.constant 0 : i32
        %dma_start3A_300 = tpu.memref_slice %arg10[%dma_start3A, %dma_start3A_299] : memref<100096x32xf32, #tpu.memory_space<hbm>> -> memref<100096x32xf32, #tpu.memory_space<hbm>>
        tpu.enqueue_indirect_dma source(%dma_start3A_300 : memref<100096x32xf32, #tpu.memory_space<hbm>>) target(%arg24 : memref<128x32xf32, #tpu.memory_space<vmem>>) offsets(%arg23 : memref<128xi32, #tpu.memory_space<vmem>>) semaphore(%run_scoped3A_298 : memref<!tpu.dma_semaphore, #tpu.memory_space<semaphore_mem>>)
        %dma_wait3A = arith.constant 0 : i32
        %dma_wait3A_301 = arith.constant 0 : i32
        %dma_wait3A_302 = tpu.memref_slice %arg10[%dma_wait3A, %dma_wait3A_301] : memref<100096x32xf32, #tpu.memory_space<hbm>> -> memref<100096x32xf32, #tpu.memory_space<hbm>>
        tpu.wait_indirect_dma semaphore(%run_scoped3A_298 : memref<!tpu.dma_semaphore, #tpu.memory_space<semaphore_mem>>) src(%dma_wait3A_302 : memref<100096x32xf32, #tpu.memory_space<hbm>>) dst(%arg24 : memref<128x32xf32, #tpu.memory_space<vmem>>)
        tpu.yield
      }) : () -> ()
      %mul3A_290 = arith.constant 16384 : i32
      %mul3A_291 = arith.muli %arg0, %mul3A_290 : i32
      %add3A_292 = arith.addi %mul3A_291, %add3A_60 : i32
      %run_scoped3A_293 = arith.constant 2 : i32
      "tpu.region"() ({
        %run_scoped3A_298 = tpu.sem_alloc : memref<!tpu.dma_semaphore, #tpu.memory_space<semaphore_mem>>
        %dma_start3A = arith.constant 0 : i32
        %dma_start3A_299 = tpu.memref_slice %arg11[%run_scoped3A_293, %add3A_292, %dma_start3A] : memref<3x32768x32xf32, #tpu.memory_space<hbm>> -> memref<1x128x32xf32, #tpu.memory_space<hbm>>
        %dma_start3A_300 = tpu.memref_squeeze %dma_start3A_299 : memref<1x128x32xf32, #tpu.memory_space<hbm>> -> memref<128x32xf32, #tpu.memory_space<hbm>>
        %dma_start3A_301 = arith.constant 0 : i32
        %dma_start3A_302 = tpu.memref_slice %arg11[%run_scoped3A_293, %add3A_292, %dma_start3A_301] : memref<3x32768x32xf32, #tpu.memory_space<hbm>> -> memref<1x128x32xf32, #tpu.memory_space<hbm>>
        %dma_start3A_303 = tpu.memref_squeeze %dma_start3A_302 : memref<1x128x32xf32, #tpu.memory_space<hbm>> -> memref<128x32xf32, #tpu.memory_space<hbm>>
        tpu.enqueue_dma source(%arg24 : memref<128x32xf32, #tpu.memory_space<vmem>>) target(%dma_start3A_303 : memref<128x32xf32, #tpu.memory_space<hbm>>) target_semaphore(%run_scoped3A_298 : memref<!tpu.dma_semaphore, #tpu.memory_space<semaphore_mem>>)
        %dma_wait3A = arith.constant 0 : i32
        %dma_wait3A_304 = tpu.memref_slice %arg11[%run_scoped3A_293, %add3A_292, %dma_wait3A] : memref<3x32768x32xf32, #tpu.memory_space<hbm>> -> memref<1x128x32xf32, #tpu.memory_space<hbm>>
        %dma_wait3A_305 = tpu.memref_squeeze %dma_wait3A_304 : memref<1x128x32xf32, #tpu.memory_space<hbm>> -> memref<128x32xf32, #tpu.memory_space<hbm>>
        %dma_wait3A_306 = arith.constant 0 : i32
        %dma_wait3A_307 = tpu.memref_slice %arg11[%run_scoped3A_293, %add3A_292, %dma_wait3A_306] : memref<3x32768x32xf32, #tpu.memory_space<hbm>> -> memref<1x128x32xf32, #tpu.memory_space<hbm>>
        %dma_wait3A_308 = tpu.memref_squeeze %dma_wait3A_307 : memref<1x128x32xf32, #tpu.memory_space<hbm>> -> memref<128x32xf32, #tpu.memory_space<hbm>>
        tpu.wait_dma2 semaphore(%run_scoped3A_298 : memref<!tpu.dma_semaphore, #tpu.memory_space<semaphore_mem>>) src(%arg24 : memref<128x32xf32, #tpu.memory_space<vmem>>) dst(%dma_wait3A_308 : memref<128x32xf32, #tpu.memory_space<hbm>>)
        tpu.yield
      }) : () -> ()
      "tpu.region"() ({
        %run_scoped3A_298 = tpu.sem_alloc : memref<!tpu.dma_semaphore, #tpu.memory_space<semaphore_mem>>
        %dma_start3A = arith.constant 0 : i32
        %dma_start3A_299 = arith.constant 0 : i32
        %dma_start3A_300 = tpu.memref_slice %arg2[%dma_start3A, %dma_start3A_299] : memref<100096x32xf32, #tpu.memory_space<hbm>> -> memref<100096x32xf32, #tpu.memory_space<hbm>>
        tpu.enqueue_indirect_dma source(%dma_start3A_300 : memref<100096x32xf32, #tpu.memory_space<hbm>>) target(%arg24 : memref<128x32xf32, #tpu.memory_space<vmem>>) offsets(%arg23 : memref<128xi32, #tpu.memory_space<vmem>>) semaphore(%run_scoped3A_298 : memref<!tpu.dma_semaphore, #tpu.memory_space<semaphore_mem>>)
        %dma_wait3A = arith.constant 0 : i32
        %dma_wait3A_301 = arith.constant 0 : i32
        %dma_wait3A_302 = tpu.memref_slice %arg2[%dma_wait3A, %dma_wait3A_301] : memref<100096x32xf32, #tpu.memory_space<hbm>> -> memref<100096x32xf32, #tpu.memory_space<hbm>>
        tpu.wait_indirect_dma semaphore(%run_scoped3A_298 : memref<!tpu.dma_semaphore, #tpu.memory_space<semaphore_mem>>) src(%dma_wait3A_302 : memref<100096x32xf32, #tpu.memory_space<hbm>>) dst(%arg24 : memref<128x32xf32, #tpu.memory_space<vmem>>)
        tpu.yield
      }) : () -> ()
      %mul3A_294 = arith.constant 16384 : i32
      %mul3A_295 = arith.muli %arg0, %mul3A_294 : i32
      %add3A_296 = arith.addi %mul3A_295, %add3A_60 : i32
      %run_scoped3A_297 = arith.constant 2 : i32
      "tpu.region"() ({
        %run_scoped3A_298 = tpu.sem_alloc : memref<!tpu.dma_semaphore, #tpu.memory_space<semaphore_mem>>
        %dma_start3A = arith.constant 0 : i32
        %dma_start3A_299 = tpu.memref_slice %arg12[%run_scoped3A_297, %add3A_296, %dma_start3A] : memref<3x32768x32xf32, #tpu.memory_space<hbm>> -> memref<1x128x32xf32, #tpu.memory_space<hbm>>
        %dma_start3A_300 = tpu.memref_squeeze %dma_start3A_299 : memref<1x128x32xf32, #tpu.memory_space<hbm>> -> memref<128x32xf32, #tpu.memory_space<hbm>>
        %dma_start3A_301 = arith.constant 0 : i32
        %dma_start3A_302 = tpu.memref_slice %arg12[%run_scoped3A_297, %add3A_296, %dma_start3A_301] : memref<3x32768x32xf32, #tpu.memory_space<hbm>> -> memref<1x128x32xf32, #tpu.memory_space<hbm>>
        %dma_start3A_303 = tpu.memref_squeeze %dma_start3A_302 : memref<1x128x32xf32, #tpu.memory_space<hbm>> -> memref<128x32xf32, #tpu.memory_space<hbm>>
        tpu.enqueue_dma source(%arg24 : memref<128x32xf32, #tpu.memory_space<vmem>>) target(%dma_start3A_303 : memref<128x32xf32, #tpu.memory_space<hbm>>) target_semaphore(%run_scoped3A_298 : memref<!tpu.dma_semaphore, #tpu.memory_space<semaphore_mem>>)
        %dma_wait3A = arith.constant 0 : i32
        %dma_wait3A_304 = tpu.memref_slice %arg12[%run_scoped3A_297, %add3A_296, %dma_wait3A] : memref<3x32768x32xf32, #tpu.memory_space<hbm>> -> memref<1x128x32xf32, #tpu.memory_space<hbm>>
        %dma_wait3A_305 = tpu.memref_squeeze %dma_wait3A_304 : memref<1x128x32xf32, #tpu.memory_space<hbm>> -> memref<128x32xf32, #tpu.memory_space<hbm>>
        %dma_wait3A_306 = arith.constant 0 : i32
        %dma_wait3A_307 = tpu.memref_slice %arg12[%run_scoped3A_297, %add3A_296, %dma_wait3A_306] : memref<3x32768x32xf32, #tpu.memory_space<hbm>> -> memref<1x128x32xf32, #tpu.memory_space<hbm>>
        %dma_wait3A_308 = tpu.memref_squeeze %dma_wait3A_307 : memref<1x128x32xf32, #tpu.memory_space<hbm>> -> memref<128x32xf32, #tpu.memory_space<hbm>>
        tpu.wait_dma2 semaphore(%run_scoped3A_298 : memref<!tpu.dma_semaphore, #tpu.memory_space<semaphore_mem>>) src(%arg24 : memref<128x32xf32, #tpu.memory_space<vmem>>) dst(%dma_wait3A_308 : memref<128x32xf32, #tpu.memory_space<hbm>>)
        tpu.yield
      }) : () -> ()
    }
    %scan3A_51 = arith.constant 8 : i32
    return
  }
}

module attributes {stable_mosaic.version = 14 : i64} {
  func.func @_tc_finish(%arg0: memref<3x8192x128xf32, #tpu.memory_space<vmem>>, %arg1: memref<3x8192x128xf32, #tpu.memory_space<vmem>>, %arg2: memref<8x128xf32, #tpu.memory_space<vmem>>) attributes {dimension_semantics = [], scalar_prefetch = 0 : i64, scratch_operands = 0 : i64, tpu.core_type = #tpu.core_type<tc>} {
    %get3A = arith.constant 0 : index
    %get3A_0 = arith.constant 0 : index
    %get3A_1 = arith.constant 0 : index
    %get3A_2 = vector.load %arg0[%get3A, %get3A_0, %get3A_1] : memref<3x8192x128xf32, #tpu.memory_space<vmem>>, vector<1x8192x128xf32>
    %get3A_3 = vector.shape_cast %get3A_2 : vector<1x8192x128xf32> to vector<8192x128xf32>
    %get3A_4 = arith.constant 1 : index
    %get3A_5 = arith.constant 0 : index
    %get3A_6 = arith.constant 0 : index
    %get3A_7 = vector.load %arg0[%get3A_4, %get3A_5, %get3A_6] : memref<3x8192x128xf32, #tpu.memory_space<vmem>>, vector<1x8192x128xf32>
    %get3A_8 = vector.shape_cast %get3A_7 : vector<1x8192x128xf32> to vector<8192x128xf32>
    %get3A_9 = arith.constant 2 : index
    %get3A_10 = arith.constant 0 : index
    %get3A_11 = arith.constant 0 : index
    %get3A_12 = vector.load %arg0[%get3A_9, %get3A_10, %get3A_11] : memref<3x8192x128xf32, #tpu.memory_space<vmem>>, vector<1x8192x128xf32>
    %get3A_13 = vector.shape_cast %get3A_12 : vector<1x8192x128xf32> to vector<8192x128xf32>
    %sub3A = arith.subf %get3A_8, %get3A_13 : vector<8192x128xf32>
    %mul3A = arith.mulf %get3A_3, %sub3A : vector<8192x128xf32>
    %iota3A = tpu.iota {dimensions = array<i32: 0>} : vector<128x128xi32>
    %iota3A_14 = tpu.iota {dimensions = array<i32: 1>} : vector<128x128xi32>
    %jit3A = arith.constant 32 : i32
    %div3A = vector.broadcast %jit3A : i32 to vector<128x128xi32>
    %div3A_15 = arith.divsi %iota3A, %div3A : vector<128x128xi32>
    %sign3A = arith.constant 0 : i32
    %sign3A_16 = vector.broadcast %sign3A : i32 to vector<128x128xi32>
    %sign3A_17 = arith.cmpi sgt, %iota3A, %sign3A_16 : vector<128x128xi32>
    %sign3A_18 = arith.extui %sign3A_17 : vector<128x128xi1> to vector<128x128xi32>
    %sign3A_19 = arith.constant 0 : i32
    %sign3A_20 = vector.broadcast %sign3A_19 : i32 to vector<128x128xi32>
    %sign3A_21 = arith.cmpi slt, %iota3A, %sign3A_20 : vector<128x128xi32>
    %sign3A_22 = arith.extui %sign3A_21 : vector<128x128xi1> to vector<128x128xi32>
    %sign3A_23 = arith.subi %sign3A_18, %sign3A_22 : vector<128x128xi32>
    %sign3A_24 = arith.constant 0 : i32
    %sign3A_25 = arith.cmpi sgt, %jit3A, %sign3A_24 : i32
    %sign3A_26 = arith.extui %sign3A_25 : i1 to i32
    %sign3A_27 = arith.constant 0 : i32
    %sign3A_28 = arith.cmpi slt, %jit3A, %sign3A_27 : i32
    %sign3A_29 = arith.extui %sign3A_28 : i1 to i32
    %sign3A_30 = arith.subi %sign3A_26, %sign3A_29 : i32
    %ne3A = vector.broadcast %sign3A_30 : i32 to vector<128x128xi32>
    %ne3A_31 = arith.cmpi ne, %sign3A_23, %ne3A : vector<128x128xi32>
    %rem3A = vector.broadcast %jit3A : i32 to vector<128x128xi32>
    %rem3A_32 = arith.remsi %iota3A, %rem3A : vector<128x128xi32>
    %ne3A_33 = arith.constant 0 : i32
    %ne3A_34 = vector.broadcast %ne3A_33 : i32 to vector<128x128xi32>
    %ne3A_35 = arith.cmpi ne, %rem3A_32, %ne3A_34 : vector<128x128xi32>
    %and3A = arith.andi %ne3A_31, %ne3A_35 : vector<128x128xi1>
    %sub3A_36 = arith.constant 1 : i32
    %sub3A_37 = vector.broadcast %sub3A_36 : i32 to vector<128x128xi32>
    %sub3A_38 = arith.subi %div3A_15, %sub3A_37 : vector<128x128xi32>
    %select_n3A = arith.select %and3A, %sub3A_38, %div3A_15 : vector<128x128xi1>, vector<128x128xi32>
    %eq3A = arith.cmpi eq, %select_n3A, %iota3A_14 : vector<128x128xi32>
    %jit3A_39 = arith.constant 1.000000e+00 : f32
    %jit3A_40 = arith.constant 0.000000e+00 : f32
    %broadcast_in_dim3A = vector.broadcast %jit3A_39 : f32 to vector<128x128xf32>
    %broadcast_in_dim3A_41 = vector.broadcast %jit3A_40 : f32 to vector<128x128xf32>
    %select_n3A_42 = arith.select %eq3A, %broadcast_in_dim3A, %broadcast_in_dim3A_41 : vector<128x128xi1>, vector<128x128xf32>
    %dot_general3A = arith.constant dense<0.000000e+00> : vector<8192x128xf32>
    %dot_general3A_43 = tpu.matmul %mul3A, %select_n3A_42, %dot_general3A {dimension_numbers = #tpu.dot_dimension_numbers<[1], [0], [0], [1], [0, 0, 1, 1], [], []>, transpose_lhs_hint = false} : vector<8192x128xf32>, vector<128x128xf32>, vector<8192x128xf32> -> vector<8192x128xf32>
    %slice3A = vector.extract_strided_slice %dot_general3A_43 {offsets = [0, 0], sizes = [4096, 128], strides = [1, 1]} : vector<8192x128xf32> to vector<4096x128xf32>
    %slice3A_44 = vector.extract_strided_slice %dot_general3A_43 {offsets = [4096, 0], sizes = [4096, 128], strides = [1, 1]} : vector<8192x128xf32> to vector<4096x128xf32>
    %add3A = arith.addf %slice3A, %slice3A_44 : vector<4096x128xf32>
    %mul3A_45 = arith.constant 6.250000e-02 : f32
    %mul3A_46 = vector.broadcast %mul3A_45 : f32 to vector<4096x128xf32>
    %mul3A_47 = arith.mulf %add3A, %mul3A_46 : vector<4096x128xf32>
    %neg3A = arith.constant 0.000000e+00 : f32
    %neg3A_48 = vector.broadcast %neg3A : f32 to vector<4096x128xf32>
    %neg3A_49 = arith.subf %neg3A_48, %mul3A_47 : vector<4096x128xf32>
    %max3A = arith.constant 0.000000e+00 : f32
    %max3A_50 = vector.broadcast %max3A : f32 to vector<4096x128xf32>
    %max3A_51 = arith.maximumf %neg3A_49, %max3A_50 : vector<4096x128xf32>
    %abs3A = math.absf %neg3A_49 : vector<4096x128xf32>
    %neg3A_52 = arith.constant 0.000000e+00 : f32
    %neg3A_53 = vector.broadcast %neg3A_52 : f32 to vector<4096x128xf32>
    %neg3A_54 = arith.subf %neg3A_53, %abs3A : vector<4096x128xf32>
    %exp3A = math.exp %neg3A_54 : vector<4096x128xf32>
    %log1p3A = math.log1p %exp3A : vector<4096x128xf32>
    %add3A_55 = arith.addf %max3A_51, %log1p3A : vector<4096x128xf32>
    %iota3A_56 = tpu.iota {dimensions = array<i32: 1>} : vector<4096x128xi32>
    %lt3A = arith.constant 4 : i32
    %lt3A_57 = vector.broadcast %lt3A : i32 to vector<4096x128xi32>
    %lt3A_58 = arith.cmpi slt, %iota3A_56, %lt3A_57 : vector<4096x128xi32>
    %jit3A_59 = arith.constant 0.000000e+00 : f32
    %broadcast_in_dim3A_60 = vector.broadcast %jit3A_59 : f32 to vector<4096x128xf32>
    %select_n3A_61 = arith.select %lt3A_58, %add3A_55, %broadcast_in_dim3A_60 : vector<4096x128xi1>, vector<4096x128xf32>
    %reduce_sum3A = vector.shape_cast %select_n3A_61 : vector<4096x128xf32> to vector<1x4096x128xf32>
    %reduce_sum3A_62 = arith.constant dense<0.000000e+00> : vector<1xf32>
    %reduce_sum3A_63 = vector.multi_reduction <add>, %reduce_sum3A, %reduce_sum3A_62 [1, 2] : vector<1x4096x128xf32> to vector<1xf32>
    %reduce_sum3A_64 = vector.shape_cast %reduce_sum3A_63 : vector<1xf32> to vector<1x1x1xf32>
    %reduce_sum3A_65 = vector.extract %reduce_sum3A_64[0, 0, 0] : f32 from vector<1x1x1xf32>
    %mul3A_66 = arith.constant 6.10351563E-5 : f32
    %mul3A_67 = arith.mulf %reduce_sum3A_65, %mul3A_66 : f32
    %get3A_68 = arith.constant 0 : index
    %get3A_69 = arith.constant 0 : index
    %get3A_70 = arith.constant 0 : index
    %get3A_71 = vector.load %arg1[%get3A_68, %get3A_69, %get3A_70] : memref<3x8192x128xf32, #tpu.memory_space<vmem>>, vector<3x8192x128xf32>
    %mul3A_72 = arith.mulf %get3A_71, %get3A_71 : vector<3x8192x128xf32>
    %reduce_sum3A_73 = vector.shape_cast %mul3A_72 : vector<3x8192x128xf32> to vector<1x3x8192x128xf32>
    %reduce_sum3A_74 = arith.constant dense<0.000000e+00> : vector<1xf32>
    %reduce_sum3A_75 = vector.multi_reduction <add>, %reduce_sum3A_73, %reduce_sum3A_74 [1, 2, 3] : vector<1x3x8192x128xf32> to vector<1xf32>
    %reduce_sum3A_76 = vector.shape_cast %reduce_sum3A_75 : vector<1xf32> to vector<1x1x1x1xf32>
    %reduce_sum3A_77 = vector.extract %reduce_sum3A_76[0, 0, 0, 0] : f32 from vector<1x1x1x1xf32>
    %mul3A_78 = arith.constant 6.10351563E-5 : f32
    %mul3A_79 = arith.mulf %reduce_sum3A_77, %mul3A_78 : f32
    %mul3A_80 = arith.constant 9.99999974E-5 : f32
    %mul3A_81 = arith.mulf %mul3A_80, %mul3A_79 : f32
    %add3A_82 = arith.addf %mul3A_67, %mul3A_81 : f32
    %broadcast_in_dim3A_83 = vector.broadcast %add3A_82 : f32 to vector<1x128xf32>
    %broadcast_in_dim3A_84 = vector.broadcast %mul3A_67 : f32 to vector<1x128xf32>
    %broadcast_in_dim3A_85 = vector.broadcast %mul3A_79 : f32 to vector<1x128xf32>
    %broadcast_in_dim3A_86 = arith.constant 0.000000e+00 : f32
    %broadcast_in_dim3A_87 = vector.broadcast %broadcast_in_dim3A_86 : f32 to vector<5x128xf32>
    %concatenate3A = tpu.concatenate %broadcast_in_dim3A_83, %broadcast_in_dim3A_84, %broadcast_in_dim3A_85, %broadcast_in_dim3A_87 in 0 : vector<1x128xf32>, vector<1x128xf32>, vector<1x128xf32>, vector<5x128xf32> -> vector<8x128xf32>
    %swap3A = arith.constant 0 : index
    %swap3A_88 = arith.constant 0 : index
    %swap3A_89 = vector.load %arg2[%swap3A, %swap3A_88] : memref<8x128xf32, #tpu.memory_space<vmem>>, vector<8x128xf32>
    tpu.vector_store %arg2[%swap3A, %swap3A_88], %concatenate3A {strides = array<i32>} : memref<8x128xf32, #tpu.memory_space<vmem>>, vector<8x128xf32>,
    return
  }
}

</mosaic_0001>

<sc_bundles>
// kernel: kernel.4.cloned.1.call-start
scs
__scs_entry_jumppad:
0x0: {  	(pc) =	sbr.rel $0x88, $3  }
0x1: {  	(tag) =	ssettag $0x0;
	lr =	simm.s32 $0x1  }
0x2: {  	[smem:$0x3F99] =	sst lr;
	_ =	strace $0xD0000000  }
0x3: {  	_ = 	snop  }
0x4: {  	_ = 	snop  }
0x5: {  	_ = 	snop  }
0x6: {  	_ = 	snop  }
0x7: {  	_ = 	snop  }
__scs_overlays_trampoline_lowered:
0x8: {  	[smem:$0x3FA8] =	sst s0  }
0x9: {  	[smem:$0x3FA9] =	sst s1  }
0xa: {  	[smem:$0x3FAA] =	sst s2  }
0xb: {  	[smem:$0x3FAB] =	sst s3  }
0xc: {  	[smem:$0x3FAC] =	sst s4  }
0xd: {  	[smem:$0x3FAD] =	sst s5  }
0xe: {  	[smem:$0x3FAE] =	sst s6  }
0xf: {  	[smem:$0x3FAF] =	sst s7  }
0x10: {  	[smem:$0x3FB0] =	sst s8  }
0x11: {  	[smem:$0x3FB1] =	sst s9;
	s0 =	simm.s32 @!p0 $0x0  }
0x12: {  	s1 =	sld [smem:$0x3F97];
	s0 =	simm.s32 @p0 $0x1  }
0x13: {  	[smem:$0x3FB2] =	sst s0;
	s0 =	simm.s32 @!p1 $0x0  }
0x14: {  	s2 =	sld [smem:$0x3F96];
	s0 =	simm.s32 @p1 $0x1  }
0x15: {  	[smem:$0x3FB3] =	sst s0;
	s0 =	simm.s32 @!p2 $0x0  }
0x16: {  	s3 =	sld [smem:$0x3FDB];
	s0 =	simm.s32 @p2 $0x1  }
0x17: {  	s4 =	simm.s32 $0x1BF5;
	[smem:$0x3FB5] =	sst s0  }
0x18: {  	s0 =	sld [smem:$0x3F98];
	_ =	swait.ge [sflag:s4], $0x0  }
0x19: {  	s7 =	sld [smem:$0x3F99]  }
0x1a: {  	s8 =	sadd.s32 $0xFFFFE003, lr  }
0x1b: {  	s9 =	sadd.s32 $0xFFFFFEF7, lr;
	s5 =	simm.s32 $0xFFFFFFFF;
	p2 =	slt.u32 s8, $0xFFFFF086  }
0x1c: {  	p1 =	slt.u32 s9, $0xF7A;
	s5 =	simm.s32 @!p2 $0x0  }
0x1d: {  	s5 =	simm.s32 @p1 $0x1;
	p0 =	seq.s32 s7, s2  }
0x1e: {  	s7 =	smul.u32 @!p0 $0xF7A, s2;
	p2 =	seq.s32 @!p0 s5, $0x0  }
0x1f: {  	s9 =	smul.u32 $0xF7A, s1;
	s8 =	simm.s32 @!p0 $0x1BF5;
	p2 =	por !p2, p0  }
0x20: {  	[sflag:s8] =	ssyncset.s32 @!p0 $0xFFFFF086;
	s6 =	sadd.s32 @!p0 s3, s7;
	s7 =	simm.s32 @!p0 $0x108  }
0x21: {  	s3 =	sadd.s32 s3, s9;
	s6 =	sadd.s32 @!p0 $0x88, s6;
	s7 =	simm.s32 @p2 $0x1082  }
0x22: {  	[simem:s7], [sflag:s8] =	dma.local @!p0 [hbm:s6], $0xF7A  }
0x23: {  	s9 =	sor.u32 $0xD0000000, s2;
	s6 =	simm.s32 $0x108;
	_ =	swait.ge @!p0 [sflag:s8], $0x0  }
0x24: {  	s3 =	sadd.s32 $0x88, s3;
	s6 =	simm.s32 @!p1 $0x1082;
	[sflag:s4] =	ssyncset.s32 $0xFFFFF086  }
0x25: {  	[simem:s6], [sflag:s4] =	dma.local [hbm:s3], $0xF7A  }
0x26: {  	[smem:$0x3F99] =	sst s1;
	(tag) =	ssettag s2;
	_ =	strace s9  }
0x27: {  	s1 =	sld [smem:$0x3FA9]  }
0x28: {  	s2 =	sld [smem:$0x3FAA]  }
0x29: {  	s4 =	sld [smem:$0x3FAC]  }
0x2a: {  	p0 =	seq.s32 s5, $0x0;
	s5 =	sld [smem:$0x3FAD]  }
0x2b: {  	s6 =	sld [smem:$0x3FAE]  }
0x2c: {  	s7 =	sld [smem:$0x3FAF]  }
0x2d: {  	s3 =	simm.s32 $0x108;
	s8 =	sld [smem:$0x3FB0]  }
0x2e: {  	s3 =	simm.s32 @!p0 $0x1082;
	s9 =	sld [smem:$0x3FB1]  }
0x2f: {  	lr =	sadd.s32 s0, s3;
	s0 =	sld [smem:$0x3FA8]  }
0x30: {  	s3 =	sld [smem:$0x3FAB]  }
0x31: {  	[smem:$0x3FB4] =	sst s10  }
0x32: {  	s10 =	sld [smem:$0x3FB2];
	_ =	sdelay $0x3  }
0x33: {  	p0 =	seq.s32 s10, $0x1;
	s10 =	sld [smem:$0x3FB4];
	_ =	sdelay $0x3  }
0x34: {  	[smem:$0x3FB4] =	sst s10  }
0x35: {  	s10 =	sld [smem:$0x3FB3];
	_ =	sdelay $0x3  }
0x36: {  	p1 =	seq.s32 s10, $0x1;
	s10 =	sld [smem:$0x3FB4];
	_ =	sdelay $0x3  }
0x37: {  	[smem:$0x3FB4] =	sst s10  }
0x38: {  	s10 =	sld [smem:$0x3FB5]  }
0x39: {  	_ = 	snop;
	(pc) =	sbr.ind lr, $3  }
0x3a: {  	_ = 	snop  }
0x3b: {  	_ = 	snop  }
0x3c: {  	p2 =	seq.s32 s10, $0x1;
	s10 =	sld [smem:$0x3FB4]  }
0x3d: {  	_ =	shalt  }
0x3e: {  	_ =	shalt  }
0x3f: {  	_ =	shalt  }
0x40: {  	_ =	shalt  }
0x41: {  	_ =	shalt  }
0x42: {  	_ =	shalt  }
0x43: {  	_ =	shalt  }
0x44: {  	_ =	shalt  }
0x45: {  	_ =	shalt  }
0x46: {  	_ =	shalt  }
0x47: {  	_ =	shalt  }
0x48: {  	_ =	shalt  }
0x49: {  	_ =	shalt  }
0x4a: {  	_ =	shalt  }
0x4b: {  	_ =	shalt  }
0x4c: {  	_ =	shalt  }
0x4d: {  	_ =	shalt  }
0x4e: {  	_ =	shalt  }
0x4f: {  	_ =	shalt  }
0x50: {  	_ =	shalt  }
0x51: {  	_ =	shalt  }
0x52: {  	_ =	shalt  }
0x53: {  	_ =	shalt  }
0x54: {  	_ =	shalt  }
0x55: {  	_ =	shalt  }
0x56: {  	_ =	shalt  }
0x57: {  	_ =	shalt  }
0x58: {  	_ =	shalt  }
0x59: {  	_ =	shalt  }
0x5a: {  	_ =	shalt  }
0x5b: {  	_ =	shalt  }
0x5c: {  	_ =	shalt  }
0x5d: {  	_ =	shalt  }
0x5e: {  	_ =	shalt  }
0x5f: {  	_ =	shalt  }
0x60: {  	_ =	shalt  }
0x61: {  	_ =	shalt  }
0x62: {  	_ =	shalt  }
0x63: {  	_ =	shalt  }
0x64: {  	_ =	shalt  }
0x65: {  	_ =	shalt  }
0x66: {  	_ =	shalt  }
0x67: {  	_ =	shalt  }
0x68: {  	_ =	shalt  }
0x69: {  	_ =	shalt  }
0x6a: {  	_ =	shalt  }
0x6b: {  	_ =	shalt  }
0x6c: {  	_ =	shalt  }
0x6d: {  	_ =	shalt  }
0x6e: {  	_ =	shalt  }
0x6f: {  	_ =	shalt  }
0x70: {  	_ =	shalt  }
0x71: {  	_ =	shalt  }
0x72: {  	_ =	shalt  }
0x73: {  	_ =	shalt  }
0x74: {  	_ =	shalt  }
0x75: {  	_ =	shalt  }
0x76: {  	_ =	shalt  }
0x77: {  	_ =	shalt  }
0x78: {  	_ =	shalt  }
0x79: {  	_ =	shalt  }
0x7a: {  	_ =	shalt  }
0x7b: {  	_ =	shalt  }
0x7c: {  	_ =	shalt  }
0x7d: {  	_ =	shalt  }
0x7e: {  	_ =	shalt  }
0x7f: {  	_ =	shalt  }
0x80: {  	_ =	shalt  }
0x81: {  	_ =	shalt  }
0x82: {  	_ =	shalt  }
0x83: {  	_ =	shalt  }
0x84: {  	_ =	shalt  }
0x85: {  	_ =	shalt  }
0x86: {  	_ =	shalt  }
0x87: {  	_ =	shalt  }
.Lfunc_end0:
.L_simem_size_0:
called_computation_lowered:
.L_overlay_start_0:
0x88: {  	s2 =	sld [smem:$0x3FD9]  }
0x89: {  	s3 =	sld [smem:$0x3FFE];
	_ =	sdelay $0x1  }
0x8a: {  	s1 =	srdreg.scid  }
0x8b: {  	s0 =	sand.u32 $0x1, s1  }
0x8c: {  	s17 =	sshll.u32 s0, $0xA;
	s2 =	sadd.s32 s3, s2  }
0x8d: {  	s2 =	sadd.s32 s2, s17  }
0x8e: {  	[smem:$0x3FC0] =	sst s2  }
0x8f: {  	_ = 	snop  }
0x90: {  	s2 =	sld [smem:$0x3FC9]  }
0x91: {  	s18 =	sld [smem:$0x3FC4]  }
0x92: {  	s4 =	sld [smem:$0x3FC3]  }
0x93: {  	s5 =	sld [smem:$0x3FC2];
	(tm) =	ssettm $0x1  }
0x94: {  	s6 =	sld [smem:$0x3FFB];
	_ =	sdelay $0x3  }
0x95: {  	_ =	strace s6  }
0x96: {  	s6 =	sld [smem:$0x3FFC];
	_ =	sdelay $0x3  }
0x97: {  	_ =	strace s6  }
0x98: {  	s6 =	sld [smem:$0x3FFD];
	_ =	sdelay $0x3  }
0x99: {  	_ =	strace s6  }
0x9a: {  	_ =	strace $0x8FFFFFFF  }
0x9b: {  	s19 =	sld [smem:$0x3FDB];
	_ =	sdelay $0x1  }
0x9c: {  	s7 =	simm.s32 $_scs_section_size  }
0x9d: {  	s8 =	simm.s32 $_size__tile_overlayer_lowered;
	s9 =	simm.s32 $_tile_overlayer_lowered  }
0x9e: {  	s22 =	simm.s32 $0x1BFF;
	s21 =	sshll.u32 s9, $0x1;
	s6 =	sadd.s32 s7, s19  }
0x9f: {  	s10 =	simm.s32 $0x0;
	s20 =	sshll.u32 s8, $0x1;
	s8 =	sadd.s32 s21, s6  }
0xa0: {  	[timem:s10], [sflag:s22] =	dma.local [hbm:s8], s20  }
0xa1: {  	_ =	swait.ge [sflag:s22], s20  }
0xa2: {  	s7 =	ssub.s32 $0x0, s20;
	[sflag:s22] =	ssyncset.done $0x0  }
0xa3: {  	[sflag:s22] =	ssyncadd.s32 s7;
	_ =	sdelay $0x1  }
0xa4: {  	s23 =	simm.s32 $0x1B8B  }
0xa5: {  	_ =	swait.ge [sflag:s23], $0x1  }
0xa6: {  	[sflag:s23] =	ssyncset.done $0x0  }
0xa7: {  	s25 =	simm.s32 $0x1B8E;
	s24 =	sld [smem:$0x3FFE];
	[sflag:s23] =	ssyncadd.s32 $0xFFFFFFFF  }
0xa8: {  	s26 =	simm.s32 $execute0_lowered;
	[smem:$0x3FD2] =	sst s25  }
0xa9: {  	s8 =	sshll.u32 s26, $0x1;
	_ =	strace $0x80000046;
	[dreg:$0x1] =	wrdreg $0xFFFFFFFF  }
0xaa: {  	s28 =	simm.s32 $_size_execute0_lowered;
	s6 =	sadd.s32 s6, s8;
	[dreg:$0x0] =	wrdreg $0x0  }
0xab: {  	s8 =	sshll.u32 s28, $0x1;
	[dreg:$0x2] =	wrdreg s6  }
0xac: {  	[dreg:$0x3] =	wrdreg s8  }
0xad: {  	[dreg:$0x4] =	wrdreg $0xC0  }
0xae: {  	_ =	task [dreg:s10], $0x5FFFF  }
0xaf: {  	[dreg:$0x1] =	wrdreg $0xFFFFFFFF  }
0xb0: {  	[dreg:$0x0] =	wrdreg $0x60  }
0xb1: {  	[dreg:$0x2] =	wrdreg s24  }
0xb2: {  	[dreg:$0x3] =	wrdreg s4  }
0xb3: {  	[dreg:$0x4] =	wrdreg s18  }
0xb4: {  	[dreg:$0x5] =	wrdreg s5  }
0xb5: {  	[dreg:$0x6] =	wrdreg s2  }
0xb6: {  	[dreg:$0x7] =	wrdreg $0x0  }
0xb7: {  	[dreg:$0x8] =	wrdreg $0x9  }
0xb8: {  	_ =	task.clear_ibuf [dreg:s10], $0x9FFFF;
	_ =	strace $0x90000046  }
0xb9: {  	s29 =	simm.s32 $0x9;
	_ =	strace $0x80000048  }
0xba: {  	_ =	swait.ge [sflag:s29], $0x1  }
0xbb: {  	[sflag:s29] =	ssyncadd.s32 $0xFFFFFFFF  }
0xbc: {  	_ =	strace $0x90000048  }
0xbd: {  	_ =	sfence  }
0xbe: {  	s30 =	sld [smem:$0x0];
	_ =	sdelay $0x2  }
0xbf: {  	s31 =	sshll.u32 s1, $0xD;
	s1 =	sshrl.u32 s1, $0x2  }
0xc0: {  	s3 =	sand.u32 $0x4000, s31;
	s1 =	sadd.s32 s1, s30  }
0xc1: {  	s0 =	sor.u32 s3, s0;
	s1 =	sshll.u32 s1, $0x11  }
0xc2: {  	s0 =	sor.u32 s1, s0  }
0xc3: {  	s0 =	sadd.s32 $0x8F2B, s0  }
0xc4: {  	[sflag:s0] =	ssyncadd.remote.s32 $0x1  }
0xc5: {  	_ =	sfence.sel $0xFFFF  }
0xc6: {  	[dreg:$0x0] =	wrdreg $0xFFFFFFFF;
	(pc) =	sbr.abs _section_cstart, $3  }
0xc7: {  	[dreg:$0x1] =	wrdreg $0xFFFFFFFF  }
0xc8: {  	_ =	task.clear_ibuf [dreg:s10], $0x2FFFF;
	_ =	strace $0x9FFFFFFF  }
0xc9: {  	(tm) =	ssettm $0x7FFFFFFF  }
tec
execute0_lowered:
.L_overlay_start_1:
0x0: {  	(tag) =	ssettag $0x1  }
0x1: {  	s0 =	rddreg [dreg:$0x0]  }
0x2: {  	s1 =	rddreg [dreg:$0x4]  }
0x3: {  	s4 =	rddreg [dreg:$0x5];
	s6 =	simm.s32 $0x0;
	s15 =	stileid.u32  }
0x4: {  	s3 =	srdreg.scid;
	[smem:$0x7FF] =	sst s6  }
0x5: {  	s7 =	sadd.s32 $0x188400, s0;
	s2 =	sshll.u32 s15, $0x7;
	s8 =	sadd.s32 $0x2400, s0  }
0x6: {  	s3 =	sand.u32 $0x1, s3;
	s9 =	sadd.s32 $0x64000, s0;
	s12 =	smul.u32 $0x61C00, s15  }
0x7: {  	_ =	strace $0x80000047;
	s5 =	sadd.s32 s2, s0;
	s10 =	sshll.u32 s3, $0x10  }
0x8: {  	s13 =	ssub.s32 $0x2, s3;
	s2 =	sadd.s32 s2, s1;
	s0 =	sadd.s32 s10, s0  }
0x9: {  	s10 =	smul.u32 $0xC380, s3;
	s20 =	sshrl.u32 s13, $0x1;
	s14 =	sshrl.u32 s12, $0x2  }
0xa: {  	[dreg:$0xf] =	wrdreg s2;
	s3 =	ssub.s32 s13, s20;
	s13 =	sadd.s32 s14, s4  }
0xb: {  	s28 =	simm.s32 $0x50;
	s3 =	smax.u32 s3, $0x1;
	[dreg:$0x7] =	wrdreg s13  }
0xc: {  	s29 =	simm.s32 $0x191F0;
	s21 =	sadd.s32 $0x1700, s13;
	[dreg:$0x8] =	wrdreg s3  }
0xd: {  	s30 =	simm.s32 $0x18700;
	s22 =	sadd.s32 $0x2E00, s13;
	[dreg:$0x9] =	wrdreg s21  }
0xe: {  	s31 =	simm.s32 $0x19240;
	s23 =	sadd.s32 $0x4500, s13;
	[dreg:$0xa] =	wrdreg s22  }
0xf: {  	s11 =	smul.u32 $0xC38, s15;
	s24 =	sadd.s32 $0x5C00, s13;
	[dreg:$0xb] =	wrdreg s23  }
0x10: {  	s25 =	sshll.u32 s15, $0xC;
	s14 =	sadd.s32 $0x7300, s13;
	[dreg:$0xc] =	wrdreg s24  }
0x11: {  	s12 =	smul.u32 $0xC350, s15;
	s26 =	sadd.s32 $0x8A00, s13;
	[dreg:$0xd] =	wrdreg s14  }
0x12: {  	s2 =	simm.s32 $0x0;
	s15 =	sadd.s32 $0xA100, s13;
	[dreg:$0xe] =	wrdreg s26  }
0x13: {  	s0 =	sadd.s32 s25, s0;
	s16 =	sadd.s32 $0xB800, s13;
	[dreg:$0x12] =	wrdreg s15  }
0x14: {  	s17 =	sadd.s32 $0xCF00, s13;
	s18 =	sadd.s32 $0xE600, s13;
	[dreg:$0x13] =	wrdreg s16  }
0x15: {  	s19 =	sadd.s32 $0xFD00, s13;
	s20 =	sadd.s32 $0x11400, s13;
	[dreg:$0x14] =	wrdreg s17  }
0x16: {  	s25 =	sadd.s32 $0x15900, s13;
	s21 =	sadd.s32 $0xC5C00, s0;
	[dreg:$0x15] =	wrdreg s18  }
0x17: {  	s22 =	sadd.s32 $0x125C00, s0;
	s3 =	sadd.s32 $0x1400, s5;
	[dreg:$0x16] =	wrdreg s19  }
0x18: {  	s14 =	sadd.s32 $0x1C00, s5;
	[dreg:$0x17] =	wrdreg s20;
	s23 =	sadd.s32 $0x12B00, s13  }
0x19: {  	s24 =	sadd.s32 $0x14200, s13;
	[dreg:$0x1a] =	wrdreg s25;
	s26 =	sadd.s32 $0x17000, s13  }
0x1a: {  	s17 =	simm.s32 $0x1C040;
	s18 =	simm.s32 $0x1;
	[dreg:$0x10] =	wrdreg s3  }
0x1b: {  	s19 =	simm.s32 $0x19100;
	s20 =	simm.s32 $0x19150;
	[dreg:$0x11] =	wrdreg s14  }
0x1c: {  	s0 =	simm.s32 $0x1A940;
	s5 =	simm.s32 $0x1D740;
	[dreg:$0x18] =	wrdreg s23  }
0x1d: {  	s15 =	simm.s32 $0x1D7C0;
	s16 =	simm.s32 $0x1D840;
	[dreg:$0x19] =	wrdreg s24  }
0x1e: {  	v1 =	vimm.f32 $0.0e+00;
	v0 =	vmov s10;
	[dreg:$0x1b] =	wrdreg s26;
	s26 =	simm.s32 $0x191A0;
	s14 =	simm.s32 $0x80  }
.LBB2_1:
0x1f: {  	[dreg:$0x1c] =	wrdreg s2;
	s1 =	simm.s32 $0x80;
	s2 =	simm.s32 $0x0  }
.LBB2_2:
0x20: {  	p0 =	sne.s32 s1, $0x5B80;
	[tilespmem:s2+$0x1C040] =	vst v1;
	s3 =	smov.u32 s1;
	s1 =	sadd.s32 $0x80, s1  }
.Ltmp0:
0x21: {  	[tilespmem:s2+$0x1C050] =	vst v1;
	(pc) =	sbr.rel @p0 .LBB2_2-.Ltmp0, $2  }
0x22: {  	_ =	sdelay $0x2  }
0x23: {  	s2 =	sshra.s32 s3, $0x2  }
0x24: {  	[tilespmem:s2+$0x1C040] =	vst v1  }
0x25: {  	[tilespmem:s2+$0x1C050] =	vst v1;
	s1 =	rddreg [dreg:$0x7]  }
0x26: {  	[spmem:s1] =	stream.linear.scatter [tilespmem:s17], [sflag:$0x1], $0x1700, $0x38;
	[tilespmem:$0x1E840] =	vst v63  }
0x27: {  	_ =	swait.ge [sflag:s18], $0x1700  }
0x28: {  	[sflag:s18] =	ssyncset.done $0x0  }
0x29: {  	s13 =	rddreg [dreg:$0x9];
	[sflag:s18] =	ssyncadd.s32 $0xFFFFE900  }
0x2a: {  	[spmem:s13] =	stream.linear.scatter [tilespmem:s17], [sflag:$0x1], $0x1700, $0x38;
	[tilespmem:$0x1E840] =	vst v63  }
0x2b: {  	_ =	swait.ge [sflag:s18], $0x1700  }
0x2c: {  	[sflag:s18] =	ssyncset.done $0x0  }
0x2d: {  	s23 =	rddreg [dreg:$0xa];
	[sflag:s18] =	ssyncadd.s32 $0xFFFFE900  }
0x2e: {  	[spmem:s23] =	stream.linear.scatter [tilespmem:s17], [sflag:$0x1], $0x1700, $0x38;
	[tilespmem:$0x1E840] =	vst v63  }
0x2f: {  	_ =	swait.ge [sflag:s18], $0x1700  }
0x30: {  	[sflag:s18] =	ssyncset.done $0x0  }
0x31: {  	s24 =	rddreg [dreg:$0xb];
	[sflag:s18] =	ssyncadd.s32 $0xFFFFE900  }
0x32: {  	[spmem:s24] =	stream.linear.scatter [tilespmem:s17], [sflag:$0x1], $0x1700, $0x38;
	[tilespmem:$0x1E840] =	vst v63  }
0x33: {  	_ =	swait.ge [sflag:s18], $0x1700  }
0x34: {  	[sflag:s18] =	ssyncset.done $0x0  }
0x35: {  	s25 =	rddreg [dreg:$0xc];
	[sflag:s18] =	ssyncadd.s32 $0xFFFFE900  }
0x36: {  	[spmem:s25] =	stream.linear.scatter [tilespmem:s17], [sflag:$0x1], $0x1700, $0x38;
	[tilespmem:$0x1E840] =	vst v63  }
0x37: {  	_ =	swait.ge [sflag:s18], $0x1700  }
0x38: {  	[sflag:s18] =	ssyncset.done $0x0  }
0x39: {  	s2 =	rddreg [dreg:$0xd];
	[sflag:s18] =	ssyncadd.s32 $0xFFFFE900  }
0x3a: {  	[spmem:s2] =	stream.linear.scatter [tilespmem:s17], [sflag:$0x1], $0x1700, $0x38;
	[tilespmem:$0x1E840] =	vst v63  }
0x3b: {  	_ =	swait.ge [sflag:s18], $0x1700  }
0x3c: {  	[sflag:s18] =	ssyncset.done $0x0  }
0x3d: {  	s3 =	rddreg [dreg:$0xe];
	[sflag:s18] =	ssyncadd.s32 $0xFFFFE900  }
0x3e: {  	[spmem:s3] =	stream.linear.scatter [tilespmem:s17], [sflag:$0x1], $0x1700, $0x38;
	[tilespmem:$0x1E840] =	vst v63  }
0x3f: {  	_ =	swait.ge [sflag:s18], $0x1700  }
0x40: {  	[sflag:s18] =	ssyncset.done $0x0  }
0x41: {  	s13 =	rddreg [dreg:$0x12];
	[sflag:s18] =	ssyncadd.s32 $0xFFFFE900  }
0x42: {  	[spmem:s13] =	stream.linear.scatter [tilespmem:s17], [sflag:$0x1], $0x1700, $0x38;
	[tilespmem:$0x1E840] =	vst v63  }
0x43: {  	_ =	swait.ge [sflag:s18], $0x1700  }
0x44: {  	[sflag:s18] =	ssyncset.done $0x0  }
0x45: {  	s23 =	rddreg [dreg:$0x13];
	[sflag:s18] =	ssyncadd.s32 $0xFFFFE900  }
0x46: {  	[spmem:s23] =	stream.linear.scatter [tilespmem:s17], [sflag:$0x1], $0x1700, $0x38;
	[tilespmem:$0x1E840] =	vst v63  }
0x47: {  	_ =	swait.ge [sflag:s18], $0x1700  }
0x48: {  	[sflag:s18] =	ssyncset.done $0x0  }
0x49: {  	s24 =	rddreg [dreg:$0x14];
	[sflag:s18] =	ssyncadd.s32 $0xFFFFE900  }
0x4a: {  	[spmem:s24] =	stream.linear.scatter [tilespmem:s17], [sflag:$0x1], $0x1700, $0x38;
	[tilespmem:$0x1E840] =	vst v63  }
0x4b: {  	_ =	swait.ge [sflag:s18], $0x1700  }
0x4c: {  	[sflag:s18] =	ssyncset.done $0x0  }
0x4d: {  	s25 =	rddreg [dreg:$0x15];
	[sflag:s18] =	ssyncadd.s32 $0xFFFFE900  }
0x4e: {  	[spmem:s25] =	stream.linear.scatter [tilespmem:s17], [sflag:$0x1], $0x1700, $0x38;
	[tilespmem:$0x1E840] =	vst v63  }
0x4f: {  	_ =	swait.ge [sflag:s18], $0x1700  }
0x50: {  	[sflag:s18] =	ssyncset.done $0x0  }
0x51: {  	s2 =	rddreg [dreg:$0x16];
	[sflag:s18] =	ssyncadd.s32 $0xFFFFE900  }
0x52: {  	[spmem:s2] =	stream.linear.scatter [tilespmem:s17], [sflag:$0x1], $0x1700, $0x38;
	[tilespmem:$0x1E840] =	vst v63  }
0x53: {  	_ =	swait.ge [sflag:s18], $0x1700  }
0x54: {  	[sflag:s18] =	ssyncset.done $0x0  }
0x55: {  	s3 =	rddreg [dreg:$0x17];
	[sflag:s18] =	ssyncadd.s32 $0xFFFFE900  }
0x56: {  	[spmem:s3] =	stream.linear.scatter [tilespmem:s17], [sflag:$0x1], $0x1700, $0x38;
	[tilespmem:$0x1E840] =	vst v63  }
0x57: {  	_ =	swait.ge [sflag:s18], $0x1700  }
0x58: {  	[sflag:s18] =	ssyncset.done $0x0  }
0x59: {  	s13 =	rddreg [dreg:$0x18];
	[sflag:s18] =	ssyncadd.s32 $0xFFFFE900  }
0x5a: {  	[spmem:s13] =	stream.linear.scatter [tilespmem:s17], [sflag:$0x1], $0x1700, $0x38;
	[tilespmem:$0x1E840] =	vst v63  }
0x5b: {  	_ =	swait.ge [sflag:s18], $0x1700  }
0x5c: {  	[sflag:s18] =	ssyncset.done $0x0  }
0x5d: {  	s23 =	rddreg [dreg:$0x19];
	[sflag:s18] =	ssyncadd.s32 $0xFFFFE900  }
0x5e: {  	[spmem:s23] =	stream.linear.scatter [tilespmem:s17], [sflag:$0x1], $0x1700, $0x38;
	[tilespmem:$0x1E840] =	vst v63  }
0x5f: {  	_ =	swait.ge [sflag:s18], $0x1700  }
0x60: {  	[sflag:s18] =	ssyncset.done $0x0  }
0x61: {  	s24 =	rddreg [dreg:$0x1a];
	[sflag:s18] =	ssyncadd.s32 $0xFFFFE900  }
0x62: {  	[spmem:s24] =	stream.linear.scatter [tilespmem:s17], [sflag:$0x1], $0x1700, $0x38;
	[tilespmem:$0x1E840] =	vst v63  }
0x63: {  	_ =	swait.ge [sflag:s18], $0x1700  }
0x64: {  	[sflag:s18] =	ssyncset.done $0x0  }
0x65: {  	s25 =	rddreg [dreg:$0x1b];
	[sflag:s18] =	ssyncadd.s32 $0xFFFFE900  }
0x66: {  	[spmem:s25] =	stream.linear.scatter [tilespmem:s17], [sflag:$0x1], $0x1700, $0x38;
	[tilespmem:$0x1E840] =	vst v63  }
0x67: {  	_ =	swait.ge [sflag:s18], $0x1700  }
0x68: {  	[sflag:s18] =	ssyncset.done $0x0  }
0x69: {  	[sflag:s18] =	ssyncadd.s32 $0xFFFFE900  }
0x6a: {  	[bflag:$0x0] =	sbarrier.arrive $0xFFFF  }
0x6b: {  	s23 =	simm.s32 $0x0;
	s24 =	simm.s32 $0x0;
	s13 =	rddreg [dreg:$0x1]  }
.LBB2_4:
0x6c: {  	s1 =	smul.u32 $0x50, s24;
	_ =	sdelay $0x1  }
0x6d: {  	s1 =	sadd.s32 s12, s1  }
0x6e: {  	s1 =	sshrl.u32 s1, $0x3  }
0x6f: {  	s2 =	sadd.s32 s13, s1  }
0x70: {  	[tilespmem:s19], [sflag:$0x1] =	stream.linear.gather [hbm4b:s2+s23], $0x50, $0x38;
	[tilespmem:$0x1E840] =	vst v63  }
0x71: {  	_ =	swait.ge [sflag:s18], $0x50  }
0x72: {  	[sflag:s18] =	ssyncset.done $0x0  }
0x73: {  	[sflag:s18] =	ssyncadd.s32 $0xFFFFFFB0  }
0x74: {  	s3 =	rddreg [dreg:$0x2]  }
0x75: {  	s2 =	sadd.s32 s3, s1  }
0x76: {  	[tilespmem:s20], [sflag:$0x1] =	stream.linear.gather [hbm4b:s2+s23], $0x50, $0x38;
	[tilespmem:$0x1E840] =	vst v63  }
0x77: {  	_ =	swait.ge [sflag:s18], $0x50  }
0x78: {  	[sflag:s18] =	ssyncset.done $0x0  }
0x79: {  	[sflag:s18] =	ssyncadd.s32 $0xFFFFFFB0  }
0x7a: {  	s25 =	rddreg [dreg:$0x3]  }
0x7b: {  	s1 =	sadd.s32 s25, s1  }
0x7c: {  	[tilespmem:s26], [sflag:$0x1] =	stream.linear.gather [hbm4b:s1+s23], $0x50, $0x38;
	[tilespmem:$0x1E840] =	vst v63  }
0x7d: {  	_ =	swait.ge [sflag:s18], $0x50  }
0x7e: {  	[sflag:s18] =	ssyncset.done $0x0  }
0x7f: {  	[sflag:s18] =	ssyncadd.s32 $0xFFFFFFB0  }
0x80: {  	v2 =	vld [tilespmem:$0x19100]  }
0x81: {  	v3 =	vld [tilespmem:$0x19110]  }
0x82: {  	v4 =	vld [tilespmem:$0x19120]  }
0x83: {  	v5 =	vld [tilespmem:$0x19130]  }
0x84: {  	v6 =	vld [tilespmem:$0x19140]  }
0x85: {  	v2 =	vadd.s32 v0, v2  }
0x86: {  	[tilespmem:$0x191F0] =	vst v2;
	v2 =	vadd.s32 v0, v3  }
0x87: {  	[tilespmem:$0x19200] =	vst v2;
	v2 =	vadd.s32 v0, v4  }
0x88: {  	[tilespmem:$0x19210] =	vst v2;
	v2 =	vadd.s32 v0, v5  }
0x89: {  	[tilespmem:$0x19220] =	vst v2;
	v2 =	vadd.s32 v0, v6  }
0x8a: {  	[tilespmem:$0x19230] =	vst v2  }
0x8b: {  	[tilespmem:s30], [sflag:$0x1] =	stream.indirect.gather [hbm4b:s7+s28], $0x20, s29, s28, $0xb8;
	[tilespmem:$0x1E840] =	vst v63  }
0x8c: {  	_ =	swait.ge [sflag:s18], $0xA00  }
0x8d: {  	[sflag:s18] =	ssyncset.done $0x0  }
0x8e: {  	s25 =	simm.s32 $0x18800;
	[sflag:s18] =	ssyncadd.s32 $0xFFFFF600  }
0x8f: {  	v7 =	vld [tilespmem:s25+$0xFFFFFFA0]  }
0x90: {  	v5 =	vld [tilespmem:s25+$0xFFFFFFF0]  }
0x91: {  	v2 =	vld [tilespmem:s25+$0xFFFFFF60]  }
0x92: {  	v8 =	vld [tilespmem:s25+$0xFFFFFFD0]  }
0x93: {  	v9 =	vld [tilespmem:s25+$0x80]  }
0x94: {  	v12 =	vld [tilespmem:s25+$0xFFFFFF10]  }
0x95: {  	v16 =	vld [tilespmem:s25+$0xE0]  }
0x96: {  	v11 =	vld [tilespmem:s25+$0xFFFFFF40]  }
0x97: {  	s3 =	simm.s32 $0x0;
	v3 =	vld [tilespmem:s25+$0xFFFFFF90]  }
0x98: {  	v4 =	vld [tilespmem:s3+$0x191A0]  }
0x99: {  	v10 =	vld [tilespmem:s25+$0xFFFFFFC0]  }
0x9a: {  	v13 =	vld [tilespmem:s25+$0xFFFFFF00]  }
0x9b: {  	v14 =	vld [tilespmem:s25+$0xD0]  }
0x9c: {  	v23 =	vld [tilespmem:s25+$0xC0]  }
0x9d: {  	v21 =	vld [tilespmem:s25+$0x90];
	v19 =	vbroadcast v4, $0x0;
	v6 =	vbroadcast v4, $0xF  }
0x9e: {  	v22 =	vld [tilespmem:s25+$0xFFFFFF50];
	v20 =	vbroadcast v4, $0x2;
	v18 =	vbroadcast v4, $0xE  }
0x9f: {  	v17 =	vld [tilespmem:s25+$0xB0];
	v15 =	vbroadcast v4, $0xC;
	v25 =	vmul.f32 v19, v13  }
0xa0: {  	s2 =	simm.s32 $0x18800;
	s1 =	simm.s32 $0x40;
	v13 =	vbroadcast v4, $0xD;
	v24 =	vmul.f32 v11, v20;
	v11 =	vld [tilespmem:s25+$0x60]  }
.LBB2_5:
0xa1: {  	p0 =	sne.s32 s1, $0x100  }
0xa2: {  	[tilespmem:s25+$0xFFFFFF00] =	vst v25;
	v25 =	vld [tilespmem:s25+$0xFFFFFFB0];
	v23 =	vmul.f32 v23, v18;
	v16 =	vmul.f32 v16, v6;
	s2 =	sadd.s32 $0x200, s2;
	s3 =	smov.u32 s1;
	s1 =	sadd.s32 $0x40, s1  }
0xa3: {  	[tilespmem:s25+$0xFFFFFF40] =	vst v24;
	v24 =	vbroadcast v4, $0xA;
	v21 =	vmul.f32 v21, v15;
	v26 =	vld [tilespmem:s25+$0xA0]  }
0xa4: {  	v12 =	vmul.f32 v12, v19;
	v19 =	vmul.f32 v22, v20;
	v20 =	vld [tilespmem:s25+$0x70];
	[tilespmem:s25+$0xE0] =	vst v16  }
0xa5: {  	v16 =	vbroadcast v4, $0x5;
	v22 =	vld [tilespmem:s25+$0xFFFFFFE0];
	v17 =	vmul.f32 v17, v13;
	[tilespmem:s25+$0xC0] =	vst v23  }
0xa6: {  	v14 =	vmul.f32 v14, v18;
	[tilespmem:s25+$0xFFFFFF10] =	vst v12;
	v12 =	vbroadcast v4, $0x6;
	v23 =	vld [tilespmem:s25+$0x40]  }
0xa7: {  	v27 =	vbroadcast v4, $0xB;
	v7 =	vmul.f32 v7, v16;
	v18 =	vld [tilespmem:s25+$0xFFFFFF20];
	[tilespmem:s25+$0x90] =	vst v21  }
0xa8: {  	v21 =	vbroadcast v4, $0x9;
	[tilespmem:s25+$0xFFFFFF50] =	vst v19;
	v19 =	vld [tilespmem:s25+$0x20];
	v13 =	vmul.f32 v26, v13  }
0xa9: {  	v16 =	vmul.f32 v25, v16;
	v25 =	vld [tilespmem:s25+$0x50];
	v20 =	vmul.f32 v20, v27;
	[tilespmem:s25+$0xD0] =	vst v14  }
0xaa: {  	v9 =	vmul.f32 v9, v15;
	v14 =	vbroadcast v4, $0x7;
	v26 =	vld [tilespmem:s25+$0x30];
	[tilespmem:s25+$0xA0] =	vst v13  }
0xab: {  	v10 =	vmul.f32 v10, v12;
	v13 =	vbroadcast v4, $0x3;
	v15 =	vld [tilespmem:s25+$0x0];
	[tilespmem:s25+$0x70] =	vst v20  }
0xac: {  	v11 =	vmul.f32 v11, v27;
	v8 =	vmul.f32 v8, v12;
	v12 =	vld [tilespmem:s25+$0x10];
	[tilespmem:s25+$0x80] =	vst v9  }
0xad: {  	v20 =	vbroadcast v4, $0x8;
	v23 =	vmul.f32 v23, v24;
	v9 =	vld [tilespmem:s25+$0xFFFFFF30];
	[tilespmem:s25+$0xB0] =	vst v17  }
0xae: {  	v17 =	vbroadcast v4, $0x1;
	v27 =	vld [tilespmem:s25+$0xFFFFFF70];
	[tilespmem:s25+$0xFFFFFFD0] =	vst v8;
	v24 =	vmul.f32 v25, v24  }
0xaf: {  	v5 =	vmul.f32 v5, v14;
	v8 =	vmul.f32 v22, v14;
	[tilespmem:s25+$0xFFFFFFC0] =	vst v10;
	v10 =	vld [tilespmem:s25+$0xF0]  }
0xb0: {  	v22 =	vmul.f32 v26, v21;
	v14 =	vld [tilespmem:s25+$0xFFFFFF80];
	[tilespmem:s25+$0xFFFFFFA0] =	vst v7;
	v15 =	vmul.f32 v15, v20  }
0xb1: {  	v7 =	vld [tilespmem:s2+$0xFFFFFFA0];
	[tilespmem:s25+$0xFFFFFFF0] =	vst v5;
	v20 =	vmul.f32 v12, v20;
	v12 =	vmul.f32 v19, v21  }
0xb2: {  	v5 =	vmul.f32 v18, v17;
	v17 =	vmul.f32 v9, v17;
	[tilespmem:s25+$0x60] =	vst v11  }
0xb3: {  	v2 =	vmul.f32 v2, v13;
	v9 =	vmul.f32 v27, v13;
	[tilespmem:s25+$0xFFFFFFB0] =	vst v16  }
0xb4: {  	v4 =	vbroadcast v4, $0x4;
	[tilespmem:s25+$0xFFFFFF20] =	vst v5;
	v5 =	vmul.f32 v10, v6  }
0xb5: {  	[tilespmem:s25+$0xFFFFFF60] =	vst v2  }
0xb6: {  	v6 =	vmul.f32 v14, v4;
	v2 =	vmul.f32 v3, v4;
	[tilespmem:s25+$0x40] =	vst v23  }
0xb7: {  	[tilespmem:s25+$0xFFFFFFE0] =	vst v8  }
0xb8: {  	[tilespmem:s25+$0xF0] =	vst v5  }
0xb9: {  	[tilespmem:s25+$0xFFFFFF90] =	vst v2  }
0xba: {  	v5 =	vld [tilespmem:s2+$0xFFFFFFF0];
	[tilespmem:s25+$0xFFFFFF70] =	vst v9  }
0xbb: {  	v2 =	vld [tilespmem:s2+$0xFFFFFF60];
	[tilespmem:s25+$0x20] =	vst v12  }
0xbc: {  	v8 =	vld [tilespmem:s2+$0xFFFFFFD0];
	[tilespmem:s25+$0x30] =	vst v22  }
0xbd: {  	v9 =	vld [tilespmem:s2+$0x80];
	[tilespmem:s25+$0xFFFFFF80] =	vst v6  }
0xbe: {  	v12 =	vld [tilespmem:s2+$0xFFFFFF10];
	[tilespmem:s25+$0x50] =	vst v24  }
0xbf: {  	v16 =	vld [tilespmem:s2+$0xE0];
	[tilespmem:s25+$0x0] =	vst v15  }
0xc0: {  	v11 =	vld [tilespmem:s2+$0xFFFFFF40];
	[tilespmem:s25+$0xFFFFFF30] =	vst v17  }
0xc1: {  	s3 =	sshra.s32 s3, $0x2;
	v3 =	vld [tilespmem:s2+$0xFFFFFF90];
	[tilespmem:s25+$0x10] =	vst v20;
	s25 =	smov.u32 s2  }
0xc2: {  	v4 =	vld [tilespmem:s3+$0x191A0]  }
0xc3: {  	v10 =	vld [tilespmem:s2+$0xFFFFFFC0]  }
0xc4: {  	v13 =	vld [tilespmem:s2+$0xFFFFFF00]  }
0xc5: {  	v14 =	vld [tilespmem:s2+$0xD0]  }
.Ltmp1:
0xc6: {  	v23 =	vld [tilespmem:s2+$0xC0];
	(pc) =	sbr.rel @p0 .LBB2_5-.Ltmp1, $4  }
0xc7: {  	v19 =	vbroadcast v4, $0x0;
	v21 =	vld [tilespmem:s2+$0x90];
	v6 =	vbroadcast v4, $0xF  }
0xc8: {  	v20 =	vbroadcast v4, $0x2;
	v18 =	vbroadcast v4, $0xE;
	v22 =	vld [tilespmem:s2+$0xFFFFFF50]  }
0xc9: {  	v25 =	vmul.f32 v19, v13;
	v13 =	vbroadcast v4, $0xD;
	v17 =	vld [tilespmem:s2+$0xB0]  }
0xca: {  	v15 =	vbroadcast v4, $0xC;
	v24 =	vmul.f32 v11, v20;
	v11 =	vld [tilespmem:s2+$0x60]  }
0xcb: {  	[tilespmem:s25+$0xFFFFFF00] =	vst v25;
	v16 =	vmul.f32 v16, v6  }
0xcc: {  	v23 =	vmul.f32 v23, v18;
	[tilespmem:s25+$0xFFFFFF40] =	vst v24  }
0xcd: {  	v12 =	vmul.f32 v12, v19;
	[tilespmem:s25+$0xE0] =	vst v16  }
0xce: {  	v34 =	vmul.f32 v14, v18;
	[tilespmem:s25+$0xC0] =	vst v23  }
0xcf: {  	v32 =	vmul.f32 v21, v15;
	[tilespmem:s25+$0xFFFFFF10] =	vst v12  }
0xd0: {  	v40 =	vbroadcast v4, $0x6;
	v9 =	vmul.f32 v9, v15;
	[tilespmem:s25+$0xD0] =	vst v34  }
0xd1: {  	v20 =	vmul.f32 v22, v20;
	[tilespmem:s25+$0x90] =	vst v32  }
0xd2: {  	v44 =	vbroadcast v4, $0x5;
	v8 =	vmul.f32 v8, v40;
	[tilespmem:s25+$0x80] =	vst v9  }
0xd3: {  	v46 =	vbroadcast v4, $0x7;
	v10 =	vmul.f32 v10, v40;
	[tilespmem:s25+$0xFFFFFF50] =	vst v20  }
0xd4: {  	v53 =	vbroadcast v4, $0x3;
	v7 =	vmul.f32 v7, v44;
	[tilespmem:s25+$0xFFFFFFD0] =	vst v8  }
0xd5: {  	v30 =	vld [tilespmem:s25+$0xA0];
	v58 =	vbroadcast v4, $0x4;
	v5 =	vmul.f32 v5, v46;
	[tilespmem:s25+$0xFFFFFFC0] =	vst v10  }
0xd6: {  	v31 =	vld [tilespmem:s25+$0x70];
	v2 =	vmul.f32 v2, v53;
	[tilespmem:s25+$0xFFFFFFA0] =	vst v7  }
0xd7: {  	v33 =	vld [tilespmem:s25+$0xFFFFFFB0];
	v36 =	vbroadcast v4, $0xB;
	v3 =	vmul.f32 v3, v58;
	[tilespmem:s25+$0xFFFFFFF0] =	vst v5  }
0xd8: {  	v35 =	vld [tilespmem:s25+$0xFFFFFF20];
	v42 =	vmul.f32 v17, v13;
	[tilespmem:s25+$0xFFFFFF60] =	vst v2  }
0xd9: {  	v39 =	vld [tilespmem:s25+$0x40];
	v11 =	vmul.f32 v11, v36;
	[tilespmem:s25+$0xFFFFFF90] =	vst v3  }
0xda: {  	v37 =	vld [tilespmem:s25+$0xFFFFFFE0];
	v38 =	vmul.f32 v30, v13;
	[tilespmem:s25+$0xB0] =	vst v42  }
0xdb: {  	v51 =	vbroadcast v4, $0x1;
	v54 =	vld [tilespmem:s25+$0xF0];
	v19 =	vmul.f32 v31, v36;
	[tilespmem:s25+$0x60] =	vst v11  }
0xdc: {  	v48 =	vld [tilespmem:s25+$0xFFFFFF70];
	v55 =	vbroadcast v4, $0xA;
	v52 =	vmul.f32 v33, v44;
	[tilespmem:s25+$0xA0] =	vst v38  }
0xdd: {  	v45 =	vld [tilespmem:s25+$0x30];
	v14 =	vmul.f32 v35, v51;
	[tilespmem:s25+$0x70] =	vst v19  }
0xde: {  	v49 =	vld [tilespmem:s25+$0xFFFFFF80];
	v57 =	vmul.f32 v39, v55;
	[tilespmem:s25+$0xFFFFFFB0] =	vst v52  }
0xdf: {  	v43 =	vld [tilespmem:s25+$0x20];
	v9 =	vmul.f32 v37, v46;
	[tilespmem:s25+$0xFFFFFF20] =	vst v14  }
0xe0: {  	v56 =	vld [tilespmem:s25+$0xFFFFFF30];
	v59 =	vbroadcast v4, $0x9;
	v2 =	vmul.f32 v54, v6;
	[tilespmem:s25+$0x40] =	vst v57  }
0xe1: {  	v41 =	vld [tilespmem:s25+$0x50];
	v60 =	vmul.f32 v48, v53;
	[tilespmem:s25+$0xFFFFFFE0] =	vst v9  }
0xe2: {  	v47 =	vld [tilespmem:s25+$0x0];
	v3 =	vmul.f32 v45, v59;
	[tilespmem:s25+$0xF0] =	vst v2  }
0xe3: {  	v50 =	vld [tilespmem:s25+$0x10];
	v62 =	vmul.f32 v49, v58;
	[tilespmem:s25+$0xFFFFFF70] =	vst v60  }
0xe4: {  	v2 =	vmul.f32 v43, v59;
	[tilespmem:s25+$0x30] =	vst v3  }
0xe5: {  	v61 =	vbroadcast v4, $0x8;
	v63 =	vmul.f32 v56, v51;
	[tilespmem:s25+$0xFFFFFF80] =	vst v62  }
0xe6: {  	[tilespmem:s25+$0x20] =	vst v2;
	v2 =	vmul.f32 v41, v55  }
0xe7: {  	v3 =	vmul.f32 v47, v61;
	[tilespmem:s25+$0xFFFFFF30] =	vst v63  }
0xe8: {  	s24 =	sadd.s32 $0x1, s24;
	[tilespmem:s25+$0x50] =	vst v2;
	v2 =	vmul.f32 v50, v61  }
0xe9: {  	p0 =	sne.s32 s24, $0x271;
	[tilespmem:s25+$0x0] =	vst v3  }
.Ltmp2:
0xea: {  	[tilespmem:s25+$0x10] =	vst v2;
	(pc) =	sbr.rel @p0 .LBB2_4-.Ltmp2, $4  }
0xeb: {  	[spmem:s4] =	stream.indirect.scatter.add.f32 [tilespmem:s30], [sflag:$0x1], $0x20, s20, s28, $0xb8;
	[tilespmem:$0x1E840] =	vst v63  }
0xec: {  	_ =	swait.ge [sflag:s18], $0xA00  }
0xed: {  	[sflag:s18] =	ssyncset.done $0x0  }
0xee: {  	[sflag:s18] =	ssyncadd.s32 $0xFFFFF600  }
0xef: {  	[bflag:$0x0] =	sbarrier.arrive $0xFFFF;
	s1 =	simm.s32 $0x0;
	s2 =	simm.s32 $0x0  }
.LBB2_8:
0xf0: {  	s3 =	smul.u32 $0xB8, s2;
	_ =	sdelay $0x1  }
0xf1: {  	s3 =	sadd.s32 s11, s3  }
0xf2: {  	s13 =	sshll.u32 s3, $0x5  }
0xf3: {  	s13 =	sand.u32 $0x3FFFFFE0, s13  }
0xf4: {  	s13 =	sadd.s32 s13, s4  }
0xf5: {  	[tilespmem:s31], [sflag:$0x1] =	stream.linear.gather [spmem:s13], $0x1700, $0x38;
	[tilespmem:$0x1E840] =	vst v63  }
0xf6: {  	_ =	swait.ge [sflag:s18], $0x1700  }
0xf7: {  	[sflag:s18] =	ssyncset.done $0x0  }
0xf8: {  	[sflag:s18] =	ssyncadd.s32 $0xFFFFE900  }
0xf9: {  	[spmem:s13] =	stream.linear.scatter [tilespmem:s17], [sflag:$0x1], $0x1700, $0x38;
	[tilespmem:$0x1E840] =	vst v63  }
0xfa: {  	s3 =	sadd.s32 s10, s3;
	_ =	swait.ge [sflag:s18], $0x1700  }
0xfb: {  	s3 =	sshll.u32 s3, $0x2;
	[sflag:s18] =	ssyncset.done $0x0  }
0xfc: {  	s24 =	sadd.s32 s8, s3;
	[sflag:s18] =	ssyncadd.s32 $0xFFFFE900  }
0xfd: {  	[hbm4b:s24+s1] =	stream.linear.scatter [tilespmem:s31], [sflag:$0x1], $0x1700, $0x38;
	[tilespmem:$0x1E840] =	vst v63  }
0xfe: {  	_ =	swait.ge [sflag:s18], $0x1700  }
0xff: {  	[sflag:s18] =	ssyncset.done $0x0  }
0x100: {  	s25 =	sadd.s32 s7, s3;
	[sflag:s18] =	ssyncadd.s32 $0xFFFFE900  }
0x101: {  	[tilespmem:s0], [sflag:$0x1] =	stream.linear.gather [hbm4b:s25+s1], $0x1700, $0x38;
	[tilespmem:$0x1E840] =	vst v63  }
0x102: {  	_ =	swait.ge [sflag:s18], $0x1700  }
0x103: {  	[sflag:s18] =	ssyncset.done $0x0  }
0x104: {  	s13 =	simm.s32 $0x0;
	[sflag:s18] =	ssyncadd.s32 $0xFFFFE900  }
0x105: {  	v2 =	vld [tilespmem:s13+$0x19240]  }
0x106: {  	v3 =	vld [tilespmem:s13+$0x19250]  }
0x107: {  	s23 =	simm.s32 $0x80;
	v4 =	vld [tilespmem:s13+$0x1A940]  }
.LBB2_9:
0x108: {  	p0 =	sne.s32 s23, $0x5B80;
	v5 =	vld [tilespmem:s13+$0x1A950];
	_ =	sdelay $0x2  }
.Ltmp3:
0x109: {  	(pc) =	sbr.rel @p0 .LBB2_9-.Ltmp3, $4  }
0x10a: {  	s24 =	sshra.s32 s23, $0x2;
	v4 =	vadd.f32 v2, v4  }
0x10b: {  	v2 =	vld [tilespmem:s24+$0x19240];
	v5 =	vadd.f32 v3, v5  }
0x10c: {  	v3 =	vld [tilespmem:s24+$0x19250];
	[tilespmem:s13+$0x1A940] =	vst v4  }
0x10d: {  	s23 =	sadd.s32 $0x80, s23;
	v4 =	vld [tilespmem:s24+$0x1A940];
	[tilespmem:s13+$0x1A950] =	vst v5;
	s13 =	smov.u32 s24  }
0x10e: {  	v5 =	vld [tilespmem:s13+$0x1A950];
	_ =	sdelay $0x3  }
0x10f: {  	v2 =	vadd.f32 v2, v4  }
0x110: {  	s2 =	sadd.s32 $0x1, s2;
	v3 =	vadd.f32 v3, v5  }
0x111: {  	p0 =	sne.s32 s2, $0x11;
	[tilespmem:s13+$0x1A940] =	vst v2  }
.Ltmp4:
0x112: {  	s3 =	sadd.s32 s9, s3;
	[tilespmem:s13+$0x1A950] =	vst v3;
	(pc) =	sbr.rel @p0 .LBB2_8-.Ltmp4, $4  }
0x113: {  	[hbm4b:s3+s6] =	stream.linear.scatter [tilespmem:s0], [sflag:$0x1], $0x1700, $0x38;
	[tilespmem:$0x1E840] =	vst v63  }
0x114: {  	_ =	swait.ge [sflag:s18], $0x1700  }
0x115: {  	[sflag:s18] =	ssyncset.done $0x0  }
0x116: {  	[sflag:s18] =	ssyncadd.s32 $0xFFFFE900  }
0x117: {  	[bflag:$0x0] =	sbarrier.arrive $0xFFFF  }
0x118: {  	s23 =	simm.s32 $0x0;
	s24 =	simm.s32 $0x0;
	s13 =	rddreg [dreg:$0x1]  }
.LBB2_12:
0x119: {  	s1 =	smul.u32 $0x50, s24;
	_ =	sdelay $0x1  }
0x11a: {  	s1 =	sadd.s32 s12, s1  }
0x11b: {  	s1 =	sshrl.u32 s1, $0x3  }
0x11c: {  	s2 =	sadd.s32 s13, s1  }
0x11d: {  	[tilespmem:s19], [sflag:$0x1] =	stream.linear.gather [hbm4b:s2+s23], $0x50, $0x38;
	[tilespmem:$0x1E840] =	vst v63  }
0x11e: {  	_ =	swait.ge [sflag:s18], $0x50  }
0x11f: {  	[sflag:s18] =	ssyncset.done $0x0  }
0x120: {  	[sflag:s18] =	ssyncadd.s32 $0xFFFFFFB0  }
0x121: {  	s3 =	rddreg [dreg:$0x2]  }
0x122: {  	s2 =	sadd.s32 s3, s1  }
0x123: {  	[tilespmem:s20], [sflag:$0x1] =	stream.linear.gather [hbm4b:s2+s23], $0x50, $0x38;
	[tilespmem:$0x1E840] =	vst v63  }
0x124: {  	_ =	swait.ge [sflag:s18], $0x50  }
0x125: {  	[sflag:s18] =	ssyncset.done $0x0  }
0x126: {  	[sflag:s18] =	ssyncadd.s32 $0xFFFFFFB0  }
0x127: {  	s25 =	rddreg [dreg:$0x3]  }
0x128: {  	s1 =	sadd.s32 s25, s1  }
0x129: {  	[tilespmem:s26], [sflag:$0x1] =	stream.linear.gather [hbm4b:s1+s23], $0x50, $0x38;
	[tilespmem:$0x1E840] =	vst v63  }
0x12a: {  	_ =	swait.ge [sflag:s18], $0x50  }
0x12b: {  	[sflag:s18] =	ssyncset.done $0x0  }
0x12c: {  	[sflag:s18] =	ssyncadd.s32 $0xFFFFFFB0  }
0x12d: {  	v2 =	vld [tilespmem:$0x19100]  }
0x12e: {  	v3 =	vld [tilespmem:$0x19110]  }
0x12f: {  	v4 =	vld [tilespmem:$0x19120]  }
0x130: {  	v5 =	vld [tilespmem:$0x19130]  }
0x131: {  	v6 =	vld [tilespmem:$0x19140]  }
0x132: {  	v2 =	vadd.s32 v0, v2  }
0x133: {  	[tilespmem:$0x191F0] =	vst v2;
	v2 =	vadd.s32 v0, v3  }
0x134: {  	[tilespmem:$0x19200] =	vst v2;
	v2 =	vadd.s32 v0, v4  }
0x135: {  	[tilespmem:$0x19210] =	vst v2;
	v2 =	vadd.s32 v0, v5  }
0x136: {  	[tilespmem:$0x19220] =	vst v2;
	v2 =	vadd.s32 v0, v6  }
0x137: {  	[tilespmem:$0x19230] =	vst v2  }
0x138: {  	[tilespmem:s30], [sflag:$0x1] =	stream.indirect.gather [hbm4b:s8+s28], $0x20, s29, s28, $0xb8;
	[tilespmem:$0x1E840] =	vst v63  }
0x139: {  	_ =	swait.ge [sflag:s18], $0xA00  }
0x13a: {  	[sflag:s18] =	ssyncset.done $0x0  }
0x13b: {  	s25 =	simm.s32 $0x18800;
	[sflag:s18] =	ssyncadd.s32 $0xFFFFF600  }
0x13c: {  	v7 =	vld [tilespmem:s25+$0xFFFFFFA0]  }
0x13d: {  	v5 =	vld [tilespmem:s25+$0xFFFFFFF0]  }
0x13e: {  	v2 =	vld [tilespmem:s25+$0xFFFFFF60]  }
0x13f: {  	v8 =	vld [tilespmem:s25+$0xFFFFFFD0]  }
0x140: {  	v9 =	vld [tilespmem:s25+$0x80]  }
0x141: {  	v12 =	vld [tilespmem:s25+$0xFFFFFF10]  }
0x142: {  	v16 =	vld [tilespmem:s25+$0xE0]  }
0x143: {  	v11 =	vld [tilespmem:s25+$0xFFFFFF40]  }
0x144: {  	s3 =	simm.s32 $0x0;
	v3 =	vld [tilespmem:s25+$0xFFFFFF90]  }
0x145: {  	v4 =	vld [tilespmem:s3+$0x191A0]  }
0x146: {  	v10 =	vld [tilespmem:s25+$0xFFFFFFC0]  }
0x147: {  	v13 =	vld [tilespmem:s25+$0xFFFFFF00]  }
0x148: {  	v14 =	vld [tilespmem:s25+$0xD0]  }
0x149: {  	v23 =	vld [tilespmem:s25+$0xC0]  }
0x14a: {  	v21 =	vld [tilespmem:s25+$0x90];
	v19 =	vbroadcast v4, $0x0;
	v6 =	vbroadcast v4, $0xF  }
0x14b: {  	v22 =	vld [tilespmem:s25+$0xFFFFFF50];
	v20 =	vbroadcast v4, $0x2;
	v18 =	vbroadcast v4, $0xE  }
0x14c: {  	v17 =	vld [tilespmem:s25+$0xB0];
	v15 =	vbroadcast v4, $0xC;
	v25 =	vmul.f32 v19, v13  }
0x14d: {  	s2 =	simm.s32 $0x18800;
	s1 =	simm.s32 $0x40;
	v13 =	vbroadcast v4, $0xD;
	v24 =	vmul.f32 v11, v20;
	v11 =	vld [tilespmem:s25+$0x60]  }
.LBB2_13:
0x14e: {  	p0 =	sne.s32 s1, $0x100  }
0x14f: {  	[tilespmem:s25+$0xFFFFFF00] =	vst v25;
	v25 =	vld [tilespmem:s25+$0xFFFFFFB0];
	v23 =	vmul.f32 v23, v18;
	v16 =	vmul.f32 v16, v6;
	s2 =	sadd.s32 $0x200, s2;
	s3 =	smov.u32 s1;
	s1 =	sadd.s32 $0x40, s1  }
0x150: {  	[tilespmem:s25+$0xFFFFFF40] =	vst v24;
	v24 =	vbroadcast v4, $0xA;
	v21 =	vmul.f32 v21, v15;
	v26 =	vld [tilespmem:s25+$0xA0]  }
0x151: {  	v12 =	vmul.f32 v12, v19;
	v19 =	vmul.f32 v22, v20;
	v20 =	vld [tilespmem:s25+$0x70];
	[tilespmem:s25+$0xE0] =	vst v16  }
0x152: {  	v16 =	vbroadcast v4, $0x5;
	v22 =	vld [tilespmem:s25+$0xFFFFFFE0];
	v17 =	vmul.f32 v17, v13;
	[tilespmem:s25+$0xC0] =	vst v23  }
0x153: {  	v14 =	vmul.f32 v14, v18;
	[tilespmem:s25+$0xFFFFFF10] =	vst v12;
	v12 =	vbroadcast v4, $0x6;
	v23 =	vld [tilespmem:s25+$0x40]  }
0x154: {  	v27 =	vbroadcast v4, $0xB;
	v7 =	vmul.f32 v7, v16;
	v18 =	vld [tilespmem:s25+$0xFFFFFF20];
	[tilespmem:s25+$0x90] =	vst v21  }
0x155: {  	v21 =	vbroadcast v4, $0x9;
	[tilespmem:s25+$0xFFFFFF50] =	vst v19;
	v19 =	vld [tilespmem:s25+$0x20];
	v13 =	vmul.f32 v26, v13  }
0x156: {  	v16 =	vmul.f32 v25, v16;
	v25 =	vld [tilespmem:s25+$0x50];
	v20 =	vmul.f32 v20, v27;
	[tilespmem:s25+$0xD0] =	vst v14  }
0x157: {  	v9 =	vmul.f32 v9, v15;
	v14 =	vbroadcast v4, $0x7;
	v26 =	vld [tilespmem:s25+$0x30];
	[tilespmem:s25+$0xA0] =	vst v13  }
0x158: {  	v10 =	vmul.f32 v10, v12;
	v13 =	vbroadcast v4, $0x3;
	v15 =	vld [tilespmem:s25+$0x0];
	[tilespmem:s25+$0x70] =	vst v20  }
0x159: {  	v11 =	vmul.f32 v11, v27;
	v8 =	vmul.f32 v8, v12;
	v12 =	vld [tilespmem:s25+$0x10];
	[tilespmem:s25+$0x80] =	vst v9  }
0x15a: {  	v20 =	vbroadcast v4, $0x8;
	v23 =	vmul.f32 v23, v24;
	v9 =	vld [tilespmem:s25+$0xFFFFFF30];
	[tilespmem:s25+$0xB0] =	vst v17  }
0x15b: {  	v17 =	vbroadcast v4, $0x1;
	v27 =	vld [tilespmem:s25+$0xFFFFFF70];
	[tilespmem:s25+$0xFFFFFFD0] =	vst v8;
	v24 =	vmul.f32 v25, v24  }
0x15c: {  	v5 =	vmul.f32 v5, v14;
	v8 =	vmul.f32 v22, v14;
	[tilespmem:s25+$0xFFFFFFC0] =	vst v10;
	v10 =	vld [tilespmem:s25+$0xF0]  }
0x15d: {  	v22 =	vmul.f32 v26, v21;
	v14 =	vld [tilespmem:s25+$0xFFFFFF80];
	[tilespmem:s25+$0xFFFFFFA0] =	vst v7;
	v15 =	vmul.f32 v15, v20  }
0x15e: {  	v7 =	vld [tilespmem:s2+$0xFFFFFFA0];
	[tilespmem:s25+$0xFFFFFFF0] =	vst v5;
	v20 =	vmul.f32 v12, v20;
	v12 =	vmul.f32 v19, v21  }
0x15f: {  	v5 =	vmul.f32 v18, v17;
	v17 =	vmul.f32 v9, v17;
	[tilespmem:s25+$0x60] =	vst v11  }
0x160: {  	v2 =	vmul.f32 v2, v13;
	v9 =	vmul.f32 v27, v13;
	[tilespmem:s25+$0xFFFFFFB0] =	vst v16  }
0x161: {  	v4 =	vbroadcast v4, $0x4;
	[tilespmem:s25+$0xFFFFFF20] =	vst v5;
	v5 =	vmul.f32 v10, v6  }
0x162: {  	[tilespmem:s25+$0xFFFFFF60] =	vst v2  }
0x163: {  	v6 =	vmul.f32 v14, v4;
	v2 =	vmul.f32 v3, v4;
	[tilespmem:s25+$0x40] =	vst v23  }
0x164: {  	[tilespmem:s25+$0xFFFFFFE0] =	vst v8  }
0x165: {  	[tilespmem:s25+$0xF0] =	vst v5  }
0x166: {  	[tilespmem:s25+$0xFFFFFF90] =	vst v2  }
0x167: {  	v5 =	vld [tilespmem:s2+$0xFFFFFFF0];
	[tilespmem:s25+$0xFFFFFF70] =	vst v9  }
0x168: {  	v2 =	vld [tilespmem:s2+$0xFFFFFF60];
	[tilespmem:s25+$0x20] =	vst v12  }
0x169: {  	v8 =	vld [tilespmem:s2+$0xFFFFFFD0];
	[tilespmem:s25+$0x30] =	vst v22  }
0x16a: {  	v9 =	vld [tilespmem:s2+$0x80];
	[tilespmem:s25+$0xFFFFFF80] =	vst v6  }
0x16b: {  	v12 =	vld [tilespmem:s2+$0xFFFFFF10];
	[tilespmem:s25+$0x50] =	vst v24  }
0x16c: {  	v16 =	vld [tilespmem:s2+$0xE0];
	[tilespmem:s25+$0x0] =	vst v15  }
0x16d: {  	v11 =	vld [tilespmem:s2+$0xFFFFFF40];
	[tilespmem:s25+$0xFFFFFF30] =	vst v17  }
0x16e: {  	s3 =	sshra.s32 s3, $0x2;
	v3 =	vld [tilespmem:s2+$0xFFFFFF90];
	[tilespmem:s25+$0x10] =	vst v20;
	s25 =	smov.u32 s2  }
0x16f: {  	v4 =	vld [tilespmem:s3+$0x191A0]  }
0x170: {  	v10 =	vld [tilespmem:s2+$0xFFFFFFC0]  }
0x171: {  	v13 =	vld [tilespmem:s2+$0xFFFFFF00]  }
0x172: {  	v14 =	vld [tilespmem:s2+$0xD0]  }
.Ltmp5:
0x173: {  	v23 =	vld [tilespmem:s2+$0xC0];
	(pc) =	sbr.rel @p0 .LBB2_13-.Ltmp5, $4  }
0x174: {  	v19 =	vbroadcast v4, $0x0;
	v21 =	vld [tilespmem:s2+$0x90];
	v6 =	vbroadcast v4, $0xF  }
0x175: {  	v20 =	vbroadcast v4, $0x2;
	v18 =	vbroadcast v4, $0xE;
	v22 =	vld [tilespmem:s2+$0xFFFFFF50]  }
0x176: {  	v25 =	vmul.f32 v19, v13;
	v13 =	vbroadcast v4, $0xD;
	v17 =	vld [tilespmem:s2+$0xB0]  }
0x177: {  	v15 =	vbroadcast v4, $0xC;
	v24 =	vmul.f32 v11, v20;
	v11 =	vld [tilespmem:s2+$0x60]  }
0x178: {  	[tilespmem:s25+$0xFFFFFF00] =	vst v25;
	v16 =	vmul.f32 v16, v6  }
0x179: {  	v23 =	vmul.f32 v23, v18;
	[tilespmem:s25+$0xFFFFFF40] =	vst v24  }
0x17a: {  	v12 =	vmul.f32 v12, v19;
	[tilespmem:s25+$0xE0] =	vst v16  }
0x17b: {  	v34 =	vmul.f32 v14, v18;
	[tilespmem:s25+$0xC0] =	vst v23  }
0x17c: {  	v32 =	vmul.f32 v21, v15;
	[tilespmem:s25+$0xFFFFFF10] =	vst v12  }
0x17d: {  	v40 =	vbroadcast v4, $0x6;
	v9 =	vmul.f32 v9, v15;
	[tilespmem:s25+$0xD0] =	vst v34  }
0x17e: {  	v20 =	vmul.f32 v22, v20;
	[tilespmem:s25+$0x90] =	vst v32  }
0x17f: {  	v44 =	vbroadcast v4, $0x5;
	v8 =	vmul.f32 v8, v40;
	[tilespmem:s25+$0x80] =	vst v9  }
0x180: {  	v46 =	vbroadcast v4, $0x7;
	v10 =	vmul.f32 v10, v40;
	[tilespmem:s25+$0xFFFFFF50] =	vst v20  }
0x181: {  	v53 =	vbroadcast v4, $0x3;
	v7 =	vmul.f32 v7, v44;
	[tilespmem:s25+$0xFFFFFFD0] =	vst v8  }
0x182: {  	v30 =	vld [tilespmem:s25+$0xA0];
	v58 =	vbroadcast v4, $0x4;
	v5 =	vmul.f32 v5, v46;
	[tilespmem:s25+$0xFFFFFFC0] =	vst v10  }
0x183: {  	v31 =	vld [tilespmem:s25+$0x70];
	v2 =	vmul.f32 v2, v53;
	[tilespmem:s25+$0xFFFFFFA0] =	vst v7  }
0x184: {  	v33 =	vld [tilespmem:s25+$0xFFFFFFB0];
	v36 =	vbroadcast v4, $0xB;
	v3 =	vmul.f32 v3, v58;
	[tilespmem:s25+$0xFFFFFFF0] =	vst v5  }
0x185: {  	v35 =	vld [tilespmem:s25+$0xFFFFFF20];
	v42 =	vmul.f32 v17, v13;
	[tilespmem:s25+$0xFFFFFF60] =	vst v2  }
0x186: {  	v39 =	vld [tilespmem:s25+$0x40];
	v11 =	vmul.f32 v11, v36;
	[tilespmem:s25+$0xFFFFFF90] =	vst v3  }
0x187: {  	v37 =	vld [tilespmem:s25+$0xFFFFFFE0];
	v38 =	vmul.f32 v30, v13;
	[tilespmem:s25+$0xB0] =	vst v42  }
0x188: {  	v51 =	vbroadcast v4, $0x1;
	v54 =	vld [tilespmem:s25+$0xF0];
	v19 =	vmul.f32 v31, v36;
	[tilespmem:s25+$0x60] =	vst v11  }
0x189: {  	v48 =	vld [tilespmem:s25+$0xFFFFFF70];
	v55 =	vbroadcast v4, $0xA;
	v52 =	vmul.f32 v33, v44;
	[tilespmem:s25+$0xA0] =	vst v38  }
0x18a: {  	v45 =	vld [tilespmem:s25+$0x30];
	v14 =	vmul.f32 v35, v51;
	[tilespmem:s25+$0x70] =	vst v19  }
0x18b: {  	v49 =	vld [tilespmem:s25+$0xFFFFFF80];
	v57 =	vmul.f32 v39, v55;
	[tilespmem:s25+$0xFFFFFFB0] =	vst v52  }
0x18c: {  	v43 =	vld [tilespmem:s25+$0x20];
	v9 =	vmul.f32 v37, v46;
	[tilespmem:s25+$0xFFFFFF20] =	vst v14  }
0x18d: {  	v56 =	vld [tilespmem:s25+$0xFFFFFF30];
	v59 =	vbroadcast v4, $0x9;
	v2 =	vmul.f32 v54, v6;
	[tilespmem:s25+$0x40] =	vst v57  }
0x18e: {  	v41 =	vld [tilespmem:s25+$0x50];
	v60 =	vmul.f32 v48, v53;
	[tilespmem:s25+$0xFFFFFFE0] =	vst v9  }
0x18f: {  	v47 =	vld [tilespmem:s25+$0x0];
	v3 =	vmul.f32 v45, v59;
	[tilespmem:s25+$0xF0] =	vst v2  }
0x190: {  	v50 =	vld [tilespmem:s25+$0x10];
	v62 =	vmul.f32 v49, v58;
	[tilespmem:s25+$0xFFFFFF70] =	vst v60  }
0x191: {  	v2 =	vmul.f32 v43, v59;
	[tilespmem:s25+$0x30] =	vst v3  }
0x192: {  	v61 =	vbroadcast v4, $0x8;
	v63 =	vmul.f32 v56, v51;
	[tilespmem:s25+$0xFFFFFF80] =	vst v62  }
0x193: {  	[tilespmem:s25+$0x20] =	vst v2;
	v2 =	vmul.f32 v41, v55  }
0x194: {  	v3 =	vmul.f32 v47, v61;
	[tilespmem:s25+$0xFFFFFF30] =	vst v63  }
0x195: {  	s24 =	sadd.s32 $0x1, s24;
	[tilespmem:s25+$0x50] =	vst v2;
	v2 =	vmul.f32 v50, v61  }
0x196: {  	p0 =	sne.s32 s24, $0x271;
	[tilespmem:s25+$0x0] =	vst v3  }
.Ltmp6:
0x197: {  	[tilespmem:s25+$0x10] =	vst v2;
	(pc) =	sbr.rel @p0 .LBB2_12-.Ltmp6, $4  }
0x198: {  	[spmem:s4] =	stream.indirect.scatter.add.f32 [tilespmem:s30], [sflag:$0x1], $0x20, s20, s28, $0xb8;
	[tilespmem:$0x1E840] =	vst v63  }
0x199: {  	_ =	swait.ge [sflag:s18], $0xA00  }
0x19a: {  	[sflag:s18] =	ssyncset.done $0x0  }
0x19b: {  	[sflag:s18] =	ssyncadd.s32 $0xFFFFF600  }
0x19c: {  	[bflag:$0x0] =	sbarrier.arrive $0xFFFF;
	s1 =	simm.s32 $0x0;
	s2 =	simm.s32 $0x0  }
.LBB2_16:
0x19d: {  	s3 =	smul.u32 $0xB8, s2;
	_ =	sdelay $0x1  }
0x19e: {  	s3 =	sadd.s32 s11, s3  }
0x19f: {  	s13 =	sshll.u32 s3, $0x5  }
0x1a0: {  	s13 =	sand.u32 $0x3FFFFFE0, s13  }
0x1a1: {  	s13 =	sadd.s32 s13, s4  }
0x1a2: {  	[tilespmem:s31], [sflag:$0x1] =	stream.linear.gather [spmem:s13], $0x1700, $0x38;
	[tilespmem:$0x1E840] =	vst v63  }
0x1a3: {  	_ =	swait.ge [sflag:s18], $0x1700  }
0x1a4: {  	[sflag:s18] =	ssyncset.done $0x0  }
0x1a5: {  	[sflag:s18] =	ssyncadd.s32 $0xFFFFE900  }
0x1a6: {  	[spmem:s13] =	stream.linear.scatter [tilespmem:s17], [sflag:$0x1], $0x1700, $0x38;
	[tilespmem:$0x1E840] =	vst v63  }
0x1a7: {  	s3 =	sadd.s32 s10, s3;
	_ =	swait.ge [sflag:s18], $0x1700  }
0x1a8: {  	s3 =	sshll.u32 s3, $0x2;
	[sflag:s18] =	ssyncset.done $0x0  }
0x1a9: {  	s25 =	sadd.s32 s8, s3;
	[sflag:s18] =	ssyncadd.s32 $0xFFFFE900  }
0x1aa: {  	[hbm4b:s25+s1] =	stream.linear.scatter [tilespmem:s31], [sflag:$0x1], $0x1700, $0x38;
	[tilespmem:$0x1E840] =	vst v63  }
0x1ab: {  	_ =	swait.ge [sflag:s18], $0x1700  }
0x1ac: {  	[sflag:s18] =	ssyncset.done $0x0  }
0x1ad: {  	s3 =	sadd.s32 s9, s3;
	[sflag:s18] =	ssyncadd.s32 $0xFFFFE900  }
0x1ae: {  	[tilespmem:s0], [sflag:$0x1] =	stream.linear.gather [hbm4b:s3+s1], $0x1700, $0x38;
	[tilespmem:$0x1E840] =	vst v63  }
0x1af: {  	_ =	swait.ge [sflag:s18], $0x1700  }
0x1b0: {  	[sflag:s18] =	ssyncset.done $0x0  }
0x1b1: {  	s13 =	simm.s32 $0x0;
	[sflag:s18] =	ssyncadd.s32 $0xFFFFE900  }
0x1b2: {  	v2 =	vld [tilespmem:s13+$0x19240]  }
0x1b3: {  	v3 =	vld [tilespmem:s13+$0x19250]  }
0x1b4: {  	s23 =	simm.s32 $0x80;
	v4 =	vld [tilespmem:s13+$0x1A940]  }
.LBB2_17:
0x1b5: {  	p0 =	sne.s32 s23, $0x5B80;
	v5 =	vld [tilespmem:s13+$0x1A950];
	_ =	sdelay $0x2  }
.Ltmp7:
0x1b6: {  	(pc) =	sbr.rel @p0 .LBB2_17-.Ltmp7, $4  }
0x1b7: {  	s24 =	sshra.s32 s23, $0x2;
	v4 =	vadd.f32 v2, v4  }
0x1b8: {  	v2 =	vld [tilespmem:s24+$0x19240];
	v5 =	vadd.f32 v3, v5  }
0x1b9: {  	v3 =	vld [tilespmem:s24+$0x19250];
	[tilespmem:s13+$0x1A940] =	vst v4  }
0x1ba: {  	s23 =	sadd.s32 $0x80, s23;
	v4 =	vld [tilespmem:s24+$0x1A940];
	[tilespmem:s13+$0x1A950] =	vst v5;
	s13 =	smov.u32 s24  }
0x1bb: {  	v5 =	vld [tilespmem:s13+$0x1A950];
	_ =	sdelay $0x3  }
0x1bc: {  	v2 =	vadd.f32 v2, v4  }
0x1bd: {  	s2 =	sadd.s32 $0x1, s2;
	v3 =	vadd.f32 v3, v5  }
0x1be: {  	p0 =	sne.s32 s2, $0x11;
	[tilespmem:s13+$0x1A940] =	vst v2  }
.Ltmp8:
0x1bf: {  	[tilespmem:s13+$0x1A950] =	vst v3;
	(pc) =	sbr.rel @p0 .LBB2_16-.Ltmp8, $4  }
0x1c0: {  	[hbm4b:s3+s6] =	stream.linear.scatter [tilespmem:s0], [sflag:$0x1], $0x1700, $0x38;
	[tilespmem:$0x1E840] =	vst v63  }
0x1c1: {  	_ =	swait.ge [sflag:s18], $0x1700  }
0x1c2: {  	[sflag:s18] =	ssyncset.done $0x0  }
0x1c3: {  	[sflag:s18] =	ssyncadd.s32 $0xFFFFE900  }
0x1c4: {  	[bflag:$0x0] =	sbarrier.arrive $0xFFFF  }
0x1c5: {  	s23 =	simm.s32 $0x0;
	s24 =	simm.s32 $0x0;
	s13 =	rddreg [dreg:$0x1]  }
.LBB2_20:
0x1c6: {  	s1 =	smul.u32 $0x50, s24;
	_ =	sdelay $0x1  }
0x1c7: {  	s1 =	sadd.s32 s12, s1  }
0x1c8: {  	s1 =	sshrl.u32 s1, $0x3  }
0x1c9: {  	s2 =	sadd.s32 s13, s1  }
0x1ca: {  	[tilespmem:s19], [sflag:$0x1] =	stream.linear.gather [hbm4b:s2+s23], $0x50, $0x38;
	[tilespmem:$0x1E840] =	vst v63  }
0x1cb: {  	_ =	swait.ge [sflag:s18], $0x50  }
0x1cc: {  	[sflag:s18] =	ssyncset.done $0x0  }
0x1cd: {  	[sflag:s18] =	ssyncadd.s32 $0xFFFFFFB0  }
0x1ce: {  	s3 =	rddreg [dreg:$0x2]  }
0x1cf: {  	s2 =	sadd.s32 s3, s1  }
0x1d0: {  	[tilespmem:s20], [sflag:$0x1] =	stream.linear.gather [hbm4b:s2+s23], $0x50, $0x38;
	[tilespmem:$0x1E840] =	vst v63  }
0x1d1: {  	_ =	swait.ge [sflag:s18], $0x50  }
0x1d2: {  	[sflag:s18] =	ssyncset.done $0x0  }
0x1d3: {  	[sflag:s18] =	ssyncadd.s32 $0xFFFFFFB0  }
0x1d4: {  	s25 =	rddreg [dreg:$0x3]  }
0x1d5: {  	s1 =	sadd.s32 s25, s1  }
0x1d6: {  	[tilespmem:s26], [sflag:$0x1] =	stream.linear.gather [hbm4b:s1+s23], $0x50, $0x38;
	[tilespmem:$0x1E840] =	vst v63  }
0x1d7: {  	_ =	swait.ge [sflag:s18], $0x50  }
0x1d8: {  	[sflag:s18] =	ssyncset.done $0x0  }
0x1d9: {  	[sflag:s18] =	ssyncadd.s32 $0xFFFFFFB0  }
0x1da: {  	v2 =	vld [tilespmem:$0x19100]  }
0x1db: {  	v3 =	vld [tilespmem:$0x19110]  }
0x1dc: {  	v4 =	vld [tilespmem:$0x19120]  }
0x1dd: {  	v5 =	vld [tilespmem:$0x19130]  }
0x1de: {  	v6 =	vld [tilespmem:$0x19140]  }
0x1df: {  	v2 =	vadd.s32 v0, v2  }
0x1e0: {  	[tilespmem:$0x191F0] =	vst v2;
	v2 =	vadd.s32 v0, v3  }
0x1e1: {  	[tilespmem:$0x19200] =	vst v2;
	v2 =	vadd.s32 v0, v4  }
0x1e2: {  	[tilespmem:$0x19210] =	vst v2;
	v2 =	vadd.s32 v0, v5  }
0x1e3: {  	[tilespmem:$0x19220] =	vst v2;
	v2 =	vadd.s32 v0, v6  }
0x1e4: {  	[tilespmem:$0x19230] =	vst v2  }
0x1e5: {  	[tilespmem:s30], [sflag:$0x1] =	stream.indirect.gather [hbm4b:s8+s28], $0x20, s29, s28, $0xb8;
	[tilespmem:$0x1E840] =	vst v63  }
0x1e6: {  	_ =	swait.ge [sflag:s18], $0xA00  }
0x1e7: {  	[sflag:s18] =	ssyncset.done $0x0  }
0x1e8: {  	s25 =	simm.s32 $0x18800;
	[sflag:s18] =	ssyncadd.s32 $0xFFFFF600  }
0x1e9: {  	v7 =	vld [tilespmem:s25+$0xFFFFFFA0]  }
0x1ea: {  	v5 =	vld [tilespmem:s25+$0xFFFFFFF0]  }
0x1eb: {  	v2 =	vld [tilespmem:s25+$0xFFFFFF60]  }
0x1ec: {  	v8 =	vld [tilespmem:s25+$0xFFFFFFD0]  }
0x1ed: {  	v9 =	vld [tilespmem:s25+$0x80]  }
0x1ee: {  	v12 =	vld [tilespmem:s25+$0xFFFFFF10]  }
0x1ef: {  	v16 =	vld [tilespmem:s25+$0xE0]  }
0x1f0: {  	v11 =	vld [tilespmem:s25+$0xFFFFFF40]  }
0x1f1: {  	s3 =	simm.s32 $0x0;
	v3 =	vld [tilespmem:s25+$0xFFFFFF90]  }
0x1f2: {  	v4 =	vld [tilespmem:s3+$0x191A0]  }
0x1f3: {  	v10 =	vld [tilespmem:s25+$0xFFFFFFC0]  }
0x1f4: {  	v13 =	vld [tilespmem:s25+$0xFFFFFF00]  }
0x1f5: {  	v14 =	vld [tilespmem:s25+$0xD0]  }
0x1f6: {  	v23 =	vld [tilespmem:s25+$0xC0]  }
0x1f7: {  	v21 =	vld [tilespmem:s25+$0x90];
	v19 =	vbroadcast v4, $0x0;
	v6 =	vbroadcast v4, $0xF  }
0x1f8: {  	v22 =	vld [tilespmem:s25+$0xFFFFFF50];
	v20 =	vbroadcast v4, $0x2;
	v18 =	vbroadcast v4, $0xE  }
0x1f9: {  	v17 =	vld [tilespmem:s25+$0xB0];
	v15 =	vbroadcast v4, $0xC;
	v25 =	vmul.f32 v19, v13  }
0x1fa: {  	s2 =	simm.s32 $0x18800;
	s1 =	simm.s32 $0x40;
	v13 =	vbroadcast v4, $0xD;
	v24 =	vmul.f32 v11, v20;
	v11 =	vld [tilespmem:s25+$0x60]  }
.LBB2_21:
0x1fb: {  	p0 =	sne.s32 s1, $0x100  }
0x1fc: {  	[tilespmem:s25+$0xFFFFFF00] =	vst v25;
	v25 =	vld [tilespmem:s25+$0xFFFFFFB0];
	v23 =	vmul.f32 v23, v18;
	v16 =	vmul.f32 v16, v6;
	s2 =	sadd.s32 $0x200, s2;
	s3 =	smov.u32 s1;
	s1 =	sadd.s32 $0x40, s1  }
0x1fd: {  	[tilespmem:s25+$0xFFFFFF40] =	vst v24;
	v24 =	vbroadcast v4, $0xA;
	v21 =	vmul.f32 v21, v15;
	v26 =	vld [tilespmem:s25+$0xA0]  }
0x1fe: {  	v12 =	vmul.f32 v12, v19;
	v19 =	vmul.f32 v22, v20;
	v20 =	vld [tilespmem:s25+$0x70];
	[tilespmem:s25+$0xE0] =	vst v16  }
0x1ff: {  	v16 =	vbroadcast v4, $0x5;
	v22 =	vld [tilespmem:s25+$0xFFFFFFE0];
	v17 =	vmul.f32 v17, v13;
	[tilespmem:s25+$0xC0] =	vst v23  }
0x200: {  	v14 =	vmul.f32 v14, v18;
	[tilespmem:s25+$0xFFFFFF10] =	vst v12;
	v12 =	vbroadcast v4, $0x6;
	v23 =	vld [tilespmem:s25+$0x40]  }
0x201: {  	v27 =	vbroadcast v4, $0xB;
	v7 =	vmul.f32 v7, v16;
	v18 =	vld [tilespmem:s25+$0xFFFFFF20];
	[tilespmem:s25+$0x90] =	vst v21  }
0x202: {  	v21 =	vbroadcast v4, $0x9;
	[tilespmem:s25+$0xFFFFFF50] =	vst v19;
	v19 =	vld [tilespmem:s25+$0x20];
	v13 =	vmul.f32 v26, v13  }
0x203: {  	v16 =	vmul.f32 v25, v16;
	v25 =	vld [tilespmem:s25+$0x50];
	v20 =	vmul.f32 v20, v27;
	[tilespmem:s25+$0xD0] =	vst v14  }
0x204: {  	v9 =	vmul.f32 v9, v15;
	v14 =	vbroadcast v4, $0x7;
	v26 =	vld [tilespmem:s25+$0x30];
	[tilespmem:s25+$0xA0] =	vst v13  }
0x205: {  	v10 =	vmul.f32 v10, v12;
	v13 =	vbroadcast v4, $0x3;
	v15 =	vld [tilespmem:s25+$0x0];
	[tilespmem:s25+$0x70] =	vst v20  }
0x206: {  	v11 =	vmul.f32 v11, v27;
	v8 =	vmul.f32 v8, v12;
	v12 =	vld [tilespmem:s25+$0x10];
	[tilespmem:s25+$0x80] =	vst v9  }
0x207: {  	v20 =	vbroadcast v4, $0x8;
	v23 =	vmul.f32 v23, v24;
	v9 =	vld [tilespmem:s25+$0xFFFFFF30];
	[tilespmem:s25+$0xB0] =	vst v17  }
0x208: {  	v17 =	vbroadcast v4, $0x1;
	v27 =	vld [tilespmem:s25+$0xFFFFFF70];
	[tilespmem:s25+$0xFFFFFFD0] =	vst v8;
	v24 =	vmul.f32 v25, v24  }
0x209: {  	v5 =	vmul.f32 v5, v14;
	v8 =	vmul.f32 v22, v14;
	[tilespmem:s25+$0xFFFFFFC0] =	vst v10;
	v10 =	vld [tilespmem:s25+$0xF0]  }
0x20a: {  	v22 =	vmul.f32 v26, v21;
	v14 =	vld [tilespmem:s25+$0xFFFFFF80];
	[tilespmem:s25+$0xFFFFFFA0] =	vst v7;
	v15 =	vmul.f32 v15, v20  }
0x20b: {  	v7 =	vld [tilespmem:s2+$0xFFFFFFA0];
	[tilespmem:s25+$0xFFFFFFF0] =	vst v5;
	v20 =	vmul.f32 v12, v20;
	v12 =	vmul.f32 v19, v21  }
0x20c: {  	v5 =	vmul.f32 v18, v17;
	v17 =	vmul.f32 v9, v17;
	[tilespmem:s25+$0x60] =	vst v11  }
0x20d: {  	v2 =	vmul.f32 v2, v13;
	v9 =	vmul.f32 v27, v13;
	[tilespmem:s25+$0xFFFFFFB0] =	vst v16  }
0x20e: {  	v4 =	vbroadcast v4, $0x4;
	[tilespmem:s25+$0xFFFFFF20] =	vst v5;
	v5 =	vmul.f32 v10, v6  }
0x20f: {  	[tilespmem:s25+$0xFFFFFF60] =	vst v2  }
0x210: {  	v6 =	vmul.f32 v14, v4;
	v2 =	vmul.f32 v3, v4;
	[tilespmem:s25+$0x40] =	vst v23  }
0x211: {  	[tilespmem:s25+$0xFFFFFFE0] =	vst v8  }
0x212: {  	[tilespmem:s25+$0xF0] =	vst v5  }
0x213: {  	[tilespmem:s25+$0xFFFFFF90] =	vst v2  }
0x214: {  	v5 =	vld [tilespmem:s2+$0xFFFFFFF0];
	[tilespmem:s25+$0xFFFFFF70] =	vst v9  }
0x215: {  	v2 =	vld [tilespmem:s2+$0xFFFFFF60];
	[tilespmem:s25+$0x20] =	vst v12  }
0x216: {  	v8 =	vld [tilespmem:s2+$0xFFFFFFD0];
	[tilespmem:s25+$0x30] =	vst v22  }
0x217: {  	v9 =	vld [tilespmem:s2+$0x80];
	[tilespmem:s25+$0xFFFFFF80] =	vst v6  }
0x218: {  	v12 =	vld [tilespmem:s2+$0xFFFFFF10];
	[tilespmem:s25+$0x50] =	vst v24  }
0x219: {  	v16 =	vld [tilespmem:s2+$0xE0];
	[tilespmem:s25+$0x0] =	vst v15  }
0x21a: {  	v11 =	vld [tilespmem:s2+$0xFFFFFF40];
	[tilespmem:s25+$0xFFFFFF30] =	vst v17  }
0x21b: {  	s3 =	sshra.s32 s3, $0x2;
	v3 =	vld [tilespmem:s2+$0xFFFFFF90];
	[tilespmem:s25+$0x10] =	vst v20;
	s25 =	smov.u32 s2  }
0x21c: {  	v4 =	vld [tilespmem:s3+$0x191A0]  }
0x21d: {  	v10 =	vld [tilespmem:s2+$0xFFFFFFC0]  }
0x21e: {  	v13 =	vld [tilespmem:s2+$0xFFFFFF00]  }
0x21f: {  	v14 =	vld [tilespmem:s2+$0xD0]  }
.Ltmp9:
0x220: {  	v23 =	vld [tilespmem:s2+$0xC0];
	(pc) =	sbr.rel @p0 .LBB2_21-.Ltmp9, $4  }
0x221: {  	v19 =	vbroadcast v4, $0x0;
	v21 =	vld [tilespmem:s2+$0x90];
	v6 =	vbroadcast v4, $0xF  }
0x222: {  	v20 =	vbroadcast v4, $0x2;
	v18 =	vbroadcast v4, $0xE;
	v22 =	vld [tilespmem:s2+$0xFFFFFF50]  }
0x223: {  	v25 =	vmul.f32 v19, v13;
	v13 =	vbroadcast v4, $0xD;
	v17 =	vld [tilespmem:s2+$0xB0]  }
0x224: {  	v15 =	vbroadcast v4, $0xC;
	v24 =	vmul.f32 v11, v20;
	v11 =	vld [tilespmem:s2+$0x60]  }
0x225: {  	[tilespmem:s25+$0xFFFFFF00] =	vst v25;
	v16 =	vmul.f32 v16, v6  }
0x226: {  	v23 =	vmul.f32 v23, v18;
	[tilespmem:s25+$0xFFFFFF40] =	vst v24  }
0x227: {  	v12 =	vmul.f32 v12, v19;
	[tilespmem:s25+$0xE0] =	vst v16  }
0x228: {  	v34 =	vmul.f32 v14, v18;
	[tilespmem:s25+$0xC0] =	vst v23  }
0x229: {  	v32 =	vmul.f32 v21, v15;
	[tilespmem:s25+$0xFFFFFF10] =	vst v12  }
0x22a: {  	v40 =	vbroadcast v4, $0x6;
	v9 =	vmul.f32 v9, v15;
	[tilespmem:s25+$0xD0] =	vst v34  }
0x22b: {  	v20 =	vmul.f32 v22, v20;
	[tilespmem:s25+$0x90] =	vst v32  }
0x22c: {  	v44 =	vbroadcast v4, $0x5;
	v8 =	vmul.f32 v8, v40;
	[tilespmem:s25+$0x80] =	vst v9  }
0x22d: {  	v46 =	vbroadcast v4, $0x7;
	v10 =	vmul.f32 v10, v40;
	[tilespmem:s25+$0xFFFFFF50] =	vst v20  }
0x22e: {  	v53 =	vbroadcast v4, $0x3;
	v7 =	vmul.f32 v7, v44;
	[tilespmem:s25+$0xFFFFFFD0] =	vst v8  }
0x22f: {  	v30 =	vld [tilespmem:s25+$0xA0];
	v58 =	vbroadcast v4, $0x4;
	v5 =	vmul.f32 v5, v46;
	[tilespmem:s25+$0xFFFFFFC0] =	vst v10  }
0x230: {  	v31 =	vld [tilespmem:s25+$0x70];
	v2 =	vmul.f32 v2, v53;
	[tilespmem:s25+$0xFFFFFFA0] =	vst v7  }
0x231: {  	v33 =	vld [tilespmem:s25+$0xFFFFFFB0];
	v36 =	vbroadcast v4, $0xB;
	v3 =	vmul.f32 v3, v58;
	[tilespmem:s25+$0xFFFFFFF0] =	vst v5  }
0x232: {  	v35 =	vld [tilespmem:s25+$0xFFFFFF20];
	v42 =	vmul.f32 v17, v13;
	[tilespmem:s25+$0xFFFFFF60] =	vst v2  }
0x233: {  	v39 =	vld [tilespmem:s25+$0x40];
	v11 =	vmul.f32 v11, v36;
	[tilespmem:s25+$0xFFFFFF90] =	vst v3  }
0x234: {  	v37 =	vld [tilespmem:s25+$0xFFFFFFE0];
	v38 =	vmul.f32 v30, v13;
	[tilespmem:s25+$0xB0] =	vst v42  }
0x235: {  	v51 =	vbroadcast v4, $0x1;
	v54 =	vld [tilespmem:s25+$0xF0];
	v19 =	vmul.f32 v31, v36;
	[tilespmem:s25+$0x60] =	vst v11  }
0x236: {  	v48 =	vld [tilespmem:s25+$0xFFFFFF70];
	v55 =	vbroadcast v4, $0xA;
	v52 =	vmul.f32 v33, v44;
	[tilespmem:s25+$0xA0] =	vst v38  }
0x237: {  	v45 =	vld [tilespmem:s25+$0x30];
	v14 =	vmul.f32 v35, v51;
	[tilespmem:s25+$0x70] =	vst v19  }
0x238: {  	v49 =	vld [tilespmem:s25+$0xFFFFFF80];
	v57 =	vmul.f32 v39, v55;
	[tilespmem:s25+$0xFFFFFFB0] =	vst v52  }
0x239: {  	v43 =	vld [tilespmem:s25+$0x20];
	v9 =	vmul.f32 v37, v46;
	[tilespmem:s25+$0xFFFFFF20] =	vst v14  }
0x23a: {  	v56 =	vld [tilespmem:s25+$0xFFFFFF30];
	v59 =	vbroadcast v4, $0x9;
	v2 =	vmul.f32 v54, v6;
	[tilespmem:s25+$0x40] =	vst v57  }
0x23b: {  	v41 =	vld [tilespmem:s25+$0x50];
	v60 =	vmul.f32 v48, v53;
	[tilespmem:s25+$0xFFFFFFE0] =	vst v9  }
0x23c: {  	v47 =	vld [tilespmem:s25+$0x0];
	v3 =	vmul.f32 v45, v59;
	[tilespmem:s25+$0xF0] =	vst v2  }
0x23d: {  	v50 =	vld [tilespmem:s25+$0x10];
	v62 =	vmul.f32 v49, v58;
	[tilespmem:s25+$0xFFFFFF70] =	vst v60  }
0x23e: {  	v2 =	vmul.f32 v43, v59;
	[tilespmem:s25+$0x30] =	vst v3  }
0x23f: {  	v61 =	vbroadcast v4, $0x8;
	v63 =	vmul.f32 v56, v51;
	[tilespmem:s25+$0xFFFFFF80] =	vst v62  }
0x240: {  	[tilespmem:s25+$0x20] =	vst v2;
	v2 =	vmul.f32 v41, v55  }
0x241: {  	v3 =	vmul.f32 v47, v61;
	[tilespmem:s25+$0xFFFFFF30] =	vst v63  }
0x242: {  	s24 =	sadd.s32 $0x1, s24;
	[tilespmem:s25+$0x50] =	vst v2;
	v2 =	vmul.f32 v50, v61  }
0x243: {  	p0 =	sne.s32 s24, $0x271;
	[tilespmem:s25+$0x0] =	vst v3  }
.Ltmp10:
0x244: {  	[tilespmem:s25+$0x10] =	vst v2;
	(pc) =	sbr.rel @p0 .LBB2_20-.Ltmp10, $4  }
0x245: {  	[spmem:s4] =	stream.indirect.scatter.add.f32 [tilespmem:s30], [sflag:$0x1], $0x20, s20, s28, $0xb8;
	[tilespmem:$0x1E840] =	vst v63  }
0x246: {  	_ =	swait.ge [sflag:s18], $0xA00  }
0x247: {  	[sflag:s18] =	ssyncset.done $0x0  }
0x248: {  	[sflag:s18] =	ssyncadd.s32 $0xFFFFF600  }
0x249: {  	[bflag:$0x0] =	sbarrier.arrive $0xFFFF;
	s1 =	simm.s32 $0x0;
	s2 =	simm.s32 $0x0  }
.LBB2_24:
0x24a: {  	s3 =	smul.u32 $0xB8, s2;
	_ =	sdelay $0x1  }
0x24b: {  	s3 =	sadd.s32 s11, s3  }
0x24c: {  	s13 =	sshll.u32 s3, $0x5  }
0x24d: {  	s13 =	sand.u32 $0x3FFFFFE0, s13  }
0x24e: {  	s13 =	sadd.s32 s13, s4  }
0x24f: {  	[tilespmem:s31], [sflag:$0x1] =	stream.linear.gather [spmem:s13], $0x1700, $0x38;
	[tilespmem:$0x1E840] =	vst v63  }
0x250: {  	_ =	swait.ge [sflag:s18], $0x1700  }
0x251: {  	[sflag:s18] =	ssyncset.done $0x0  }
0x252: {  	[sflag:s18] =	ssyncadd.s32 $0xFFFFE900  }
0x253: {  	[spmem:s13] =	stream.linear.scatter [tilespmem:s17], [sflag:$0x1], $0x1700, $0x38;
	[tilespmem:$0x1E840] =	vst v63  }
0x254: {  	s3 =	sadd.s32 s10, s3;
	_ =	swait.ge [sflag:s18], $0x1700  }
0x255: {  	s3 =	sshll.u32 s3, $0x2;
	[sflag:s18] =	ssyncset.done $0x0  }
0x256: {  	s25 =	sadd.s32 s8, s3;
	[sflag:s18] =	ssyncadd.s32 $0xFFFFE900  }
0x257: {  	[hbm4b:s25+s1] =	stream.linear.scatter [tilespmem:s31], [sflag:$0x1], $0x1700, $0x38;
	[tilespmem:$0x1E840] =	vst v63  }
0x258: {  	_ =	swait.ge [sflag:s18], $0x1700  }
0x259: {  	[sflag:s18] =	ssyncset.done $0x0  }
0x25a: {  	s3 =	sadd.s32 s9, s3;
	[sflag:s18] =	ssyncadd.s32 $0xFFFFE900  }
0x25b: {  	[tilespmem:s0], [sflag:$0x1] =	stream.linear.gather [hbm4b:s3+s1], $0x1700, $0x38;
	[tilespmem:$0x1E840] =	vst v63  }
0x25c: {  	_ =	swait.ge [sflag:s18], $0x1700  }
0x25d: {  	[sflag:s18] =	ssyncset.done $0x0  }
0x25e: {  	s13 =	simm.s32 $0x0;
	[sflag:s18] =	ssyncadd.s32 $0xFFFFE900  }
0x25f: {  	v2 =	vld [tilespmem:s13+$0x19240]  }
0x260: {  	v3 =	vld [tilespmem:s13+$0x19250]  }
0x261: {  	s23 =	simm.s32 $0x80;
	v4 =	vld [tilespmem:s13+$0x1A940]  }
.LBB2_25:
0x262: {  	p0 =	sne.s32 s23, $0x5B80;
	v5 =	vld [tilespmem:s13+$0x1A950];
	_ =	sdelay $0x2  }
.Ltmp11:
0x263: {  	(pc) =	sbr.rel @p0 .LBB2_25-.Ltmp11, $4  }
0x264: {  	s24 =	sshra.s32 s23, $0x2;
	v4 =	vadd.f32 v2, v4  }
0x265: {  	v2 =	vld [tilespmem:s24+$0x19240];
	v5 =	vadd.f32 v3, v5  }
0x266: {  	v3 =	vld [tilespmem:s24+$0x19250];
	[tilespmem:s13+$0x1A940] =	vst v4  }
0x267: {  	s23 =	sadd.s32 $0x80, s23;
	v4 =	vld [tilespmem:s24+$0x1A940];
	[tilespmem:s13+$0x1A950] =	vst v5;
	s13 =	smov.u32 s24  }
0x268: {  	v5 =	vld [tilespmem:s13+$0x1A950];
	_ =	sdelay $0x3  }
0x269: {  	v2 =	vadd.f32 v2, v4  }
0x26a: {  	s2 =	sadd.s32 $0x1, s2;
	v3 =	vadd.f32 v3, v5  }
0x26b: {  	p0 =	sne.s32 s2, $0x11;
	[tilespmem:s13+$0x1A940] =	vst v2  }
.Ltmp12:
0x26c: {  	[tilespmem:s13+$0x1A950] =	vst v3;
	(pc) =	sbr.rel @p0 .LBB2_24-.Ltmp12, $4  }
0x26d: {  	[hbm4b:s3+s6] =	stream.linear.scatter [tilespmem:s0], [sflag:$0x1], $0x1700, $0x38;
	[tilespmem:$0x1E840] =	vst v63  }
0x26e: {  	_ =	swait.ge [sflag:s18], $0x1700  }
0x26f: {  	[sflag:s18] =	ssyncset.done $0x0  }
0x270: {  	[sflag:s18] =	ssyncadd.s32 $0xFFFFE900  }
0x271: {  	[bflag:$0x0] =	sbarrier.arrive $0xFFFF  }
0x272: {  	s2 =	rddreg [dreg:$0xf]  }
0x273: {  	[tilespmem:s5], [sflag:$0x1] =	stream.linear.gather [hbm4b:s2+s6], $0x80, $0x38;
	[tilespmem:$0x1E840] =	vst v63  }
0x274: {  	_ =	swait.ge [sflag:s18], $0x80  }
0x275: {  	[sflag:s18] =	ssyncset.done $0x0  }
0x276: {  	[sflag:s18] =	ssyncadd.s32 $0xFFFFFF80  }
0x277: {  	v2 =	vld [tilespmem:$0x1D7B0]  }
0x278: {  	v3 =	vld [tilespmem:$0x1D770]  }
0x279: {  	v4 =	vld [tilespmem:$0x1D790]  }
0x27a: {  	v6 =	vld [tilespmem:$0x1D760]  }
0x27b: {  	v5 =	vld [tilespmem:$0x1D7A0]  }
0x27c: {  	v7 =	vld [tilespmem:$0x1D750];
	v2 =	vadd.s32 v0, v2  }
0x27d: {  	v8 =	vld [tilespmem:$0x1D780];
	v3 =	vadd.s32 v0, v3;
	[tilespmem:$0x1D830] =	vst v2  }
0x27e: {  	v2 =	vld [tilespmem:$0x1D740];
	[tilespmem:$0x1D7F0] =	vst v3;
	v3 =	vadd.s32 v0, v4  }
0x27f: {  	v4 =	vadd.s32 v0, v6;
	[tilespmem:$0x1D810] =	vst v3  }
0x280: {  	v3 =	vadd.s32 v0, v5;
	[tilespmem:$0x1D7E0] =	vst v4  }
0x281: {  	[tilespmem:$0x1D820] =	vst v3;
	v3 =	vadd.s32 v0, v7  }
0x282: {  	[tilespmem:$0x1D7D0] =	vst v3;
	v3 =	vadd.s32 v0, v8  }
0x283: {  	[tilespmem:$0x1D800] =	vst v3;
	v2 =	vadd.s32 v0, v2  }
0x284: {  	[tilespmem:$0x1D7C0] =	vst v2  }
0x285: {  	[tilespmem:s16], [sflag:$0x1] =	stream.indirect.gather [hbm4b:s9+s14], $0x20, s15, s14, $0xb8;
	[tilespmem:$0x1E840] =	vst v63  }
0x286: {  	_ =	swait.ge [sflag:s18], $0x1000  }
0x287: {  	[sflag:s18] =	ssyncset.done $0x0  }
0x288: {  	s23 =	sadd.s32 $0x0, s21;
	[sflag:s18] =	ssyncadd.s32 $0xFFFFF000  }
0x289: {  	[hbm4b:s23+s6] =	stream.linear.scatter [tilespmem:s16], [sflag:$0x1], $0x1000, $0x38;
	[tilespmem:$0x1E840] =	vst v63  }
0x28a: {  	_ =	swait.ge [sflag:s18], $0x1000  }
0x28b: {  	[sflag:s18] =	ssyncset.done $0x0  }
0x28c: {  	[sflag:s18] =	ssyncadd.s32 $0xFFFFF000  }
0x28d: {  	[tilespmem:s16], [sflag:$0x1] =	stream.indirect.gather [hbm4b:s7+s14], $0x20, s15, s14, $0xb8;
	[tilespmem:$0x1E840] =	vst v63  }
0x28e: {  	_ =	swait.ge [sflag:s18], $0x1000  }
0x28f: {  	[sflag:s18] =	ssyncset.done $0x0  }
0x290: {  	s24 =	sadd.s32 $0x0, s22;
	[sflag:s18] =	ssyncadd.s32 $0xFFFFF000  }
0x291: {  	[hbm4b:s24+s6] =	stream.linear.scatter [tilespmem:s16], [sflag:$0x1], $0x1000, $0x38;
	[tilespmem:$0x1E840] =	vst v63  }
0x292: {  	_ =	swait.ge [sflag:s18], $0x1000  }
0x293: {  	[sflag:s18] =	ssyncset.done $0x0  }
0x294: {  	s3 =	rddreg [dreg:$0x11];
	[sflag:s18] =	ssyncadd.s32 $0xFFFFF000  }
0x295: {  	[tilespmem:s5], [sflag:$0x1] =	stream.linear.gather [hbm4b:s3+s6], $0x80, $0x38;
	[tilespmem:$0x1E840] =	vst v63  }
0x296: {  	_ =	swait.ge [sflag:s18], $0x80  }
0x297: {  	[sflag:s18] =	ssyncset.done $0x0  }
0x298: {  	[sflag:s18] =	ssyncadd.s32 $0xFFFFFF80  }
0x299: {  	v2 =	vld [tilespmem:$0x1D7B0]  }
0x29a: {  	v3 =	vld [tilespmem:$0x1D780]  }
0x29b: {  	v4 =	vld [tilespmem:$0x1D740]  }
0x29c: {  	v6 =	vld [tilespmem:$0x1D760]  }
0x29d: {  	v5 =	vld [tilespmem:$0x1D7A0]  }
0x29e: {  	v7 =	vld [tilespmem:$0x1D750];
	v2 =	vadd.s32 v0, v2  }
0x29f: {  	v8 =	vld [tilespmem:$0x1D770];
	v3 =	vadd.s32 v0, v3;
	[tilespmem:$0x1D830] =	vst v2  }
0x2a0: {  	v2 =	vadd.s32 v0, v4;
	[tilespmem:$0x1D800] =	vst v3;
	v3 =	vld [tilespmem:$0x1D790]  }
0x2a1: {  	v4 =	vadd.s32 v0, v6;
	[tilespmem:$0x1D7C0] =	vst v2  }
0x2a2: {  	v2 =	vadd.s32 v0, v5;
	[tilespmem:$0x1D7E0] =	vst v4  }
0x2a3: {  	[tilespmem:$0x1D820] =	vst v2;
	v2 =	vadd.s32 v0, v7  }
0x2a4: {  	[tilespmem:$0x1D7D0] =	vst v2;
	v2 =	vadd.s32 v0, v8  }
0x2a5: {  	[tilespmem:$0x1D7F0] =	vst v2;
	v2 =	vadd.s32 v0, v3  }
0x2a6: {  	[tilespmem:$0x1D810] =	vst v2  }
0x2a7: {  	[tilespmem:s16], [sflag:$0x1] =	stream.indirect.gather [hbm4b:s9+s14], $0x20, s15, s14, $0xb8;
	[tilespmem:$0x1E840] =	vst v63  }
0x2a8: {  	_ =	swait.ge [sflag:s18], $0x1000  }
0x2a9: {  	[sflag:s18] =	ssyncset.done $0x0  }
0x2aa: {  	s1 =	sadd.s32 $0x20000, s23;
	[sflag:s18] =	ssyncadd.s32 $0xFFFFF000  }
0x2ab: {  	[hbm4b:s1+s6] =	stream.linear.scatter [tilespmem:s16], [sflag:$0x1], $0x1000, $0x38;
	[tilespmem:$0x1E840] =	vst v63  }
0x2ac: {  	_ =	swait.ge [sflag:s18], $0x1000  }
0x2ad: {  	[sflag:s18] =	ssyncset.done $0x0  }
0x2ae: {  	[sflag:s18] =	ssyncadd.s32 $0xFFFFF000  }
0x2af: {  	[tilespmem:s16], [sflag:$0x1] =	stream.indirect.gather [hbm4b:s7+s14], $0x20, s15, s14, $0xb8;
	[tilespmem:$0x1E840] =	vst v63  }
0x2b0: {  	_ =	swait.ge [sflag:s18], $0x1000  }
0x2b1: {  	[sflag:s18] =	ssyncset.done $0x0  }
0x2b2: {  	s25 =	sadd.s32 $0x20000, s24;
	[sflag:s18] =	ssyncadd.s32 $0xFFFFF000  }
0x2b3: {  	[hbm4b:s25+s6] =	stream.linear.scatter [tilespmem:s16], [sflag:$0x1], $0x1000, $0x38;
	[tilespmem:$0x1E840] =	vst v63  }
0x2b4: {  	_ =	swait.ge [sflag:s18], $0x1000  }
0x2b5: {  	[sflag:s18] =	ssyncset.done $0x0  }
0x2b6: {  	s13 =	rddreg [dreg:$0x10];
	[sflag:s18] =	ssyncadd.s32 $0xFFFFF000  }
0x2b7: {  	[tilespmem:s5], [sflag:$0x1] =	stream.linear.gather [hbm4b:s13+s6], $0x80, $0x38;
	[tilespmem:$0x1E840] =	vst v63  }
0x2b8: {  	_ =	swait.ge [sflag:s18], $0x80  }
0x2b9: {  	[sflag:s18] =	ssyncset.done $0x0  }
0x2ba: {  	[sflag:s18] =	ssyncadd.s32 $0xFFFFFF80  }
0x2bb: {  	v4 =	vld [tilespmem:$0x1D740]  }
0x2bc: {  	v2 =	vld [tilespmem:$0x1D750]  }
0x2bd: {  	v6 =	vld [tilespmem:$0x1D760]  }
0x2be: {  	v5 =	vld [tilespmem:$0x1D770]  }
0x2bf: {  	v3 =	vld [tilespmem:$0x1D780]  }
0x2c0: {  	s1 =	smov.u32 s3;
	s25 =	simm.s32 $0x200;
	v7 =	vadd.s32 v0, v4;
	v4 =	vld [tilespmem:$0x1D790]  }
.LBB2_28:
0x2c1: {  	v8 =	vld [tilespmem:$0x1D7A0];
	s13 =	sadd.s32 $0x10, s13;
	s1 =	sadd.s32 $0x10, s1;
	s2 =	sadd.s32 $0x10, s2  }
0x2c2: {  	p0 =	sne.s32 s25, $0xE00;
	s3 =	smov.u32 s25;
	s25 =	sadd.s32 $0x200, s25;
	[tilespmem:$0x1D7C0] =	vst v7;
	v6 =	vadd.s32 v0, v6;
	v7 =	vld [tilespmem:$0x1D7B0]  }
0x2c3: {  	[tilespmem:$0x1D7E0] =	vst v6;
	v5 =	vadd.s32 v0, v5  }
0x2c4: {  	[tilespmem:$0x1D7F0] =	vst v5;
	v3 =	vadd.s32 v0, v3  }
0x2c5: {  	[tilespmem:$0x1D800] =	vst v3;
	v3 =	vadd.s32 v0, v4  }
0x2c6: {  	[tilespmem:$0x1D810] =	vst v3;
	v3 =	vadd.s32 v0, v8  }
0x2c7: {  	[tilespmem:$0x1D820] =	vst v3;
	v3 =	vadd.s32 v0, v7  }
0x2c8: {  	v2 =	vadd.s32 v0, v2;
	[tilespmem:$0x1D830] =	vst v3  }
0x2c9: {  	[tilespmem:$0x1D7D0] =	vst v2  }
0x2ca: {  	[tilespmem:s16], [sflag:$0x1] =	stream.indirect.gather [hbm4b:s9+s14], $0x20, s15, s14, $0xb8;
	[tilespmem:$0x1E840] =	vst v63  }
0x2cb: {  	_ =	swait.ge [sflag:s18], $0x1000  }
0x2cc: {  	[sflag:s18] =	ssyncset.done $0x0  }
0x2cd: {  	s23 =	sadd.s32 $0x40000, s23;
	[sflag:s18] =	ssyncadd.s32 $0xFFFFF000  }
0x2ce: {  	[hbm4b:s23+s6] =	stream.linear.scatter [tilespmem:s16], [sflag:$0x1], $0x1000, $0x38;
	[tilespmem:$0x1E840] =	vst v63  }
0x2cf: {  	_ =	swait.ge [sflag:s18], $0x1000  }
0x2d0: {  	[sflag:s18] =	ssyncset.done $0x0  }
0x2d1: {  	[sflag:s18] =	ssyncadd.s32 $0xFFFFF000  }
0x2d2: {  	[tilespmem:s16], [sflag:$0x1] =	stream.indirect.gather [hbm4b:s7+s14], $0x20, s15, s14, $0xb8;
	[tilespmem:$0x1E840] =	vst v63  }
0x2d3: {  	_ =	swait.ge [sflag:s18], $0x1000  }
0x2d4: {  	[sflag:s18] =	ssyncset.done $0x0  }
0x2d5: {  	s23 =	sadd.s32 $0x40000, s24;
	[sflag:s18] =	ssyncadd.s32 $0xFFFFF000  }
0x2d6: {  	[hbm4b:s23+s6] =	stream.linear.scatter [tilespmem:s16], [sflag:$0x1], $0x1000, $0x38;
	[tilespmem:$0x1E840] =	vst v63  }
0x2d7: {  	_ =	swait.ge [sflag:s18], $0x1000  }
0x2d8: {  	[sflag:s18] =	ssyncset.done $0x0  }
0x2d9: {  	[sflag:s18] =	ssyncadd.s32 $0xFFFFF000  }
0x2da: {  	[tilespmem:s5], [sflag:$0x1] =	stream.linear.gather [hbm4b:s2+s6], $0x80, $0x38;
	[tilespmem:$0x1E840] =	vst v63  }
0x2db: {  	_ =	swait.ge [sflag:s18], $0x80  }
0x2dc: {  	[sflag:s18] =	ssyncset.done $0x0  }
0x2dd: {  	[sflag:s18] =	ssyncadd.s32 $0xFFFFFF80  }
0x2de: {  	v2 =	vld [tilespmem:$0x1D7B0]  }
0x2df: {  	v3 =	vld [tilespmem:$0x1D770]  }
0x2e0: {  	v4 =	vld [tilespmem:$0x1D790]  }
0x2e1: {  	v5 =	vld [tilespmem:$0x1D7A0]  }
0x2e2: {  	v6 =	vld [tilespmem:$0x1D760]  }
0x2e3: {  	v7 =	vld [tilespmem:$0x1D750];
	v2 =	vadd.s32 v0, v2  }
0x2e4: {  	v3 =	vadd.s32 v0, v3;
	v8 =	vld [tilespmem:$0x1D780];
	[tilespmem:$0x1D830] =	vst v2  }
0x2e5: {  	v2 =	vld [tilespmem:$0x1D740];
	[tilespmem:$0x1D7F0] =	vst v3;
	v3 =	vadd.s32 v0, v4  }
0x2e6: {  	[tilespmem:$0x1D810] =	vst v3;
	v3 =	vadd.s32 v0, v5  }
0x2e7: {  	v4 =	vadd.s32 v0, v6;
	[tilespmem:$0x1D820] =	vst v3  }
0x2e8: {  	v3 =	vadd.s32 v0, v7;
	[tilespmem:$0x1D7E0] =	vst v4  }
0x2e9: {  	[tilespmem:$0x1D7D0] =	vst v3;
	v3 =	vadd.s32 v0, v8  }
0x2ea: {  	v2 =	vadd.s32 v0, v2;
	[tilespmem:$0x1D800] =	vst v3  }
0x2eb: {  	[tilespmem:$0x1D7C0] =	vst v2  }
0x2ec: {  	[tilespmem:s16], [sflag:$0x1] =	stream.indirect.gather [hbm4b:s9+s14], $0x20, s15, s14, $0xb8;
	[tilespmem:$0x1E840] =	vst v63  }
0x2ed: {  	_ =	swait.ge [sflag:s18], $0x1000  }
0x2ee: {  	[sflag:s18] =	ssyncset.done $0x0  }
0x2ef: {  	s23 =	sadd.s32 s3, s21;
	[sflag:s18] =	ssyncadd.s32 $0xFFFFF000  }
0x2f0: {  	[hbm4b:s23+s6] =	stream.linear.scatter [tilespmem:s16], [sflag:$0x1], $0x1000, $0x38;
	[tilespmem:$0x1E840] =	vst v63  }
0x2f1: {  	_ =	swait.ge [sflag:s18], $0x1000  }
0x2f2: {  	[sflag:s18] =	ssyncset.done $0x0  }
0x2f3: {  	[sflag:s18] =	ssyncadd.s32 $0xFFFFF000  }
0x2f4: {  	[tilespmem:s16], [sflag:$0x1] =	stream.indirect.gather [hbm4b:s7+s14], $0x20, s15, s14, $0xb8;
	[tilespmem:$0x1E840] =	vst v63  }
0x2f5: {  	_ =	swait.ge [sflag:s18], $0x1000  }
0x2f6: {  	[sflag:s18] =	ssyncset.done $0x0  }
0x2f7: {  	s24 =	sadd.s32 s3, s22;
	[sflag:s18] =	ssyncadd.s32 $0xFFFFF000  }
0x2f8: {  	[hbm4b:s24+s6] =	stream.linear.scatter [tilespmem:s16], [sflag:$0x1], $0x1000, $0x38;
	[tilespmem:$0x1E840] =	vst v63  }
0x2f9: {  	_ =	swait.ge [sflag:s18], $0x1000  }
0x2fa: {  	[sflag:s18] =	ssyncset.done $0x0  }
0x2fb: {  	[sflag:s18] =	ssyncadd.s32 $0xFFFFF000  }
0x2fc: {  	[tilespmem:s5], [sflag:$0x1] =	stream.linear.gather [hbm4b:s1+s6], $0x80, $0x38;
	[tilespmem:$0x1E840] =	vst v63  }
0x2fd: {  	_ =	swait.ge [sflag:s18], $0x80  }
0x2fe: {  	[sflag:s18] =	ssyncset.done $0x0  }
0x2ff: {  	[sflag:s18] =	ssyncadd.s32 $0xFFFFFF80  }
0x300: {  	v2 =	vld [tilespmem:$0x1D7B0]  }
0x301: {  	v3 =	vld [tilespmem:$0x1D780]  }
0x302: {  	v4 =	vld [tilespmem:$0x1D740]  }
0x303: {  	v5 =	vld [tilespmem:$0x1D7A0]  }
0x304: {  	v6 =	vld [tilespmem:$0x1D760]  }
0x305: {  	v7 =	vld [tilespmem:$0x1D750];
	v2 =	vadd.s32 v0, v2  }
0x306: {  	v8 =	vld [tilespmem:$0x1D770];
	v3 =	vadd.s32 v0, v3;
	[tilespmem:$0x1D830] =	vst v2  }
0x307: {  	v2 =	vadd.s32 v0, v4;
	[tilespmem:$0x1D800] =	vst v3;
	v3 =	vld [tilespmem:$0x1D790]  }
0x308: {  	[tilespmem:$0x1D7C0] =	vst v2;
	v2 =	vadd.s32 v0, v5  }
0x309: {  	v4 =	vadd.s32 v0, v6;
	[tilespmem:$0x1D820] =	vst v2  }
0x30a: {  	v2 =	vadd.s32 v0, v7;
	[tilespmem:$0x1D7E0] =	vst v4  }
0x30b: {  	[tilespmem:$0x1D7D0] =	vst v2;
	v2 =	vadd.s32 v0, v8  }
0x30c: {  	[tilespmem:$0x1D7F0] =	vst v2;
	v2 =	vadd.s32 v0, v3  }
0x30d: {  	[tilespmem:$0x1D810] =	vst v2  }
0x30e: {  	[tilespmem:s16], [sflag:$0x1] =	stream.indirect.gather [hbm4b:s9+s14], $0x20, s15, s14, $0xb8;
	[tilespmem:$0x1E840] =	vst v63  }
0x30f: {  	_ =	swait.ge [sflag:s18], $0x1000  }
0x310: {  	[sflag:s18] =	ssyncset.done $0x0  }
0x311: {  	s3 =	sadd.s32 $0x20000, s23;
	[sflag:s18] =	ssyncadd.s32 $0xFFFFF000  }
0x312: {  	[hbm4b:s3+s6] =	stream.linear.scatter [tilespmem:s16], [sflag:$0x1], $0x1000, $0x38;
	[tilespmem:$0x1E840] =	vst v63  }
0x313: {  	_ =	swait.ge [sflag:s18], $0x1000  }
0x314: {  	[sflag:s18] =	ssyncset.done $0x0  }
0x315: {  	[sflag:s18] =	ssyncadd.s32 $0xFFFFF000  }
0x316: {  	[tilespmem:s16], [sflag:$0x1] =	stream.indirect.gather [hbm4b:s7+s14], $0x20, s15, s14, $0xb8;
	[tilespmem:$0x1E840] =	vst v63  }
0x317: {  	_ =	swait.ge [sflag:s18], $0x1000  }
0x318: {  	[sflag:s18] =	ssyncset.done $0x0  }
0x319: {  	s3 =	sadd.s32 $0x20000, s24;
	[sflag:s18] =	ssyncadd.s32 $0xFFFFF000  }
0x31a: {  	[hbm4b:s3+s6] =	stream.linear.scatter [tilespmem:s16], [sflag:$0x1], $0x1000, $0x38;
	[tilespmem:$0x1E840] =	vst v63  }
0x31b: {  	_ =	swait.ge [sflag:s18], $0x1000  }
0x31c: {  	[sflag:s18] =	ssyncset.done $0x0  }
0x31d: {  	[sflag:s18] =	ssyncadd.s32 $0xFFFFF000  }
0x31e: {  	[tilespmem:s5], [sflag:$0x1] =	stream.linear.gather [hbm4b:s13+s6], $0x80, $0x38;
	[tilespmem:$0x1E840] =	vst v63  }
0x31f: {  	_ =	swait.ge [sflag:s18], $0x80  }
0x320: {  	[sflag:s18] =	ssyncset.done $0x0  }
0x321: {  	[sflag:s18] =	ssyncadd.s32 $0xFFFFFF80  }
0x322: {  	v4 =	vld [tilespmem:$0x1D740]  }
.Ltmp13:
0x323: {  	v2 =	vld [tilespmem:$0x1D750];
	(pc) =	sbr.rel @p0 .LBB2_28-.Ltmp13, $4  }
0x324: {  	v6 =	vld [tilespmem:$0x1D760]  }
0x325: {  	v5 =	vld [tilespmem:$0x1D770]  }
0x326: {  	v3 =	vld [tilespmem:$0x1D780]  }
0x327: {  	v7 =	vadd.s32 v0, v4;
	v4 =	vld [tilespmem:$0x1D790]  }
0x328: {  	v8 =	vld [tilespmem:$0x1D7A0];
	[tilespmem:$0x1D7C0] =	vst v7;
	v2 =	vadd.s32 v0, v2  }
0x329: {  	v63 =	vld [tilespmem:$0x1D7B0];
	v6 =	vadd.s32 v0, v6;
	[tilespmem:$0x1D7D0] =	vst v2  }
0x32a: {  	[tilespmem:$0x1D7E0] =	vst v6;
	v5 =	vadd.s32 v0, v5  }
0x32b: {  	[tilespmem:$0x1D7F0] =	vst v5;
	v3 =	vadd.s32 v0, v3  }
0x32c: {  	[tilespmem:$0x1D800] =	vst v3;
	v3 =	vadd.s32 v0, v4  }
0x32d: {  	[tilespmem:$0x1D810] =	vst v3;
	v3 =	vadd.s32 v0, v8  }
0x32e: {  	[tilespmem:$0x1D820] =	vst v3;
	v3 =	vadd.s32 v0, v63  }
0x32f: {  	[tilespmem:$0x1D830] =	vst v3  }
0x330: {  	[tilespmem:s16], [sflag:$0x1] =	stream.indirect.gather [hbm4b:s9+s14], $0x20, s15, s14, $0xb8;
	[tilespmem:$0x1E840] =	vst v63  }
0x331: {  	_ =	swait.ge [sflag:s18], $0x1000  }
0x332: {  	[sflag:s18] =	ssyncset.done $0x0  }
0x333: {  	s1 =	sadd.s32 $0x40000, s23;
	[sflag:s18] =	ssyncadd.s32 $0xFFFFF000  }
0x334: {  	[hbm4b:s1+s6] =	stream.linear.scatter [tilespmem:s16], [sflag:$0x1], $0x1000, $0x38;
	[tilespmem:$0x1E840] =	vst v63  }
0x335: {  	_ =	swait.ge [sflag:s18], $0x1000  }
0x336: {  	[sflag:s18] =	ssyncset.done $0x0  }
0x337: {  	[sflag:s18] =	ssyncadd.s32 $0xFFFFF000  }
0x338: {  	[tilespmem:s16], [sflag:$0x1] =	stream.indirect.gather [hbm4b:s7+s14], $0x20, s15, s14, $0xb8;
	[tilespmem:$0x1E840] =	vst v63  }
0x339: {  	_ =	swait.ge [sflag:s18], $0x1000  }
0x33a: {  	[sflag:s18] =	ssyncset.done $0x0  }
0x33b: {  	s24 =	sadd.s32 $0x40000, s24;
	[sflag:s18] =	ssyncadd.s32 $0xFFFFF000  }
0x33c: {  	[hbm4b:s24+s6] =	stream.linear.scatter [tilespmem:s16], [sflag:$0x1], $0x1000, $0x38;
	[tilespmem:$0x1E840] =	vst v63  }
0x33d: {  	_ =	swait.ge [sflag:s18], $0x1000  }
0x33e: {  	s2 =	rddreg [dreg:$0x1c]  }
0x33f: {  	s25 =	rddreg [dreg:$0x8];
	s2 =	sadd.s32 $0x1, s2  }
0x340: {  	p0 =	sne.s32 s2, s25  }
.Ltmp14:
0x341: {  	_ = 	snop;
	(pc) =	sbr.rel @p0 .LBB2_1-.Ltmp14, $3  }
0x342: {  	_ =	sdelay $0x1  }
0x343: {  	[sflag:s18] =	ssyncset.done $0x0  }
0x344: {  	[sflag:s18] =	ssyncadd.s32 $0xFFFFF000  }
0x345: {  	_ =	sfence.sel $0x180000  }
0x346: {  	[bflag:$0x0] =	sbarrier.arrive $0xFFFF  }
0x347: {  	_ =	strace $0x90000047  }
0x348: {  	s0 =	stileid.u32;
	[bflag:$0x2] =	sbarrier.arrive $0xFFFF  }
0x349: {  	p0 =	sne.s32 s0, $0x0;
	s0 =	rddreg [dreg:$0x6]  }
0x34a: {  	s0 =	sadd.s32 @!p0 $0x100000, s0  }
0x34b: {  	[sflag:s0] =	ssyncadd.tile.s32 @!p0 $0x1;
	_ =	shalt  }
.Lfunc_end2:
_tile_overlayer_lowered:
.L_overlay_start_2:
0x34c: {  	(tag) =	ssettag $0x2  }
0x34d: {  	s0 =	rddreg [dreg:$0x0];
	s2 =	stileid.u32  }
0x34e: {  	s1 =	rddreg [dreg:$0x1];
	p0 =	sne.s32 s2, $0x0  }
0x34f: {  	s3 =	rddreg [dreg:$0x2];
	[bflag:$0x3] =	sbarrier.arrive $0xFFFF;
	s2 =	simm.s32 @!p0 $0x1C01  }
0x350: {  	[timem:s3], [sflag:s2] =	dma.local @!p0 [hbm:s0], s1  }
0x351: {  	s0 =	simm.s32 @!p0 $0x1  }
0x352: {  	_ =	swait.ge @!p0 [sflag:s0], s1  }
0x353: {  	s1 =	ssub.s32 @!p0 $0x0, s1;
	[sflag:s0] =	ssyncset.done @!p0 $0x0  }
0x354: {  	[sflag:s0] =	ssyncadd.s32 @!p0 s1  }
0x355: {  	[bflag:$0x3] =	sbarrier.arrive $0xFFFF  }
0x356: {  	_ =	shalt  }

</sc_bundles>
